<compile_context>
chip_gen: v7x
topology: tpu7x:2x2x1
jax: 0.10.2.dev20260603
libtpu: 0.0.44.dev20260713+nightly
codegen_flags: <defaults>
</compile_context>

<pallas_src>
import functools

import jax
import jax.numpy as jnp
from jax import lax
from jax.experimental import pallas as pl
from jax.experimental.pallas import tpu as pltpu
from jax.experimental.pallas import tpu_sc as plsc

N = 50000
E = 800000
D = 64
H = 32
SUB = 128
NSUB = E // SUB
NT = 16
NP = 50048
ROWS_PER_TILE = NP // NT
ZROWS = 136
ZITER = 23
BR = 2000


def _proj_body(feats, nt, w0, b0, wa, ba, out):
    p = jnp.dot(feats[...], w0[...], preferred_element_type=jnp.float32)
    p = p + b0[...]
    p = jnp.where(nt[...] == 0, p, 0.0)
    x = jnp.dot(p, wa[...], preferred_element_type=jnp.float32) + ba[...]
    out[0] = x[:, :H]
    out[1] = x[:, H:]


def _project(feats, node_types, w0, b0, wa, ba):
    grid = N // BR
    return pl.pallas_call(
        _proj_body,
        grid=(grid,),
        in_specs=[
            pl.BlockSpec((BR, D), lambda i: (i, 0)),
            pl.BlockSpec((BR, 1), lambda i: (i, 0)),
            pl.BlockSpec((D, D), lambda i: (0, 0)),
            pl.BlockSpec((1, D), lambda i: (0, 0)),
            pl.BlockSpec((D, D), lambda i: (0, 0)),
            pl.BlockSpec((1, D), lambda i: (0, 0)),
        ],
        out_specs=pl.BlockSpec((2, BR, H), lambda i: (0, i, 0)),
        out_shape=jax.ShapeDtypeStruct((2, NP, H), jnp.float32),
    )(feats, node_types.reshape(N, 1), w0, b0.reshape(1, D),
      wa, ba.reshape(1, D))


def _ln_gelu_body(y, out):
    v = jnp.concatenate([y[0], y[1]], axis=-1)
    mu = jnp.mean(v, axis=-1, keepdims=True)
    var = jnp.mean((v - mu) ** 2, axis=-1, keepdims=True)
    vn = (v - mu) / jnp.sqrt(var + 1e-5)
    out[...] = 0.5 * vn * (1.0 + lax.erf(vn * (2.0 ** -0.5)))


def _ln_gelu(y2):
    grid = N // BR
    return pl.pallas_call(
        _ln_gelu_body,
        grid=(grid,),
        in_specs=[pl.BlockSpec((2, BR, H), lambda i: (0, i, 0))],
        out_specs=pl.BlockSpec((BR, D), lambda i: (i, 0)),
        out_shape=jax.ShapeDtypeStruct((N, D), jnp.float32),
    )(y2)


_GDN = lax.GatherDimensionNumbers(
    offset_dims=(), collapsed_slice_dims=(0,), start_index_map=(0,))


def _splat(vv, e):
    idx = jnp.full((16, 1), e, jnp.int32)
    return lax.gather(vv, idx, _GDN, (1,),
                      mode=lax.GatherScatterMode.PROMISE_IN_BOUNDS)


def _sc_body(x2, ei1, v1, ei2, v2, ei3, v3, scales, u2, y2,
             acc, dstb, srcb, valb, rbig, zbuf,
             svecb, stsem, gsem, scsem):
    c = lax.axis_index("c")
    t = lax.axis_index("s")
    xoff = c * NP

    zero16 = jnp.zeros((16,), jnp.float32)

    def zrow(i, _):
        zbuf[i, pl.ds(0, 16)] = zero16
        zbuf[i, pl.ds(16, 16)] = zero16
        return 0
    lax.fori_loop(0, ZROWS, zrow, 0)

    def zcp(i, _):
        pltpu.sync_copy(zbuf, acc.at[pl.ds(t * ROWS_PER_TILE + i * ZROWS,
                                           ZROWS)])
        return 0
    lax.fori_loop(0, ZITER, zcp, 0)

    pltpu.sync_copy(scales, svecb)
    sv = svecb[...]
    s2 = _splat(sv, 0)
    s3 = _splat(sv, 1)

    NB = NSUB // NT
    SG = 26
    NG = NB // SG
    TAIL = NSUB - NT * NB

    def scale_rows(j, b0, scale):
        def grp(g, _):
            vv = valb[j, pl.ds(g * 16, 16)]
            if scale is not None:
                vv = vv * scale
            for e in range(16):
                sp = _splat(vv, e)
                rr = b0 + g * 16 + e
                rbig[rr, pl.ds(0, 16)] = rbig[rr, pl.ds(0, 16)] * sp
                rbig[rr, pl.ds(16, 16)] = rbig[rr, pl.ds(16, 16)] * sp
            return 0
        lax.fori_loop(0, 8, grp, 0)

    def spmm(ei, vals, table, scale):
        tbl = table.at[pl.ds(xoff, NP)]

        def fire(j):
            b0 = lax.rem(j, 4) * SUB
            pltpu.async_copy(tbl.at[srcb.at[j]],
                             rbig.at[pl.ds(b0, SUB)], gsem)

        def drain_g():
            pltpu.make_async_copy(tbl.at[srcb.at[0]],
                                  rbig.at[pl.ds(0, SUB)], gsem).wait()

        def drain_s():
            pltpu.make_async_copy(rbig.at[pl.ds(0, SUB)],
                                  acc.at[dstb.at[0]], scsem).wait()

        def group(gi, _):
            s0 = t * NB + gi * SG
            d1 = pltpu.async_copy(ei.at[0].at[pl.ds(s0, SG)], dstb, stsem)
            d2 = pltpu.async_copy(ei.at[1].at[pl.ds(s0, SG)], srcb, stsem)
            d3 = pltpu.async_copy(vals.at[pl.ds(s0, SG)], valb, stsem)
            d1.wait()
            d2.wait()
            d3.wait()
            for j in range(3):
                fire(jnp.int32(j))

            def slot(j, _):
                @pl.when(j + 3 < SG)
                def _ahead():
                    @pl.when(j >= 1)
                    def _ds():
                        drain_s()
                    fire(j + 3)
                drain_g()
                b0 = lax.rem(j, 4) * SUB
                scale_rows(j, b0, scale)
                pltpu.async_copy(rbig.at[pl.ds(b0, SUB)],
                                 acc.at[dstb.at[j]], scsem, add=True)
                return 0
            lax.fori_loop(0, SG, slot, 0)
            for _ in range(4):
                drain_s()
            return 0
        lax.fori_loop(0, NG, group, 0)

        @pl.when(t < TAIL)
        def _tail():
            s = NT * NB + t
            pltpu.sync_copy(ei.at[0].at[pl.ds(s, 1)], dstb.at[pl.ds(0, 1)])
            pltpu.sync_copy(ei.at[1].at[pl.ds(s, 1)], srcb.at[pl.ds(0, 1)])
            pltpu.sync_copy(vals.at[pl.ds(s, 1)], valb.at[pl.ds(0, 1)])
            pltpu.async_copy(tbl.at[srcb.at[0]],
                             rbig.at[pl.ds(0, SUB)], gsem).wait()
            scale_rows(jnp.int32(0), 0, scale)
            pltpu.sync_copy(rbig.at[pl.ds(0, SUB)], acc.at[dstb.at[0]],
                            add=True)

    plsc.subcore_barrier()
    spmm(ei1, v1, x2, None)
    plsc.subcore_barrier()

    def ucp(i, _):
        r0 = t * ROWS_PER_TILE + i * ZROWS
        pltpu.sync_copy(acc.at[pl.ds(r0, ZROWS)],
                        u2.at[pl.ds(xoff + r0, ZROWS)])
        pltpu.sync_copy(zbuf, acc.at[pl.ds(r0, ZROWS)])
        return 0
    lax.fori_loop(0, ZITER, ucp, 0)
    plsc.subcore_barrier()

    spmm(ei2, v2, u2, s2)
    spmm(ei3, v3, x2, s3)
    plsc.subcore_barrier()

    def ocp(i, _):
        r0 = t * ROWS_PER_TILE + i * ZROWS
        pltpu.sync_copy(acc.at[pl.ds(r0, ZROWS)],
                        y2.at[pl.ds(xoff + r0, ZROWS)])
        return 0
    lax.fori_loop(0, ZITER, ocp, 0)


def _sc_spmms(x2, ei1, v1, ei2, v2, ei3, v3, scales):
    mesh = plsc.VectorSubcoreMesh(core_axis_name="c", subcore_axis_name="s")
    f = pl.kernel(
        _sc_body,
        out_type=(jax.ShapeDtypeStruct((2 * NP, H), jnp.float32),
                  jax.ShapeDtypeStruct((2 * NP, H), jnp.float32)),
        mesh=mesh,
        scratch_types=[
            pltpu.VMEM_SHARED((NP, H), jnp.float32),
            pltpu.VMEM((26, SUB), jnp.int32),
            pltpu.VMEM((26, SUB), jnp.int32),
            pltpu.VMEM((26, SUB), jnp.float32),
            pltpu.VMEM((4 * SUB, H), jnp.float32),
            pltpu.VMEM((ZROWS, H), jnp.float32),
            pltpu.VMEM((16,), jnp.float32),
            pltpu.SemaphoreType.DMA,
            pltpu.SemaphoreType.DMA,
            pltpu.SemaphoreType.DMA,
        ],
        compiler_params=pltpu.CompilerParams(use_tc_tiling_on_sc=False),
    )
    return f(x2, ei1, v1, ei2, v2, ei3, v3, scales)


def _pick(i, arrs):
    return lax.switch(i, [lambda a=a: a for a in arrs])


def kernel(node_feats_0, node_types, adj0_edge_index, adj0_values,
           adj1_edge_index, adj1_values, adj2_edge_index, adj2_values,
           adj3_edge_index, adj3_values, idx_seq0, idx_seq_last,
           idx_res_last, W0_w, W0_b, aff_w, aff_b, as_seq, as_last_seq,
           as_last_res, attn1_w, attn1_b, attn2_w, attn2_b):
    x2 = _project(node_feats_0, node_types, W0_w, W0_b, aff_w, aff_b)
    x2 = x2.reshape(2 * NP, H)

    i0 = idx_seq0[0]
    il = idx_seq_last[0]
    ir = idx_res_last[0]
    w1 = jax.nn.softmax(as_seq, axis=-1)[0, i0]
    w2 = jax.nn.softmax(as_last_seq, axis=-1)[il]
    w3 = jax.nn.softmax(as_last_res, axis=-1)[0, ir]
    scales = jnp.zeros((16,), jnp.float32).at[0].set(w1 * w2).at[1].set(w3)

    es = (adj0_edge_index, adj1_edge_index, adj2_edge_index, adj3_edge_index)
    vs = (adj0_values, adj1_values, adj2_values, adj3_values)
    ei1 = _pick(i0, es[:3]).reshape(2, NSUB, SUB)
    v1 = _pick(i0, vs[:3]).reshape(NSUB, SUB)
    ei2 = _pick(il, (es[0], es[2])).reshape(2, NSUB, SUB)
    v2 = _pick(il, (vs[0], vs[2])).reshape(NSUB, SUB)
    ei3 = _pick(ir, (es[0], es[2], es[3])).reshape(2, NSUB, SUB)
    v3 = _pick(ir, (vs[0], vs[2], vs[3])).reshape(NSUB, SUB)

    _u2, y2 = _sc_spmms(x2, ei1, v1, ei2, v2, ei3, v3, scales)
    return _ln_gelu(y2.reshape(2, NP, H))

# --- scband reference (transcript-rebuilt; emitter-appended) ---
"""Pipeline reference for scband-model-61856118996995 (READ-ONLY COPY).

The authoritative reference and input builder live on the scoring server;
editing this copy changes nothing except your own understanding.
"""

import jax, jax.numpy as jnp
import numpy as np

N = 50000
E = 800000
D_IN = 64
N_HID = 64
ATTN_DIM = 64
N_ADJS = 4
CSTR = [0, 2]


def spmm(edge_index, vals, x):
    dst = edge_index[0]
    src = edge_index[1]
    return jax.ops.segment_sum(vals[:, None] * jnp.take(x, src, axis=0), dst, num_segments=N)


def layer_norm(x, eps=1e-05):
    mu = jnp.mean(x, axis=-1, keepdims=True)
    var = jnp.mean((x - mu) ** 2, axis=-1, keepdims=True)
    return (x - mu) / jnp.sqrt(var + eps)


def setup_inputs(seed: int = 0):
    key = jax.random.key(seed)
    ks = jax.random.split(key, 32)
    inp = {}
    inp['node_feats_0'] = jax.random.normal(ks[0], (N, D_IN), jnp.float32)
    inp['node_types'] = jnp.zeros((N,), jnp.int32)
    for a in range(N_ADJS):
        inp['adj%d_edge_index' % a] = jax.random.randint(ks[1 + a], (2, E), 0, N, jnp.int32)
        inp['adj%d_values' % a] = jax.random.uniform(ks[5 + a], (E,), jnp.float32)
    inp['idx_seq0'] = jax.random.randint(ks[9], (1,), 0, N_ADJS - 1, jnp.int32)
    inp['idx_seq_last'] = jax.random.randint(ks[10], (1,), 0, len(CSTR), jnp.int32)
    inp['idx_res_last'] = jax.random.randint(ks[11], (1,), 0, len(CSTR) + 1, jnp.int32)
    inp['W0_w'] = jax.random.normal(ks[12], (D_IN, N_HID), jnp.float32) * 0.05
    inp['W0_b'] = jnp.zeros((N_HID,), jnp.float32)
    inp['aff_w'] = jax.random.normal(ks[13], (N_HID, N_HID), jnp.float32) * 0.05
    inp['aff_b'] = jnp.zeros((N_HID,), jnp.float32)
    inp['as_seq'] = 0.001 * jax.random.normal(ks[14], (1, N_ADJS - 1), jnp.float32)
    inp['as_last_seq'] = 0.001 * jax.random.normal(ks[15], (len(CSTR),), jnp.float32)
    inp['as_last_res'] = 0.001 * jax.random.normal(ks[16], (1, len(CSTR) + 1), jnp.float32)
    inp['attn1_w'] = jax.random.normal(ks[17], (N_HID, ATTN_DIM), jnp.float32) * 0.05
    inp['attn1_b'] = jnp.zeros((ATTN_DIM,), jnp.float32)
    inp['attn2_w'] = jax.random.normal(ks[18], (ATTN_DIM, 1), jnp.float32) * 0.05
    inp['attn2_b'] = jnp.zeros((1,), jnp.float32)
    return inp


def reference(node_feats_0, node_types, adj0_edge_index, adj0_values, adj1_edge_index, adj1_values, adj2_edge_index, adj2_values, adj3_edge_index, adj3_values, idx_seq0, idx_seq_last, idx_res_last, W0_w, W0_b, aff_w, aff_b, as_seq, as_last_seq, as_last_res, attn1_w, attn1_b, attn2_w, attn2_b):
    adjs = [(adj0_edge_index, adj0_values), (adj1_edge_index, adj1_values), (adj2_edge_index, adj2_values), (adj3_edge_index, adj3_values)]
    # hid[node_types == 0] = ws[0](node_feats[0])  (single node type)
    hid = jnp.zeros((N, N_HID), jnp.float32)
    proj = node_feats_0 @ W0_w + W0_b
    hid = jnp.where((node_types == 0)[:, None], proj, hid)
    # Cell (n_step=2): affine
    x = hid @ aff_w + aff_b
    ws_seq0 = jax.nn.softmax(as_seq, axis=-1)        # (1, n_adjs-1)
    ws_last_seq = jax.nn.softmax(as_last_seq, axis=-1)  # (len(cstr),)
    ws_last_res = jax.nn.softmax(as_last_res, axis=-1)  # (1, len(cstr)+1)
    # ops_seq[0]: Op(x, adjs[:-1], ws_seq0[0], idx_seq0[0])
    i0 = idx_seq0[0]
    ei_seq = jnp.stack([adjs[a][0] for a in range(N_ADJS - 1)], axis=0)
    vals_seq = jnp.stack([adjs[a][1] for a in range(N_ADJS - 1)], axis=0)
    seqi = ws_seq0[0, i0] * spmm(ei_seq[i0], vals_seq[i0], x)
    states = [x, seqi]
    # last_seq over constrained adjs
    il = idx_seq_last[0]
    ei_cstr = jnp.stack([adjs[c][0] for c in CSTR], axis=0)
    vals_cstr = jnp.stack([adjs[c][1] for c in CSTR], axis=0)
    out_seq = ws_last_seq[il] * spmm(ei_cstr[il], vals_cstr[il], states[-1])
    # last_res over constrained adjs + adjs[-1]
    ir = idx_res_last[0]
    ei_cstr2 = jnp.stack([adjs[c][0] for c in CSTR] + [adjs[-1][0]], axis=0)
    vals_cstr2 = jnp.stack([adjs[c][1] for c in CSTR] + [adjs[-1][1]], axis=0)
    out_res = ws_last_res[0, ir] * spmm(ei_cstr2[ir], vals_cstr2[ir], states[0])
    output = jax.nn.gelu(layer_norm(out_seq + out_res), approximate=False)
    # attention fusion over meta cells (1 cell)
    attn = jnp.tanh(output @ attn1_w + attn1_b) @ attn2_w + attn2_b  # (N, 1)
    attns = jax.nn.softmax(attn, axis=-1)  # (N, 1)
    out = (attns[:, :, None] * output[:, None, :]).sum(axis=1)
    return out

if __name__ == "__main__":
    import jax
    _d = setup_inputs()
    print(jax.jit(kernel)(*tuple(_d.values())))

</pallas_src>

<mosaic_0001>
#map = affine_map<(d0, d1) -> (0, 0)>
#map1 = affine_map<(d0, d1) -> (0, 0, 0)>
#map2 = affine_map<(d0, d1) -> (0)>
module attributes {stable_mosaic.version = 14 : i64} {
  func.func @_sc_body(%arg0: i32, %arg1: i32, %arg2: memref<100096x32xf32, #tpu.memory_space<hbm>>, %arg3: memref<2x6250x128xi32, #tpu.memory_space<hbm>>, %arg4: memref<6250x128xf32, #tpu.memory_space<hbm>>, %arg5: memref<2x6250x128xi32, #tpu.memory_space<hbm>>, %arg6: memref<6250x128xf32, #tpu.memory_space<hbm>>, %arg7: memref<2x6250x128xi32, #tpu.memory_space<hbm>>, %arg8: memref<6250x128xf32, #tpu.memory_space<hbm>>, %arg9: memref<16xf32, #tpu.memory_space<hbm>>, %arg10: memref<100096x32xf32, #tpu.memory_space<hbm>>, %arg11: memref<100096x32xf32, #tpu.memory_space<hbm>>, %arg12: memref<50048x32xf32, #tpu.memory_space<vmem_shared>>, %arg13: memref<26x128xi32, #tpu.memory_space<vmem>>, %arg14: memref<26x128xi32, #tpu.memory_space<vmem>>, %arg15: memref<26x128xf32, #tpu.memory_space<vmem>>, %arg16: memref<512x32xf32, #tpu.memory_space<vmem>>, %arg17: memref<136x32xf32, #tpu.memory_space<vmem>>, %arg18: memref<16xf32, #tpu.memory_space<vmem>>, %arg19: memref<!tpu.dma_semaphore, #tpu.memory_space<semaphore_mem>>, %arg20: memref<!tpu.dma_semaphore, #tpu.memory_space<semaphore_mem>>, %arg21: memref<!tpu.dma_semaphore, #tpu.memory_space<semaphore_mem>>) attributes {dimension_semantics = [#tpu.dimension_semantics<core_parallel>, #tpu.dimension_semantics<subcore_parallel>], iteration_bounds = array<i64: 2, 16>, scalar_prefetch = 0 : i64, scratch_operands = 10 : i64, tpu.core_type = #tpu.core_type<sc_vector_subcore>, window_params = [{transform_indices = #map}, {transform_indices = #map1}, {transform_indices = #map}, {transform_indices = #map1}, {transform_indices = #map}, {transform_indices = #map1}, {transform_indices = #map}, {transform_indices = #map2}, {transform_indices = #map}, {transform_indices = #map}]} {
    %mul3A = arith.constant 50048 : i32
    %mul3A_0 = arith.muli %arg0, %mul3A : i32
    %broadcast_in_dim3A = arith.constant 0.000000e+00 : f32
    %broadcast_in_dim3A_1 = vector.broadcast %broadcast_in_dim3A : f32 to vector<16xf32>
    %scan3A = arith.constant 0 : i32
    %scan3A_2 = arith.constant 0 : i32
    %scan3A_3 = arith.constant 136 : i32
    %scan3A_4 = arith.addi %scan3A_2, %scan3A_3 : i32
    %scan3A_5 = arith.constant 1 : i32
    %scan3A_6 = scf.for %scan3A_74 = %scan3A_2 to %scan3A_4 step %scan3A_5 iter_args(%scan3A_75 = %scan3A) -> (i32)  : i32 {
      %swap3A = arith.index_cast %scan3A_74 : i32 to index
      %swap3A_76 = arith.constant 0 : index
      %swap3A_77 = tpu.vector_load %arg17[%swap3A, %swap3A_76] {strides = array<i32>} : memref<136x32xf32, #tpu.memory_space<vmem>>, vector<1x16xf32>,
      %swap3A_78 = vector.shape_cast %swap3A_77 : vector<1x16xf32> to vector<16xf32>
      %swap3A_79 = vector.shape_cast %broadcast_in_dim3A_1 : vector<16xf32> to vector<1x16xf32>
      tpu.vector_store %arg17[%swap3A, %swap3A_76], %swap3A_79 {strides = array<i32>} : memref<136x32xf32, #tpu.memory_space<vmem>>, vector<1x16xf32>,
      %swap3A_80 = arith.index_cast %scan3A_74 : i32 to index
      %swap3A_81 = arith.constant 16 : index
      %swap3A_82 = tpu.vector_load %arg17[%swap3A_80, %swap3A_81] {strides = array<i32>} : memref<136x32xf32, #tpu.memory_space<vmem>>, vector<1x16xf32>,
      %swap3A_83 = vector.shape_cast %swap3A_82 : vector<1x16xf32> to vector<16xf32>
      %swap3A_84 = vector.shape_cast %broadcast_in_dim3A_1 : vector<16xf32> to vector<1x16xf32>
      tpu.vector_store %arg17[%swap3A_80, %swap3A_81], %swap3A_84 {strides = array<i32>} : memref<136x32xf32, #tpu.memory_space<vmem>>, vector<1x16xf32>,
      %scan3A_85 = arith.constant 0 : i32
      scf.yield %scan3A_85 : i32
    }
    %scan3A_7 = arith.constant 136 : i32
    %scan3A_8 = arith.constant 0 : i32
    %scan3A_9 = arith.constant 0 : i32
    %scan3A_10 = arith.constant 23 : i32
    %scan3A_11 = arith.addi %scan3A_9, %scan3A_10 : i32
    %scan3A_12 = arith.constant 1 : i32
    %scan3A_13 = scf.for %scan3A_74 = %scan3A_9 to %scan3A_11 step %scan3A_12 iter_args(%scan3A_75 = %scan3A_8) -> (i32)  : i32 {
      %mul3A_76 = arith.constant 3128 : i32
      %mul3A_77 = arith.muli %arg1, %mul3A_76 : i32
      %mul3A_78 = arith.constant 136 : i32
      %mul3A_79 = arith.muli %scan3A_74, %mul3A_78 : i32
      %add3A = arith.addi %mul3A_77, %mul3A_79 : i32
      "tpu.region"() ({
        %run_scoped3A = tpu.sem_alloc : memref<!tpu.dma_semaphore, #tpu.memory_space<semaphore_mem>>
        %dma_start3A = arith.constant 0 : i32
        %dma_start3A_81 = tpu.memref_slice %arg12[%add3A, %dma_start3A] : memref<50048x32xf32, #tpu.memory_space<vmem_shared>> -> memref<136x32xf32, #tpu.memory_space<vmem_shared>>
        %dma_start3A_82 = arith.constant 0 : i32
        %dma_start3A_83 = tpu.memref_slice %arg12[%add3A, %dma_start3A_82] : memref<50048x32xf32, #tpu.memory_space<vmem_shared>> -> memref<136x32xf32, #tpu.memory_space<vmem_shared>>
        tpu.enqueue_dma source(%arg17 : memref<136x32xf32, #tpu.memory_space<vmem>>) target(%dma_start3A_83 : memref<136x32xf32, #tpu.memory_space<vmem_shared>>) target_semaphore(%run_scoped3A : memref<!tpu.dma_semaphore, #tpu.memory_space<semaphore_mem>>)
        %dma_wait3A = arith.constant 0 : i32
        %dma_wait3A_84 = tpu.memref_slice %arg12[%add3A, %dma_wait3A] : memref<50048x32xf32, #tpu.memory_space<vmem_shared>> -> memref<136x32xf32, #tpu.memory_space<vmem_shared>>
        %dma_wait3A_85 = arith.constant 0 : i32
        %dma_wait3A_86 = tpu.memref_slice %arg12[%add3A, %dma_wait3A_85] : memref<50048x32xf32, #tpu.memory_space<vmem_shared>> -> memref<136x32xf32, #tpu.memory_space<vmem_shared>>
        tpu.wait_dma2 semaphore(%run_scoped3A : memref<!tpu.dma_semaphore, #tpu.memory_space<semaphore_mem>>) src(%arg17 : memref<136x32xf32, #tpu.memory_space<vmem>>) dst(%dma_wait3A_86 : memref<136x32xf32, #tpu.memory_space<vmem_shared>>)
        tpu.yield
      }) : () -> ()
      %scan3A_80 = arith.constant 0 : i32
      scf.yield %scan3A_80 : i32
    }
    %scan3A_14 = arith.constant 23 : i32
    "tpu.region"() ({
      %run_scoped3A = tpu.sem_alloc : memref<!tpu.dma_semaphore, #tpu.memory_space<semaphore_mem>>
      tpu.enqueue_dma source(%arg9 : memref<16xf32, #tpu.memory_space<hbm>>) target(%arg18 : memref<16xf32, #tpu.memory_space<vmem>>) target_semaphore(%run_scoped3A : memref<!tpu.dma_semaphore, #tpu.memory_space<semaphore_mem>>)
      tpu.wait_dma2 semaphore(%run_scoped3A : memref<!tpu.dma_semaphore, #tpu.memory_space<semaphore_mem>>) src(%arg9 : memref<16xf32, #tpu.memory_space<hbm>>) dst(%arg18 : memref<16xf32, #tpu.memory_space<vmem>>)
      tpu.yield
    }) : () -> ()
    %get3A = arith.constant 0 : index
    %get3A_15 = tpu.vector_load %arg18[%get3A] {strides = array<i32>} : memref<16xf32, #tpu.memory_space<vmem>>, vector<16xf32>,
    %get3A_16 = vector.shape_cast %get3A_15 : vector<16xf32> to vector<16xf32>
    %broadcast_in_dim3A_17 = arith.constant 0 : i32
    %broadcast_in_dim3A_18 = vector.broadcast %broadcast_in_dim3A_17 : i32 to vector<16x1xi32>
    %gather3A = vector.shape_cast %broadcast_in_dim3A_18 : vector<16x1xi32> to vector<16xi32>
    %gather3A_19 = tpu.dynamic_gather %get3A_16[%gather3A] in [0] : vector<16xf32>, vector<16xi32> -> vector<16xf32>
    %broadcast_in_dim3A_20 = arith.constant 1 : i32
    %broadcast_in_dim3A_21 = vector.broadcast %broadcast_in_dim3A_20 : i32 to vector<16x1xi32>
    %gather3A_22 = vector.shape_cast %broadcast_in_dim3A_21 : vector<16x1xi32> to vector<16xi32>
    %gather3A_23 = tpu.dynamic_gather %get3A_16[%gather3A_22] in [0] : vector<16xf32>, vector<16xi32> -> vector<16xf32>
    %barrier3A = arith.constant 0 : index
    tpu.barrier barrier_id(%barrier3A)
    %scan3A_24 = arith.constant 0 : i32
    %scan3A_25 = arith.constant 0 : i32
    %scan3A_26 = arith.constant 15 : i32
    %scan3A_27 = arith.addi %scan3A_25, %scan3A_26 : i32
    %scan3A_28 = arith.constant 1 : i32
    %scan3A_29 = scf.for %scan3A_74 = %scan3A_25 to %scan3A_27 step %scan3A_28 iter_args(%scan3A_75 = %scan3A_24) -> (i32)  : i32 {
      %mul3A_76 = arith.constant 390 : i32
      %mul3A_77 = arith.muli %arg1, %mul3A_76 : i32
      %mul3A_78 = arith.constant 26 : i32
      %mul3A_79 = arith.muli %scan3A_74, %mul3A_78 : i32
      %add3A = arith.addi %mul3A_77, %mul3A_79 : i32
      %dma_start3A = arith.constant 0 : i32
      %dma_start3A_80 = arith.constant 0 : i32
      %dma_start3A_81 = arith.constant 0 : i32
      %dma_start3A_82 = tpu.memref_slice %arg3[%dma_start3A, %dma_start3A_80, %dma_start3A_81] : memref<2x6250x128xi32, #tpu.memory_space<hbm>> -> memref<1x6250x128xi32, #tpu.memory_space<hbm>>
      %dma_start3A_83 = tpu.memref_squeeze %dma_start3A_82 : memref<1x6250x128xi32, #tpu.memory_space<hbm>> -> memref<6250x128xi32, #tpu.memory_space<hbm>>
      %dma_start3A_84 = arith.constant 0 : i32
      %dma_start3A_85 = tpu.memref_slice %dma_start3A_83[%add3A, %dma_start3A_84] : memref<6250x128xi32, #tpu.memory_space<hbm>> -> memref<26x128xi32, #tpu.memory_space<hbm>>
      %dma_start3A_86 = arith.constant 0 : i32
      %dma_start3A_87 = arith.constant 0 : i32
      %dma_start3A_88 = tpu.memref_slice %arg3[%dma_start3A, %dma_start3A_86, %dma_start3A_87] : memref<2x6250x128xi32, #tpu.memory_space<hbm>> -> memref<1x6250x128xi32, #tpu.memory_space<hbm>>
      %dma_start3A_89 = tpu.memref_squeeze %dma_start3A_88 : memref<1x6250x128xi32, #tpu.memory_space<hbm>> -> memref<6250x128xi32, #tpu.memory_space<hbm>>
      %dma_start3A_90 = arith.constant 0 : i32
      %dma_start3A_91 = tpu.memref_slice %dma_start3A_89[%add3A, %dma_start3A_90] : memref<6250x128xi32, #tpu.memory_space<hbm>> -> memref<26x128xi32, #tpu.memory_space<hbm>>
      tpu.enqueue_dma source(%dma_start3A_91 : memref<26x128xi32, #tpu.memory_space<hbm>>) target(%arg13 : memref<26x128xi32, #tpu.memory_space<vmem>>) target_semaphore(%arg19 : memref<!tpu.dma_semaphore, #tpu.memory_space<semaphore_mem>>)
      %dma_start3A_92 = arith.constant 1 : i32
      %dma_start3A_93 = arith.constant 0 : i32
      %dma_start3A_94 = arith.constant 0 : i32
      %dma_start3A_95 = tpu.memref_slice %arg3[%dma_start3A_92, %dma_start3A_93, %dma_start3A_94] : memref<2x6250x128xi32, #tpu.memory_space<hbm>> -> memref<1x6250x128xi32, #tpu.memory_space<hbm>>
      %dma_start3A_96 = tpu.memref_squeeze %dma_start3A_95 : memref<1x6250x128xi32, #tpu.memory_space<hbm>> -> memref<6250x128xi32, #tpu.memory_space<hbm>>
      %dma_start3A_97 = arith.constant 0 : i32
      %dma_start3A_98 = tpu.memref_slice %dma_start3A_96[%add3A, %dma_start3A_97] : memref<6250x128xi32, #tpu.memory_space<hbm>> -> memref<26x128xi32, #tpu.memory_space<hbm>>
      %dma_start3A_99 = arith.constant 0 : i32
      %dma_start3A_100 = arith.constant 0 : i32
      %dma_start3A_101 = tpu.memref_slice %arg3[%dma_start3A_92, %dma_start3A_99, %dma_start3A_100] : memref<2x6250x128xi32, #tpu.memory_space<hbm>> -> memref<1x6250x128xi32, #tpu.memory_space<hbm>>
      %dma_start3A_102 = tpu.memref_squeeze %dma_start3A_101 : memref<1x6250x128xi32, #tpu.memory_space<hbm>> -> memref<6250x128xi32, #tpu.memory_space<hbm>>
      %dma_start3A_103 = arith.constant 0 : i32
      %dma_start3A_104 = tpu.memref_slice %dma_start3A_102[%add3A, %dma_start3A_103] : memref<6250x128xi32, #tpu.memory_space<hbm>> -> memref<26x128xi32, #tpu.memory_space<hbm>>
      tpu.enqueue_dma source(%dma_start3A_104 : memref<26x128xi32, #tpu.memory_space<hbm>>) target(%arg14 : memref<26x128xi32, #tpu.memory_space<vmem>>) target_semaphore(%arg19 : memref<!tpu.dma_semaphore, #tpu.memory_space<semaphore_mem>>)
      %dma_start3A_105 = arith.constant 0 : i32
      %dma_start3A_106 = tpu.memref_slice %arg4[%add3A, %dma_start3A_105] : memref<6250x128xf32, #tpu.memory_space<hbm>> -> memref<26x128xf32, #tpu.memory_space<hbm>>
      %dma_start3A_107 = arith.constant 0 : i32
      %dma_start3A_108 = tpu.memref_slice %arg4[%add3A, %dma_start3A_107] : memref<6250x128xf32, #tpu.memory_space<hbm>> -> memref<26x128xf32, #tpu.memory_space<hbm>>
      tpu.enqueue_dma source(%dma_start3A_108 : memref<26x128xf32, #tpu.memory_space<hbm>>) target(%arg15 : memref<26x128xf32, #tpu.memory_space<vmem>>) target_semaphore(%arg19 : memref<!tpu.dma_semaphore, #tpu.memory_space<semaphore_mem>>)
      %dma_wait3A = arith.constant 0 : i32
      %dma_wait3A_109 = arith.constant 0 : i32
      %dma_wait3A_110 = arith.constant 0 : i32
      %dma_wait3A_111 = tpu.memref_slice %arg3[%dma_wait3A, %dma_wait3A_109, %dma_wait3A_110] : memref<2x6250x128xi32, #tpu.memory_space<hbm>> -> memref<1x6250x128xi32, #tpu.memory_space<hbm>>
      %dma_wait3A_112 = tpu.memref_squeeze %dma_wait3A_111 : memref<1x6250x128xi32, #tpu.memory_space<hbm>> -> memref<6250x128xi32, #tpu.memory_space<hbm>>
      %dma_wait3A_113 = arith.constant 0 : i32
      %dma_wait3A_114 = tpu.memref_slice %dma_wait3A_112[%add3A, %dma_wait3A_113] : memref<6250x128xi32, #tpu.memory_space<hbm>> -> memref<26x128xi32, #tpu.memory_space<hbm>>
      %dma_wait3A_115 = arith.constant 0 : i32
      %dma_wait3A_116 = arith.constant 0 : i32
      %dma_wait3A_117 = tpu.memref_slice %arg3[%dma_wait3A, %dma_wait3A_115, %dma_wait3A_116] : memref<2x6250x128xi32, #tpu.memory_space<hbm>> -> memref<1x6250x128xi32, #tpu.memory_space<hbm>>
      %dma_wait3A_118 = tpu.memref_squeeze %dma_wait3A_117 : memref<1x6250x128xi32, #tpu.memory_space<hbm>> -> memref<6250x128xi32, #tpu.memory_space<hbm>>
      %dma_wait3A_119 = arith.constant 0 : i32
      %dma_wait3A_120 = tpu.memref_slice %dma_wait3A_118[%add3A, %dma_wait3A_119] : memref<6250x128xi32, #tpu.memory_space<hbm>> -> memref<26x128xi32, #tpu.memory_space<hbm>>
      tpu.wait_dma2 semaphore(%arg19 : memref<!tpu.dma_semaphore, #tpu.memory_space<semaphore_mem>>) src(%dma_wait3A_120 : memref<26x128xi32, #tpu.memory_space<hbm>>) dst(%arg13 : memref<26x128xi32, #tpu.memory_space<vmem>>)
      %dma_wait3A_121 = arith.constant 1 : i32
      %dma_wait3A_122 = arith.constant 0 : i32
      %dma_wait3A_123 = arith.constant 0 : i32
      %dma_wait3A_124 = tpu.memref_slice %arg3[%dma_wait3A_121, %dma_wait3A_122, %dma_wait3A_123] : memref<2x6250x128xi32, #tpu.memory_space<hbm>> -> memref<1x6250x128xi32, #tpu.memory_space<hbm>>
      %dma_wait3A_125 = tpu.memref_squeeze %dma_wait3A_124 : memref<1x6250x128xi32, #tpu.memory_space<hbm>> -> memref<6250x128xi32, #tpu.memory_space<hbm>>
      %dma_wait3A_126 = arith.constant 0 : i32
      %dma_wait3A_127 = tpu.memref_slice %dma_wait3A_125[%add3A, %dma_wait3A_126] : memref<6250x128xi32, #tpu.memory_space<hbm>> -> memref<26x128xi32, #tpu.memory_space<hbm>>
      %dma_wait3A_128 = arith.constant 0 : i32
      %dma_wait3A_129 = arith.constant 0 : i32
      %dma_wait3A_130 = tpu.memref_slice %arg3[%dma_wait3A_121, %dma_wait3A_128, %dma_wait3A_129] : memref<2x6250x128xi32, #tpu.memory_space<hbm>> -> memref<1x6250x128xi32, #tpu.memory_space<hbm>>
      %dma_wait3A_131 = tpu.memref_squeeze %dma_wait3A_130 : memref<1x6250x128xi32, #tpu.memory_space<hbm>> -> memref<6250x128xi32, #tpu.memory_space<hbm>>
      %dma_wait3A_132 = arith.constant 0 : i32
      %dma_wait3A_133 = tpu.memref_slice %dma_wait3A_131[%add3A, %dma_wait3A_132] : memref<6250x128xi32, #tpu.memory_space<hbm>> -> memref<26x128xi32, #tpu.memory_space<hbm>>
      tpu.wait_dma2 semaphore(%arg19 : memref<!tpu.dma_semaphore, #tpu.memory_space<semaphore_mem>>) src(%dma_wait3A_133 : memref<26x128xi32, #tpu.memory_space<hbm>>) dst(%arg14 : memref<26x128xi32, #tpu.memory_space<vmem>>)
      %dma_wait3A_134 = arith.constant 0 : i32
      %dma_wait3A_135 = tpu.memref_slice %arg4[%add3A, %dma_wait3A_134] : memref<6250x128xf32, #tpu.memory_space<hbm>> -> memref<26x128xf32, #tpu.memory_space<hbm>>
      %dma_wait3A_136 = arith.constant 0 : i32
      %dma_wait3A_137 = tpu.memref_slice %arg4[%add3A, %dma_wait3A_136] : memref<6250x128xf32, #tpu.memory_space<hbm>> -> memref<26x128xf32, #tpu.memory_space<hbm>>
      tpu.wait_dma2 semaphore(%arg19 : memref<!tpu.dma_semaphore, #tpu.memory_space<semaphore_mem>>) src(%dma_wait3A_137 : memref<26x128xf32, #tpu.memory_space<hbm>>) dst(%arg15 : memref<26x128xf32, #tpu.memory_space<vmem>>)
      %rem3A = arith.constant 0 : i32
      %rem3A_138 = arith.constant 4 : i32
      %rem3A_139 = arith.remsi %rem3A, %rem3A_138 : i32
      %mul3A_140 = arith.constant 128 : i32
      %mul3A_141 = arith.muli %rem3A_139, %mul3A_140 : i32
      %dma_start3A_142 = arith.constant 0 : i32
      %dma_start3A_143 = arith.constant 0 : i32
      %dma_start3A_144 = tpu.memref_slice %arg16[%mul3A_141, %dma_start3A_143] : memref<512x32xf32, #tpu.memory_space<vmem>> -> memref<128x32xf32, #tpu.memory_space<vmem>>
      %dma_start3A_145 = arith.constant 0 : i32
      %dma_start3A_146 = tpu.memref_slice %arg14[%dma_start3A_142, %dma_start3A_145] : memref<26x128xi32, #tpu.memory_space<vmem>> -> memref<1x128xi32, #tpu.memory_space<vmem>>
      %dma_start3A_147 = tpu.memref_squeeze %dma_start3A_146 : memref<1x128xi32, #tpu.memory_space<vmem>> -> memref<128xi32, #tpu.memory_space<vmem>>
      %dma_start3A_148 = arith.constant 0 : i32
      %dma_start3A_149 = tpu.memref_slice %arg2[%mul3A_0, %dma_start3A_148] : memref<100096x32xf32, #tpu.memory_space<hbm>> -> memref<50048x32xf32, #tpu.memory_space<hbm>>
      %dma_start3A_150 = arith.constant 0 : i32
      %dma_start3A_151 = arith.constant 0 : i32
      %dma_start3A_152 = tpu.memref_slice %dma_start3A_149[%dma_start3A_150, %dma_start3A_151] : memref<50048x32xf32, #tpu.memory_space<hbm>> -> memref<50048x32xf32, #tpu.memory_space<hbm>>
      tpu.enqueue_indirect_dma source(%dma_start3A_152 : memref<50048x32xf32, #tpu.memory_space<hbm>>) target(%dma_start3A_144 : memref<128x32xf32, #tpu.memory_space<vmem>>) offsets(%dma_start3A_147 : memref<128xi32, #tpu.memory_space<vmem>>) semaphore(%arg20 : memref<!tpu.dma_semaphore, #tpu.memory_space<semaphore_mem>>)
      %rem3A_153 = arith.constant 1 : i32
      %rem3A_154 = arith.constant 4 : i32
      %rem3A_155 = arith.remsi %rem3A_153, %rem3A_154 : i32
      %mul3A_156 = arith.constant 128 : i32
      %mul3A_157 = arith.muli %rem3A_155, %mul3A_156 : i32
      %dma_start3A_158 = arith.constant 1 : i32
      %dma_start3A_159 = arith.constant 0 : i32
      %dma_start3A_160 = tpu.memref_slice %arg16[%mul3A_157, %dma_start3A_159] : memref<512x32xf32, #tpu.memory_space<vmem>> -> memref<128x32xf32, #tpu.memory_space<vmem>>
      %dma_start3A_161 = arith.constant 0 : i32
      %dma_start3A_162 = tpu.memref_slice %arg14[%dma_start3A_158, %dma_start3A_161] : memref<26x128xi32, #tpu.memory_space<vmem>> -> memref<1x128xi32, #tpu.memory_space<vmem>>
      %dma_start3A_163 = tpu.memref_squeeze %dma_start3A_162 : memref<1x128xi32, #tpu.memory_space<vmem>> -> memref<128xi32, #tpu.memory_space<vmem>>
      %dma_start3A_164 = arith.constant 0 : i32
      %dma_start3A_165 = tpu.memref_slice %arg2[%mul3A_0, %dma_start3A_164] : memref<100096x32xf32, #tpu.memory_space<hbm>> -> memref<50048x32xf32, #tpu.memory_space<hbm>>
      %dma_start3A_166 = arith.constant 0 : i32
      %dma_start3A_167 = arith.constant 0 : i32
      %dma_start3A_168 = tpu.memref_slice %dma_start3A_165[%dma_start3A_166, %dma_start3A_167] : memref<50048x32xf32, #tpu.memory_space<hbm>> -> memref<50048x32xf32, #tpu.memory_space<hbm>>
      tpu.enqueue_indirect_dma source(%dma_start3A_168 : memref<50048x32xf32, #tpu.memory_space<hbm>>) target(%dma_start3A_160 : memref<128x32xf32, #tpu.memory_space<vmem>>) offsets(%dma_start3A_163 : memref<128xi32, #tpu.memory_space<vmem>>) semaphore(%arg20 : memref<!tpu.dma_semaphore, #tpu.memory_space<semaphore_mem>>)
      %rem3A_169 = arith.constant 2 : i32
      %rem3A_170 = arith.constant 4 : i32
      %rem3A_171 = arith.remsi %rem3A_169, %rem3A_170 : i32
      %mul3A_172 = arith.constant 128 : i32
      %mul3A_173 = arith.muli %rem3A_171, %mul3A_172 : i32
      %dma_start3A_174 = arith.constant 2 : i32
      %dma_start3A_175 = arith.constant 0 : i32
      %dma_start3A_176 = tpu.memref_slice %arg16[%mul3A_173, %dma_start3A_175] : memref<512x32xf32, #tpu.memory_space<vmem>> -> memref<128x32xf32, #tpu.memory_space<vmem>>
      %dma_start3A_177 = arith.constant 0 : i32
      %dma_start3A_178 = tpu.memref_slice %arg14[%dma_start3A_174, %dma_start3A_177] : memref<26x128xi32, #tpu.memory_space<vmem>> -> memref<1x128xi32, #tpu.memory_space<vmem>>
      %dma_start3A_179 = tpu.memref_squeeze %dma_start3A_178 : memref<1x128xi32, #tpu.memory_space<vmem>> -> memref<128xi32, #tpu.memory_space<vmem>>
      %dma_start3A_180 = arith.constant 0 : i32
      %dma_start3A_181 = tpu.memref_slice %arg2[%mul3A_0, %dma_start3A_180] : memref<100096x32xf32, #tpu.memory_space<hbm>> -> memref<50048x32xf32, #tpu.memory_space<hbm>>
      %dma_start3A_182 = arith.constant 0 : i32
      %dma_start3A_183 = arith.constant 0 : i32
      %dma_start3A_184 = tpu.memref_slice %dma_start3A_181[%dma_start3A_182, %dma_start3A_183] : memref<50048x32xf32, #tpu.memory_space<hbm>> -> memref<50048x32xf32, #tpu.memory_space<hbm>>
      tpu.enqueue_indirect_dma source(%dma_start3A_184 : memref<50048x32xf32, #tpu.memory_space<hbm>>) target(%dma_start3A_176 : memref<128x32xf32, #tpu.memory_space<vmem>>) offsets(%dma_start3A_179 : memref<128xi32, #tpu.memory_space<vmem>>) semaphore(%arg20 : memref<!tpu.dma_semaphore, #tpu.memory_space<semaphore_mem>>)
      %scan3A_185 = arith.constant 0 : i32
      %scan3A_186 = arith.constant 0 : i32
      %scan3A_187 = arith.constant 26 : i32
      %scan3A_188 = arith.addi %scan3A_186, %scan3A_187 : i32
      %scan3A_189 = arith.constant 1 : i32
      %scan3A_190 = scf.for %scan3A_233 = %scan3A_186 to %scan3A_188 step %scan3A_189 iter_args(%scan3A_234 = %scan3A_185) -> (i32)  : i32 {
        %add3A_235 = arith.constant 3 : i32
        %add3A_236 = arith.addi %scan3A_233, %add3A_235 : i32
        %lt3A_237 = arith.constant 26 : i32
        %lt3A_238 = arith.cmpi slt, %add3A_236, %lt3A_237 : i32
        %convert_element_type3A_239 = arith.extui %lt3A_238 : i1 to i32
        %cond3A_240 = arith.constant 0 : i32
        %cond3A_241 = arith.cmpi ne, %convert_element_type3A_239, %cond3A_240 : i32
        scf.if %cond3A_241 {
          %ge3A = arith.constant 1 : i32
          %ge3A_274 = arith.cmpi sge, %scan3A_233, %ge3A : i32
          %convert_element_type3A_275 = arith.extui %ge3A_274 : i1 to i32
          %cond3A_276 = arith.constant 0 : i32
          %cond3A_277 = arith.cmpi ne, %convert_element_type3A_275, %cond3A_276 : i32
          scf.if %cond3A_277 {
            %dma_wait3A_294 = arith.constant 0 : i32
            %dma_wait3A_295 = arith.constant 0 : i32
            %dma_wait3A_296 = arith.constant 0 : i32
            %dma_wait3A_297 = tpu.memref_slice %arg16[%dma_wait3A_295, %dma_wait3A_296] : memref<512x32xf32, #tpu.memory_space<vmem>> -> memref<128x32xf32, #tpu.memory_space<vmem>>
            %dma_wait3A_298 = arith.constant 0 : i32
            %dma_wait3A_299 = tpu.memref_slice %arg13[%dma_wait3A_294, %dma_wait3A_298] : memref<26x128xi32, #tpu.memory_space<vmem>> -> memref<1x128xi32, #tpu.memory_space<vmem>>
            %dma_wait3A_300 = tpu.memref_squeeze %dma_wait3A_299 : memref<1x128xi32, #tpu.memory_space<vmem>> -> memref<128xi32, #tpu.memory_space<vmem>>
            %dma_wait3A_301 = arith.constant 0 : i32
            %dma_wait3A_302 = arith.constant 0 : i32
            %dma_wait3A_303 = tpu.memref_slice %arg12[%dma_wait3A_301, %dma_wait3A_302] : memref<50048x32xf32, #tpu.memory_space<vmem_shared>> -> memref<50048x32xf32, #tpu.memory_space<vmem_shared>>
            tpu.wait_indirect_dma semaphore(%arg21 : memref<!tpu.dma_semaphore, #tpu.memory_space<semaphore_mem>>) src(%dma_wait3A_297 : memref<128x32xf32, #tpu.memory_space<vmem>>) dst(%dma_wait3A_303 : memref<50048x32xf32, #tpu.memory_space<vmem_shared>>)
          } else {
          }
          %add3A_278 = arith.constant 3 : i32
          %add3A_279 = arith.addi %scan3A_233, %add3A_278 : i32
          %rem3A_280 = arith.constant 4 : i32
          %rem3A_281 = arith.remsi %add3A_279, %rem3A_280 : i32
          %mul3A_282 = arith.constant 128 : i32
          %mul3A_283 = arith.muli %rem3A_281, %mul3A_282 : i32
          %dma_start3A_284 = arith.constant 0 : i32
          %dma_start3A_285 = tpu.memref_slice %arg16[%mul3A_283, %dma_start3A_284] : memref<512x32xf32, #tpu.memory_space<vmem>> -> memref<128x32xf32, #tpu.memory_space<vmem>>
          %dma_start3A_286 = arith.constant 0 : i32
          %dma_start3A_287 = tpu.memref_slice %arg14[%add3A_279, %dma_start3A_286] : memref<26x128xi32, #tpu.memory_space<vmem>> -> memref<1x128xi32, #tpu.memory_space<vmem>>
          %dma_start3A_288 = tpu.memref_squeeze %dma_start3A_287 : memref<1x128xi32, #tpu.memory_space<vmem>> -> memref<128xi32, #tpu.memory_space<vmem>>
          %dma_start3A_289 = arith.constant 0 : i32
          %dma_start3A_290 = tpu.memref_slice %arg2[%mul3A_0, %dma_start3A_289] : memref<100096x32xf32, #tpu.memory_space<hbm>> -> memref<50048x32xf32, #tpu.memory_space<hbm>>
          %dma_start3A_291 = arith.constant 0 : i32
          %dma_start3A_292 = arith.constant 0 : i32
          %dma_start3A_293 = tpu.memref_slice %dma_start3A_290[%dma_start3A_291, %dma_start3A_292] : memref<50048x32xf32, #tpu.memory_space<hbm>> -> memref<50048x32xf32, #tpu.memory_space<hbm>>
          tpu.enqueue_indirect_dma source(%dma_start3A_293 : memref<50048x32xf32, #tpu.memory_space<hbm>>) target(%dma_start3A_285 : memref<128x32xf32, #tpu.memory_space<vmem>>) offsets(%dma_start3A_288 : memref<128xi32, #tpu.memory_space<vmem>>) semaphore(%arg20 : memref<!tpu.dma_semaphore, #tpu.memory_space<semaphore_mem>>)
        } else {
        }
        %dma_wait3A_242 = arith.constant 0 : i32
        %dma_wait3A_243 = arith.constant 0 : i32
        %dma_wait3A_244 = arith.constant 0 : i32
        %dma_wait3A_245 = tpu.memref_slice %arg16[%dma_wait3A_243, %dma_wait3A_244] : memref<512x32xf32, #tpu.memory_space<vmem>> -> memref<128x32xf32, #tpu.memory_space<vmem>>
        %dma_wait3A_246 = arith.constant 0 : i32
        %dma_wait3A_247 = tpu.memref_slice %arg14[%dma_wait3A_242, %dma_wait3A_246] : memref<26x128xi32, #tpu.memory_space<vmem>> -> memref<1x128xi32, #tpu.memory_space<vmem>>
        %dma_wait3A_248 = tpu.memref_squeeze %dma_wait3A_247 : memref<1x128xi32, #tpu.memory_space<vmem>> -> memref<128xi32, #tpu.memory_space<vmem>>
        %dma_wait3A_249 = arith.constant 0 : i32
        %dma_wait3A_250 = tpu.memref_slice %arg2[%mul3A_0, %dma_wait3A_249] : memref<100096x32xf32, #tpu.memory_space<hbm>> -> memref<50048x32xf32, #tpu.memory_space<hbm>>
        %dma_wait3A_251 = arith.constant 0 : i32
        %dma_wait3A_252 = arith.constant 0 : i32
        %dma_wait3A_253 = tpu.memref_slice %dma_wait3A_250[%dma_wait3A_251, %dma_wait3A_252] : memref<50048x32xf32, #tpu.memory_space<hbm>> -> memref<50048x32xf32, #tpu.memory_space<hbm>>
        tpu.wait_indirect_dma semaphore(%arg20 : memref<!tpu.dma_semaphore, #tpu.memory_space<semaphore_mem>>) src(%dma_wait3A_253 : memref<50048x32xf32, #tpu.memory_space<hbm>>) dst(%dma_wait3A_245 : memref<128x32xf32, #tpu.memory_space<vmem>>)
        %rem3A_254 = arith.constant 4 : i32
        %rem3A_255 = arith.remsi %scan3A_233, %rem3A_254 : i32
        %mul3A_256 = arith.constant 128 : i32
        %mul3A_257 = arith.muli %rem3A_255, %mul3A_256 : i32
        %scan3A_258 = arith.constant 0 : i32
        %scan3A_259 = arith.constant 0 : i32
        %scan3A_260 = arith.constant 8 : i32
        %scan3A_261 = arith.addi %scan3A_259, %scan3A_260 : i32
        %scan3A_262 = arith.constant 1 : i32
        %scan3A_263 = scf.for %scan3A_274 = %scan3A_259 to %scan3A_261 step %scan3A_262 iter_args(%scan3A_275 = %scan3A_258) -> (i32)  : i32 {
          %mul3A_276 = arith.constant 16 : i32
          %mul3A_277 = arith.muli %scan3A_274, %mul3A_276 : i32
          %get3A_278 = arith.index_cast %scan3A_233 : i32 to index
          %get3A_279 = arith.index_cast %mul3A_277 : i32 to index
          %get3A_280 = tpu.vector_load %arg15[%get3A_278, %get3A_279] {strides = array<i32>} : memref<26x128xf32, #tpu.memory_space<vmem>>, vector<1x16xf32>,
          %get3A_281 = vector.shape_cast %get3A_280 : vector<1x16xf32> to vector<16xf32>
          %broadcast_in_dim3A_282 = arith.constant 0 : i32
          %broadcast_in_dim3A_283 = vector.broadcast %broadcast_in_dim3A_282 : i32 to vector<16x1xi32>
          %gather3A_284 = vector.shape_cast %broadcast_in_dim3A_283 : vector<16x1xi32> to vector<16xi32>
          %gather3A_285 = tpu.dynamic_gather %get3A_281[%gather3A_284] in [0] : vector<16xf32>, vector<16xi32> -> vector<16xf32>
          %mul3A_286 = arith.constant 16 : i32
          %mul3A_287 = arith.muli %scan3A_274, %mul3A_286 : i32
          %add3A_288 = arith.addi %mul3A_257, %mul3A_287 : i32
          %add3A_289 = arith.constant 0 : i32
          %add3A_290 = arith.addi %add3A_288, %add3A_289 : i32
          %get3A_291 = arith.index_cast %add3A_290 : i32 to index
          %get3A_292 = arith.constant 0 : index
          %get3A_293 = tpu.vector_load %arg16[%get3A_291, %get3A_292] {strides = array<i32>} : memref<512x32xf32, #tpu.memory_space<vmem>>, vector<1x16xf32>,
          %get3A_294 = vector.shape_cast %get3A_293 : vector<1x16xf32> to vector<16xf32>
          %mul3A_295 = arith.mulf %get3A_294, %gather3A_285 : vector<16xf32>
          %swap3A = arith.index_cast %add3A_290 : i32 to index
          %swap3A_296 = arith.constant 0 : index
          %swap3A_297 = tpu.vector_load %arg16[%swap3A, %swap3A_296] {strides = array<i32>} : memref<512x32xf32, #tpu.memory_space<vmem>>, vector<1x16xf32>,
          %swap3A_298 = vector.shape_cast %swap3A_297 : vector<1x16xf32> to vector<16xf32>
          %swap3A_299 = vector.shape_cast %mul3A_295 : vector<16xf32> to vector<1x16xf32>
          tpu.vector_store %arg16[%swap3A, %swap3A_296], %swap3A_299 {strides = array<i32>} : memref<512x32xf32, #tpu.memory_space<vmem>>, vector<1x16xf32>,
          %get3A_300 = arith.index_cast %add3A_290 : i32 to index
          %get3A_301 = arith.constant 16 : index
          %get3A_302 = tpu.vector_load %arg16[%get3A_300, %get3A_301] {strides = array<i32>} : memref<512x32xf32, #tpu.memory_space<vmem>>, vector<1x16xf32>,
          %get3A_303 = vector.shape_cast %get3A_302 : vector<1x16xf32> to vector<16xf32>
          %mul3A_304 = arith.mulf %get3A_303, %gather3A_285 : vector<16xf32>
          %swap3A_305 = arith.index_cast %add3A_290 : i32 to index
          %swap3A_306 = arith.constant 16 : index
          %swap3A_307 = tpu.vector_load %arg16[%swap3A_305, %swap3A_306] {strides = array<i32>} : memref<512x32xf32, #tpu.memory_space<vmem>>, vector<1x16xf32>,
          %swap3A_308 = vector.shape_cast %swap3A_307 : vector<1x16xf32> to vector<16xf32>
          %swap3A_309 = vector.shape_cast %mul3A_304 : vector<16xf32> to vector<1x16xf32>
          tpu.vector_store %arg16[%swap3A_305, %swap3A_306], %swap3A_309 {strides = array<i32>} : memref<512x32xf32, #tpu.memory_space<vmem>>, vector<1x16xf32>,
          %broadcast_in_dim3A_310 = arith.constant 1 : i32
          %broadcast_in_dim3A_311 = vector.broadcast %broadcast_in_dim3A_310 : i32 to vector<16x1xi32>
          %gather3A_312 = vector.shape_cast %broadcast_in_dim3A_311 : vector<16x1xi32> to vector<16xi32>
          %gather3A_313 = tpu.dynamic_gather %get3A_281[%gather3A_312] in [0] : vector<16xf32>, vector<16xi32> -> vector<16xf32>
          %mul3A_314 = arith.constant 16 : i32
          %mul3A_315 = arith.muli %scan3A_274, %mul3A_314 : i32
          %add3A_316 = arith.addi %mul3A_257, %mul3A_315 : i32
          %add3A_317 = arith.constant 1 : i32
          %add3A_318 = arith.addi %add3A_316, %add3A_317 : i32
          %get3A_319 = arith.index_cast %add3A_318 : i32 to index
          %get3A_320 = arith.constant 0 : index
          %get3A_321 = tpu.vector_load %arg16[%get3A_319, %get3A_320] {strides = array<i32>} : memref<512x32xf32, #tpu.memory_space<vmem>>, vector<1x16xf32>,
          %get3A_322 = vector.shape_cast %get3A_321 : vector<1x16xf32> to vector<16xf32>
          %mul3A_323 = arith.mulf %get3A_322, %gather3A_313 : vector<16xf32>
          %swap3A_324 = arith.index_cast %add3A_318 : i32 to index
          %swap3A_325 = arith.constant 0 : index
          %swap3A_326 = tpu.vector_load %arg16[%swap3A_324, %swap3A_325] {strides = array<i32>} : memref<512x32xf32, #tpu.memory_space<vmem>>, vector<1x16xf32>,
          %swap3A_327 = vector.shape_cast %swap3A_326 : vector<1x16xf32> to vector<16xf32>
          %swap3A_328 = vector.shape_cast %mul3A_323 : vector<16xf32> to vector<1x16xf32>
          tpu.vector_store %arg16[%swap3A_324, %swap3A_325], %swap3A_328 {strides = array<i32>} : memref<512x32xf32, #tpu.memory_space<vmem>>, vector<1x16xf32>,
          %get3A_329 = arith.index_cast %add3A_318 : i32 to index
          %get3A_330 = arith.constant 16 : index
          %get3A_331 = tpu.vector_load %arg16[%get3A_329, %get3A_330] {strides = array<i32>} : memref<512x32xf32, #tpu.memory_space<vmem>>, vector<1x16xf32>,
          %get3A_332 = vector.shape_cast %get3A_331 : vector<1x16xf32> to vector<16xf32>
          %mul3A_333 = arith.mulf %get3A_332, %gather3A_313 : vector<16xf32>
          %swap3A_334 = arith.index_cast %add3A_318 : i32 to index
          %swap3A_335 = arith.constant 16 : index
          %swap3A_336 = tpu.vector_load %arg16[%swap3A_334, %swap3A_335] {strides = array<i32>} : memref<512x32xf32, #tpu.memory_space<vmem>>, vector<1x16xf32>,
          %swap3A_337 = vector.shape_cast %swap3A_336 : vector<1x16xf32> to vector<16xf32>
          %swap3A_338 = vector.shape_cast %mul3A_333 : vector<16xf32> to vector<1x16xf32>
          tpu.vector_store %arg16[%swap3A_334, %swap3A_335], %swap3A_338 {strides = array<i32>} : memref<512x32xf32, #tpu.memory_space<vmem>>, vector<1x16xf32>,
          %broadcast_in_dim3A_339 = arith.constant 2 : i32
          %broadcast_in_dim3A_340 = vector.broadcast %broadcast_in_dim3A_339 : i32 to vector<16x1xi32>
          %gather3A_341 = vector.shape_cast %broadcast_in_dim3A_340 : vector<16x1xi32> to vector<16xi32>
          %gather3A_342 = tpu.dynamic_gather %get3A_281[%gather3A_341] in [0] : vector<16xf32>, vector<16xi32> -> vector<16xf32>
          %mul3A_343 = arith.constant 16 : i32
          %mul3A_344 = arith.muli %scan3A_274, %mul3A_343 : i32
          %add3A_345 = arith.addi %mul3A_257, %mul3A_344 : i32
          %add3A_346 = arith.constant 2 : i32
          %add3A_347 = arith.addi %add3A_345, %add3A_346 : i32
          %get3A_348 = arith.index_cast %add3A_347 : i32 to index
          %get3A_349 = arith.constant 0 : index
          %get3A_350 = tpu.vector_load %arg16[%get3A_348, %get3A_349] {strides = array<i32>} : memref<512x32xf32, #tpu.memory_space<vmem>>, vector<1x16xf32>,
          %get3A_351 = vector.shape_cast %get3A_350 : vector<1x16xf32> to vector<16xf32>
          %mul3A_352 = arith.mulf %get3A_351, %gather3A_342 : vector<16xf32>
          %swap3A_353 = arith.index_cast %add3A_347 : i32 to index
          %swap3A_354 = arith.constant 0 : index
          %swap3A_355 = tpu.vector_load %arg16[%swap3A_353, %swap3A_354] {strides = array<i32>} : memref<512x32xf32, #tpu.memory_space<vmem>>, vector<1x16xf32>,
          %swap3A_356 = vector.shape_cast %swap3A_355 : vector<1x16xf32> to vector<16xf32>
          %swap3A_357 = vector.shape_cast %mul3A_352 : vector<16xf32> to vector<1x16xf32>
          tpu.vector_store %arg16[%swap3A_353, %swap3A_354], %swap3A_357 {strides = array<i32>} : memref<512x32xf32, #tpu.memory_space<vmem>>, vector<1x16xf32>,
          %get3A_358 = arith.index_cast %add3A_347 : i32 to index
          %get3A_359 = arith.constant 16 : index
          %get3A_360 = tpu.vector_load %arg16[%get3A_358, %get3A_359] {strides = array<i32>} : memref<512x32xf32, #tpu.memory_space<vmem>>, vector<1x16xf32>,
          %get3A_361 = vector.shape_cast %get3A_360 : vector<1x16xf32> to vector<16xf32>
          %mul3A_362 = arith.mulf %get3A_361, %gather3A_342 : vector<16xf32>
          %swap3A_363 = arith.index_cast %add3A_347 : i32 to index
          %swap3A_364 = arith.constant 16 : index
          %swap3A_365 = tpu.vector_load %arg16[%swap3A_363, %swap3A_364] {strides = array<i32>} : memref<512x32xf32, #tpu.memory_space<vmem>>, vector<1x16xf32>,
          %swap3A_366 = vector.shape_cast %swap3A_365 : vector<1x16xf32> to vector<16xf32>
          %swap3A_367 = vector.shape_cast %mul3A_362 : vector<16xf32> to vector<1x16xf32>
          tpu.vector_store %arg16[%swap3A_363, %swap3A_364], %swap3A_367 {strides = array<i32>} : memref<512x32xf32, #tpu.memory_space<vmem>>, vector<1x16xf32>,
          %broadcast_in_dim3A_368 = arith.constant 3 : i32
          %broadcast_in_dim3A_369 = vector.broadcast %broadcast_in_dim3A_368 : i32 to vector<16x1xi32>
          %gather3A_370 = vector.shape_cast %broadcast_in_dim3A_369 : vector<16x1xi32> to vector<16xi32>
          %gather3A_371 = tpu.dynamic_gather %get3A_281[%gather3A_370] in [0] : vector<16xf32>, vector<16xi32> -> vector<16xf32>
          %mul3A_372 = arith.constant 16 : i32
          %mul3A_373 = arith.muli %scan3A_274, %mul3A_372 : i32
          %add3A_374 = arith.addi %mul3A_257, %mul3A_373 : i32
          %add3A_375 = arith.constant 3 : i32
          %add3A_376 = arith.addi %add3A_374, %add3A_375 : i32
          %get3A_377 = arith.index_cast %add3A_376 : i32 to index
          %get3A_378 = arith.constant 0 : index
          %get3A_379 = tpu.vector_load %arg16[%get3A_377, %get3A_378] {strides = array<i32>} : memref<512x32xf32, #tpu.memory_space<vmem>>, vector<1x16xf32>,
          %get3A_380 = vector.shape_cast %get3A_379 : vector<1x16xf32> to vector<16xf32>
          %mul3A_381 = arith.mulf %get3A_380, %gather3A_371 : vector<16xf32>
          %swap3A_382 = arith.index_cast %add3A_376 : i32 to index
          %swap3A_383 = arith.constant 0 : index
          %swap3A_384 = tpu.vector_load %arg16[%swap3A_382, %swap3A_383] {strides = array<i32>} : memref<512x32xf32, #tpu.memory_space<vmem>>, vector<1x16xf32>,
          %swap3A_385 = vector.shape_cast %swap3A_384 : vector<1x16xf32> to vector<16xf32>
          %swap3A_386 = vector.shape_cast %mul3A_381 : vector<16xf32> to vector<1x16xf32>
          tpu.vector_store %arg16[%swap3A_382, %swap3A_383], %swap3A_386 {strides = array<i32>} : memref<512x32xf32, #tpu.memory_space<vmem>>, vector<1x16xf32>,
          %get3A_387 = arith.index_cast %add3A_376 : i32 to index
          %get3A_388 = arith.constant 16 : index
          %get3A_389 = tpu.vector_load %arg16[%get3A_387, %get3A_388] {strides = array<i32>} : memref<512x32xf32, #tpu.memory_space<vmem>>, vector<1x16xf32>,
          %get3A_390 = vector.shape_cast %get3A_389 : vector<1x16xf32> to vector<16xf32>
          %mul3A_391 = arith.mulf %get3A_390, %gather3A_371 : vector<16xf32>
          %swap3A_392 = arith.index_cast %add3A_376 : i32 to index
          %swap3A_393 = arith.constant 16 : index
          %swap3A_394 = tpu.vector_load %arg16[%swap3A_392, %swap3A_393] {strides = array<i32>} : memref<512x32xf32, #tpu.memory_space<vmem>>, vector<1x16xf32>,
          %swap3A_395 = vector.shape_cast %swap3A_394 : vector<1x16xf32> to vector<16xf32>
          %swap3A_396 = vector.shape_cast %mul3A_391 : vector<16xf32> to vector<1x16xf32>
          tpu.vector_store %arg16[%swap3A_392, %swap3A_393], %swap3A_396 {strides = array<i32>} : memref<512x32xf32, #tpu.memory_space<vmem>>, vector<1x16xf32>,
          %broadcast_in_dim3A_397 = arith.constant 4 : i32
          %broadcast_in_dim3A_398 = vector.broadcast %broadcast_in_dim3A_397 : i32 to vector<16x1xi32>
          %gather3A_399 = vector.shape_cast %broadcast_in_dim3A_398 : vector<16x1xi32> to vector<16xi32>
          %gather3A_400 = tpu.dynamic_gather %get3A_281[%gather3A_399] in [0] : vector<16xf32>, vector<16xi32> -> vector<16xf32>
          %mul3A_401 = arith.constant 16 : i32
          %mul3A_402 = arith.muli %scan3A_274, %mul3A_401 : i32
          %add3A_403 = arith.addi %mul3A_257, %mul3A_402 : i32
          %add3A_404 = arith.constant 4 : i32
          %add3A_405 = arith.addi %add3A_403, %add3A_404 : i32
          %get3A_406 = arith.index_cast %add3A_405 : i32 to index
          %get3A_407 = arith.constant 0 : index
          %get3A_408 = tpu.vector_load %arg16[%get3A_406, %get3A_407] {strides = array<i32>} : memref<512x32xf32, #tpu.memory_space<vmem>>, vector<1x16xf32>,
          %get3A_409 = vector.shape_cast %get3A_408 : vector<1x16xf32> to vector<16xf32>
          %mul3A_410 = arith.mulf %get3A_409, %gather3A_400 : vector<16xf32>
          %swap3A_411 = arith.index_cast %add3A_405 : i32 to index
          %swap3A_412 = arith.constant 0 : index
          %swap3A_413 = tpu.vector_load %arg16[%swap3A_411, %swap3A_412] {strides = array<i32>} : memref<512x32xf32, #tpu.memory_space<vmem>>, vector<1x16xf32>,
          %swap3A_414 = vector.shape_cast %swap3A_413 : vector<1x16xf32> to vector<16xf32>
          %swap3A_415 = vector.shape_cast %mul3A_410 : vector<16xf32> to vector<1x16xf32>
          tpu.vector_store %arg16[%swap3A_411, %swap3A_412], %swap3A_415 {strides = array<i32>} : memref<512x32xf32, #tpu.memory_space<vmem>>, vector<1x16xf32>,
          %get3A_416 = arith.index_cast %add3A_405 : i32 to index
          %get3A_417 = arith.constant 16 : index
          %get3A_418 = tpu.vector_load %arg16[%get3A_416, %get3A_417] {strides = array<i32>} : memref<512x32xf32, #tpu.memory_space<vmem>>, vector<1x16xf32>,
          %get3A_419 = vector.shape_cast %get3A_418 : vector<1x16xf32> to vector<16xf32>
          %mul3A_420 = arith.mulf %get3A_419, %gather3A_400 : vector<16xf32>
          %swap3A_421 = arith.index_cast %add3A_405 : i32 to index
          %swap3A_422 = arith.constant 16 : index
          %swap3A_423 = tpu.vector_load %arg16[%swap3A_421, %swap3A_422] {strides = array<i32>} : memref<512x32xf32, #tpu.memory_space<vmem>>, vector<1x16xf32>,
          %swap3A_424 = vector.shape_cast %swap3A_423 : vector<1x16xf32> to vector<16xf32>
          %swap3A_425 = vector.shape_cast %mul3A_420 : vector<16xf32> to vector<1x16xf32>
          tpu.vector_store %arg16[%swap3A_421, %swap3A_422], %swap3A_425 {strides = array<i32>} : memref<512x32xf32, #tpu.memory_space<vmem>>, vector<1x16xf32>,
          %broadcast_in_dim3A_426 = arith.constant 5 : i32
          %broadcast_in_dim3A_427 = vector.broadcast %broadcast_in_dim3A_426 : i32 to vector<16x1xi32>
          %gather3A_428 = vector.shape_cast %broadcast_in_dim3A_427 : vector<16x1xi32> to vector<16xi32>
          %gather3A_429 = tpu.dynamic_gather %get3A_281[%gather3A_428] in [0] : vector<16xf32>, vector<16xi32> -> vector<16xf32>
          %mul3A_430 = arith.constant 16 : i32
          %mul3A_431 = arith.muli %scan3A_274, %mul3A_430 : i32
          %add3A_432 = arith.addi %mul3A_257, %mul3A_431 : i32
          %add3A_433 = arith.constant 5 : i32
          %add3A_434 = arith.addi %add3A_432, %add3A_433 : i32
          %get3A_435 = arith.index_cast %add3A_434 : i32 to index
          %get3A_436 = arith.constant 0 : index
          %get3A_437 = tpu.vector_load %arg16[%get3A_435, %get3A_436] {strides = array<i32>} : memref<512x32xf32, #tpu.memory_space<vmem>>, vector<1x16xf32>,
          %get3A_438 = vector.shape_cast %get3A_437 : vector<1x16xf32> to vector<16xf32>
          %mul3A_439 = arith.mulf %get3A_438, %gather3A_429 : vector<16xf32>
          %swap3A_440 = arith.index_cast %add3A_434 : i32 to index
          %swap3A_441 = arith.constant 0 : index
          %swap3A_442 = tpu.vector_load %arg16[%swap3A_440, %swap3A_441] {strides = array<i32>} : memref<512x32xf32, #tpu.memory_space<vmem>>, vector<1x16xf32>,
          %swap3A_443 = vector.shape_cast %swap3A_442 : vector<1x16xf32> to vector<16xf32>
          %swap3A_444 = vector.shape_cast %mul3A_439 : vector<16xf32> to vector<1x16xf32>
          tpu.vector_store %arg16[%swap3A_440, %swap3A_441], %swap3A_444 {strides = array<i32>} : memref<512x32xf32, #tpu.memory_space<vmem>>, vector<1x16xf32>,
          %get3A_445 = arith.index_cast %add3A_434 : i32 to index
          %get3A_446 = arith.constant 16 : index
          %get3A_447 = tpu.vector_load %arg16[%get3A_445, %get3A_446] {strides = array<i32>} : memref<512x32xf32, #tpu.memory_space<vmem>>, vector<1x16xf32>,
          %get3A_448 = vector.shape_cast %get3A_447 : vector<1x16xf32> to vector<16xf32>
          %mul3A_449 = arith.mulf %get3A_448, %gather3A_429 : vector<16xf32>
          %swap3A_450 = arith.index_cast %add3A_434 : i32 to index
          %swap3A_451 = arith.constant 16 : index
          %swap3A_452 = tpu.vector_load %arg16[%swap3A_450, %swap3A_451] {strides = array<i32>} : memref<512x32xf32, #tpu.memory_space<vmem>>, vector<1x16xf32>,
          %swap3A_453 = vector.shape_cast %swap3A_452 : vector<1x16xf32> to vector<16xf32>
          %swap3A_454 = vector.shape_cast %mul3A_449 : vector<16xf32> to vector<1x16xf32>
          tpu.vector_store %arg16[%swap3A_450, %swap3A_451], %swap3A_454 {strides = array<i32>} : memref<512x32xf32, #tpu.memory_space<vmem>>, vector<1x16xf32>,
          %broadcast_in_dim3A_455 = arith.constant 6 : i32
          %broadcast_in_dim3A_456 = vector.broadcast %broadcast_in_dim3A_455 : i32 to vector<16x1xi32>
          %gather3A_457 = vector.shape_cast %broadcast_in_dim3A_456 : vector<16x1xi32> to vector<16xi32>
          %gather3A_458 = tpu.dynamic_gather %get3A_281[%gather3A_457] in [0] : vector<16xf32>, vector<16xi32> -> vector<16xf32>
          %mul3A_459 = arith.constant 16 : i32
          %mul3A_460 = arith.muli %scan3A_274, %mul3A_459 : i32
          %add3A_461 = arith.addi %mul3A_257, %mul3A_460 : i32
          %add3A_462 = arith.constant 6 : i32
          %add3A_463 = arith.addi %add3A_461, %add3A_462 : i32
          %get3A_464 = arith.index_cast %add3A_463 : i32 to index
          %get3A_465 = arith.constant 0 : index
          %get3A_466 = tpu.vector_load %arg16[%get3A_464, %get3A_465] {strides = array<i32>} : memref<512x32xf32, #tpu.memory_space<vmem>>, vector<1x16xf32>,
          %get3A_467 = vector.shape_cast %get3A_466 : vector<1x16xf32> to vector<16xf32>
          %mul3A_468 = arith.mulf %get3A_467, %gather3A_458 : vector<16xf32>
          %swap3A_469 = arith.index_cast %add3A_463 : i32 to index
          %swap3A_470 = arith.constant 0 : index
          %swap3A_471 = tpu.vector_load %arg16[%swap3A_469, %swap3A_470] {strides = array<i32>} : memref<512x32xf32, #tpu.memory_space<vmem>>, vector<1x16xf32>,
          %swap3A_472 = vector.shape_cast %swap3A_471 : vector<1x16xf32> to vector<16xf32>
          %swap3A_473 = vector.shape_cast %mul3A_468 : vector<16xf32> to vector<1x16xf32>
          tpu.vector_store %arg16[%swap3A_469, %swap3A_470], %swap3A_473 {strides = array<i32>} : memref<512x32xf32, #tpu.memory_space<vmem>>, vector<1x16xf32>,
          %get3A_474 = arith.index_cast %add3A_463 : i32 to index
          %get3A_475 = arith.constant 16 : index
          %get3A_476 = tpu.vector_load %arg16[%get3A_474, %get3A_475] {strides = array<i32>} : memref<512x32xf32, #tpu.memory_space<vmem>>, vector<1x16xf32>,
          %get3A_477 = vector.shape_cast %get3A_476 : vector<1x16xf32> to vector<16xf32>
          %mul3A_478 = arith.mulf %get3A_477, %gather3A_458 : vector<16xf32>
          %swap3A_479 = arith.index_cast %add3A_463 : i32 to index
          %swap3A_480 = arith.constant 16 : index
          %swap3A_481 = tpu.vector_load %arg16[%swap3A_479, %swap3A_480] {strides = array<i32>} : memref<512x32xf32, #tpu.memory_space<vmem>>, vector<1x16xf32>,
          %swap3A_482 = vector.shape_cast %swap3A_481 : vector<1x16xf32> to vector<16xf32>
          %swap3A_483 = vector.shape_cast %mul3A_478 : vector<16xf32> to vector<1x16xf32>
          tpu.vector_store %arg16[%swap3A_479, %swap3A_480], %swap3A_483 {strides = array<i32>} : memref<512x32xf32, #tpu.memory_space<vmem>>, vector<1x16xf32>,
          %broadcast_in_dim3A_484 = arith.constant 7 : i32
          %broadcast_in_dim3A_485 = vector.broadcast %broadcast_in_dim3A_484 : i32 to vector<16x1xi32>
          %gather3A_486 = vector.shape_cast %broadcast_in_dim3A_485 : vector<16x1xi32> to vector<16xi32>
          %gather3A_487 = tpu.dynamic_gather %get3A_281[%gather3A_486] in [0] : vector<16xf32>, vector<16xi32> -> vector<16xf32>
          %mul3A_488 = arith.constant 16 : i32
          %mul3A_489 = arith.muli %scan3A_274, %mul3A_488 : i32
          %add3A_490 = arith.addi %mul3A_257, %mul3A_489 : i32
          %add3A_491 = arith.constant 7 : i32
          %add3A_492 = arith.addi %add3A_490, %add3A_491 : i32
          %get3A_493 = arith.index_cast %add3A_492 : i32 to index
          %get3A_494 = arith.constant 0 : index
          %get3A_495 = tpu.vector_load %arg16[%get3A_493, %get3A_494] {strides = array<i32>} : memref<512x32xf32, #tpu.memory_space<vmem>>, vector<1x16xf32>,
          %get3A_496 = vector.shape_cast %get3A_495 : vector<1x16xf32> to vector<16xf32>
          %mul3A_497 = arith.mulf %get3A_496, %gather3A_487 : vector<16xf32>
          %swap3A_498 = arith.index_cast %add3A_492 : i32 to index
          %swap3A_499 = arith.constant 0 : index
          %swap3A_500 = tpu.vector_load %arg16[%swap3A_498, %swap3A_499] {strides = array<i32>} : memref<512x32xf32, #tpu.memory_space<vmem>>, vector<1x16xf32>,
          %swap3A_501 = vector.shape_cast %swap3A_500 : vector<1x16xf32> to vector<16xf32>
          %swap3A_502 = vector.shape_cast %mul3A_497 : vector<16xf32> to vector<1x16xf32>
          tpu.vector_store %arg16[%swap3A_498, %swap3A_499], %swap3A_502 {strides = array<i32>} : memref<512x32xf32, #tpu.memory_space<vmem>>, vector<1x16xf32>,
          %get3A_503 = arith.index_cast %add3A_492 : i32 to index
          %get3A_504 = arith.constant 16 : index
          %get3A_505 = tpu.vector_load %arg16[%get3A_503, %get3A_504] {strides = array<i32>} : memref<512x32xf32, #tpu.memory_space<vmem>>, vector<1x16xf32>,
          %get3A_506 = vector.shape_cast %get3A_505 : vector<1x16xf32> to vector<16xf32>
          %mul3A_507 = arith.mulf %get3A_506, %gather3A_487 : vector<16xf32>
          %swap3A_508 = arith.index_cast %add3A_492 : i32 to index
          %swap3A_509 = arith.constant 16 : index
          %swap3A_510 = tpu.vector_load %arg16[%swap3A_508, %swap3A_509] {strides = array<i32>} : memref<512x32xf32, #tpu.memory_space<vmem>>, vector<1x16xf32>,
          %swap3A_511 = vector.shape_cast %swap3A_510 : vector<1x16xf32> to vector<16xf32>
          %swap3A_512 = vector.shape_cast %mul3A_507 : vector<16xf32> to vector<1x16xf32>
          tpu.vector_store %arg16[%swap3A_508, %swap3A_509], %swap3A_512 {strides = array<i32>} : memref<512x32xf32, #tpu.memory_space<vmem>>, vector<1x16xf32>,
          %broadcast_in_dim3A_513 = arith.constant 8 : i32
          %broadcast_in_dim3A_514 = vector.broadcast %broadcast_in_dim3A_513 : i32 to vector<16x1xi32>
          %gather3A_515 = vector.shape_cast %broadcast_in_dim3A_514 : vector<16x1xi32> to vector<16xi32>
          %gather3A_516 = tpu.dynamic_gather %get3A_281[%gather3A_515] in [0] : vector<16xf32>, vector<16xi32> -> vector<16xf32>
          %mul3A_517 = arith.constant 16 : i32
          %mul3A_518 = arith.muli %scan3A_274, %mul3A_517 : i32
          %add3A_519 = arith.addi %mul3A_257, %mul3A_518 : i32
          %add3A_520 = arith.constant 8 : i32
          %add3A_521 = arith.addi %add3A_519, %add3A_520 : i32
          %get3A_522 = arith.index_cast %add3A_521 : i32 to index
          %get3A_523 = arith.constant 0 : index
          %get3A_524 = tpu.vector_load %arg16[%get3A_522, %get3A_523] {strides = array<i32>} : memref<512x32xf32, #tpu.memory_space<vmem>>, vector<1x16xf32>,
          %get3A_525 = vector.shape_cast %get3A_524 : vector<1x16xf32> to vector<16xf32>
          %mul3A_526 = arith.mulf %get3A_525, %gather3A_516 : vector<16xf32>
          %swap3A_527 = arith.index_cast %add3A_521 : i32 to index
          %swap3A_528 = arith.constant 0 : index
          %swap3A_529 = tpu.vector_load %arg16[%swap3A_527, %swap3A_528] {strides = array<i32>} : memref<512x32xf32, #tpu.memory_space<vmem>>, vector<1x16xf32>,
          %swap3A_530 = vector.shape_cast %swap3A_529 : vector<1x16xf32> to vector<16xf32>
          %swap3A_531 = vector.shape_cast %mul3A_526 : vector<16xf32> to vector<1x16xf32>
          tpu.vector_store %arg16[%swap3A_527, %swap3A_528], %swap3A_531 {strides = array<i32>} : memref<512x32xf32, #tpu.memory_space<vmem>>, vector<1x16xf32>,
          %get3A_532 = arith.index_cast %add3A_521 : i32 to index
          %get3A_533 = arith.constant 16 : index
          %get3A_534 = tpu.vector_load %arg16[%get3A_532, %get3A_533] {strides = array<i32>} : memref<512x32xf32, #tpu.memory_space<vmem>>, vector<1x16xf32>,
          %get3A_535 = vector.shape_cast %get3A_534 : vector<1x16xf32> to vector<16xf32>
          %mul3A_536 = arith.mulf %get3A_535, %gather3A_516 : vector<16xf32>
          %swap3A_537 = arith.index_cast %add3A_521 : i32 to index
          %swap3A_538 = arith.constant 16 : index
          %swap3A_539 = tpu.vector_load %arg16[%swap3A_537, %swap3A_538] {strides = array<i32>} : memref<512x32xf32, #tpu.memory_space<vmem>>, vector<1x16xf32>,
          %swap3A_540 = vector.shape_cast %swap3A_539 : vector<1x16xf32> to vector<16xf32>
          %swap3A_541 = vector.shape_cast %mul3A_536 : vector<16xf32> to vector<1x16xf32>
          tpu.vector_store %arg16[%swap3A_537, %swap3A_538], %swap3A_541 {strides = array<i32>} : memref<512x32xf32, #tpu.memory_space<vmem>>, vector<1x16xf32>,
          %broadcast_in_dim3A_542 = arith.constant 9 : i32
          %broadcast_in_dim3A_543 = vector.broadcast %broadcast_in_dim3A_542 : i32 to vector<16x1xi32>
          %gather3A_544 = vector.shape_cast %broadcast_in_dim3A_543 : vector<16x1xi32> to vector<16xi32>
          %gather3A_545 = tpu.dynamic_gather %get3A_281[%gather3A_544] in [0] : vector<16xf32>, vector<16xi32> -> vector<16xf32>
          %mul3A_546 = arith.constant 16 : i32
          %mul3A_547 = arith.muli %scan3A_274, %mul3A_546 : i32
          %add3A_548 = arith.addi %mul3A_257, %mul3A_547 : i32
          %add3A_549 = arith.constant 9 : i32
          %add3A_550 = arith.addi %add3A_548, %add3A_549 : i32
          %get3A_551 = arith.index_cast %add3A_550 : i32 to index
          %get3A_552 = arith.constant 0 : index
          %get3A_553 = tpu.vector_load %arg16[%get3A_551, %get3A_552] {strides = array<i32>} : memref<512x32xf32, #tpu.memory_space<vmem>>, vector<1x16xf32>,
          %get3A_554 = vector.shape_cast %get3A_553 : vector<1x16xf32> to vector<16xf32>
          %mul3A_555 = arith.mulf %get3A_554, %gather3A_545 : vector<16xf32>
          %swap3A_556 = arith.index_cast %add3A_550 : i32 to index
          %swap3A_557 = arith.constant 0 : index
          %swap3A_558 = tpu.vector_load %arg16[%swap3A_556, %swap3A_557] {strides = array<i32>} : memref<512x32xf32, #tpu.memory_space<vmem>>, vector<1x16xf32>,
          %swap3A_559 = vector.shape_cast %swap3A_558 : vector<1x16xf32> to vector<16xf32>
          %swap3A_560 = vector.shape_cast %mul3A_555 : vector<16xf32> to vector<1x16xf32>
          tpu.vector_store %arg16[%swap3A_556, %swap3A_557], %swap3A_560 {strides = array<i32>} : memref<512x32xf32, #tpu.memory_space<vmem>>, vector<1x16xf32>,
          %get3A_561 = arith.index_cast %add3A_550 : i32 to index
          %get3A_562 = arith.constant 16 : index
          %get3A_563 = tpu.vector_load %arg16[%get3A_561, %get3A_562] {strides = array<i32>} : memref<512x32xf32, #tpu.memory_space<vmem>>, vector<1x16xf32>,
          %get3A_564 = vector.shape_cast %get3A_563 : vector<1x16xf32> to vector<16xf32>
          %mul3A_565 = arith.mulf %get3A_564, %gather3A_545 : vector<16xf32>
          %swap3A_566 = arith.index_cast %add3A_550 : i32 to index
          %swap3A_567 = arith.constant 16 : index
          %swap3A_568 = tpu.vector_load %arg16[%swap3A_566, %swap3A_567] {strides = array<i32>} : memref<512x32xf32, #tpu.memory_space<vmem>>, vector<1x16xf32>,
          %swap3A_569 = vector.shape_cast %swap3A_568 : vector<1x16xf32> to vector<16xf32>
          %swap3A_570 = vector.shape_cast %mul3A_565 : vector<16xf32> to vector<1x16xf32>
          tpu.vector_store %arg16[%swap3A_566, %swap3A_567], %swap3A_570 {strides = array<i32>} : memref<512x32xf32, #tpu.memory_space<vmem>>, vector<1x16xf32>,
          %broadcast_in_dim3A_571 = arith.constant 10 : i32
          %broadcast_in_dim3A_572 = vector.broadcast %broadcast_in_dim3A_571 : i32 to vector<16x1xi32>
          %gather3A_573 = vector.shape_cast %broadcast_in_dim3A_572 : vector<16x1xi32> to vector<16xi32>
          %gather3A_574 = tpu.dynamic_gather %get3A_281[%gather3A_573] in [0] : vector<16xf32>, vector<16xi32> -> vector<16xf32>
          %mul3A_575 = arith.constant 16 : i32
          %mul3A_576 = arith.muli %scan3A_274, %mul3A_575 : i32
          %add3A_577 = arith.addi %mul3A_257, %mul3A_576 : i32
          %add3A_578 = arith.constant 10 : i32
          %add3A_579 = arith.addi %add3A_577, %add3A_578 : i32
          %get3A_580 = arith.index_cast %add3A_579 : i32 to index
          %get3A_581 = arith.constant 0 : index
          %get3A_582 = tpu.vector_load %arg16[%get3A_580, %get3A_581] {strides = array<i32>} : memref<512x32xf32, #tpu.memory_space<vmem>>, vector<1x16xf32>,
          %get3A_583 = vector.shape_cast %get3A_582 : vector<1x16xf32> to vector<16xf32>
          %mul3A_584 = arith.mulf %get3A_583, %gather3A_574 : vector<16xf32>
          %swap3A_585 = arith.index_cast %add3A_579 : i32 to index
          %swap3A_586 = arith.constant 0 : index
          %swap3A_587 = tpu.vector_load %arg16[%swap3A_585, %swap3A_586] {strides = array<i32>} : memref<512x32xf32, #tpu.memory_space<vmem>>, vector<1x16xf32>,
          %swap3A_588 = vector.shape_cast %swap3A_587 : vector<1x16xf32> to vector<16xf32>
          %swap3A_589 = vector.shape_cast %mul3A_584 : vector<16xf32> to vector<1x16xf32>
          tpu.vector_store %arg16[%swap3A_585, %swap3A_586], %swap3A_589 {strides = array<i32>} : memref<512x32xf32, #tpu.memory_space<vmem>>, vector<1x16xf32>,
          %get3A_590 = arith.index_cast %add3A_579 : i32 to index
          %get3A_591 = arith.constant 16 : index
          %get3A_592 = tpu.vector_load %arg16[%get3A_590, %get3A_591] {strides = array<i32>} : memref<512x32xf32, #tpu.memory_space<vmem>>, vector<1x16xf32>,
          %get3A_593 = vector.shape_cast %get3A_592 : vector<1x16xf32> to vector<16xf32>
          %mul3A_594 = arith.mulf %get3A_593, %gather3A_574 : vector<16xf32>
          %swap3A_595 = arith.index_cast %add3A_579 : i32 to index
          %swap3A_596 = arith.constant 16 : index
          %swap3A_597 = tpu.vector_load %arg16[%swap3A_595, %swap3A_596] {strides = array<i32>} : memref<512x32xf32, #tpu.memory_space<vmem>>, vector<1x16xf32>,
          %swap3A_598 = vector.shape_cast %swap3A_597 : vector<1x16xf32> to vector<16xf32>
          %swap3A_599 = vector.shape_cast %mul3A_594 : vector<16xf32> to vector<1x16xf32>
          tpu.vector_store %arg16[%swap3A_595, %swap3A_596], %swap3A_599 {strides = array<i32>} : memref<512x32xf32, #tpu.memory_space<vmem>>, vector<1x16xf32>,
          %broadcast_in_dim3A_600 = arith.constant 11 : i32
          %broadcast_in_dim3A_601 = vector.broadcast %broadcast_in_dim3A_600 : i32 to vector<16x1xi32>
          %gather3A_602 = vector.shape_cast %broadcast_in_dim3A_601 : vector<16x1xi32> to vector<16xi32>
          %gather3A_603 = tpu.dynamic_gather %get3A_281[%gather3A_602] in [0] : vector<16xf32>, vector<16xi32> -> vector<16xf32>
          %mul3A_604 = arith.constant 16 : i32
          %mul3A_605 = arith.muli %scan3A_274, %mul3A_604 : i32
          %add3A_606 = arith.addi %mul3A_257, %mul3A_605 : i32
          %add3A_607 = arith.constant 11 : i32
          %add3A_608 = arith.addi %add3A_606, %add3A_607 : i32
          %get3A_609 = arith.index_cast %add3A_608 : i32 to index
          %get3A_610 = arith.constant 0 : index
          %get3A_611 = tpu.vector_load %arg16[%get3A_609, %get3A_610] {strides = array<i32>} : memref<512x32xf32, #tpu.memory_space<vmem>>, vector<1x16xf32>,
          %get3A_612 = vector.shape_cast %get3A_611 : vector<1x16xf32> to vector<16xf32>
          %mul3A_613 = arith.mulf %get3A_612, %gather3A_603 : vector<16xf32>
          %swap3A_614 = arith.index_cast %add3A_608 : i32 to index
          %swap3A_615 = arith.constant 0 : index
          %swap3A_616 = tpu.vector_load %arg16[%swap3A_614, %swap3A_615] {strides = array<i32>} : memref<512x32xf32, #tpu.memory_space<vmem>>, vector<1x16xf32>,
          %swap3A_617 = vector.shape_cast %swap3A_616 : vector<1x16xf32> to vector<16xf32>
          %swap3A_618 = vector.shape_cast %mul3A_613 : vector<16xf32> to vector<1x16xf32>
          tpu.vector_store %arg16[%swap3A_614, %swap3A_615], %swap3A_618 {strides = array<i32>} : memref<512x32xf32, #tpu.memory_space<vmem>>, vector<1x16xf32>,
          %get3A_619 = arith.index_cast %add3A_608 : i32 to index
          %get3A_620 = arith.constant 16 : index
          %get3A_621 = tpu.vector_load %arg16[%get3A_619, %get3A_620] {strides = array<i32>} : memref<512x32xf32, #tpu.memory_space<vmem>>, vector<1x16xf32>,
          %get3A_622 = vector.shape_cast %get3A_621 : vector<1x16xf32> to vector<16xf32>
          %mul3A_623 = arith.mulf %get3A_622, %gather3A_603 : vector<16xf32>
          %swap3A_624 = arith.index_cast %add3A_608 : i32 to index
          %swap3A_625 = arith.constant 16 : index
          %swap3A_626 = tpu.vector_load %arg16[%swap3A_624, %swap3A_625] {strides = array<i32>} : memref<512x32xf32, #tpu.memory_space<vmem>>, vector<1x16xf32>,
          %swap3A_627 = vector.shape_cast %swap3A_626 : vector<1x16xf32> to vector<16xf32>
          %swap3A_628 = vector.shape_cast %mul3A_623 : vector<16xf32> to vector<1x16xf32>
          tpu.vector_store %arg16[%swap3A_624, %swap3A_625], %swap3A_628 {strides = array<i32>} : memref<512x32xf32, #tpu.memory_space<vmem>>, vector<1x16xf32>,
          %broadcast_in_dim3A_629 = arith.constant 12 : i32
          %broadcast_in_dim3A_630 = vector.broadcast %broadcast_in_dim3A_629 : i32 to vector<16x1xi32>
          %gather3A_631 = vector.shape_cast %broadcast_in_dim3A_630 : vector<16x1xi32> to vector<16xi32>
          %gather3A_632 = tpu.dynamic_gather %get3A_281[%gather3A_631] in [0] : vector<16xf32>, vector<16xi32> -> vector<16xf32>
          %mul3A_633 = arith.constant 16 : i32
          %mul3A_634 = arith.muli %scan3A_274, %mul3A_633 : i32
          %add3A_635 = arith.addi %mul3A_257, %mul3A_634 : i32
          %add3A_636 = arith.constant 12 : i32
          %add3A_637 = arith.addi %add3A_635, %add3A_636 : i32
          %get3A_638 = arith.index_cast %add3A_637 : i32 to index
          %get3A_639 = arith.constant 0 : index
          %get3A_640 = tpu.vector_load %arg16[%get3A_638, %get3A_639] {strides = array<i32>} : memref<512x32xf32, #tpu.memory_space<vmem>>, vector<1x16xf32>,
          %get3A_641 = vector.shape_cast %get3A_640 : vector<1x16xf32> to vector<16xf32>
          %mul3A_642 = arith.mulf %get3A_641, %gather3A_632 : vector<16xf32>
          %swap3A_643 = arith.index_cast %add3A_637 : i32 to index
          %swap3A_644 = arith.constant 0 : index
          %swap3A_645 = tpu.vector_load %arg16[%swap3A_643, %swap3A_644] {strides = array<i32>} : memref<512x32xf32, #tpu.memory_space<vmem>>, vector<1x16xf32>,
          %swap3A_646 = vector.shape_cast %swap3A_645 : vector<1x16xf32> to vector<16xf32>
          %swap3A_647 = vector.shape_cast %mul3A_642 : vector<16xf32> to vector<1x16xf32>
          tpu.vector_store %arg16[%swap3A_643, %swap3A_644], %swap3A_647 {strides = array<i32>} : memref<512x32xf32, #tpu.memory_space<vmem>>, vector<1x16xf32>,
          %get3A_648 = arith.index_cast %add3A_637 : i32 to index
          %get3A_649 = arith.constant 16 : index
          %get3A_650 = tpu.vector_load %arg16[%get3A_648, %get3A_649] {strides = array<i32>} : memref<512x32xf32, #tpu.memory_space<vmem>>, vector<1x16xf32>,
          %get3A_651 = vector.shape_cast %get3A_650 : vector<1x16xf32> to vector<16xf32>
          %mul3A_652 = arith.mulf %get3A_651, %gather3A_632 : vector<16xf32>
          %swap3A_653 = arith.index_cast %add3A_637 : i32 to index
          %swap3A_654 = arith.constant 16 : index
          %swap3A_655 = tpu.vector_load %arg16[%swap3A_653, %swap3A_654] {strides = array<i32>} : memref<512x32xf32, #tpu.memory_space<vmem>>, vector<1x16xf32>,
          %swap3A_656 = vector.shape_cast %swap3A_655 : vector<1x16xf32> to vector<16xf32>
          %swap3A_657 = vector.shape_cast %mul3A_652 : vector<16xf32> to vector<1x16xf32>
          tpu.vector_store %arg16[%swap3A_653, %swap3A_654], %swap3A_657 {strides = array<i32>} : memref<512x32xf32, #tpu.memory_space<vmem>>, vector<1x16xf32>,
          %broadcast_in_dim3A_658 = arith.constant 13 : i32
          %broadcast_in_dim3A_659 = vector.broadcast %broadcast_in_dim3A_658 : i32 to vector<16x1xi32>
          %gather3A_660 = vector.shape_cast %broadcast_in_dim3A_659 : vector<16x1xi32> to vector<16xi32>
          %gather3A_661 = tpu.dynamic_gather %get3A_281[%gather3A_660] in [0] : vector<16xf32>, vector<16xi32> -> vector<16xf32>
          %mul3A_662 = arith.constant 16 : i32
          %mul3A_663 = arith.muli %scan3A_274, %mul3A_662 : i32
          %add3A_664 = arith.addi %mul3A_257, %mul3A_663 : i32
          %add3A_665 = arith.constant 13 : i32
          %add3A_666 = arith.addi %add3A_664, %add3A_665 : i32
          %get3A_667 = arith.index_cast %add3A_666 : i32 to index
          %get3A_668 = arith.constant 0 : index
          %get3A_669 = tpu.vector_load %arg16[%get3A_667, %get3A_668] {strides = array<i32>} : memref<512x32xf32, #tpu.memory_space<vmem>>, vector<1x16xf32>,
          %get3A_670 = vector.shape_cast %get3A_669 : vector<1x16xf32> to vector<16xf32>
          %mul3A_671 = arith.mulf %get3A_670, %gather3A_661 : vector<16xf32>
          %swap3A_672 = arith.index_cast %add3A_666 : i32 to index
          %swap3A_673 = arith.constant 0 : index
          %swap3A_674 = tpu.vector_load %arg16[%swap3A_672, %swap3A_673] {strides = array<i32>} : memref<512x32xf32, #tpu.memory_space<vmem>>, vector<1x16xf32>,
          %swap3A_675 = vector.shape_cast %swap3A_674 : vector<1x16xf32> to vector<16xf32>
          %swap3A_676 = vector.shape_cast %mul3A_671 : vector<16xf32> to vector<1x16xf32>
          tpu.vector_store %arg16[%swap3A_672, %swap3A_673], %swap3A_676 {strides = array<i32>} : memref<512x32xf32, #tpu.memory_space<vmem>>, vector<1x16xf32>,
          %get3A_677 = arith.index_cast %add3A_666 : i32 to index
          %get3A_678 = arith.constant 16 : index
          %get3A_679 = tpu.vector_load %arg16[%get3A_677, %get3A_678] {strides = array<i32>} : memref<512x32xf32, #tpu.memory_space<vmem>>, vector<1x16xf32>,
          %get3A_680 = vector.shape_cast %get3A_679 : vector<1x16xf32> to vector<16xf32>
          %mul3A_681 = arith.mulf %get3A_680, %gather3A_661 : vector<16xf32>
          %swap3A_682 = arith.index_cast %add3A_666 : i32 to index
          %swap3A_683 = arith.constant 16 : index
          %swap3A_684 = tpu.vector_load %arg16[%swap3A_682, %swap3A_683] {strides = array<i32>} : memref<512x32xf32, #tpu.memory_space<vmem>>, vector<1x16xf32>,
          %swap3A_685 = vector.shape_cast %swap3A_684 : vector<1x16xf32> to vector<16xf32>
          %swap3A_686 = vector.shape_cast %mul3A_681 : vector<16xf32> to vector<1x16xf32>
          tpu.vector_store %arg16[%swap3A_682, %swap3A_683], %swap3A_686 {strides = array<i32>} : memref<512x32xf32, #tpu.memory_space<vmem>>, vector<1x16xf32>,
          %broadcast_in_dim3A_687 = arith.constant 14 : i32
          %broadcast_in_dim3A_688 = vector.broadcast %broadcast_in_dim3A_687 : i32 to vector<16x1xi32>
          %gather3A_689 = vector.shape_cast %broadcast_in_dim3A_688 : vector<16x1xi32> to vector<16xi32>
          %gather3A_690 = tpu.dynamic_gather %get3A_281[%gather3A_689] in [0] : vector<16xf32>, vector<16xi32> -> vector<16xf32>
          %mul3A_691 = arith.constant 16 : i32
          %mul3A_692 = arith.muli %scan3A_274, %mul3A_691 : i32
          %add3A_693 = arith.addi %mul3A_257, %mul3A_692 : i32
          %add3A_694 = arith.constant 14 : i32
          %add3A_695 = arith.addi %add3A_693, %add3A_694 : i32
          %get3A_696 = arith.index_cast %add3A_695 : i32 to index
          %get3A_697 = arith.constant 0 : index
          %get3A_698 = tpu.vector_load %arg16[%get3A_696, %get3A_697] {strides = array<i32>} : memref<512x32xf32, #tpu.memory_space<vmem>>, vector<1x16xf32>,
          %get3A_699 = vector.shape_cast %get3A_698 : vector<1x16xf32> to vector<16xf32>
          %mul3A_700 = arith.mulf %get3A_699, %gather3A_690 : vector<16xf32>
          %swap3A_701 = arith.index_cast %add3A_695 : i32 to index
          %swap3A_702 = arith.constant 0 : index
          %swap3A_703 = tpu.vector_load %arg16[%swap3A_701, %swap3A_702] {strides = array<i32>} : memref<512x32xf32, #tpu.memory_space<vmem>>, vector<1x16xf32>,
          %swap3A_704 = vector.shape_cast %swap3A_703 : vector<1x16xf32> to vector<16xf32>
          %swap3A_705 = vector.shape_cast %mul3A_700 : vector<16xf32> to vector<1x16xf32>
          tpu.vector_store %arg16[%swap3A_701, %swap3A_702], %swap3A_705 {strides = array<i32>} : memref<512x32xf32, #tpu.memory_space<vmem>>, vector<1x16xf32>,
          %get3A_706 = arith.index_cast %add3A_695 : i32 to index
          %get3A_707 = arith.constant 16 : index
          %get3A_708 = tpu.vector_load %arg16[%get3A_706, %get3A_707] {strides = array<i32>} : memref<512x32xf32, #tpu.memory_space<vmem>>, vector<1x16xf32>,
          %get3A_709 = vector.shape_cast %get3A_708 : vector<1x16xf32> to vector<16xf32>
          %mul3A_710 = arith.mulf %get3A_709, %gather3A_690 : vector<16xf32>
          %swap3A_711 = arith.index_cast %add3A_695 : i32 to index
          %swap3A_712 = arith.constant 16 : index
          %swap3A_713 = tpu.vector_load %arg16[%swap3A_711, %swap3A_712] {strides = array<i32>} : memref<512x32xf32, #tpu.memory_space<vmem>>, vector<1x16xf32>,
          %swap3A_714 = vector.shape_cast %swap3A_713 : vector<1x16xf32> to vector<16xf32>
          %swap3A_715 = vector.shape_cast %mul3A_710 : vector<16xf32> to vector<1x16xf32>
          tpu.vector_store %arg16[%swap3A_711, %swap3A_712], %swap3A_715 {strides = array<i32>} : memref<512x32xf32, #tpu.memory_space<vmem>>, vector<1x16xf32>,
          %broadcast_in_dim3A_716 = arith.constant 15 : i32
          %broadcast_in_dim3A_717 = vector.broadcast %broadcast_in_dim3A_716 : i32 to vector<16x1xi32>
          %gather3A_718 = vector.shape_cast %broadcast_in_dim3A_717 : vector<16x1xi32> to vector<16xi32>
          %gather3A_719 = tpu.dynamic_gather %get3A_281[%gather3A_718] in [0] : vector<16xf32>, vector<16xi32> -> vector<16xf32>
          %mul3A_720 = arith.constant 16 : i32
          %mul3A_721 = arith.muli %scan3A_274, %mul3A_720 : i32
          %add3A_722 = arith.addi %mul3A_257, %mul3A_721 : i32
          %add3A_723 = arith.constant 15 : i32
          %add3A_724 = arith.addi %add3A_722, %add3A_723 : i32
          %get3A_725 = arith.index_cast %add3A_724 : i32 to index
          %get3A_726 = arith.constant 0 : index
          %get3A_727 = tpu.vector_load %arg16[%get3A_725, %get3A_726] {strides = array<i32>} : memref<512x32xf32, #tpu.memory_space<vmem>>, vector<1x16xf32>,
          %get3A_728 = vector.shape_cast %get3A_727 : vector<1x16xf32> to vector<16xf32>
          %mul3A_729 = arith.mulf %get3A_728, %gather3A_719 : vector<16xf32>
          %swap3A_730 = arith.index_cast %add3A_724 : i32 to index
          %swap3A_731 = arith.constant 0 : index
          %swap3A_732 = tpu.vector_load %arg16[%swap3A_730, %swap3A_731] {strides = array<i32>} : memref<512x32xf32, #tpu.memory_space<vmem>>, vector<1x16xf32>,
          %swap3A_733 = vector.shape_cast %swap3A_732 : vector<1x16xf32> to vector<16xf32>
          %swap3A_734 = vector.shape_cast %mul3A_729 : vector<16xf32> to vector<1x16xf32>
          tpu.vector_store %arg16[%swap3A_730, %swap3A_731], %swap3A_734 {strides = array<i32>} : memref<512x32xf32, #tpu.memory_space<vmem>>, vector<1x16xf32>,
          %get3A_735 = arith.index_cast %add3A_724 : i32 to index
          %get3A_736 = arith.constant 16 : index
          %get3A_737 = tpu.vector_load %arg16[%get3A_735, %get3A_736] {strides = array<i32>} : memref<512x32xf32, #tpu.memory_space<vmem>>, vector<1x16xf32>,
          %get3A_738 = vector.shape_cast %get3A_737 : vector<1x16xf32> to vector<16xf32>
          %mul3A_739 = arith.mulf %get3A_738, %gather3A_719 : vector<16xf32>
          %swap3A_740 = arith.index_cast %add3A_724 : i32 to index
          %swap3A_741 = arith.constant 16 : index
          %swap3A_742 = tpu.vector_load %arg16[%swap3A_740, %swap3A_741] {strides = array<i32>} : memref<512x32xf32, #tpu.memory_space<vmem>>, vector<1x16xf32>,
          %swap3A_743 = vector.shape_cast %swap3A_742 : vector<1x16xf32> to vector<16xf32>
          %swap3A_744 = vector.shape_cast %mul3A_739 : vector<16xf32> to vector<1x16xf32>
          tpu.vector_store %arg16[%swap3A_740, %swap3A_741], %swap3A_744 {strides = array<i32>} : memref<512x32xf32, #tpu.memory_space<vmem>>, vector<1x16xf32>,
          %scan3A_745 = arith.constant 0 : i32
          scf.yield %scan3A_745 : i32
        }
        %scan3A_264 = arith.constant 8 : i32
        %dma_start3A_265 = arith.constant 0 : i32
        %dma_start3A_266 = tpu.memref_slice %arg16[%mul3A_257, %dma_start3A_265] : memref<512x32xf32, #tpu.memory_space<vmem>> -> memref<128x32xf32, #tpu.memory_space<vmem>>
        %dma_start3A_267 = arith.constant 0 : i32
        %dma_start3A_268 = tpu.memref_slice %arg13[%scan3A_233, %dma_start3A_267] : memref<26x128xi32, #tpu.memory_space<vmem>> -> memref<1x128xi32, #tpu.memory_space<vmem>>
        %dma_start3A_269 = tpu.memref_squeeze %dma_start3A_268 : memref<1x128xi32, #tpu.memory_space<vmem>> -> memref<128xi32, #tpu.memory_space<vmem>>
        %dma_start3A_270 = arith.constant 0 : i32
        %dma_start3A_271 = arith.constant 0 : i32
        %dma_start3A_272 = tpu.memref_slice %arg12[%dma_start3A_270, %dma_start3A_271] : memref<50048x32xf32, #tpu.memory_space<vmem_shared>> -> memref<50048x32xf32, #tpu.memory_space<vmem_shared>>
        tpu.enqueue_indirect_dma source(%dma_start3A_266 : memref<128x32xf32, #tpu.memory_space<vmem>>) target(%dma_start3A_272 : memref<50048x32xf32, #tpu.memory_space<vmem_shared>>) offsets(%dma_start3A_269 : memref<128xi32, #tpu.memory_space<vmem>>) semaphore(%arg21 : memref<!tpu.dma_semaphore, #tpu.memory_space<semaphore_mem>>) {add = true}
        %scan3A_273 = arith.constant 0 : i32
        scf.yield %scan3A_273 : i32
      }
      %scan3A_191 = arith.constant 26 : i32
      %dma_wait3A_192 = arith.constant 0 : i32
      %dma_wait3A_193 = arith.constant 0 : i32
      %dma_wait3A_194 = arith.constant 0 : i32
      %dma_wait3A_195 = tpu.memref_slice %arg16[%dma_wait3A_193, %dma_wait3A_194] : memref<512x32xf32, #tpu.memory_space<vmem>> -> memref<128x32xf32, #tpu.memory_space<vmem>>
      %dma_wait3A_196 = arith.constant 0 : i32
      %dma_wait3A_197 = tpu.memref_slice %arg13[%dma_wait3A_192, %dma_wait3A_196] : memref<26x128xi32, #tpu.memory_space<vmem>> -> memref<1x128xi32, #tpu.memory_space<vmem>>
      %dma_wait3A_198 = tpu.memref_squeeze %dma_wait3A_197 : memref<1x128xi32, #tpu.memory_space<vmem>> -> memref<128xi32, #tpu.memory_space<vmem>>
      %dma_wait3A_199 = arith.constant 0 : i32
      %dma_wait3A_200 = arith.constant 0 : i32
      %dma_wait3A_201 = tpu.memref_slice %arg12[%dma_wait3A_199, %dma_wait3A_200] : memref<50048x32xf32, #tpu.memory_space<vmem_shared>> -> memref<50048x32xf32, #tpu.memory_space<vmem_shared>>
      tpu.wait_indirect_dma semaphore(%arg21 : memref<!tpu.dma_semaphore, #tpu.memory_space<semaphore_mem>>) src(%dma_wait3A_195 : memref<128x32xf32, #tpu.memory_space<vmem>>) dst(%dma_wait3A_201 : memref<50048x32xf32, #tpu.memory_space<vmem_shared>>)
      %dma_wait3A_202 = arith.constant 0 : i32
      %dma_wait3A_203 = arith.constant 0 : i32
      %dma_wait3A_204 = arith.constant 0 : i32
      %dma_wait3A_205 = tpu.memref_slice %arg16[%dma_wait3A_203, %dma_wait3A_204] : memref<512x32xf32, #tpu.memory_space<vmem>> -> memref<128x32xf32, #tpu.memory_space<vmem>>
      %dma_wait3A_206 = arith.constant 0 : i32
      %dma_wait3A_207 = tpu.memref_slice %arg13[%dma_wait3A_202, %dma_wait3A_206] : memref<26x128xi32, #tpu.memory_space<vmem>> -> memref<1x128xi32, #tpu.memory_space<vmem>>
      %dma_wait3A_208 = tpu.memref_squeeze %dma_wait3A_207 : memref<1x128xi32, #tpu.memory_space<vmem>> -> memref<128xi32, #tpu.memory_space<vmem>>
      %dma_wait3A_209 = arith.constant 0 : i32
      %dma_wait3A_210 = arith.constant 0 : i32
      %dma_wait3A_211 = tpu.memref_slice %arg12[%dma_wait3A_209, %dma_wait3A_210] : memref<50048x32xf32, #tpu.memory_space<vmem_shared>> -> memref<50048x32xf32, #tpu.memory_space<vmem_shared>>
      tpu.wait_indirect_dma semaphore(%arg21 : memref<!tpu.dma_semaphore, #tpu.memory_space<semaphore_mem>>) src(%dma_wait3A_205 : memref<128x32xf32, #tpu.memory_space<vmem>>) dst(%dma_wait3A_211 : memref<50048x32xf32, #tpu.memory_space<vmem_shared>>)
      %dma_wait3A_212 = arith.constant 0 : i32
      %dma_wait3A_213 = arith.constant 0 : i32
      %dma_wait3A_214 = arith.constant 0 : i32
      %dma_wait3A_215 = tpu.memref_slice %arg16[%dma_wait3A_213, %dma_wait3A_214] : memref<512x32xf32, #tpu.memory_space<vmem>> -> memref<128x32xf32, #tpu.memory_space<vmem>>
      %dma_wait3A_216 = arith.constant 0 : i32
      %dma_wait3A_217 = tpu.memref_slice %arg13[%dma_wait3A_212, %dma_wait3A_216] : memref<26x128xi32, #tpu.memory_space<vmem>> -> memref<1x128xi32, #tpu.memory_space<vmem>>
      %dma_wait3A_218 = tpu.memref_squeeze %dma_wait3A_217 : memref<1x128xi32, #tpu.memory_space<vmem>> -> memref<128xi32, #tpu.memory_space<vmem>>
      %dma_wait3A_219 = arith.constant 0 : i32
      %dma_wait3A_220 = arith.constant 0 : i32
      %dma_wait3A_221 = tpu.memref_slice %arg12[%dma_wait3A_219, %dma_wait3A_220] : memref<50048x32xf32, #tpu.memory_space<vmem_shared>> -> memref<50048x32xf32, #tpu.memory_space<vmem_shared>>
      tpu.wait_indirect_dma semaphore(%arg21 : memref<!tpu.dma_semaphore, #tpu.memory_space<semaphore_mem>>) src(%dma_wait3A_215 : memref<128x32xf32, #tpu.memory_space<vmem>>) dst(%dma_wait3A_221 : memref<50048x32xf32, #tpu.memory_space<vmem_shared>>)
      %dma_wait3A_222 = arith.constant 0 : i32
      %dma_wait3A_223 = arith.constant 0 : i32
      %dma_wait3A_224 = arith.constant 0 : i32
      %dma_wait3A_225 = tpu.memref_slice %arg16[%dma_wait3A_223, %dma_wait3A_224] : memref<512x32xf32, #tpu.memory_space<vmem>> -> memref<128x32xf32, #tpu.memory_space<vmem>>
      %dma_wait3A_226 = arith.constant 0 : i32
      %dma_wait3A_227 = tpu.memref_slice %arg13[%dma_wait3A_222, %dma_wait3A_226] : memref<26x128xi32, #tpu.memory_space<vmem>> -> memref<1x128xi32, #tpu.memory_space<vmem>>
      %dma_wait3A_228 = tpu.memref_squeeze %dma_wait3A_227 : memref<1x128xi32, #tpu.memory_space<vmem>> -> memref<128xi32, #tpu.memory_space<vmem>>
      %dma_wait3A_229 = arith.constant 0 : i32
      %dma_wait3A_230 = arith.constant 0 : i32
      %dma_wait3A_231 = tpu.memref_slice %arg12[%dma_wait3A_229, %dma_wait3A_230] : memref<50048x32xf32, #tpu.memory_space<vmem_shared>> -> memref<50048x32xf32, #tpu.memory_space<vmem_shared>>
      tpu.wait_indirect_dma semaphore(%arg21 : memref<!tpu.dma_semaphore, #tpu.memory_space<semaphore_mem>>) src(%dma_wait3A_225 : memref<128x32xf32, #tpu.memory_space<vmem>>) dst(%dma_wait3A_231 : memref<50048x32xf32, #tpu.memory_space<vmem_shared>>)
      %scan3A_232 = arith.constant 0 : i32
      scf.yield %scan3A_232 : i32
    }
    %scan3A_30 = arith.constant 15 : i32
    %lt3A = arith.constant 10 : i32
    %lt3A_31 = arith.cmpi slt, %arg1, %lt3A : i32
    %convert_element_type3A = arith.extui %lt3A_31 : i1 to i32
    %cond3A = arith.constant 0 : i32
    %cond3A_32 = arith.cmpi ne, %convert_element_type3A, %cond3A : i32
    scf.if %cond3A_32 {
      %add3A = arith.constant 6240 : i32
      %add3A_74 = arith.addi %add3A, %arg1 : i32
      %run_scoped3A = arith.constant 0 : i32
      "tpu.region"() ({
        %run_scoped3A_107 = tpu.sem_alloc : memref<!tpu.dma_semaphore, #tpu.memory_space<semaphore_mem>>
        %dma_start3A_108 = arith.constant 0 : i32
        %dma_start3A_109 = arith.constant 0 : i32
        %dma_start3A_110 = tpu.memref_slice %arg13[%dma_start3A_108, %dma_start3A_109] : memref<26x128xi32, #tpu.memory_space<vmem>> -> memref<1x128xi32, #tpu.memory_space<vmem>>
        %dma_start3A_111 = arith.constant 0 : i32
        %dma_start3A_112 = arith.constant 0 : i32
        %dma_start3A_113 = tpu.memref_slice %arg3[%run_scoped3A, %dma_start3A_111, %dma_start3A_112] : memref<2x6250x128xi32, #tpu.memory_space<hbm>> -> memref<1x6250x128xi32, #tpu.memory_space<hbm>>
        %dma_start3A_114 = tpu.memref_squeeze %dma_start3A_113 : memref<1x6250x128xi32, #tpu.memory_space<hbm>> -> memref<6250x128xi32, #tpu.memory_space<hbm>>
        %dma_start3A_115 = arith.constant 0 : i32
        %dma_start3A_116 = tpu.memref_slice %dma_start3A_114[%add3A_74, %dma_start3A_115] : memref<6250x128xi32, #tpu.memory_space<hbm>> -> memref<1x128xi32, #tpu.memory_space<hbm>>
        %dma_start3A_117 = arith.constant 0 : i32
        %dma_start3A_118 = arith.constant 0 : i32
        %dma_start3A_119 = tpu.memref_slice %arg13[%dma_start3A_117, %dma_start3A_118] : memref<26x128xi32, #tpu.memory_space<vmem>> -> memref<1x128xi32, #tpu.memory_space<vmem>>
        %dma_start3A_120 = arith.constant 0 : i32
        %dma_start3A_121 = arith.constant 0 : i32
        %dma_start3A_122 = tpu.memref_slice %arg3[%run_scoped3A, %dma_start3A_120, %dma_start3A_121] : memref<2x6250x128xi32, #tpu.memory_space<hbm>> -> memref<1x6250x128xi32, #tpu.memory_space<hbm>>
        %dma_start3A_123 = tpu.memref_squeeze %dma_start3A_122 : memref<1x6250x128xi32, #tpu.memory_space<hbm>> -> memref<6250x128xi32, #tpu.memory_space<hbm>>
        %dma_start3A_124 = arith.constant 0 : i32
        %dma_start3A_125 = tpu.memref_slice %dma_start3A_123[%add3A_74, %dma_start3A_124] : memref<6250x128xi32, #tpu.memory_space<hbm>> -> memref<1x128xi32, #tpu.memory_space<hbm>>
        tpu.enqueue_dma source(%dma_start3A_125 : memref<1x128xi32, #tpu.memory_space<hbm>>) target(%dma_start3A_119 : memref<1x128xi32, #tpu.memory_space<vmem>>) target_semaphore(%run_scoped3A_107 : memref<!tpu.dma_semaphore, #tpu.memory_space<semaphore_mem>>)
        %dma_wait3A_126 = arith.constant 0 : i32
        %dma_wait3A_127 = arith.constant 0 : i32
        %dma_wait3A_128 = tpu.memref_slice %arg13[%dma_wait3A_126, %dma_wait3A_127] : memref<26x128xi32, #tpu.memory_space<vmem>> -> memref<1x128xi32, #tpu.memory_space<vmem>>
        %dma_wait3A_129 = arith.constant 0 : i32
        %dma_wait3A_130 = arith.constant 0 : i32
        %dma_wait3A_131 = tpu.memref_slice %arg3[%run_scoped3A, %dma_wait3A_129, %dma_wait3A_130] : memref<2x6250x128xi32, #tpu.memory_space<hbm>> -> memref<1x6250x128xi32, #tpu.memory_space<hbm>>
        %dma_wait3A_132 = tpu.memref_squeeze %dma_wait3A_131 : memref<1x6250x128xi32, #tpu.memory_space<hbm>> -> memref<6250x128xi32, #tpu.memory_space<hbm>>
        %dma_wait3A_133 = arith.constant 0 : i32
        %dma_wait3A_134 = tpu.memref_slice %dma_wait3A_132[%add3A_74, %dma_wait3A_133] : memref<6250x128xi32, #tpu.memory_space<hbm>> -> memref<1x128xi32, #tpu.memory_space<hbm>>
        %dma_wait3A_135 = arith.constant 0 : i32
        %dma_wait3A_136 = arith.constant 0 : i32
        %dma_wait3A_137 = tpu.memref_slice %arg13[%dma_wait3A_135, %dma_wait3A_136] : memref<26x128xi32, #tpu.memory_space<vmem>> -> memref<1x128xi32, #tpu.memory_space<vmem>>
        %dma_wait3A_138 = arith.constant 0 : i32
        %dma_wait3A_139 = arith.constant 0 : i32
        %dma_wait3A_140 = tpu.memref_slice %arg3[%run_scoped3A, %dma_wait3A_138, %dma_wait3A_139] : memref<2x6250x128xi32, #tpu.memory_space<hbm>> -> memref<1x6250x128xi32, #tpu.memory_space<hbm>>
        %dma_wait3A_141 = tpu.memref_squeeze %dma_wait3A_140 : memref<1x6250x128xi32, #tpu.memory_space<hbm>> -> memref<6250x128xi32, #tpu.memory_space<hbm>>
        %dma_wait3A_142 = arith.constant 0 : i32
        %dma_wait3A_143 = tpu.memref_slice %dma_wait3A_141[%add3A_74, %dma_wait3A_142] : memref<6250x128xi32, #tpu.memory_space<hbm>> -> memref<1x128xi32, #tpu.memory_space<hbm>>
        tpu.wait_dma2 semaphore(%run_scoped3A_107 : memref<!tpu.dma_semaphore, #tpu.memory_space<semaphore_mem>>) src(%dma_wait3A_143 : memref<1x128xi32, #tpu.memory_space<hbm>>) dst(%dma_wait3A_137 : memref<1x128xi32, #tpu.memory_space<vmem>>)
        tpu.yield
      }) : () -> ()
      %run_scoped3A_75 = arith.constant 1 : i32
      "tpu.region"() ({
        %run_scoped3A_107 = tpu.sem_alloc : memref<!tpu.dma_semaphore, #tpu.memory_space<semaphore_mem>>
        %dma_start3A_108 = arith.constant 0 : i32
        %dma_start3A_109 = arith.constant 0 : i32
        %dma_start3A_110 = tpu.memref_slice %arg14[%dma_start3A_108, %dma_start3A_109] : memref<26x128xi32, #tpu.memory_space<vmem>> -> memref<1x128xi32, #tpu.memory_space<vmem>>
        %dma_start3A_111 = arith.constant 0 : i32
        %dma_start3A_112 = arith.constant 0 : i32
        %dma_start3A_113 = tpu.memref_slice %arg3[%run_scoped3A_75, %dma_start3A_111, %dma_start3A_112] : memref<2x6250x128xi32, #tpu.memory_space<hbm>> -> memref<1x6250x128xi32, #tpu.memory_space<hbm>>
        %dma_start3A_114 = tpu.memref_squeeze %dma_start3A_113 : memref<1x6250x128xi32, #tpu.memory_space<hbm>> -> memref<6250x128xi32, #tpu.memory_space<hbm>>
        %dma_start3A_115 = arith.constant 0 : i32
        %dma_start3A_116 = tpu.memref_slice %dma_start3A_114[%add3A_74, %dma_start3A_115] : memref<6250x128xi32, #tpu.memory_space<hbm>> -> memref<1x128xi32, #tpu.memory_space<hbm>>
        %dma_start3A_117 = arith.constant 0 : i32
        %dma_start3A_118 = arith.constant 0 : i32
        %dma_start3A_119 = tpu.memref_slice %arg14[%dma_start3A_117, %dma_start3A_118] : memref<26x128xi32, #tpu.memory_space<vmem>> -> memref<1x128xi32, #tpu.memory_space<vmem>>
        %dma_start3A_120 = arith.constant 0 : i32
        %dma_start3A_121 = arith.constant 0 : i32
        %dma_start3A_122 = tpu.memref_slice %arg3[%run_scoped3A_75, %dma_start3A_120, %dma_start3A_121] : memref<2x6250x128xi32, #tpu.memory_space<hbm>> -> memref<1x6250x128xi32, #tpu.memory_space<hbm>>
        %dma_start3A_123 = tpu.memref_squeeze %dma_start3A_122 : memref<1x6250x128xi32, #tpu.memory_space<hbm>> -> memref<6250x128xi32, #tpu.memory_space<hbm>>
        %dma_start3A_124 = arith.constant 0 : i32
        %dma_start3A_125 = tpu.memref_slice %dma_start3A_123[%add3A_74, %dma_start3A_124] : memref<6250x128xi32, #tpu.memory_space<hbm>> -> memref<1x128xi32, #tpu.memory_space<hbm>>
        tpu.enqueue_dma source(%dma_start3A_125 : memref<1x128xi32, #tpu.memory_space<hbm>>) target(%dma_start3A_119 : memref<1x128xi32, #tpu.memory_space<vmem>>) target_semaphore(%run_scoped3A_107 : memref<!tpu.dma_semaphore, #tpu.memory_space<semaphore_mem>>)
        %dma_wait3A_126 = arith.constant 0 : i32
        %dma_wait3A_127 = arith.constant 0 : i32
        %dma_wait3A_128 = tpu.memref_slice %arg14[%dma_wait3A_126, %dma_wait3A_127] : memref<26x128xi32, #tpu.memory_space<vmem>> -> memref<1x128xi32, #tpu.memory_space<vmem>>
        %dma_wait3A_129 = arith.constant 0 : i32
        %dma_wait3A_130 = arith.constant 0 : i32
        %dma_wait3A_131 = tpu.memref_slice %arg3[%run_scoped3A_75, %dma_wait3A_129, %dma_wait3A_130] : memref<2x6250x128xi32, #tpu.memory_space<hbm>> -> memref<1x6250x128xi32, #tpu.memory_space<hbm>>
        %dma_wait3A_132 = tpu.memref_squeeze %dma_wait3A_131 : memref<1x6250x128xi32, #tpu.memory_space<hbm>> -> memref<6250x128xi32, #tpu.memory_space<hbm>>
        %dma_wait3A_133 = arith.constant 0 : i32
        %dma_wait3A_134 = tpu.memref_slice %dma_wait3A_132[%add3A_74, %dma_wait3A_133] : memref<6250x128xi32, #tpu.memory_space<hbm>> -> memref<1x128xi32, #tpu.memory_space<hbm>>
        %dma_wait3A_135 = arith.constant 0 : i32
        %dma_wait3A_136 = arith.constant 0 : i32
        %dma_wait3A_137 = tpu.memref_slice %arg14[%dma_wait3A_135, %dma_wait3A_136] : memref<26x128xi32, #tpu.memory_space<vmem>> -> memref<1x128xi32, #tpu.memory_space<vmem>>
        %dma_wait3A_138 = arith.constant 0 : i32
        %dma_wait3A_139 = arith.constant 0 : i32
        %dma_wait3A_140 = tpu.memref_slice %arg3[%run_scoped3A_75, %dma_wait3A_138, %dma_wait3A_139] : memref<2x6250x128xi32, #tpu.memory_space<hbm>> -> memref<1x6250x128xi32, #tpu.memory_space<hbm>>
        %dma_wait3A_141 = tpu.memref_squeeze %dma_wait3A_140 : memref<1x6250x128xi32, #tpu.memory_space<hbm>> -> memref<6250x128xi32, #tpu.memory_space<hbm>>
        %dma_wait3A_142 = arith.constant 0 : i32
        %dma_wait3A_143 = tpu.memref_slice %dma_wait3A_141[%add3A_74, %dma_wait3A_142] : memref<6250x128xi32, #tpu.memory_space<hbm>> -> memref<1x128xi32, #tpu.memory_space<hbm>>
        tpu.wait_dma2 semaphore(%run_scoped3A_107 : memref<!tpu.dma_semaphore, #tpu.memory_space<semaphore_mem>>) src(%dma_wait3A_143 : memref<1x128xi32, #tpu.memory_space<hbm>>) dst(%dma_wait3A_137 : memref<1x128xi32, #tpu.memory_space<vmem>>)
        tpu.yield
      }) : () -> ()
      "tpu.region"() ({
        %run_scoped3A_107 = tpu.sem_alloc : memref<!tpu.dma_semaphore, #tpu.memory_space<semaphore_mem>>
        %dma_start3A_108 = arith.constant 0 : i32
        %dma_start3A_109 = arith.constant 0 : i32
        %dma_start3A_110 = tpu.memref_slice %arg15[%dma_start3A_108, %dma_start3A_109] : memref<26x128xf32, #tpu.memory_space<vmem>> -> memref<1x128xf32, #tpu.memory_space<vmem>>
        %dma_start3A_111 = arith.constant 0 : i32
        %dma_start3A_112 = tpu.memref_slice %arg4[%add3A_74, %dma_start3A_111] : memref<6250x128xf32, #tpu.memory_space<hbm>> -> memref<1x128xf32, #tpu.memory_space<hbm>>
        %dma_start3A_113 = arith.constant 0 : i32
        %dma_start3A_114 = arith.constant 0 : i32
        %dma_start3A_115 = tpu.memref_slice %arg15[%dma_start3A_113, %dma_start3A_114] : memref<26x128xf32, #tpu.memory_space<vmem>> -> memref<1x128xf32, #tpu.memory_space<vmem>>
        %dma_start3A_116 = arith.constant 0 : i32
        %dma_start3A_117 = tpu.memref_slice %arg4[%add3A_74, %dma_start3A_116] : memref<6250x128xf32, #tpu.memory_space<hbm>> -> memref<1x128xf32, #tpu.memory_space<hbm>>
        tpu.enqueue_dma source(%dma_start3A_117 : memref<1x128xf32, #tpu.memory_space<hbm>>) target(%dma_start3A_115 : memref<1x128xf32, #tpu.memory_space<vmem>>) target_semaphore(%run_scoped3A_107 : memref<!tpu.dma_semaphore, #tpu.memory_space<semaphore_mem>>)
        %dma_wait3A_118 = arith.constant 0 : i32
        %dma_wait3A_119 = arith.constant 0 : i32
        %dma_wait3A_120 = tpu.memref_slice %arg15[%dma_wait3A_118, %dma_wait3A_119] : memref<26x128xf32, #tpu.memory_space<vmem>> -> memref<1x128xf32, #tpu.memory_space<vmem>>
        %dma_wait3A_121 = arith.constant 0 : i32
        %dma_wait3A_122 = tpu.memref_slice %arg4[%add3A_74, %dma_wait3A_121] : memref<6250x128xf32, #tpu.memory_space<hbm>> -> memref<1x128xf32, #tpu.memory_space<hbm>>
        %dma_wait3A_123 = arith.constant 0 : i32
        %dma_wait3A_124 = arith.constant 0 : i32
        %dma_wait3A_125 = tpu.memref_slice %arg15[%dma_wait3A_123, %dma_wait3A_124] : memref<26x128xf32, #tpu.memory_space<vmem>> -> memref<1x128xf32, #tpu.memory_space<vmem>>
        %dma_wait3A_126 = arith.constant 0 : i32
        %dma_wait3A_127 = tpu.memref_slice %arg4[%add3A_74, %dma_wait3A_126] : memref<6250x128xf32, #tpu.memory_space<hbm>> -> memref<1x128xf32, #tpu.memory_space<hbm>>
        tpu.wait_dma2 semaphore(%run_scoped3A_107 : memref<!tpu.dma_semaphore, #tpu.memory_space<semaphore_mem>>) src(%dma_wait3A_127 : memref<1x128xf32, #tpu.memory_space<hbm>>) dst(%dma_wait3A_125 : memref<1x128xf32, #tpu.memory_space<vmem>>)
        tpu.yield
      }) : () -> ()
      %dma_start3A = arith.constant 0 : i32
      %dma_start3A_76 = arith.constant 0 : i32
      %dma_start3A_77 = arith.constant 0 : i32
      %dma_start3A_78 = tpu.memref_slice %arg16[%dma_start3A_76, %dma_start3A_77] : memref<512x32xf32, #tpu.memory_space<vmem>> -> memref<128x32xf32, #tpu.memory_space<vmem>>
      %dma_start3A_79 = arith.constant 0 : i32
      %dma_start3A_80 = tpu.memref_slice %arg14[%dma_start3A, %dma_start3A_79] : memref<26x128xi32, #tpu.memory_space<vmem>> -> memref<1x128xi32, #tpu.memory_space<vmem>>
      %dma_start3A_81 = tpu.memref_squeeze %dma_start3A_80 : memref<1x128xi32, #tpu.memory_space<vmem>> -> memref<128xi32, #tpu.memory_space<vmem>>
      %dma_start3A_82 = arith.constant 0 : i32
      %dma_start3A_83 = tpu.memref_slice %arg2[%mul3A_0, %dma_start3A_82] : memref<100096x32xf32, #tpu.memory_space<hbm>> -> memref<50048x32xf32, #tpu.memory_space<hbm>>
      %dma_start3A_84 = arith.constant 0 : i32
      %dma_start3A_85 = arith.constant 0 : i32
      %dma_start3A_86 = tpu.memref_slice %dma_start3A_83[%dma_start3A_84, %dma_start3A_85] : memref<50048x32xf32, #tpu.memory_space<hbm>> -> memref<50048x32xf32, #tpu.memory_space<hbm>>
      tpu.enqueue_indirect_dma source(%dma_start3A_86 : memref<50048x32xf32, #tpu.memory_space<hbm>>) target(%dma_start3A_78 : memref<128x32xf32, #tpu.memory_space<vmem>>) offsets(%dma_start3A_81 : memref<128xi32, #tpu.memory_space<vmem>>) semaphore(%arg20 : memref<!tpu.dma_semaphore, #tpu.memory_space<semaphore_mem>>)
      %dma_wait3A = arith.constant 0 : i32
      %dma_wait3A_87 = arith.constant 0 : i32
      %dma_wait3A_88 = arith.constant 0 : i32
      %dma_wait3A_89 = tpu.memref_slice %arg16[%dma_wait3A_87, %dma_wait3A_88] : memref<512x32xf32, #tpu.memory_space<vmem>> -> memref<128x32xf32, #tpu.memory_space<vmem>>
      %dma_wait3A_90 = arith.constant 0 : i32
      %dma_wait3A_91 = tpu.memref_slice %arg14[%dma_wait3A, %dma_wait3A_90] : memref<26x128xi32, #tpu.memory_space<vmem>> -> memref<1x128xi32, #tpu.memory_space<vmem>>
      %dma_wait3A_92 = tpu.memref_squeeze %dma_wait3A_91 : memref<1x128xi32, #tpu.memory_space<vmem>> -> memref<128xi32, #tpu.memory_space<vmem>>
      %dma_wait3A_93 = arith.constant 0 : i32
      %dma_wait3A_94 = tpu.memref_slice %arg2[%mul3A_0, %dma_wait3A_93] : memref<100096x32xf32, #tpu.memory_space<hbm>> -> memref<50048x32xf32, #tpu.memory_space<hbm>>
      %dma_wait3A_95 = arith.constant 0 : i32
      %dma_wait3A_96 = arith.constant 0 : i32
      %dma_wait3A_97 = tpu.memref_slice %dma_wait3A_94[%dma_wait3A_95, %dma_wait3A_96] : memref<50048x32xf32, #tpu.memory_space<hbm>> -> memref<50048x32xf32, #tpu.memory_space<hbm>>
      tpu.wait_indirect_dma semaphore(%arg20 : memref<!tpu.dma_semaphore, #tpu.memory_space<semaphore_mem>>) src(%dma_wait3A_97 : memref<50048x32xf32, #tpu.memory_space<hbm>>) dst(%dma_wait3A_89 : memref<128x32xf32, #tpu.memory_space<vmem>>)
      %scan3A_98 = arith.constant 0 : i32
      %scan3A_99 = arith.constant 0 : i32
      %scan3A_100 = arith.constant 0 : i32
      %scan3A_101 = arith.constant 8 : i32
      %scan3A_102 = arith.addi %scan3A_100, %scan3A_101 : i32
      %scan3A_103 = arith.constant 1 : i32
      %scan3A_104 = scf.for %scan3A_107 = %scan3A_100 to %scan3A_102 step %scan3A_103 iter_args(%scan3A_108 = %scan3A_99) -> (i32)  : i32 {
        %mul3A_109 = arith.constant 16 : i32
        %mul3A_110 = arith.muli %scan3A_107, %mul3A_109 : i32
        %get3A_111 = arith.index_cast %scan3A_98 : i32 to index
        %get3A_112 = arith.index_cast %mul3A_110 : i32 to index
        %get3A_113 = tpu.vector_load %arg15[%get3A_111, %get3A_112] {strides = array<i32>} : memref<26x128xf32, #tpu.memory_space<vmem>>, vector<1x16xf32>,
        %get3A_114 = vector.shape_cast %get3A_113 : vector<1x16xf32> to vector<16xf32>
        %broadcast_in_dim3A_115 = arith.constant 0 : i32
        %broadcast_in_dim3A_116 = vector.broadcast %broadcast_in_dim3A_115 : i32 to vector<16x1xi32>
        %gather3A_117 = vector.shape_cast %broadcast_in_dim3A_116 : vector<16x1xi32> to vector<16xi32>
        %gather3A_118 = tpu.dynamic_gather %get3A_114[%gather3A_117] in [0] : vector<16xf32>, vector<16xi32> -> vector<16xf32>
        %mul3A_119 = arith.constant 16 : i32
        %mul3A_120 = arith.muli %scan3A_107, %mul3A_119 : i32
        %add3A_121 = arith.constant 0 : i32
        %add3A_122 = arith.addi %add3A_121, %mul3A_120 : i32
        %add3A_123 = arith.constant 0 : i32
        %add3A_124 = arith.addi %add3A_122, %add3A_123 : i32
        %get3A_125 = arith.index_cast %add3A_124 : i32 to index
        %get3A_126 = arith.constant 0 : index
        %get3A_127 = tpu.vector_load %arg16[%get3A_125, %get3A_126] {strides = array<i32>} : memref<512x32xf32, #tpu.memory_space<vmem>>, vector<1x16xf32>,
        %get3A_128 = vector.shape_cast %get3A_127 : vector<1x16xf32> to vector<16xf32>
        %mul3A_129 = arith.mulf %get3A_128, %gather3A_118 : vector<16xf32>
        %swap3A = arith.index_cast %add3A_124 : i32 to index
        %swap3A_130 = arith.constant 0 : index
        %swap3A_131 = tpu.vector_load %arg16[%swap3A, %swap3A_130] {strides = array<i32>} : memref<512x32xf32, #tpu.memory_space<vmem>>, vector<1x16xf32>,
        %swap3A_132 = vector.shape_cast %swap3A_131 : vector<1x16xf32> to vector<16xf32>
        %swap3A_133 = vector.shape_cast %mul3A_129 : vector<16xf32> to vector<1x16xf32>
        tpu.vector_store %arg16[%swap3A, %swap3A_130], %swap3A_133 {strides = array<i32>} : memref<512x32xf32, #tpu.memory_space<vmem>>, vector<1x16xf32>,
        %get3A_134 = arith.index_cast %add3A_124 : i32 to index
        %get3A_135 = arith.constant 16 : index
        %get3A_136 = tpu.vector_load %arg16[%get3A_134, %get3A_135] {strides = array<i32>} : memref<512x32xf32, #tpu.memory_space<vmem>>, vector<1x16xf32>,
        %get3A_137 = vector.shape_cast %get3A_136 : vector<1x16xf32> to vector<16xf32>
        %mul3A_138 = arith.mulf %get3A_137, %gather3A_118 : vector<16xf32>
        %swap3A_139 = arith.index_cast %add3A_124 : i32 to index
        %swap3A_140 = arith.constant 16 : index
        %swap3A_141 = tpu.vector_load %arg16[%swap3A_139, %swap3A_140] {strides = array<i32>} : memref<512x32xf32, #tpu.memory_space<vmem>>, vector<1x16xf32>,
        %swap3A_142 = vector.shape_cast %swap3A_141 : vector<1x16xf32> to vector<16xf32>
        %swap3A_143 = vector.shape_cast %mul3A_138 : vector<16xf32> to vector<1x16xf32>
        tpu.vector_store %arg16[%swap3A_139, %swap3A_140], %swap3A_143 {strides = array<i32>} : memref<512x32xf32, #tpu.memory_space<vmem>>, vector<1x16xf32>,
        %broadcast_in_dim3A_144 = arith.constant 1 : i32
        %broadcast_in_dim3A_145 = vector.broadcast %broadcast_in_dim3A_144 : i32 to vector<16x1xi32>
        %gather3A_146 = vector.shape_cast %broadcast_in_dim3A_145 : vector<16x1xi32> to vector<16xi32>
        %gather3A_147 = tpu.dynamic_gather %get3A_114[%gather3A_146] in [0] : vector<16xf32>, vector<16xi32> -> vector<16xf32>
        %mul3A_148 = arith.constant 16 : i32
        %mul3A_149 = arith.muli %scan3A_107, %mul3A_148 : i32
        %add3A_150 = arith.constant 0 : i32
        %add3A_151 = arith.addi %add3A_150, %mul3A_149 : i32
        %add3A_152 = arith.constant 1 : i32
        %add3A_153 = arith.addi %add3A_151, %add3A_152 : i32
        %get3A_154 = arith.index_cast %add3A_153 : i32 to index
        %get3A_155 = arith.constant 0 : index
        %get3A_156 = tpu.vector_load %arg16[%get3A_154, %get3A_155] {strides = array<i32>} : memref<512x32xf32, #tpu.memory_space<vmem>>, vector<1x16xf32>,
        %get3A_157 = vector.shape_cast %get3A_156 : vector<1x16xf32> to vector<16xf32>
        %mul3A_158 = arith.mulf %get3A_157, %gather3A_147 : vector<16xf32>
        %swap3A_159 = arith.index_cast %add3A_153 : i32 to index
        %swap3A_160 = arith.constant 0 : index
        %swap3A_161 = tpu.vector_load %arg16[%swap3A_159, %swap3A_160] {strides = array<i32>} : memref<512x32xf32, #tpu.memory_space<vmem>>, vector<1x16xf32>,
        %swap3A_162 = vector.shape_cast %swap3A_161 : vector<1x16xf32> to vector<16xf32>
        %swap3A_163 = vector.shape_cast %mul3A_158 : vector<16xf32> to vector<1x16xf32>
        tpu.vector_store %arg16[%swap3A_159, %swap3A_160], %swap3A_163 {strides = array<i32>} : memref<512x32xf32, #tpu.memory_space<vmem>>, vector<1x16xf32>,
        %get3A_164 = arith.index_cast %add3A_153 : i32 to index
        %get3A_165 = arith.constant 16 : index
        %get3A_166 = tpu.vector_load %arg16[%get3A_164, %get3A_165] {strides = array<i32>} : memref<512x32xf32, #tpu.memory_space<vmem>>, vector<1x16xf32>,
        %get3A_167 = vector.shape_cast %get3A_166 : vector<1x16xf32> to vector<16xf32>
        %mul3A_168 = arith.mulf %get3A_167, %gather3A_147 : vector<16xf32>
        %swap3A_169 = arith.index_cast %add3A_153 : i32 to index
        %swap3A_170 = arith.constant 16 : index
        %swap3A_171 = tpu.vector_load %arg16[%swap3A_169, %swap3A_170] {strides = array<i32>} : memref<512x32xf32, #tpu.memory_space<vmem>>, vector<1x16xf32>,
        %swap3A_172 = vector.shape_cast %swap3A_171 : vector<1x16xf32> to vector<16xf32>
        %swap3A_173 = vector.shape_cast %mul3A_168 : vector<16xf32> to vector<1x16xf32>
        tpu.vector_store %arg16[%swap3A_169, %swap3A_170], %swap3A_173 {strides = array<i32>} : memref<512x32xf32, #tpu.memory_space<vmem>>, vector<1x16xf32>,
        %broadcast_in_dim3A_174 = arith.constant 2 : i32
        %broadcast_in_dim3A_175 = vector.broadcast %broadcast_in_dim3A_174 : i32 to vector<16x1xi32>
        %gather3A_176 = vector.shape_cast %broadcast_in_dim3A_175 : vector<16x1xi32> to vector<16xi32>
        %gather3A_177 = tpu.dynamic_gather %get3A_114[%gather3A_176] in [0] : vector<16xf32>, vector<16xi32> -> vector<16xf32>
        %mul3A_178 = arith.constant 16 : i32
        %mul3A_179 = arith.muli %scan3A_107, %mul3A_178 : i32
        %add3A_180 = arith.constant 0 : i32
        %add3A_181 = arith.addi %add3A_180, %mul3A_179 : i32
        %add3A_182 = arith.constant 2 : i32
        %add3A_183 = arith.addi %add3A_181, %add3A_182 : i32
        %get3A_184 = arith.index_cast %add3A_183 : i32 to index
        %get3A_185 = arith.constant 0 : index
        %get3A_186 = tpu.vector_load %arg16[%get3A_184, %get3A_185] {strides = array<i32>} : memref<512x32xf32, #tpu.memory_space<vmem>>, vector<1x16xf32>,
        %get3A_187 = vector.shape_cast %get3A_186 : vector<1x16xf32> to vector<16xf32>
        %mul3A_188 = arith.mulf %get3A_187, %gather3A_177 : vector<16xf32>
        %swap3A_189 = arith.index_cast %add3A_183 : i32 to index
        %swap3A_190 = arith.constant 0 : index
        %swap3A_191 = tpu.vector_load %arg16[%swap3A_189, %swap3A_190] {strides = array<i32>} : memref<512x32xf32, #tpu.memory_space<vmem>>, vector<1x16xf32>,
        %swap3A_192 = vector.shape_cast %swap3A_191 : vector<1x16xf32> to vector<16xf32>
        %swap3A_193 = vector.shape_cast %mul3A_188 : vector<16xf32> to vector<1x16xf32>
        tpu.vector_store %arg16[%swap3A_189, %swap3A_190], %swap3A_193 {strides = array<i32>} : memref<512x32xf32, #tpu.memory_space<vmem>>, vector<1x16xf32>,
        %get3A_194 = arith.index_cast %add3A_183 : i32 to index
        %get3A_195 = arith.constant 16 : index
        %get3A_196 = tpu.vector_load %arg16[%get3A_194, %get3A_195] {strides = array<i32>} : memref<512x32xf32, #tpu.memory_space<vmem>>, vector<1x16xf32>,
        %get3A_197 = vector.shape_cast %get3A_196 : vector<1x16xf32> to vector<16xf32>
        %mul3A_198 = arith.mulf %get3A_197, %gather3A_177 : vector<16xf32>
        %swap3A_199 = arith.index_cast %add3A_183 : i32 to index
        %swap3A_200 = arith.constant 16 : index
        %swap3A_201 = tpu.vector_load %arg16[%swap3A_199, %swap3A_200] {strides = array<i32>} : memref<512x32xf32, #tpu.memory_space<vmem>>, vector<1x16xf32>,
        %swap3A_202 = vector.shape_cast %swap3A_201 : vector<1x16xf32> to vector<16xf32>
        %swap3A_203 = vector.shape_cast %mul3A_198 : vector<16xf32> to vector<1x16xf32>
        tpu.vector_store %arg16[%swap3A_199, %swap3A_200], %swap3A_203 {strides = array<i32>} : memref<512x32xf32, #tpu.memory_space<vmem>>, vector<1x16xf32>,
        %broadcast_in_dim3A_204 = arith.constant 3 : i32
        %broadcast_in_dim3A_205 = vector.broadcast %broadcast_in_dim3A_204 : i32 to vector<16x1xi32>
        %gather3A_206 = vector.shape_cast %broadcast_in_dim3A_205 : vector<16x1xi32> to vector<16xi32>
        %gather3A_207 = tpu.dynamic_gather %get3A_114[%gather3A_206] in [0] : vector<16xf32>, vector<16xi32> -> vector<16xf32>
        %mul3A_208 = arith.constant 16 : i32
        %mul3A_209 = arith.muli %scan3A_107, %mul3A_208 : i32
        %add3A_210 = arith.constant 0 : i32
        %add3A_211 = arith.addi %add3A_210, %mul3A_209 : i32
        %add3A_212 = arith.constant 3 : i32
        %add3A_213 = arith.addi %add3A_211, %add3A_212 : i32
        %get3A_214 = arith.index_cast %add3A_213 : i32 to index
        %get3A_215 = arith.constant 0 : index
        %get3A_216 = tpu.vector_load %arg16[%get3A_214, %get3A_215] {strides = array<i32>} : memref<512x32xf32, #tpu.memory_space<vmem>>, vector<1x16xf32>,
        %get3A_217 = vector.shape_cast %get3A_216 : vector<1x16xf32> to vector<16xf32>
        %mul3A_218 = arith.mulf %get3A_217, %gather3A_207 : vector<16xf32>
        %swap3A_219 = arith.index_cast %add3A_213 : i32 to index
        %swap3A_220 = arith.constant 0 : index
        %swap3A_221 = tpu.vector_load %arg16[%swap3A_219, %swap3A_220] {strides = array<i32>} : memref<512x32xf32, #tpu.memory_space<vmem>>, vector<1x16xf32>,
        %swap3A_222 = vector.shape_cast %swap3A_221 : vector<1x16xf32> to vector<16xf32>
        %swap3A_223 = vector.shape_cast %mul3A_218 : vector<16xf32> to vector<1x16xf32>
        tpu.vector_store %arg16[%swap3A_219, %swap3A_220], %swap3A_223 {strides = array<i32>} : memref<512x32xf32, #tpu.memory_space<vmem>>, vector<1x16xf32>,
        %get3A_224 = arith.index_cast %add3A_213 : i32 to index
        %get3A_225 = arith.constant 16 : index
        %get3A_226 = tpu.vector_load %arg16[%get3A_224, %get3A_225] {strides = array<i32>} : memref<512x32xf32, #tpu.memory_space<vmem>>, vector<1x16xf32>,
        %get3A_227 = vector.shape_cast %get3A_226 : vector<1x16xf32> to vector<16xf32>
        %mul3A_228 = arith.mulf %get3A_227, %gather3A_207 : vector<16xf32>
        %swap3A_229 = arith.index_cast %add3A_213 : i32 to index
        %swap3A_230 = arith.constant 16 : index
        %swap3A_231 = tpu.vector_load %arg16[%swap3A_229, %swap3A_230] {strides = array<i32>} : memref<512x32xf32, #tpu.memory_space<vmem>>, vector<1x16xf32>,
        %swap3A_232 = vector.shape_cast %swap3A_231 : vector<1x16xf32> to vector<16xf32>
        %swap3A_233 = vector.shape_cast %mul3A_228 : vector<16xf32> to vector<1x16xf32>
        tpu.vector_store %arg16[%swap3A_229, %swap3A_230], %swap3A_233 {strides = array<i32>} : memref<512x32xf32, #tpu.memory_space<vmem>>, vector<1x16xf32>,
        %broadcast_in_dim3A_234 = arith.constant 4 : i32
        %broadcast_in_dim3A_235 = vector.broadcast %broadcast_in_dim3A_234 : i32 to vector<16x1xi32>
        %gather3A_236 = vector.shape_cast %broadcast_in_dim3A_235 : vector<16x1xi32> to vector<16xi32>
        %gather3A_237 = tpu.dynamic_gather %get3A_114[%gather3A_236] in [0] : vector<16xf32>, vector<16xi32> -> vector<16xf32>
        %mul3A_238 = arith.constant 16 : i32
        %mul3A_239 = arith.muli %scan3A_107, %mul3A_238 : i32
        %add3A_240 = arith.constant 0 : i32
        %add3A_241 = arith.addi %add3A_240, %mul3A_239 : i32
        %add3A_242 = arith.constant 4 : i32
        %add3A_243 = arith.addi %add3A_241, %add3A_242 : i32
        %get3A_244 = arith.index_cast %add3A_243 : i32 to index
        %get3A_245 = arith.constant 0 : index
        %get3A_246 = tpu.vector_load %arg16[%get3A_244, %get3A_245] {strides = array<i32>} : memref<512x32xf32, #tpu.memory_space<vmem>>, vector<1x16xf32>,
        %get3A_247 = vector.shape_cast %get3A_246 : vector<1x16xf32> to vector<16xf32>
        %mul3A_248 = arith.mulf %get3A_247, %gather3A_237 : vector<16xf32>
        %swap3A_249 = arith.index_cast %add3A_243 : i32 to index
        %swap3A_250 = arith.constant 0 : index
        %swap3A_251 = tpu.vector_load %arg16[%swap3A_249, %swap3A_250] {strides = array<i32>} : memref<512x32xf32, #tpu.memory_space<vmem>>, vector<1x16xf32>,
        %swap3A_252 = vector.shape_cast %swap3A_251 : vector<1x16xf32> to vector<16xf32>
        %swap3A_253 = vector.shape_cast %mul3A_248 : vector<16xf32> to vector<1x16xf32>
        tpu.vector_store %arg16[%swap3A_249, %swap3A_250], %swap3A_253 {strides = array<i32>} : memref<512x32xf32, #tpu.memory_space<vmem>>, vector<1x16xf32>,
        %get3A_254 = arith.index_cast %add3A_243 : i32 to index
        %get3A_255 = arith.constant 16 : index
        %get3A_256 = tpu.vector_load %arg16[%get3A_254, %get3A_255] {strides = array<i32>} : memref<512x32xf32, #tpu.memory_space<vmem>>, vector<1x16xf32>,
        %get3A_257 = vector.shape_cast %get3A_256 : vector<1x16xf32> to vector<16xf32>
        %mul3A_258 = arith.mulf %get3A_257, %gather3A_237 : vector<16xf32>
        %swap3A_259 = arith.index_cast %add3A_243 : i32 to index
        %swap3A_260 = arith.constant 16 : index
        %swap3A_261 = tpu.vector_load %arg16[%swap3A_259, %swap3A_260] {strides = array<i32>} : memref<512x32xf32, #tpu.memory_space<vmem>>, vector<1x16xf32>,
        %swap3A_262 = vector.shape_cast %swap3A_261 : vector<1x16xf32> to vector<16xf32>
        %swap3A_263 = vector.shape_cast %mul3A_258 : vector<16xf32> to vector<1x16xf32>
        tpu.vector_store %arg16[%swap3A_259, %swap3A_260], %swap3A_263 {strides = array<i32>} : memref<512x32xf32, #tpu.memory_space<vmem>>, vector<1x16xf32>,
        %broadcast_in_dim3A_264 = arith.constant 5 : i32
        %broadcast_in_dim3A_265 = vector.broadcast %broadcast_in_dim3A_264 : i32 to vector<16x1xi32>
        %gather3A_266 = vector.shape_cast %broadcast_in_dim3A_265 : vector<16x1xi32> to vector<16xi32>
        %gather3A_267 = tpu.dynamic_gather %get3A_114[%gather3A_266] in [0] : vector<16xf32>, vector<16xi32> -> vector<16xf32>
        %mul3A_268 = arith.constant 16 : i32
        %mul3A_269 = arith.muli %scan3A_107, %mul3A_268 : i32
        %add3A_270 = arith.constant 0 : i32
        %add3A_271 = arith.addi %add3A_270, %mul3A_269 : i32
        %add3A_272 = arith.constant 5 : i32
        %add3A_273 = arith.addi %add3A_271, %add3A_272 : i32
        %get3A_274 = arith.index_cast %add3A_273 : i32 to index
        %get3A_275 = arith.constant 0 : index
        %get3A_276 = tpu.vector_load %arg16[%get3A_274, %get3A_275] {strides = array<i32>} : memref<512x32xf32, #tpu.memory_space<vmem>>, vector<1x16xf32>,
        %get3A_277 = vector.shape_cast %get3A_276 : vector<1x16xf32> to vector<16xf32>
        %mul3A_278 = arith.mulf %get3A_277, %gather3A_267 : vector<16xf32>
        %swap3A_279 = arith.index_cast %add3A_273 : i32 to index
        %swap3A_280 = arith.constant 0 : index
        %swap3A_281 = tpu.vector_load %arg16[%swap3A_279, %swap3A_280] {strides = array<i32>} : memref<512x32xf32, #tpu.memory_space<vmem>>, vector<1x16xf32>,
        %swap3A_282 = vector.shape_cast %swap3A_281 : vector<1x16xf32> to vector<16xf32>
        %swap3A_283 = vector.shape_cast %mul3A_278 : vector<16xf32> to vector<1x16xf32>
        tpu.vector_store %arg16[%swap3A_279, %swap3A_280], %swap3A_283 {strides = array<i32>} : memref<512x32xf32, #tpu.memory_space<vmem>>, vector<1x16xf32>,
        %get3A_284 = arith.index_cast %add3A_273 : i32 to index
        %get3A_285 = arith.constant 16 : index
        %get3A_286 = tpu.vector_load %arg16[%get3A_284, %get3A_285] {strides = array<i32>} : memref<512x32xf32, #tpu.memory_space<vmem>>, vector<1x16xf32>,
        %get3A_287 = vector.shape_cast %get3A_286 : vector<1x16xf32> to vector<16xf32>
        %mul3A_288 = arith.mulf %get3A_287, %gather3A_267 : vector<16xf32>
        %swap3A_289 = arith.index_cast %add3A_273 : i32 to index
        %swap3A_290 = arith.constant 16 : index
        %swap3A_291 = tpu.vector_load %arg16[%swap3A_289, %swap3A_290] {strides = array<i32>} : memref<512x32xf32, #tpu.memory_space<vmem>>, vector<1x16xf32>,
        %swap3A_292 = vector.shape_cast %swap3A_291 : vector<1x16xf32> to vector<16xf32>
        %swap3A_293 = vector.shape_cast %mul3A_288 : vector<16xf32> to vector<1x16xf32>
        tpu.vector_store %arg16[%swap3A_289, %swap3A_290], %swap3A_293 {strides = array<i32>} : memref<512x32xf32, #tpu.memory_space<vmem>>, vector<1x16xf32>,
        %broadcast_in_dim3A_294 = arith.constant 6 : i32
        %broadcast_in_dim3A_295 = vector.broadcast %broadcast_in_dim3A_294 : i32 to vector<16x1xi32>
        %gather3A_296 = vector.shape_cast %broadcast_in_dim3A_295 : vector<16x1xi32> to vector<16xi32>
        %gather3A_297 = tpu.dynamic_gather %get3A_114[%gather3A_296] in [0] : vector<16xf32>, vector<16xi32> -> vector<16xf32>
        %mul3A_298 = arith.constant 16 : i32
        %mul3A_299 = arith.muli %scan3A_107, %mul3A_298 : i32
        %add3A_300 = arith.constant 0 : i32
        %add3A_301 = arith.addi %add3A_300, %mul3A_299 : i32
        %add3A_302 = arith.constant 6 : i32
        %add3A_303 = arith.addi %add3A_301, %add3A_302 : i32
        %get3A_304 = arith.index_cast %add3A_303 : i32 to index
        %get3A_305 = arith.constant 0 : index
        %get3A_306 = tpu.vector_load %arg16[%get3A_304, %get3A_305] {strides = array<i32>} : memref<512x32xf32, #tpu.memory_space<vmem>>, vector<1x16xf32>,
        %get3A_307 = vector.shape_cast %get3A_306 : vector<1x16xf32> to vector<16xf32>
        %mul3A_308 = arith.mulf %get3A_307, %gather3A_297 : vector<16xf32>
        %swap3A_309 = arith.index_cast %add3A_303 : i32 to index
        %swap3A_310 = arith.constant 0 : index
        %swap3A_311 = tpu.vector_load %arg16[%swap3A_309, %swap3A_310] {strides = array<i32>} : memref<512x32xf32, #tpu.memory_space<vmem>>, vector<1x16xf32>,
        %swap3A_312 = vector.shape_cast %swap3A_311 : vector<1x16xf32> to vector<16xf32>
        %swap3A_313 = vector.shape_cast %mul3A_308 : vector<16xf32> to vector<1x16xf32>
        tpu.vector_store %arg16[%swap3A_309, %swap3A_310], %swap3A_313 {strides = array<i32>} : memref<512x32xf32, #tpu.memory_space<vmem>>, vector<1x16xf32>,
        %get3A_314 = arith.index_cast %add3A_303 : i32 to index
        %get3A_315 = arith.constant 16 : index
        %get3A_316 = tpu.vector_load %arg16[%get3A_314, %get3A_315] {strides = array<i32>} : memref<512x32xf32, #tpu.memory_space<vmem>>, vector<1x16xf32>,
        %get3A_317 = vector.shape_cast %get3A_316 : vector<1x16xf32> to vector<16xf32>
        %mul3A_318 = arith.mulf %get3A_317, %gather3A_297 : vector<16xf32>
        %swap3A_319 = arith.index_cast %add3A_303 : i32 to index
        %swap3A_320 = arith.constant 16 : index
        %swap3A_321 = tpu.vector_load %arg16[%swap3A_319, %swap3A_320] {strides = array<i32>} : memref<512x32xf32, #tpu.memory_space<vmem>>, vector<1x16xf32>,
        %swap3A_322 = vector.shape_cast %swap3A_321 : vector<1x16xf32> to vector<16xf32>
        %swap3A_323 = vector.shape_cast %mul3A_318 : vector<16xf32> to vector<1x16xf32>
        tpu.vector_store %arg16[%swap3A_319, %swap3A_320], %swap3A_323 {strides = array<i32>} : memref<512x32xf32, #tpu.memory_space<vmem>>, vector<1x16xf32>,
        %broadcast_in_dim3A_324 = arith.constant 7 : i32
        %broadcast_in_dim3A_325 = vector.broadcast %broadcast_in_dim3A_324 : i32 to vector<16x1xi32>
        %gather3A_326 = vector.shape_cast %broadcast_in_dim3A_325 : vector<16x1xi32> to vector<16xi32>
        %gather3A_327 = tpu.dynamic_gather %get3A_114[%gather3A_326] in [0] : vector<16xf32>, vector<16xi32> -> vector<16xf32>
        %mul3A_328 = arith.constant 16 : i32
        %mul3A_329 = arith.muli %scan3A_107, %mul3A_328 : i32
        %add3A_330 = arith.constant 0 : i32
        %add3A_331 = arith.addi %add3A_330, %mul3A_329 : i32
        %add3A_332 = arith.constant 7 : i32
        %add3A_333 = arith.addi %add3A_331, %add3A_332 : i32
        %get3A_334 = arith.index_cast %add3A_333 : i32 to index
        %get3A_335 = arith.constant 0 : index
        %get3A_336 = tpu.vector_load %arg16[%get3A_334, %get3A_335] {strides = array<i32>} : memref<512x32xf32, #tpu.memory_space<vmem>>, vector<1x16xf32>,
        %get3A_337 = vector.shape_cast %get3A_336 : vector<1x16xf32> to vector<16xf32>
        %mul3A_338 = arith.mulf %get3A_337, %gather3A_327 : vector<16xf32>
        %swap3A_339 = arith.index_cast %add3A_333 : i32 to index
        %swap3A_340 = arith.constant 0 : index
        %swap3A_341 = tpu.vector_load %arg16[%swap3A_339, %swap3A_340] {strides = array<i32>} : memref<512x32xf32, #tpu.memory_space<vmem>>, vector<1x16xf32>,
        %swap3A_342 = vector.shape_cast %swap3A_341 : vector<1x16xf32> to vector<16xf32>
        %swap3A_343 = vector.shape_cast %mul3A_338 : vector<16xf32> to vector<1x16xf32>
        tpu.vector_store %arg16[%swap3A_339, %swap3A_340], %swap3A_343 {strides = array<i32>} : memref<512x32xf32, #tpu.memory_space<vmem>>, vector<1x16xf32>,
        %get3A_344 = arith.index_cast %add3A_333 : i32 to index
        %get3A_345 = arith.constant 16 : index
        %get3A_346 = tpu.vector_load %arg16[%get3A_344, %get3A_345] {strides = array<i32>} : memref<512x32xf32, #tpu.memory_space<vmem>>, vector<1x16xf32>,
        %get3A_347 = vector.shape_cast %get3A_346 : vector<1x16xf32> to vector<16xf32>
        %mul3A_348 = arith.mulf %get3A_347, %gather3A_327 : vector<16xf32>
        %swap3A_349 = arith.index_cast %add3A_333 : i32 to index
        %swap3A_350 = arith.constant 16 : index
        %swap3A_351 = tpu.vector_load %arg16[%swap3A_349, %swap3A_350] {strides = array<i32>} : memref<512x32xf32, #tpu.memory_space<vmem>>, vector<1x16xf32>,
        %swap3A_352 = vector.shape_cast %swap3A_351 : vector<1x16xf32> to vector<16xf32>
        %swap3A_353 = vector.shape_cast %mul3A_348 : vector<16xf32> to vector<1x16xf32>
        tpu.vector_store %arg16[%swap3A_349, %swap3A_350], %swap3A_353 {strides = array<i32>} : memref<512x32xf32, #tpu.memory_space<vmem>>, vector<1x16xf32>,
        %broadcast_in_dim3A_354 = arith.constant 8 : i32
        %broadcast_in_dim3A_355 = vector.broadcast %broadcast_in_dim3A_354 : i32 to vector<16x1xi32>
        %gather3A_356 = vector.shape_cast %broadcast_in_dim3A_355 : vector<16x1xi32> to vector<16xi32>
        %gather3A_357 = tpu.dynamic_gather %get3A_114[%gather3A_356] in [0] : vector<16xf32>, vector<16xi32> -> vector<16xf32>
        %mul3A_358 = arith.constant 16 : i32
        %mul3A_359 = arith.muli %scan3A_107, %mul3A_358 : i32
        %add3A_360 = arith.constant 0 : i32
        %add3A_361 = arith.addi %add3A_360, %mul3A_359 : i32
        %add3A_362 = arith.constant 8 : i32
        %add3A_363 = arith.addi %add3A_361, %add3A_362 : i32
        %get3A_364 = arith.index_cast %add3A_363 : i32 to index
        %get3A_365 = arith.constant 0 : index
        %get3A_366 = tpu.vector_load %arg16[%get3A_364, %get3A_365] {strides = array<i32>} : memref<512x32xf32, #tpu.memory_space<vmem>>, vector<1x16xf32>,
        %get3A_367 = vector.shape_cast %get3A_366 : vector<1x16xf32> to vector<16xf32>
        %mul3A_368 = arith.mulf %get3A_367, %gather3A_357 : vector<16xf32>
        %swap3A_369 = arith.index_cast %add3A_363 : i32 to index
        %swap3A_370 = arith.constant 0 : index
        %swap3A_371 = tpu.vector_load %arg16[%swap3A_369, %swap3A_370] {strides = array<i32>} : memref<512x32xf32, #tpu.memory_space<vmem>>, vector<1x16xf32>,
        %swap3A_372 = vector.shape_cast %swap3A_371 : vector<1x16xf32> to vector<16xf32>
        %swap3A_373 = vector.shape_cast %mul3A_368 : vector<16xf32> to vector<1x16xf32>
        tpu.vector_store %arg16[%swap3A_369, %swap3A_370], %swap3A_373 {strides = array<i32>} : memref<512x32xf32, #tpu.memory_space<vmem>>, vector<1x16xf32>,
        %get3A_374 = arith.index_cast %add3A_363 : i32 to index
        %get3A_375 = arith.constant 16 : index
        %get3A_376 = tpu.vector_load %arg16[%get3A_374, %get3A_375] {strides = array<i32>} : memref<512x32xf32, #tpu.memory_space<vmem>>, vector<1x16xf32>,
        %get3A_377 = vector.shape_cast %get3A_376 : vector<1x16xf32> to vector<16xf32>
        %mul3A_378 = arith.mulf %get3A_377, %gather3A_357 : vector<16xf32>
        %swap3A_379 = arith.index_cast %add3A_363 : i32 to index
        %swap3A_380 = arith.constant 16 : index
        %swap3A_381 = tpu.vector_load %arg16[%swap3A_379, %swap3A_380] {strides = array<i32>} : memref<512x32xf32, #tpu.memory_space<vmem>>, vector<1x16xf32>,
        %swap3A_382 = vector.shape_cast %swap3A_381 : vector<1x16xf32> to vector<16xf32>
        %swap3A_383 = vector.shape_cast %mul3A_378 : vector<16xf32> to vector<1x16xf32>
        tpu.vector_store %arg16[%swap3A_379, %swap3A_380], %swap3A_383 {strides = array<i32>} : memref<512x32xf32, #tpu.memory_space<vmem>>, vector<1x16xf32>,
        %broadcast_in_dim3A_384 = arith.constant 9 : i32
        %broadcast_in_dim3A_385 = vector.broadcast %broadcast_in_dim3A_384 : i32 to vector<16x1xi32>
        %gather3A_386 = vector.shape_cast %broadcast_in_dim3A_385 : vector<16x1xi32> to vector<16xi32>
        %gather3A_387 = tpu.dynamic_gather %get3A_114[%gather3A_386] in [0] : vector<16xf32>, vector<16xi32> -> vector<16xf32>
        %mul3A_388 = arith.constant 16 : i32
        %mul3A_389 = arith.muli %scan3A_107, %mul3A_388 : i32
        %add3A_390 = arith.constant 0 : i32
        %add3A_391 = arith.addi %add3A_390, %mul3A_389 : i32
        %add3A_392 = arith.constant 9 : i32
        %add3A_393 = arith.addi %add3A_391, %add3A_392 : i32
        %get3A_394 = arith.index_cast %add3A_393 : i32 to index
        %get3A_395 = arith.constant 0 : index
        %get3A_396 = tpu.vector_load %arg16[%get3A_394, %get3A_395] {strides = array<i32>} : memref<512x32xf32, #tpu.memory_space<vmem>>, vector<1x16xf32>,
        %get3A_397 = vector.shape_cast %get3A_396 : vector<1x16xf32> to vector<16xf32>
        %mul3A_398 = arith.mulf %get3A_397, %gather3A_387 : vector<16xf32>
        %swap3A_399 = arith.index_cast %add3A_393 : i32 to index
        %swap3A_400 = arith.constant 0 : index
        %swap3A_401 = tpu.vector_load %arg16[%swap3A_399, %swap3A_400] {strides = array<i32>} : memref<512x32xf32, #tpu.memory_space<vmem>>, vector<1x16xf32>,
        %swap3A_402 = vector.shape_cast %swap3A_401 : vector<1x16xf32> to vector<16xf32>
        %swap3A_403 = vector.shape_cast %mul3A_398 : vector<16xf32> to vector<1x16xf32>
        tpu.vector_store %arg16[%swap3A_399, %swap3A_400], %swap3A_403 {strides = array<i32>} : memref<512x32xf32, #tpu.memory_space<vmem>>, vector<1x16xf32>,
        %get3A_404 = arith.index_cast %add3A_393 : i32 to index
        %get3A_405 = arith.constant 16 : index
        %get3A_406 = tpu.vector_load %arg16[%get3A_404, %get3A_405] {strides = array<i32>} : memref<512x32xf32, #tpu.memory_space<vmem>>, vector<1x16xf32>,
        %get3A_407 = vector.shape_cast %get3A_406 : vector<1x16xf32> to vector<16xf32>
        %mul3A_408 = arith.mulf %get3A_407, %gather3A_387 : vector<16xf32>
        %swap3A_409 = arith.index_cast %add3A_393 : i32 to index
        %swap3A_410 = arith.constant 16 : index
        %swap3A_411 = tpu.vector_load %arg16[%swap3A_409, %swap3A_410] {strides = array<i32>} : memref<512x32xf32, #tpu.memory_space<vmem>>, vector<1x16xf32>,
        %swap3A_412 = vector.shape_cast %swap3A_411 : vector<1x16xf32> to vector<16xf32>
        %swap3A_413 = vector.shape_cast %mul3A_408 : vector<16xf32> to vector<1x16xf32>
        tpu.vector_store %arg16[%swap3A_409, %swap3A_410], %swap3A_413 {strides = array<i32>} : memref<512x32xf32, #tpu.memory_space<vmem>>, vector<1x16xf32>,
        %broadcast_in_dim3A_414 = arith.constant 10 : i32
        %broadcast_in_dim3A_415 = vector.broadcast %broadcast_in_dim3A_414 : i32 to vector<16x1xi32>
        %gather3A_416 = vector.shape_cast %broadcast_in_dim3A_415 : vector<16x1xi32> to vector<16xi32>
        %gather3A_417 = tpu.dynamic_gather %get3A_114[%gather3A_416] in [0] : vector<16xf32>, vector<16xi32> -> vector<16xf32>
        %mul3A_418 = arith.constant 16 : i32
        %mul3A_419 = arith.muli %scan3A_107, %mul3A_418 : i32
        %add3A_420 = arith.constant 0 : i32
        %add3A_421 = arith.addi %add3A_420, %mul3A_419 : i32
        %add3A_422 = arith.constant 10 : i32
        %add3A_423 = arith.addi %add3A_421, %add3A_422 : i32
        %get3A_424 = arith.index_cast %add3A_423 : i32 to index
        %get3A_425 = arith.constant 0 : index
        %get3A_426 = tpu.vector_load %arg16[%get3A_424, %get3A_425] {strides = array<i32>} : memref<512x32xf32, #tpu.memory_space<vmem>>, vector<1x16xf32>,
        %get3A_427 = vector.shape_cast %get3A_426 : vector<1x16xf32> to vector<16xf32>
        %mul3A_428 = arith.mulf %get3A_427, %gather3A_417 : vector<16xf32>
        %swap3A_429 = arith.index_cast %add3A_423 : i32 to index
        %swap3A_430 = arith.constant 0 : index
        %swap3A_431 = tpu.vector_load %arg16[%swap3A_429, %swap3A_430] {strides = array<i32>} : memref<512x32xf32, #tpu.memory_space<vmem>>, vector<1x16xf32>,
        %swap3A_432 = vector.shape_cast %swap3A_431 : vector<1x16xf32> to vector<16xf32>
        %swap3A_433 = vector.shape_cast %mul3A_428 : vector<16xf32> to vector<1x16xf32>
        tpu.vector_store %arg16[%swap3A_429, %swap3A_430], %swap3A_433 {strides = array<i32>} : memref<512x32xf32, #tpu.memory_space<vmem>>, vector<1x16xf32>,
        %get3A_434 = arith.index_cast %add3A_423 : i32 to index
        %get3A_435 = arith.constant 16 : index
        %get3A_436 = tpu.vector_load %arg16[%get3A_434, %get3A_435] {strides = array<i32>} : memref<512x32xf32, #tpu.memory_space<vmem>>, vector<1x16xf32>,
        %get3A_437 = vector.shape_cast %get3A_436 : vector<1x16xf32> to vector<16xf32>
        %mul3A_438 = arith.mulf %get3A_437, %gather3A_417 : vector<16xf32>
        %swap3A_439 = arith.index_cast %add3A_423 : i32 to index
        %swap3A_440 = arith.constant 16 : index
        %swap3A_441 = tpu.vector_load %arg16[%swap3A_439, %swap3A_440] {strides = array<i32>} : memref<512x32xf32, #tpu.memory_space<vmem>>, vector<1x16xf32>,
        %swap3A_442 = vector.shape_cast %swap3A_441 : vector<1x16xf32> to vector<16xf32>
        %swap3A_443 = vector.shape_cast %mul3A_438 : vector<16xf32> to vector<1x16xf32>
        tpu.vector_store %arg16[%swap3A_439, %swap3A_440], %swap3A_443 {strides = array<i32>} : memref<512x32xf32, #tpu.memory_space<vmem>>, vector<1x16xf32>,
        %broadcast_in_dim3A_444 = arith.constant 11 : i32
        %broadcast_in_dim3A_445 = vector.broadcast %broadcast_in_dim3A_444 : i32 to vector<16x1xi32>
        %gather3A_446 = vector.shape_cast %broadcast_in_dim3A_445 : vector<16x1xi32> to vector<16xi32>
        %gather3A_447 = tpu.dynamic_gather %get3A_114[%gather3A_446] in [0] : vector<16xf32>, vector<16xi32> -> vector<16xf32>
        %mul3A_448 = arith.constant 16 : i32
        %mul3A_449 = arith.muli %scan3A_107, %mul3A_448 : i32
        %add3A_450 = arith.constant 0 : i32
        %add3A_451 = arith.addi %add3A_450, %mul3A_449 : i32
        %add3A_452 = arith.constant 11 : i32
        %add3A_453 = arith.addi %add3A_451, %add3A_452 : i32
        %get3A_454 = arith.index_cast %add3A_453 : i32 to index
        %get3A_455 = arith.constant 0 : index
        %get3A_456 = tpu.vector_load %arg16[%get3A_454, %get3A_455] {strides = array<i32>} : memref<512x32xf32, #tpu.memory_space<vmem>>, vector<1x16xf32>,
        %get3A_457 = vector.shape_cast %get3A_456 : vector<1x16xf32> to vector<16xf32>
        %mul3A_458 = arith.mulf %get3A_457, %gather3A_447 : vector<16xf32>
        %swap3A_459 = arith.index_cast %add3A_453 : i32 to index
        %swap3A_460 = arith.constant 0 : index
        %swap3A_461 = tpu.vector_load %arg16[%swap3A_459, %swap3A_460] {strides = array<i32>} : memref<512x32xf32, #tpu.memory_space<vmem>>, vector<1x16xf32>,
        %swap3A_462 = vector.shape_cast %swap3A_461 : vector<1x16xf32> to vector<16xf32>
        %swap3A_463 = vector.shape_cast %mul3A_458 : vector<16xf32> to vector<1x16xf32>
        tpu.vector_store %arg16[%swap3A_459, %swap3A_460], %swap3A_463 {strides = array<i32>} : memref<512x32xf32, #tpu.memory_space<vmem>>, vector<1x16xf32>,
        %get3A_464 = arith.index_cast %add3A_453 : i32 to index
        %get3A_465 = arith.constant 16 : index
        %get3A_466 = tpu.vector_load %arg16[%get3A_464, %get3A_465] {strides = array<i32>} : memref<512x32xf32, #tpu.memory_space<vmem>>, vector<1x16xf32>,
        %get3A_467 = vector.shape_cast %get3A_466 : vector<1x16xf32> to vector<16xf32>
        %mul3A_468 = arith.mulf %get3A_467, %gather3A_447 : vector<16xf32>
        %swap3A_469 = arith.index_cast %add3A_453 : i32 to index
        %swap3A_470 = arith.constant 16 : index
        %swap3A_471 = tpu.vector_load %arg16[%swap3A_469, %swap3A_470] {strides = array<i32>} : memref<512x32xf32, #tpu.memory_space<vmem>>, vector<1x16xf32>,
        %swap3A_472 = vector.shape_cast %swap3A_471 : vector<1x16xf32> to vector<16xf32>
        %swap3A_473 = vector.shape_cast %mul3A_468 : vector<16xf32> to vector<1x16xf32>
        tpu.vector_store %arg16[%swap3A_469, %swap3A_470], %swap3A_473 {strides = array<i32>} : memref<512x32xf32, #tpu.memory_space<vmem>>, vector<1x16xf32>,
        %broadcast_in_dim3A_474 = arith.constant 12 : i32
        %broadcast_in_dim3A_475 = vector.broadcast %broadcast_in_dim3A_474 : i32 to vector<16x1xi32>
        %gather3A_476 = vector.shape_cast %broadcast_in_dim3A_475 : vector<16x1xi32> to vector<16xi32>
        %gather3A_477 = tpu.dynamic_gather %get3A_114[%gather3A_476] in [0] : vector<16xf32>, vector<16xi32> -> vector<16xf32>
        %mul3A_478 = arith.constant 16 : i32
        %mul3A_479 = arith.muli %scan3A_107, %mul3A_478 : i32
        %add3A_480 = arith.constant 0 : i32
        %add3A_481 = arith.addi %add3A_480, %mul3A_479 : i32
        %add3A_482 = arith.constant 12 : i32
        %add3A_483 = arith.addi %add3A_481, %add3A_482 : i32
        %get3A_484 = arith.index_cast %add3A_483 : i32 to index
        %get3A_485 = arith.constant 0 : index
        %get3A_486 = tpu.vector_load %arg16[%get3A_484, %get3A_485] {strides = array<i32>} : memref<512x32xf32, #tpu.memory_space<vmem>>, vector<1x16xf32>,
        %get3A_487 = vector.shape_cast %get3A_486 : vector<1x16xf32> to vector<16xf32>
        %mul3A_488 = arith.mulf %get3A_487, %gather3A_477 : vector<16xf32>
        %swap3A_489 = arith.index_cast %add3A_483 : i32 to index
        %swap3A_490 = arith.constant 0 : index
        %swap3A_491 = tpu.vector_load %arg16[%swap3A_489, %swap3A_490] {strides = array<i32>} : memref<512x32xf32, #tpu.memory_space<vmem>>, vector<1x16xf32>,
        %swap3A_492 = vector.shape_cast %swap3A_491 : vector<1x16xf32> to vector<16xf32>
        %swap3A_493 = vector.shape_cast %mul3A_488 : vector<16xf32> to vector<1x16xf32>
        tpu.vector_store %arg16[%swap3A_489, %swap3A_490], %swap3A_493 {strides = array<i32>} : memref<512x32xf32, #tpu.memory_space<vmem>>, vector<1x16xf32>,
        %get3A_494 = arith.index_cast %add3A_483 : i32 to index
        %get3A_495 = arith.constant 16 : index
        %get3A_496 = tpu.vector_load %arg16[%get3A_494, %get3A_495] {strides = array<i32>} : memref<512x32xf32, #tpu.memory_space<vmem>>, vector<1x16xf32>,
        %get3A_497 = vector.shape_cast %get3A_496 : vector<1x16xf32> to vector<16xf32>
        %mul3A_498 = arith.mulf %get3A_497, %gather3A_477 : vector<16xf32>
        %swap3A_499 = arith.index_cast %add3A_483 : i32 to index
        %swap3A_500 = arith.constant 16 : index
        %swap3A_501 = tpu.vector_load %arg16[%swap3A_499, %swap3A_500] {strides = array<i32>} : memref<512x32xf32, #tpu.memory_space<vmem>>, vector<1x16xf32>,
        %swap3A_502 = vector.shape_cast %swap3A_501 : vector<1x16xf32> to vector<16xf32>
        %swap3A_503 = vector.shape_cast %mul3A_498 : vector<16xf32> to vector<1x16xf32>
        tpu.vector_store %arg16[%swap3A_499, %swap3A_500], %swap3A_503 {strides = array<i32>} : memref<512x32xf32, #tpu.memory_space<vmem>>, vector<1x16xf32>,
        %broadcast_in_dim3A_504 = arith.constant 13 : i32
        %broadcast_in_dim3A_505 = vector.broadcast %broadcast_in_dim3A_504 : i32 to vector<16x1xi32>
        %gather3A_506 = vector.shape_cast %broadcast_in_dim3A_505 : vector<16x1xi32> to vector<16xi32>
        %gather3A_507 = tpu.dynamic_gather %get3A_114[%gather3A_506] in [0] : vector<16xf32>, vector<16xi32> -> vector<16xf32>
        %mul3A_508 = arith.constant 16 : i32
        %mul3A_509 = arith.muli %scan3A_107, %mul3A_508 : i32
        %add3A_510 = arith.constant 0 : i32
        %add3A_511 = arith.addi %add3A_510, %mul3A_509 : i32
        %add3A_512 = arith.constant 13 : i32
        %add3A_513 = arith.addi %add3A_511, %add3A_512 : i32
        %get3A_514 = arith.index_cast %add3A_513 : i32 to index
        %get3A_515 = arith.constant 0 : index
        %get3A_516 = tpu.vector_load %arg16[%get3A_514, %get3A_515] {strides = array<i32>} : memref<512x32xf32, #tpu.memory_space<vmem>>, vector<1x16xf32>,
        %get3A_517 = vector.shape_cast %get3A_516 : vector<1x16xf32> to vector<16xf32>
        %mul3A_518 = arith.mulf %get3A_517, %gather3A_507 : vector<16xf32>
        %swap3A_519 = arith.index_cast %add3A_513 : i32 to index
        %swap3A_520 = arith.constant 0 : index
        %swap3A_521 = tpu.vector_load %arg16[%swap3A_519, %swap3A_520] {strides = array<i32>} : memref<512x32xf32, #tpu.memory_space<vmem>>, vector<1x16xf32>,
        %swap3A_522 = vector.shape_cast %swap3A_521 : vector<1x16xf32> to vector<16xf32>
        %swap3A_523 = vector.shape_cast %mul3A_518 : vector<16xf32> to vector<1x16xf32>
        tpu.vector_store %arg16[%swap3A_519, %swap3A_520], %swap3A_523 {strides = array<i32>} : memref<512x32xf32, #tpu.memory_space<vmem>>, vector<1x16xf32>,
        %get3A_524 = arith.index_cast %add3A_513 : i32 to index
        %get3A_525 = arith.constant 16 : index
        %get3A_526 = tpu.vector_load %arg16[%get3A_524, %get3A_525] {strides = array<i32>} : memref<512x32xf32, #tpu.memory_space<vmem>>, vector<1x16xf32>,
        %get3A_527 = vector.shape_cast %get3A_526 : vector<1x16xf32> to vector<16xf32>
        %mul3A_528 = arith.mulf %get3A_527, %gather3A_507 : vector<16xf32>
        %swap3A_529 = arith.index_cast %add3A_513 : i32 to index
        %swap3A_530 = arith.constant 16 : index
        %swap3A_531 = tpu.vector_load %arg16[%swap3A_529, %swap3A_530] {strides = array<i32>} : memref<512x32xf32, #tpu.memory_space<vmem>>, vector<1x16xf32>,
        %swap3A_532 = vector.shape_cast %swap3A_531 : vector<1x16xf32> to vector<16xf32>
        %swap3A_533 = vector.shape_cast %mul3A_528 : vector<16xf32> to vector<1x16xf32>
        tpu.vector_store %arg16[%swap3A_529, %swap3A_530], %swap3A_533 {strides = array<i32>} : memref<512x32xf32, #tpu.memory_space<vmem>>, vector<1x16xf32>,
        %broadcast_in_dim3A_534 = arith.constant 14 : i32
        %broadcast_in_dim3A_535 = vector.broadcast %broadcast_in_dim3A_534 : i32 to vector<16x1xi32>
        %gather3A_536 = vector.shape_cast %broadcast_in_dim3A_535 : vector<16x1xi32> to vector<16xi32>
        %gather3A_537 = tpu.dynamic_gather %get3A_114[%gather3A_536] in [0] : vector<16xf32>, vector<16xi32> -> vector<16xf32>
        %mul3A_538 = arith.constant 16 : i32
        %mul3A_539 = arith.muli %scan3A_107, %mul3A_538 : i32
        %add3A_540 = arith.constant 0 : i32
        %add3A_541 = arith.addi %add3A_540, %mul3A_539 : i32
        %add3A_542 = arith.constant 14 : i32
        %add3A_543 = arith.addi %add3A_541, %add3A_542 : i32
        %get3A_544 = arith.index_cast %add3A_543 : i32 to index
        %get3A_545 = arith.constant 0 : index
        %get3A_546 = tpu.vector_load %arg16[%get3A_544, %get3A_545] {strides = array<i32>} : memref<512x32xf32, #tpu.memory_space<vmem>>, vector<1x16xf32>,
        %get3A_547 = vector.shape_cast %get3A_546 : vector<1x16xf32> to vector<16xf32>
        %mul3A_548 = arith.mulf %get3A_547, %gather3A_537 : vector<16xf32>
        %swap3A_549 = arith.index_cast %add3A_543 : i32 to index
        %swap3A_550 = arith.constant 0 : index
        %swap3A_551 = tpu.vector_load %arg16[%swap3A_549, %swap3A_550] {strides = array<i32>} : memref<512x32xf32, #tpu.memory_space<vmem>>, vector<1x16xf32>,
        %swap3A_552 = vector.shape_cast %swap3A_551 : vector<1x16xf32> to vector<16xf32>
        %swap3A_553 = vector.shape_cast %mul3A_548 : vector<16xf32> to vector<1x16xf32>
        tpu.vector_store %arg16[%swap3A_549, %swap3A_550], %swap3A_553 {strides = array<i32>} : memref<512x32xf32, #tpu.memory_space<vmem>>, vector<1x16xf32>,
        %get3A_554 = arith.index_cast %add3A_543 : i32 to index
        %get3A_555 = arith.constant 16 : index
        %get3A_556 = tpu.vector_load %arg16[%get3A_554, %get3A_555] {strides = array<i32>} : memref<512x32xf32, #tpu.memory_space<vmem>>, vector<1x16xf32>,
        %get3A_557 = vector.shape_cast %get3A_556 : vector<1x16xf32> to vector<16xf32>
        %mul3A_558 = arith.mulf %get3A_557, %gather3A_537 : vector<16xf32>
        %swap3A_559 = arith.index_cast %add3A_543 : i32 to index
        %swap3A_560 = arith.constant 16 : index
        %swap3A_561 = tpu.vector_load %arg16[%swap3A_559, %swap3A_560] {strides = array<i32>} : memref<512x32xf32, #tpu.memory_space<vmem>>, vector<1x16xf32>,
        %swap3A_562 = vector.shape_cast %swap3A_561 : vector<1x16xf32> to vector<16xf32>
        %swap3A_563 = vector.shape_cast %mul3A_558 : vector<16xf32> to vector<1x16xf32>
        tpu.vector_store %arg16[%swap3A_559, %swap3A_560], %swap3A_563 {strides = array<i32>} : memref<512x32xf32, #tpu.memory_space<vmem>>, vector<1x16xf32>,
        %broadcast_in_dim3A_564 = arith.constant 15 : i32
        %broadcast_in_dim3A_565 = vector.broadcast %broadcast_in_dim3A_564 : i32 to vector<16x1xi32>
        %gather3A_566 = vector.shape_cast %broadcast_in_dim3A_565 : vector<16x1xi32> to vector<16xi32>
        %gather3A_567 = tpu.dynamic_gather %get3A_114[%gather3A_566] in [0] : vector<16xf32>, vector<16xi32> -> vector<16xf32>
        %mul3A_568 = arith.constant 16 : i32
        %mul3A_569 = arith.muli %scan3A_107, %mul3A_568 : i32
        %add3A_570 = arith.constant 0 : i32
        %add3A_571 = arith.addi %add3A_570, %mul3A_569 : i32
        %add3A_572 = arith.constant 15 : i32
        %add3A_573 = arith.addi %add3A_571, %add3A_572 : i32
        %get3A_574 = arith.index_cast %add3A_573 : i32 to index
        %get3A_575 = arith.constant 0 : index
        %get3A_576 = tpu.vector_load %arg16[%get3A_574, %get3A_575] {strides = array<i32>} : memref<512x32xf32, #tpu.memory_space<vmem>>, vector<1x16xf32>,
        %get3A_577 = vector.shape_cast %get3A_576 : vector<1x16xf32> to vector<16xf32>
        %mul3A_578 = arith.mulf %get3A_577, %gather3A_567 : vector<16xf32>
        %swap3A_579 = arith.index_cast %add3A_573 : i32 to index
        %swap3A_580 = arith.constant 0 : index
        %swap3A_581 = tpu.vector_load %arg16[%swap3A_579, %swap3A_580] {strides = array<i32>} : memref<512x32xf32, #tpu.memory_space<vmem>>, vector<1x16xf32>,
        %swap3A_582 = vector.shape_cast %swap3A_581 : vector<1x16xf32> to vector<16xf32>
        %swap3A_583 = vector.shape_cast %mul3A_578 : vector<16xf32> to vector<1x16xf32>
        tpu.vector_store %arg16[%swap3A_579, %swap3A_580], %swap3A_583 {strides = array<i32>} : memref<512x32xf32, #tpu.memory_space<vmem>>, vector<1x16xf32>,
        %get3A_584 = arith.index_cast %add3A_573 : i32 to index
        %get3A_585 = arith.constant 16 : index
        %get3A_586 = tpu.vector_load %arg16[%get3A_584, %get3A_585] {strides = array<i32>} : memref<512x32xf32, #tpu.memory_space<vmem>>, vector<1x16xf32>,
        %get3A_587 = vector.shape_cast %get3A_586 : vector<1x16xf32> to vector<16xf32>
        %mul3A_588 = arith.mulf %get3A_587, %gather3A_567 : vector<16xf32>
        %swap3A_589 = arith.index_cast %add3A_573 : i32 to index
        %swap3A_590 = arith.constant 16 : index
        %swap3A_591 = tpu.vector_load %arg16[%swap3A_589, %swap3A_590] {strides = array<i32>} : memref<512x32xf32, #tpu.memory_space<vmem>>, vector<1x16xf32>,
        %swap3A_592 = vector.shape_cast %swap3A_591 : vector<1x16xf32> to vector<16xf32>
        %swap3A_593 = vector.shape_cast %mul3A_588 : vector<16xf32> to vector<1x16xf32>
        tpu.vector_store %arg16[%swap3A_589, %swap3A_590], %swap3A_593 {strides = array<i32>} : memref<512x32xf32, #tpu.memory_space<vmem>>, vector<1x16xf32>,
        %scan3A_594 = arith.constant 0 : i32
        scf.yield %scan3A_594 : i32
      }
      %scan3A_105 = arith.constant 8 : i32
      %run_scoped3A_106 = arith.constant 0 : i32
      "tpu.region"() ({
        %run_scoped3A_107 = tpu.sem_alloc : memref<!tpu.dma_semaphore, #tpu.memory_space<semaphore_mem>>
        %dma_start3A_108 = arith.constant 0 : i32
        %dma_start3A_109 = arith.constant 0 : i32
        %dma_start3A_110 = tpu.memref_slice %arg16[%dma_start3A_108, %dma_start3A_109] : memref<512x32xf32, #tpu.memory_space<vmem>> -> memref<128x32xf32, #tpu.memory_space<vmem>>
        %dma_start3A_111 = arith.constant 0 : i32
        %dma_start3A_112 = tpu.memref_slice %arg13[%run_scoped3A_106, %dma_start3A_111] : memref<26x128xi32, #tpu.memory_space<vmem>> -> memref<1x128xi32, #tpu.memory_space<vmem>>
        %dma_start3A_113 = tpu.memref_squeeze %dma_start3A_112 : memref<1x128xi32, #tpu.memory_space<vmem>> -> memref<128xi32, #tpu.memory_space<vmem>>
        %dma_start3A_114 = arith.constant 0 : i32
        %dma_start3A_115 = arith.constant 0 : i32
        %dma_start3A_116 = tpu.memref_slice %arg12[%dma_start3A_114, %dma_start3A_115] : memref<50048x32xf32, #tpu.memory_space<vmem_shared>> -> memref<50048x32xf32, #tpu.memory_space<vmem_shared>>
        tpu.enqueue_indirect_dma source(%dma_start3A_110 : memref<128x32xf32, #tpu.memory_space<vmem>>) target(%dma_start3A_116 : memref<50048x32xf32, #tpu.memory_space<vmem_shared>>) offsets(%dma_start3A_113 : memref<128xi32, #tpu.memory_space<vmem>>) semaphore(%run_scoped3A_107 : memref<!tpu.dma_semaphore, #tpu.memory_space<semaphore_mem>>) {add = true}
        %dma_wait3A_117 = arith.constant 0 : i32
        %dma_wait3A_118 = arith.constant 0 : i32
        %dma_wait3A_119 = tpu.memref_slice %arg16[%dma_wait3A_117, %dma_wait3A_118] : memref<512x32xf32, #tpu.memory_space<vmem>> -> memref<128x32xf32, #tpu.memory_space<vmem>>
        %dma_wait3A_120 = arith.constant 0 : i32
        %dma_wait3A_121 = tpu.memref_slice %arg13[%run_scoped3A_106, %dma_wait3A_120] : memref<26x128xi32, #tpu.memory_space<vmem>> -> memref<1x128xi32, #tpu.memory_space<vmem>>
        %dma_wait3A_122 = tpu.memref_squeeze %dma_wait3A_121 : memref<1x128xi32, #tpu.memory_space<vmem>> -> memref<128xi32, #tpu.memory_space<vmem>>
        %dma_wait3A_123 = arith.constant 0 : i32
        %dma_wait3A_124 = arith.constant 0 : i32
        %dma_wait3A_125 = tpu.memref_slice %arg12[%dma_wait3A_123, %dma_wait3A_124] : memref<50048x32xf32, #tpu.memory_space<vmem_shared>> -> memref<50048x32xf32, #tpu.memory_space<vmem_shared>>
        tpu.wait_indirect_dma semaphore(%run_scoped3A_107 : memref<!tpu.dma_semaphore, #tpu.memory_space<semaphore_mem>>) src(%dma_wait3A_119 : memref<128x32xf32, #tpu.memory_space<vmem>>) dst(%dma_wait3A_125 : memref<50048x32xf32, #tpu.memory_space<vmem_shared>>)
        tpu.yield
      }) : () -> ()
    } else {
    }
    %barrier3A_33 = arith.constant 0 : index
    tpu.barrier barrier_id(%barrier3A_33)
    %scan3A_34 = arith.constant 0 : i32
    %scan3A_35 = arith.constant 0 : i32
    %scan3A_36 = arith.constant 23 : i32
    %scan3A_37 = arith.addi %scan3A_35, %scan3A_36 : i32
    %scan3A_38 = arith.constant 1 : i32
    %scan3A_39 = scf.for %scan3A_74 = %scan3A_35 to %scan3A_37 step %scan3A_38 iter_args(%scan3A_75 = %scan3A_34) -> (i32)  : i32 {
      %mul3A_76 = arith.constant 3128 : i32
      %mul3A_77 = arith.muli %arg1, %mul3A_76 : i32
      %mul3A_78 = arith.constant 136 : i32
      %mul3A_79 = arith.muli %scan3A_74, %mul3A_78 : i32
      %add3A = arith.addi %mul3A_77, %mul3A_79 : i32
      %add3A_80 = arith.addi %mul3A_0, %add3A : i32
      "tpu.region"() ({
        %run_scoped3A = tpu.sem_alloc : memref<!tpu.dma_semaphore, #tpu.memory_space<semaphore_mem>>
        %dma_start3A = arith.constant 0 : i32
        %dma_start3A_82 = tpu.memref_slice %arg10[%add3A_80, %dma_start3A] : memref<100096x32xf32, #tpu.memory_space<hbm>> -> memref<136x32xf32, #tpu.memory_space<hbm>>
        %dma_start3A_83 = arith.constant 0 : i32
        %dma_start3A_84 = tpu.memref_slice %arg12[%add3A, %dma_start3A_83] : memref<50048x32xf32, #tpu.memory_space<vmem_shared>> -> memref<136x32xf32, #tpu.memory_space<vmem_shared>>
        tpu.enqueue_dma source(%dma_start3A_84 : memref<136x32xf32, #tpu.memory_space<vmem_shared>>) target(%dma_start3A_82 : memref<136x32xf32, #tpu.memory_space<hbm>>) target_semaphore(%run_scoped3A : memref<!tpu.dma_semaphore, #tpu.memory_space<semaphore_mem>>)
        %dma_wait3A = arith.constant 0 : i32
        %dma_wait3A_85 = tpu.memref_slice %arg10[%add3A_80, %dma_wait3A] : memref<100096x32xf32, #tpu.memory_space<hbm>> -> memref<136x32xf32, #tpu.memory_space<hbm>>
        %dma_wait3A_86 = arith.constant 0 : i32
        %dma_wait3A_87 = tpu.memref_slice %arg12[%add3A, %dma_wait3A_86] : memref<50048x32xf32, #tpu.memory_space<vmem_shared>> -> memref<136x32xf32, #tpu.memory_space<vmem_shared>>
        tpu.wait_dma2 semaphore(%run_scoped3A : memref<!tpu.dma_semaphore, #tpu.memory_space<semaphore_mem>>) src(%dma_wait3A_87 : memref<136x32xf32, #tpu.memory_space<vmem_shared>>) dst(%dma_wait3A_85 : memref<136x32xf32, #tpu.memory_space<hbm>>)
        tpu.yield
      }) : () -> ()
      "tpu.region"() ({
        %run_scoped3A = tpu.sem_alloc : memref<!tpu.dma_semaphore, #tpu.memory_space<semaphore_mem>>
        %dma_start3A = arith.constant 0 : i32
        %dma_start3A_82 = tpu.memref_slice %arg12[%add3A, %dma_start3A] : memref<50048x32xf32, #tpu.memory_space<vmem_shared>> -> memref<136x32xf32, #tpu.memory_space<vmem_shared>>
        %dma_start3A_83 = arith.constant 0 : i32
        %dma_start3A_84 = tpu.memref_slice %arg12[%add3A, %dma_start3A_83] : memref<50048x32xf32, #tpu.memory_space<vmem_shared>> -> memref<136x32xf32, #tpu.memory_space<vmem_shared>>
        tpu.enqueue_dma source(%arg17 : memref<136x32xf32, #tpu.memory_space<vmem>>) target(%dma_start3A_84 : memref<136x32xf32, #tpu.memory_space<vmem_shared>>) target_semaphore(%run_scoped3A : memref<!tpu.dma_semaphore, #tpu.memory_space<semaphore_mem>>)
        %dma_wait3A = arith.constant 0 : i32
        %dma_wait3A_85 = tpu.memref_slice %arg12[%add3A, %dma_wait3A] : memref<50048x32xf32, #tpu.memory_space<vmem_shared>> -> memref<136x32xf32, #tpu.memory_space<vmem_shared>>
        %dma_wait3A_86 = arith.constant 0 : i32
        %dma_wait3A_87 = tpu.memref_slice %arg12[%add3A, %dma_wait3A_86] : memref<50048x32xf32, #tpu.memory_space<vmem_shared>> -> memref<136x32xf32, #tpu.memory_space<vmem_shared>>
        tpu.wait_dma2 semaphore(%run_scoped3A : memref<!tpu.dma_semaphore, #tpu.memory_space<semaphore_mem>>) src(%arg17 : memref<136x32xf32, #tpu.memory_space<vmem>>) dst(%dma_wait3A_87 : memref<136x32xf32, #tpu.memory_space<vmem_shared>>)
        tpu.yield
      }) : () -> ()
      %scan3A_81 = arith.constant 0 : i32
      scf.yield %scan3A_81 : i32
    }
    %scan3A_40 = arith.constant 23 : i32
    %barrier3A_41 = arith.constant 0 : index
    tpu.barrier barrier_id(%barrier3A_41)
    %scan3A_42 = arith.constant 0 : i32
    %scan3A_43 = arith.constant 0 : i32
    %scan3A_44 = arith.constant 15 : i32
    %scan3A_45 = arith.addi %scan3A_43, %scan3A_44 : i32
    %scan3A_46 = arith.constant 1 : i32
    %scan3A_47 = scf.for %scan3A_74 = %scan3A_43 to %scan3A_45 step %scan3A_46 iter_args(%scan3A_75 = %scan3A_42) -> (i32)  : i32 {
      %mul3A_76 = arith.constant 390 : i32
      %mul3A_77 = arith.muli %arg1, %mul3A_76 : i32
      %mul3A_78 = arith.constant 26 : i32
      %mul3A_79 = arith.muli %scan3A_74, %mul3A_78 : i32
      %add3A = arith.addi %mul3A_77, %mul3A_79 : i32
      %dma_start3A = arith.constant 0 : i32
      %dma_start3A_80 = arith.constant 0 : i32
      %dma_start3A_81 = arith.constant 0 : i32
      %dma_start3A_82 = tpu.memref_slice %arg5[%dma_start3A, %dma_start3A_80, %dma_start3A_81] : memref<2x6250x128xi32, #tpu.memory_space<hbm>> -> memref<1x6250x128xi32, #tpu.memory_space<hbm>>
      %dma_start3A_83 = tpu.memref_squeeze %dma_start3A_82 : memref<1x6250x128xi32, #tpu.memory_space<hbm>> -> memref<6250x128xi32, #tpu.memory_space<hbm>>
      %dma_start3A_84 = arith.constant 0 : i32
      %dma_start3A_85 = tpu.memref_slice %dma_start3A_83[%add3A, %dma_start3A_84] : memref<6250x128xi32, #tpu.memory_space<hbm>> -> memref<26x128xi32, #tpu.memory_space<hbm>>
      %dma_start3A_86 = arith.constant 0 : i32
      %dma_start3A_87 = arith.constant 0 : i32
      %dma_start3A_88 = tpu.memref_slice %arg5[%dma_start3A, %dma_start3A_86, %dma_start3A_87] : memref<2x6250x128xi32, #tpu.memory_space<hbm>> -> memref<1x6250x128xi32, #tpu.memory_space<hbm>>
      %dma_start3A_89 = tpu.memref_squeeze %dma_start3A_88 : memref<1x6250x128xi32, #tpu.memory_space<hbm>> -> memref<6250x128xi32, #tpu.memory_space<hbm>>
      %dma_start3A_90 = arith.constant 0 : i32
      %dma_start3A_91 = tpu.memref_slice %dma_start3A_89[%add3A, %dma_start3A_90] : memref<6250x128xi32, #tpu.memory_space<hbm>> -> memref<26x128xi32, #tpu.memory_space<hbm>>
      tpu.enqueue_dma source(%dma_start3A_91 : memref<26x128xi32, #tpu.memory_space<hbm>>) target(%arg13 : memref<26x128xi32, #tpu.memory_space<vmem>>) target_semaphore(%arg19 : memref<!tpu.dma_semaphore, #tpu.memory_space<semaphore_mem>>)
      %dma_start3A_92 = arith.constant 1 : i32
      %dma_start3A_93 = arith.constant 0 : i32
      %dma_start3A_94 = arith.constant 0 : i32
      %dma_start3A_95 = tpu.memref_slice %arg5[%dma_start3A_92, %dma_start3A_93, %dma_start3A_94] : memref<2x6250x128xi32, #tpu.memory_space<hbm>> -> memref<1x6250x128xi32, #tpu.memory_space<hbm>>
      %dma_start3A_96 = tpu.memref_squeeze %dma_start3A_95 : memref<1x6250x128xi32, #tpu.memory_space<hbm>> -> memref<6250x128xi32, #tpu.memory_space<hbm>>
      %dma_start3A_97 = arith.constant 0 : i32
      %dma_start3A_98 = tpu.memref_slice %dma_start3A_96[%add3A, %dma_start3A_97] : memref<6250x128xi32, #tpu.memory_space<hbm>> -> memref<26x128xi32, #tpu.memory_space<hbm>>
      %dma_start3A_99 = arith.constant 0 : i32
      %dma_start3A_100 = arith.constant 0 : i32
      %dma_start3A_101 = tpu.memref_slice %arg5[%dma_start3A_92, %dma_start3A_99, %dma_start3A_100] : memref<2x6250x128xi32, #tpu.memory_space<hbm>> -> memref<1x6250x128xi32, #tpu.memory_space<hbm>>
      %dma_start3A_102 = tpu.memref_squeeze %dma_start3A_101 : memref<1x6250x128xi32, #tpu.memory_space<hbm>> -> memref<6250x128xi32, #tpu.memory_space<hbm>>
      %dma_start3A_103 = arith.constant 0 : i32
      %dma_start3A_104 = tpu.memref_slice %dma_start3A_102[%add3A, %dma_start3A_103] : memref<6250x128xi32, #tpu.memory_space<hbm>> -> memref<26x128xi32, #tpu.memory_space<hbm>>
      tpu.enqueue_dma source(%dma_start3A_104 : memref<26x128xi32, #tpu.memory_space<hbm>>) target(%arg14 : memref<26x128xi32, #tpu.memory_space<vmem>>) target_semaphore(%arg19 : memref<!tpu.dma_semaphore, #tpu.memory_space<semaphore_mem>>)
      %dma_start3A_105 = arith.constant 0 : i32
      %dma_start3A_106 = tpu.memref_slice %arg6[%add3A, %dma_start3A_105] : memref<6250x128xf32, #tpu.memory_space<hbm>> -> memref<26x128xf32, #tpu.memory_space<hbm>>
      %dma_start3A_107 = arith.constant 0 : i32
      %dma_start3A_108 = tpu.memref_slice %arg6[%add3A, %dma_start3A_107] : memref<6250x128xf32, #tpu.memory_space<hbm>> -> memref<26x128xf32, #tpu.memory_space<hbm>>
      tpu.enqueue_dma source(%dma_start3A_108 : memref<26x128xf32, #tpu.memory_space<hbm>>) target(%arg15 : memref<26x128xf32, #tpu.memory_space<vmem>>) target_semaphore(%arg19 : memref<!tpu.dma_semaphore, #tpu.memory_space<semaphore_mem>>)
      %dma_wait3A = arith.constant 0 : i32
      %dma_wait3A_109 = arith.constant 0 : i32
      %dma_wait3A_110 = arith.constant 0 : i32
      %dma_wait3A_111 = tpu.memref_slice %arg5[%dma_wait3A, %dma_wait3A_109, %dma_wait3A_110] : memref<2x6250x128xi32, #tpu.memory_space<hbm>> -> memref<1x6250x128xi32, #tpu.memory_space<hbm>>
      %dma_wait3A_112 = tpu.memref_squeeze %dma_wait3A_111 : memref<1x6250x128xi32, #tpu.memory_space<hbm>> -> memref<6250x128xi32, #tpu.memory_space<hbm>>
      %dma_wait3A_113 = arith.constant 0 : i32
      %dma_wait3A_114 = tpu.memref_slice %dma_wait3A_112[%add3A, %dma_wait3A_113] : memref<6250x128xi32, #tpu.memory_space<hbm>> -> memref<26x128xi32, #tpu.memory_space<hbm>>
      %dma_wait3A_115 = arith.constant 0 : i32
      %dma_wait3A_116 = arith.constant 0 : i32
      %dma_wait3A_117 = tpu.memref_slice %arg5[%dma_wait3A, %dma_wait3A_115, %dma_wait3A_116] : memref<2x6250x128xi32, #tpu.memory_space<hbm>> -> memref<1x6250x128xi32, #tpu.memory_space<hbm>>
      %dma_wait3A_118 = tpu.memref_squeeze %dma_wait3A_117 : memref<1x6250x128xi32, #tpu.memory_space<hbm>> -> memref<6250x128xi32, #tpu.memory_space<hbm>>
      %dma_wait3A_119 = arith.constant 0 : i32
      %dma_wait3A_120 = tpu.memref_slice %dma_wait3A_118[%add3A, %dma_wait3A_119] : memref<6250x128xi32, #tpu.memory_space<hbm>> -> memref<26x128xi32, #tpu.memory_space<hbm>>
      tpu.wait_dma2 semaphore(%arg19 : memref<!tpu.dma_semaphore, #tpu.memory_space<semaphore_mem>>) src(%dma_wait3A_120 : memref<26x128xi32, #tpu.memory_space<hbm>>) dst(%arg13 : memref<26x128xi32, #tpu.memory_space<vmem>>)
      %dma_wait3A_121 = arith.constant 1 : i32
      %dma_wait3A_122 = arith.constant 0 : i32
      %dma_wait3A_123 = arith.constant 0 : i32
      %dma_wait3A_124 = tpu.memref_slice %arg5[%dma_wait3A_121, %dma_wait3A_122, %dma_wait3A_123] : memref<2x6250x128xi32, #tpu.memory_space<hbm>> -> memref<1x6250x128xi32, #tpu.memory_space<hbm>>
      %dma_wait3A_125 = tpu.memref_squeeze %dma_wait3A_124 : memref<1x6250x128xi32, #tpu.memory_space<hbm>> -> memref<6250x128xi32, #tpu.memory_space<hbm>>
      %dma_wait3A_126 = arith.constant 0 : i32
      %dma_wait3A_127 = tpu.memref_slice %dma_wait3A_125[%add3A, %dma_wait3A_126] : memref<6250x128xi32, #tpu.memory_space<hbm>> -> memref<26x128xi32, #tpu.memory_space<hbm>>
      %dma_wait3A_128 = arith.constant 0 : i32
      %dma_wait3A_129 = arith.constant 0 : i32
      %dma_wait3A_130 = tpu.memref_slice %arg5[%dma_wait3A_121, %dma_wait3A_128, %dma_wait3A_129] : memref<2x6250x128xi32, #tpu.memory_space<hbm>> -> memref<1x6250x128xi32, #tpu.memory_space<hbm>>
      %dma_wait3A_131 = tpu.memref_squeeze %dma_wait3A_130 : memref<1x6250x128xi32, #tpu.memory_space<hbm>> -> memref<6250x128xi32, #tpu.memory_space<hbm>>
      %dma_wait3A_132 = arith.constant 0 : i32
      %dma_wait3A_133 = tpu.memref_slice %dma_wait3A_131[%add3A, %dma_wait3A_132] : memref<6250x128xi32, #tpu.memory_space<hbm>> -> memref<26x128xi32, #tpu.memory_space<hbm>>
      tpu.wait_dma2 semaphore(%arg19 : memref<!tpu.dma_semaphore, #tpu.memory_space<semaphore_mem>>) src(%dma_wait3A_133 : memref<26x128xi32, #tpu.memory_space<hbm>>) dst(%arg14 : memref<26x128xi32, #tpu.memory_space<vmem>>)
      %dma_wait3A_134 = arith.constant 0 : i32
      %dma_wait3A_135 = tpu.memref_slice %arg6[%add3A, %dma_wait3A_134] : memref<6250x128xf32, #tpu.memory_space<hbm>> -> memref<26x128xf32, #tpu.memory_space<hbm>>
      %dma_wait3A_136 = arith.constant 0 : i32
      %dma_wait3A_137 = tpu.memref_slice %arg6[%add3A, %dma_wait3A_136] : memref<6250x128xf32, #tpu.memory_space<hbm>> -> memref<26x128xf32, #tpu.memory_space<hbm>>
      tpu.wait_dma2 semaphore(%arg19 : memref<!tpu.dma_semaphore, #tpu.memory_space<semaphore_mem>>) src(%dma_wait3A_137 : memref<26x128xf32, #tpu.memory_space<hbm>>) dst(%arg15 : memref<26x128xf32, #tpu.memory_space<vmem>>)
      %rem3A = arith.constant 0 : i32
      %rem3A_138 = arith.constant 4 : i32
      %rem3A_139 = arith.remsi %rem3A, %rem3A_138 : i32
      %mul3A_140 = arith.constant 128 : i32
      %mul3A_141 = arith.muli %rem3A_139, %mul3A_140 : i32
      %dma_start3A_142 = arith.constant 0 : i32
      %dma_start3A_143 = arith.constant 0 : i32
      %dma_start3A_144 = tpu.memref_slice %arg16[%mul3A_141, %dma_start3A_143] : memref<512x32xf32, #tpu.memory_space<vmem>> -> memref<128x32xf32, #tpu.memory_space<vmem>>
      %dma_start3A_145 = arith.constant 0 : i32
      %dma_start3A_146 = tpu.memref_slice %arg14[%dma_start3A_142, %dma_start3A_145] : memref<26x128xi32, #tpu.memory_space<vmem>> -> memref<1x128xi32, #tpu.memory_space<vmem>>
      %dma_start3A_147 = tpu.memref_squeeze %dma_start3A_146 : memref<1x128xi32, #tpu.memory_space<vmem>> -> memref<128xi32, #tpu.memory_space<vmem>>
      %dma_start3A_148 = arith.constant 0 : i32
      %dma_start3A_149 = tpu.memref_slice %arg10[%mul3A_0, %dma_start3A_148] : memref<100096x32xf32, #tpu.memory_space<hbm>> -> memref<50048x32xf32, #tpu.memory_space<hbm>>
      %dma_start3A_150 = arith.constant 0 : i32
      %dma_start3A_151 = arith.constant 0 : i32
      %dma_start3A_152 = tpu.memref_slice %dma_start3A_149[%dma_start3A_150, %dma_start3A_151] : memref<50048x32xf32, #tpu.memory_space<hbm>> -> memref<50048x32xf32, #tpu.memory_space<hbm>>
      tpu.enqueue_indirect_dma source(%dma_start3A_152 : memref<50048x32xf32, #tpu.memory_space<hbm>>) target(%dma_start3A_144 : memref<128x32xf32, #tpu.memory_space<vmem>>) offsets(%dma_start3A_147 : memref<128xi32, #tpu.memory_space<vmem>>) semaphore(%arg20 : memref<!tpu.dma_semaphore, #tpu.memory_space<semaphore_mem>>)
      %rem3A_153 = arith.constant 1 : i32
      %rem3A_154 = arith.constant 4 : i32
      %rem3A_155 = arith.remsi %rem3A_153, %rem3A_154 : i32
      %mul3A_156 = arith.constant 128 : i32
      %mul3A_157 = arith.muli %rem3A_155, %mul3A_156 : i32
      %dma_start3A_158 = arith.constant 1 : i32
      %dma_start3A_159 = arith.constant 0 : i32
      %dma_start3A_160 = tpu.memref_slice %arg16[%mul3A_157, %dma_start3A_159] : memref<512x32xf32, #tpu.memory_space<vmem>> -> memref<128x32xf32, #tpu.memory_space<vmem>>
      %dma_start3A_161 = arith.constant 0 : i32
      %dma_start3A_162 = tpu.memref_slice %arg14[%dma_start3A_158, %dma_start3A_161] : memref<26x128xi32, #tpu.memory_space<vmem>> -> memref<1x128xi32, #tpu.memory_space<vmem>>
      %dma_start3A_163 = tpu.memref_squeeze %dma_start3A_162 : memref<1x128xi32, #tpu.memory_space<vmem>> -> memref<128xi32, #tpu.memory_space<vmem>>
      %dma_start3A_164 = arith.constant 0 : i32
      %dma_start3A_165 = tpu.memref_slice %arg10[%mul3A_0, %dma_start3A_164] : memref<100096x32xf32, #tpu.memory_space<hbm>> -> memref<50048x32xf32, #tpu.memory_space<hbm>>
      %dma_start3A_166 = arith.constant 0 : i32
      %dma_start3A_167 = arith.constant 0 : i32
      %dma_start3A_168 = tpu.memref_slice %dma_start3A_165[%dma_start3A_166, %dma_start3A_167] : memref<50048x32xf32, #tpu.memory_space<hbm>> -> memref<50048x32xf32, #tpu.memory_space<hbm>>
      tpu.enqueue_indirect_dma source(%dma_start3A_168 : memref<50048x32xf32, #tpu.memory_space<hbm>>) target(%dma_start3A_160 : memref<128x32xf32, #tpu.memory_space<vmem>>) offsets(%dma_start3A_163 : memref<128xi32, #tpu.memory_space<vmem>>) semaphore(%arg20 : memref<!tpu.dma_semaphore, #tpu.memory_space<semaphore_mem>>)
      %rem3A_169 = arith.constant 2 : i32
      %rem3A_170 = arith.constant 4 : i32
      %rem3A_171 = arith.remsi %rem3A_169, %rem3A_170 : i32
      %mul3A_172 = arith.constant 128 : i32
      %mul3A_173 = arith.muli %rem3A_171, %mul3A_172 : i32
      %dma_start3A_174 = arith.constant 2 : i32
      %dma_start3A_175 = arith.constant 0 : i32
      %dma_start3A_176 = tpu.memref_slice %arg16[%mul3A_173, %dma_start3A_175] : memref<512x32xf32, #tpu.memory_space<vmem>> -> memref<128x32xf32, #tpu.memory_space<vmem>>
      %dma_start3A_177 = arith.constant 0 : i32
      %dma_start3A_178 = tpu.memref_slice %arg14[%dma_start3A_174, %dma_start3A_177] : memref<26x128xi32, #tpu.memory_space<vmem>> -> memref<1x128xi32, #tpu.memory_space<vmem>>
      %dma_start3A_179 = tpu.memref_squeeze %dma_start3A_178 : memref<1x128xi32, #tpu.memory_space<vmem>> -> memref<128xi32, #tpu.memory_space<vmem>>
      %dma_start3A_180 = arith.constant 0 : i32
      %dma_start3A_181 = tpu.memref_slice %arg10[%mul3A_0, %dma_start3A_180] : memref<100096x32xf32, #tpu.memory_space<hbm>> -> memref<50048x32xf32, #tpu.memory_space<hbm>>
      %dma_start3A_182 = arith.constant 0 : i32
      %dma_start3A_183 = arith.constant 0 : i32
      %dma_start3A_184 = tpu.memref_slice %dma_start3A_181[%dma_start3A_182, %dma_start3A_183] : memref<50048x32xf32, #tpu.memory_space<hbm>> -> memref<50048x32xf32, #tpu.memory_space<hbm>>
      tpu.enqueue_indirect_dma source(%dma_start3A_184 : memref<50048x32xf32, #tpu.memory_space<hbm>>) target(%dma_start3A_176 : memref<128x32xf32, #tpu.memory_space<vmem>>) offsets(%dma_start3A_179 : memref<128xi32, #tpu.memory_space<vmem>>) semaphore(%arg20 : memref<!tpu.dma_semaphore, #tpu.memory_space<semaphore_mem>>)
      %scan3A_185 = arith.constant 0 : i32
      %scan3A_186 = arith.constant 0 : i32
      %scan3A_187 = arith.constant 26 : i32
      %scan3A_188 = arith.addi %scan3A_186, %scan3A_187 : i32
      %scan3A_189 = arith.constant 1 : i32
      %scan3A_190 = scf.for %scan3A_233 = %scan3A_186 to %scan3A_188 step %scan3A_189 iter_args(%scan3A_234 = %scan3A_185) -> (i32)  : i32 {
        %add3A_235 = arith.constant 3 : i32
        %add3A_236 = arith.addi %scan3A_233, %add3A_235 : i32
        %lt3A_237 = arith.constant 26 : i32
        %lt3A_238 = arith.cmpi slt, %add3A_236, %lt3A_237 : i32
        %convert_element_type3A_239 = arith.extui %lt3A_238 : i1 to i32
        %cond3A_240 = arith.constant 0 : i32
        %cond3A_241 = arith.cmpi ne, %convert_element_type3A_239, %cond3A_240 : i32
        scf.if %cond3A_241 {
          %ge3A = arith.constant 1 : i32
          %ge3A_274 = arith.cmpi sge, %scan3A_233, %ge3A : i32
          %convert_element_type3A_275 = arith.extui %ge3A_274 : i1 to i32
          %cond3A_276 = arith.constant 0 : i32
          %cond3A_277 = arith.cmpi ne, %convert_element_type3A_275, %cond3A_276 : i32
          scf.if %cond3A_277 {
            %dma_wait3A_294 = arith.constant 0 : i32
            %dma_wait3A_295 = arith.constant 0 : i32
            %dma_wait3A_296 = arith.constant 0 : i32
            %dma_wait3A_297 = tpu.memref_slice %arg16[%dma_wait3A_295, %dma_wait3A_296] : memref<512x32xf32, #tpu.memory_space<vmem>> -> memref<128x32xf32, #tpu.memory_space<vmem>>
            %dma_wait3A_298 = arith.constant 0 : i32
            %dma_wait3A_299 = tpu.memref_slice %arg13[%dma_wait3A_294, %dma_wait3A_298] : memref<26x128xi32, #tpu.memory_space<vmem>> -> memref<1x128xi32, #tpu.memory_space<vmem>>
            %dma_wait3A_300 = tpu.memref_squeeze %dma_wait3A_299 : memref<1x128xi32, #tpu.memory_space<vmem>> -> memref<128xi32, #tpu.memory_space<vmem>>
            %dma_wait3A_301 = arith.constant 0 : i32
            %dma_wait3A_302 = arith.constant 0 : i32
            %dma_wait3A_303 = tpu.memref_slice %arg12[%dma_wait3A_301, %dma_wait3A_302] : memref<50048x32xf32, #tpu.memory_space<vmem_shared>> -> memref<50048x32xf32, #tpu.memory_space<vmem_shared>>
            tpu.wait_indirect_dma semaphore(%arg21 : memref<!tpu.dma_semaphore, #tpu.memory_space<semaphore_mem>>) src(%dma_wait3A_297 : memref<128x32xf32, #tpu.memory_space<vmem>>) dst(%dma_wait3A_303 : memref<50048x32xf32, #tpu.memory_space<vmem_shared>>)
          } else {
          }
          %add3A_278 = arith.constant 3 : i32
          %add3A_279 = arith.addi %scan3A_233, %add3A_278 : i32
          %rem3A_280 = arith.constant 4 : i32
          %rem3A_281 = arith.remsi %add3A_279, %rem3A_280 : i32
          %mul3A_282 = arith.constant 128 : i32
          %mul3A_283 = arith.muli %rem3A_281, %mul3A_282 : i32
          %dma_start3A_284 = arith.constant 0 : i32
          %dma_start3A_285 = tpu.memref_slice %arg16[%mul3A_283, %dma_start3A_284] : memref<512x32xf32, #tpu.memory_space<vmem>> -> memref<128x32xf32, #tpu.memory_space<vmem>>
          %dma_start3A_286 = arith.constant 0 : i32
          %dma_start3A_287 = tpu.memref_slice %arg14[%add3A_279, %dma_start3A_286] : memref<26x128xi32, #tpu.memory_space<vmem>> -> memref<1x128xi32, #tpu.memory_space<vmem>>
          %dma_start3A_288 = tpu.memref_squeeze %dma_start3A_287 : memref<1x128xi32, #tpu.memory_space<vmem>> -> memref<128xi32, #tpu.memory_space<vmem>>
          %dma_start3A_289 = arith.constant 0 : i32
          %dma_start3A_290 = tpu.memref_slice %arg10[%mul3A_0, %dma_start3A_289] : memref<100096x32xf32, #tpu.memory_space<hbm>> -> memref<50048x32xf32, #tpu.memory_space<hbm>>
          %dma_start3A_291 = arith.constant 0 : i32
          %dma_start3A_292 = arith.constant 0 : i32
          %dma_start3A_293 = tpu.memref_slice %dma_start3A_290[%dma_start3A_291, %dma_start3A_292] : memref<50048x32xf32, #tpu.memory_space<hbm>> -> memref<50048x32xf32, #tpu.memory_space<hbm>>
          tpu.enqueue_indirect_dma source(%dma_start3A_293 : memref<50048x32xf32, #tpu.memory_space<hbm>>) target(%dma_start3A_285 : memref<128x32xf32, #tpu.memory_space<vmem>>) offsets(%dma_start3A_288 : memref<128xi32, #tpu.memory_space<vmem>>) semaphore(%arg20 : memref<!tpu.dma_semaphore, #tpu.memory_space<semaphore_mem>>)
        } else {
        }
        %dma_wait3A_242 = arith.constant 0 : i32
        %dma_wait3A_243 = arith.constant 0 : i32
        %dma_wait3A_244 = arith.constant 0 : i32
        %dma_wait3A_245 = tpu.memref_slice %arg16[%dma_wait3A_243, %dma_wait3A_244] : memref<512x32xf32, #tpu.memory_space<vmem>> -> memref<128x32xf32, #tpu.memory_space<vmem>>
        %dma_wait3A_246 = arith.constant 0 : i32
        %dma_wait3A_247 = tpu.memref_slice %arg14[%dma_wait3A_242, %dma_wait3A_246] : memref<26x128xi32, #tpu.memory_space<vmem>> -> memref<1x128xi32, #tpu.memory_space<vmem>>
        %dma_wait3A_248 = tpu.memref_squeeze %dma_wait3A_247 : memref<1x128xi32, #tpu.memory_space<vmem>> -> memref<128xi32, #tpu.memory_space<vmem>>
        %dma_wait3A_249 = arith.constant 0 : i32
        %dma_wait3A_250 = tpu.memref_slice %arg10[%mul3A_0, %dma_wait3A_249] : memref<100096x32xf32, #tpu.memory_space<hbm>> -> memref<50048x32xf32, #tpu.memory_space<hbm>>
        %dma_wait3A_251 = arith.constant 0 : i32
        %dma_wait3A_252 = arith.constant 0 : i32
        %dma_wait3A_253 = tpu.memref_slice %dma_wait3A_250[%dma_wait3A_251, %dma_wait3A_252] : memref<50048x32xf32, #tpu.memory_space<hbm>> -> memref<50048x32xf32, #tpu.memory_space<hbm>>
        tpu.wait_indirect_dma semaphore(%arg20 : memref<!tpu.dma_semaphore, #tpu.memory_space<semaphore_mem>>) src(%dma_wait3A_253 : memref<50048x32xf32, #tpu.memory_space<hbm>>) dst(%dma_wait3A_245 : memref<128x32xf32, #tpu.memory_space<vmem>>)
        %rem3A_254 = arith.constant 4 : i32
        %rem3A_255 = arith.remsi %scan3A_233, %rem3A_254 : i32
        %mul3A_256 = arith.constant 128 : i32
        %mul3A_257 = arith.muli %rem3A_255, %mul3A_256 : i32
        %scan3A_258 = arith.constant 0 : i32
        %scan3A_259 = arith.constant 0 : i32
        %scan3A_260 = arith.constant 8 : i32
        %scan3A_261 = arith.addi %scan3A_259, %scan3A_260 : i32
        %scan3A_262 = arith.constant 1 : i32
        %scan3A_263 = scf.for %scan3A_274 = %scan3A_259 to %scan3A_261 step %scan3A_262 iter_args(%scan3A_275 = %scan3A_258) -> (i32)  : i32 {
          %mul3A_276 = arith.constant 16 : i32
          %mul3A_277 = arith.muli %scan3A_274, %mul3A_276 : i32
          %get3A_278 = arith.index_cast %scan3A_233 : i32 to index
          %get3A_279 = arith.index_cast %mul3A_277 : i32 to index
          %get3A_280 = tpu.vector_load %arg15[%get3A_278, %get3A_279] {strides = array<i32>} : memref<26x128xf32, #tpu.memory_space<vmem>>, vector<1x16xf32>,
          %get3A_281 = vector.shape_cast %get3A_280 : vector<1x16xf32> to vector<16xf32>
          %mul3A_282 = arith.mulf %get3A_281, %gather3A_19 : vector<16xf32>
          %broadcast_in_dim3A_283 = arith.constant 0 : i32
          %broadcast_in_dim3A_284 = vector.broadcast %broadcast_in_dim3A_283 : i32 to vector<16x1xi32>
          %gather3A_285 = vector.shape_cast %broadcast_in_dim3A_284 : vector<16x1xi32> to vector<16xi32>
          %gather3A_286 = tpu.dynamic_gather %mul3A_282[%gather3A_285] in [0] : vector<16xf32>, vector<16xi32> -> vector<16xf32>
          %mul3A_287 = arith.constant 16 : i32
          %mul3A_288 = arith.muli %scan3A_274, %mul3A_287 : i32
          %add3A_289 = arith.addi %mul3A_257, %mul3A_288 : i32
          %add3A_290 = arith.constant 0 : i32
          %add3A_291 = arith.addi %add3A_289, %add3A_290 : i32
          %get3A_292 = arith.index_cast %add3A_291 : i32 to index
          %get3A_293 = arith.constant 0 : index
          %get3A_294 = tpu.vector_load %arg16[%get3A_292, %get3A_293] {strides = array<i32>} : memref<512x32xf32, #tpu.memory_space<vmem>>, vector<1x16xf32>,
          %get3A_295 = vector.shape_cast %get3A_294 : vector<1x16xf32> to vector<16xf32>
          %mul3A_296 = arith.mulf %get3A_295, %gather3A_286 : vector<16xf32>
          %swap3A = arith.index_cast %add3A_291 : i32 to index
          %swap3A_297 = arith.constant 0 : index
          %swap3A_298 = tpu.vector_load %arg16[%swap3A, %swap3A_297] {strides = array<i32>} : memref<512x32xf32, #tpu.memory_space<vmem>>, vector<1x16xf32>,
          %swap3A_299 = vector.shape_cast %swap3A_298 : vector<1x16xf32> to vector<16xf32>
          %swap3A_300 = vector.shape_cast %mul3A_296 : vector<16xf32> to vector<1x16xf32>
          tpu.vector_store %arg16[%swap3A, %swap3A_297], %swap3A_300 {strides = array<i32>} : memref<512x32xf32, #tpu.memory_space<vmem>>, vector<1x16xf32>,
          %get3A_301 = arith.index_cast %add3A_291 : i32 to index
          %get3A_302 = arith.constant 16 : index
          %get3A_303 = tpu.vector_load %arg16[%get3A_301, %get3A_302] {strides = array<i32>} : memref<512x32xf32, #tpu.memory_space<vmem>>, vector<1x16xf32>,
          %get3A_304 = vector.shape_cast %get3A_303 : vector<1x16xf32> to vector<16xf32>
          %mul3A_305 = arith.mulf %get3A_304, %gather3A_286 : vector<16xf32>
          %swap3A_306 = arith.index_cast %add3A_291 : i32 to index
          %swap3A_307 = arith.constant 16 : index
          %swap3A_308 = tpu.vector_load %arg16[%swap3A_306, %swap3A_307] {strides = array<i32>} : memref<512x32xf32, #tpu.memory_space<vmem>>, vector<1x16xf32>,
          %swap3A_309 = vector.shape_cast %swap3A_308 : vector<1x16xf32> to vector<16xf32>
          %swap3A_310 = vector.shape_cast %mul3A_305 : vector<16xf32> to vector<1x16xf32>
          tpu.vector_store %arg16[%swap3A_306, %swap3A_307], %swap3A_310 {strides = array<i32>} : memref<512x32xf32, #tpu.memory_space<vmem>>, vector<1x16xf32>,
          %broadcast_in_dim3A_311 = arith.constant 1 : i32
          %broadcast_in_dim3A_312 = vector.broadcast %broadcast_in_dim3A_311 : i32 to vector<16x1xi32>
          %gather3A_313 = vector.shape_cast %broadcast_in_dim3A_312 : vector<16x1xi32> to vector<16xi32>
          %gather3A_314 = tpu.dynamic_gather %mul3A_282[%gather3A_313] in [0] : vector<16xf32>, vector<16xi32> -> vector<16xf32>
          %mul3A_315 = arith.constant 16 : i32
          %mul3A_316 = arith.muli %scan3A_274, %mul3A_315 : i32
          %add3A_317 = arith.addi %mul3A_257, %mul3A_316 : i32
          %add3A_318 = arith.constant 1 : i32
          %add3A_319 = arith.addi %add3A_317, %add3A_318 : i32
          %get3A_320 = arith.index_cast %add3A_319 : i32 to index
          %get3A_321 = arith.constant 0 : index
          %get3A_322 = tpu.vector_load %arg16[%get3A_320, %get3A_321] {strides = array<i32>} : memref<512x32xf32, #tpu.memory_space<vmem>>, vector<1x16xf32>,
          %get3A_323 = vector.shape_cast %get3A_322 : vector<1x16xf32> to vector<16xf32>
          %mul3A_324 = arith.mulf %get3A_323, %gather3A_314 : vector<16xf32>
          %swap3A_325 = arith.index_cast %add3A_319 : i32 to index
          %swap3A_326 = arith.constant 0 : index
          %swap3A_327 = tpu.vector_load %arg16[%swap3A_325, %swap3A_326] {strides = array<i32>} : memref<512x32xf32, #tpu.memory_space<vmem>>, vector<1x16xf32>,
          %swap3A_328 = vector.shape_cast %swap3A_327 : vector<1x16xf32> to vector<16xf32>
          %swap3A_329 = vector.shape_cast %mul3A_324 : vector<16xf32> to vector<1x16xf32>
          tpu.vector_store %arg16[%swap3A_325, %swap3A_326], %swap3A_329 {strides = array<i32>} : memref<512x32xf32, #tpu.memory_space<vmem>>, vector<1x16xf32>,
          %get3A_330 = arith.index_cast %add3A_319 : i32 to index
          %get3A_331 = arith.constant 16 : index
          %get3A_332 = tpu.vector_load %arg16[%get3A_330, %get3A_331] {strides = array<i32>} : memref<512x32xf32, #tpu.memory_space<vmem>>, vector<1x16xf32>,
          %get3A_333 = vector.shape_cast %get3A_332 : vector<1x16xf32> to vector<16xf32>
          %mul3A_334 = arith.mulf %get3A_333, %gather3A_314 : vector<16xf32>
          %swap3A_335 = arith.index_cast %add3A_319 : i32 to index
          %swap3A_336 = arith.constant 16 : index
          %swap3A_337 = tpu.vector_load %arg16[%swap3A_335, %swap3A_336] {strides = array<i32>} : memref<512x32xf32, #tpu.memory_space<vmem>>, vector<1x16xf32>,
          %swap3A_338 = vector.shape_cast %swap3A_337 : vector<1x16xf32> to vector<16xf32>
          %swap3A_339 = vector.shape_cast %mul3A_334 : vector<16xf32> to vector<1x16xf32>
          tpu.vector_store %arg16[%swap3A_335, %swap3A_336], %swap3A_339 {strides = array<i32>} : memref<512x32xf32, #tpu.memory_space<vmem>>, vector<1x16xf32>,
          %broadcast_in_dim3A_340 = arith.constant 2 : i32
          %broadcast_in_dim3A_341 = vector.broadcast %broadcast_in_dim3A_340 : i32 to vector<16x1xi32>
          %gather3A_342 = vector.shape_cast %broadcast_in_dim3A_341 : vector<16x1xi32> to vector<16xi32>
          %gather3A_343 = tpu.dynamic_gather %mul3A_282[%gather3A_342] in [0] : vector<16xf32>, vector<16xi32> -> vector<16xf32>
          %mul3A_344 = arith.constant 16 : i32
          %mul3A_345 = arith.muli %scan3A_274, %mul3A_344 : i32
          %add3A_346 = arith.addi %mul3A_257, %mul3A_345 : i32
          %add3A_347 = arith.constant 2 : i32
          %add3A_348 = arith.addi %add3A_346, %add3A_347 : i32
          %get3A_349 = arith.index_cast %add3A_348 : i32 to index
          %get3A_350 = arith.constant 0 : index
          %get3A_351 = tpu.vector_load %arg16[%get3A_349, %get3A_350] {strides = array<i32>} : memref<512x32xf32, #tpu.memory_space<vmem>>, vector<1x16xf32>,
          %get3A_352 = vector.shape_cast %get3A_351 : vector<1x16xf32> to vector<16xf32>
          %mul3A_353 = arith.mulf %get3A_352, %gather3A_343 : vector<16xf32>
          %swap3A_354 = arith.index_cast %add3A_348 : i32 to index
          %swap3A_355 = arith.constant 0 : index
          %swap3A_356 = tpu.vector_load %arg16[%swap3A_354, %swap3A_355] {strides = array<i32>} : memref<512x32xf32, #tpu.memory_space<vmem>>, vector<1x16xf32>,
          %swap3A_357 = vector.shape_cast %swap3A_356 : vector<1x16xf32> to vector<16xf32>
          %swap3A_358 = vector.shape_cast %mul3A_353 : vector<16xf32> to vector<1x16xf32>
          tpu.vector_store %arg16[%swap3A_354, %swap3A_355], %swap3A_358 {strides = array<i32>} : memref<512x32xf32, #tpu.memory_space<vmem>>, vector<1x16xf32>,
          %get3A_359 = arith.index_cast %add3A_348 : i32 to index
          %get3A_360 = arith.constant 16 : index
          %get3A_361 = tpu.vector_load %arg16[%get3A_359, %get3A_360] {strides = array<i32>} : memref<512x32xf32, #tpu.memory_space<vmem>>, vector<1x16xf32>,
          %get3A_362 = vector.shape_cast %get3A_361 : vector<1x16xf32> to vector<16xf32>
          %mul3A_363 = arith.mulf %get3A_362, %gather3A_343 : vector<16xf32>
          %swap3A_364 = arith.index_cast %add3A_348 : i32 to index
          %swap3A_365 = arith.constant 16 : index
          %swap3A_366 = tpu.vector_load %arg16[%swap3A_364, %swap3A_365] {strides = array<i32>} : memref<512x32xf32, #tpu.memory_space<vmem>>, vector<1x16xf32>,
          %swap3A_367 = vector.shape_cast %swap3A_366 : vector<1x16xf32> to vector<16xf32>
          %swap3A_368 = vector.shape_cast %mul3A_363 : vector<16xf32> to vector<1x16xf32>
          tpu.vector_store %arg16[%swap3A_364, %swap3A_365], %swap3A_368 {strides = array<i32>} : memref<512x32xf32, #tpu.memory_space<vmem>>, vector<1x16xf32>,
          %broadcast_in_dim3A_369 = arith.constant 3 : i32
          %broadcast_in_dim3A_370 = vector.broadcast %broadcast_in_dim3A_369 : i32 to vector<16x1xi32>
          %gather3A_371 = vector.shape_cast %broadcast_in_dim3A_370 : vector<16x1xi32> to vector<16xi32>
          %gather3A_372 = tpu.dynamic_gather %mul3A_282[%gather3A_371] in [0] : vector<16xf32>, vector<16xi32> -> vector<16xf32>
          %mul3A_373 = arith.constant 16 : i32
          %mul3A_374 = arith.muli %scan3A_274, %mul3A_373 : i32
          %add3A_375 = arith.addi %mul3A_257, %mul3A_374 : i32
          %add3A_376 = arith.constant 3 : i32
          %add3A_377 = arith.addi %add3A_375, %add3A_376 : i32
          %get3A_378 = arith.index_cast %add3A_377 : i32 to index
          %get3A_379 = arith.constant 0 : index
          %get3A_380 = tpu.vector_load %arg16[%get3A_378, %get3A_379] {strides = array<i32>} : memref<512x32xf32, #tpu.memory_space<vmem>>, vector<1x16xf32>,
          %get3A_381 = vector.shape_cast %get3A_380 : vector<1x16xf32> to vector<16xf32>
          %mul3A_382 = arith.mulf %get3A_381, %gather3A_372 : vector<16xf32>
          %swap3A_383 = arith.index_cast %add3A_377 : i32 to index
          %swap3A_384 = arith.constant 0 : index
          %swap3A_385 = tpu.vector_load %arg16[%swap3A_383, %swap3A_384] {strides = array<i32>} : memref<512x32xf32, #tpu.memory_space<vmem>>, vector<1x16xf32>,
          %swap3A_386 = vector.shape_cast %swap3A_385 : vector<1x16xf32> to vector<16xf32>
          %swap3A_387 = vector.shape_cast %mul3A_382 : vector<16xf32> to vector<1x16xf32>
          tpu.vector_store %arg16[%swap3A_383, %swap3A_384], %swap3A_387 {strides = array<i32>} : memref<512x32xf32, #tpu.memory_space<vmem>>, vector<1x16xf32>,
          %get3A_388 = arith.index_cast %add3A_377 : i32 to index
          %get3A_389 = arith.constant 16 : index
          %get3A_390 = tpu.vector_load %arg16[%get3A_388, %get3A_389] {strides = array<i32>} : memref<512x32xf32, #tpu.memory_space<vmem>>, vector<1x16xf32>,
          %get3A_391 = vector.shape_cast %get3A_390 : vector<1x16xf32> to vector<16xf32>
          %mul3A_392 = arith.mulf %get3A_391, %gather3A_372 : vector<16xf32>
          %swap3A_393 = arith.index_cast %add3A_377 : i32 to index
          %swap3A_394 = arith.constant 16 : index
          %swap3A_395 = tpu.vector_load %arg16[%swap3A_393, %swap3A_394] {strides = array<i32>} : memref<512x32xf32, #tpu.memory_space<vmem>>, vector<1x16xf32>,
          %swap3A_396 = vector.shape_cast %swap3A_395 : vector<1x16xf32> to vector<16xf32>
          %swap3A_397 = vector.shape_cast %mul3A_392 : vector<16xf32> to vector<1x16xf32>
          tpu.vector_store %arg16[%swap3A_393, %swap3A_394], %swap3A_397 {strides = array<i32>} : memref<512x32xf32, #tpu.memory_space<vmem>>, vector<1x16xf32>,
          %broadcast_in_dim3A_398 = arith.constant 4 : i32
          %broadcast_in_dim3A_399 = vector.broadcast %broadcast_in_dim3A_398 : i32 to vector<16x1xi32>
          %gather3A_400 = vector.shape_cast %broadcast_in_dim3A_399 : vector<16x1xi32> to vector<16xi32>
          %gather3A_401 = tpu.dynamic_gather %mul3A_282[%gather3A_400] in [0] : vector<16xf32>, vector<16xi32> -> vector<16xf32>
          %mul3A_402 = arith.constant 16 : i32
          %mul3A_403 = arith.muli %scan3A_274, %mul3A_402 : i32
          %add3A_404 = arith.addi %mul3A_257, %mul3A_403 : i32
          %add3A_405 = arith.constant 4 : i32
          %add3A_406 = arith.addi %add3A_404, %add3A_405 : i32
          %get3A_407 = arith.index_cast %add3A_406 : i32 to index
          %get3A_408 = arith.constant 0 : index
          %get3A_409 = tpu.vector_load %arg16[%get3A_407, %get3A_408] {strides = array<i32>} : memref<512x32xf32, #tpu.memory_space<vmem>>, vector<1x16xf32>,
          %get3A_410 = vector.shape_cast %get3A_409 : vector<1x16xf32> to vector<16xf32>
          %mul3A_411 = arith.mulf %get3A_410, %gather3A_401 : vector<16xf32>
          %swap3A_412 = arith.index_cast %add3A_406 : i32 to index
          %swap3A_413 = arith.constant 0 : index
          %swap3A_414 = tpu.vector_load %arg16[%swap3A_412, %swap3A_413] {strides = array<i32>} : memref<512x32xf32, #tpu.memory_space<vmem>>, vector<1x16xf32>,
          %swap3A_415 = vector.shape_cast %swap3A_414 : vector<1x16xf32> to vector<16xf32>
          %swap3A_416 = vector.shape_cast %mul3A_411 : vector<16xf32> to vector<1x16xf32>
          tpu.vector_store %arg16[%swap3A_412, %swap3A_413], %swap3A_416 {strides = array<i32>} : memref<512x32xf32, #tpu.memory_space<vmem>>, vector<1x16xf32>,
          %get3A_417 = arith.index_cast %add3A_406 : i32 to index
          %get3A_418 = arith.constant 16 : index
          %get3A_419 = tpu.vector_load %arg16[%get3A_417, %get3A_418] {strides = array<i32>} : memref<512x32xf32, #tpu.memory_space<vmem>>, vector<1x16xf32>,
          %get3A_420 = vector.shape_cast %get3A_419 : vector<1x16xf32> to vector<16xf32>
          %mul3A_421 = arith.mulf %get3A_420, %gather3A_401 : vector<16xf32>
          %swap3A_422 = arith.index_cast %add3A_406 : i32 to index
          %swap3A_423 = arith.constant 16 : index
          %swap3A_424 = tpu.vector_load %arg16[%swap3A_422, %swap3A_423] {strides = array<i32>} : memref<512x32xf32, #tpu.memory_space<vmem>>, vector<1x16xf32>,
          %swap3A_425 = vector.shape_cast %swap3A_424 : vector<1x16xf32> to vector<16xf32>
          %swap3A_426 = vector.shape_cast %mul3A_421 : vector<16xf32> to vector<1x16xf32>
          tpu.vector_store %arg16[%swap3A_422, %swap3A_423], %swap3A_426 {strides = array<i32>} : memref<512x32xf32, #tpu.memory_space<vmem>>, vector<1x16xf32>,
          %broadcast_in_dim3A_427 = arith.constant 5 : i32
          %broadcast_in_dim3A_428 = vector.broadcast %broadcast_in_dim3A_427 : i32 to vector<16x1xi32>
          %gather3A_429 = vector.shape_cast %broadcast_in_dim3A_428 : vector<16x1xi32> to vector<16xi32>
          %gather3A_430 = tpu.dynamic_gather %mul3A_282[%gather3A_429] in [0] : vector<16xf32>, vector<16xi32> -> vector<16xf32>
          %mul3A_431 = arith.constant 16 : i32
          %mul3A_432 = arith.muli %scan3A_274, %mul3A_431 : i32
          %add3A_433 = arith.addi %mul3A_257, %mul3A_432 : i32
          %add3A_434 = arith.constant 5 : i32
          %add3A_435 = arith.addi %add3A_433, %add3A_434 : i32
          %get3A_436 = arith.index_cast %add3A_435 : i32 to index
          %get3A_437 = arith.constant 0 : index
          %get3A_438 = tpu.vector_load %arg16[%get3A_436, %get3A_437] {strides = array<i32>} : memref<512x32xf32, #tpu.memory_space<vmem>>, vector<1x16xf32>,
          %get3A_439 = vector.shape_cast %get3A_438 : vector<1x16xf32> to vector<16xf32>
          %mul3A_440 = arith.mulf %get3A_439, %gather3A_430 : vector<16xf32>
          %swap3A_441 = arith.index_cast %add3A_435 : i32 to index
          %swap3A_442 = arith.constant 0 : index
          %swap3A_443 = tpu.vector_load %arg16[%swap3A_441, %swap3A_442] {strides = array<i32>} : memref<512x32xf32, #tpu.memory_space<vmem>>, vector<1x16xf32>,
          %swap3A_444 = vector.shape_cast %swap3A_443 : vector<1x16xf32> to vector<16xf32>
          %swap3A_445 = vector.shape_cast %mul3A_440 : vector<16xf32> to vector<1x16xf32>
          tpu.vector_store %arg16[%swap3A_441, %swap3A_442], %swap3A_445 {strides = array<i32>} : memref<512x32xf32, #tpu.memory_space<vmem>>, vector<1x16xf32>,
          %get3A_446 = arith.index_cast %add3A_435 : i32 to index
          %get3A_447 = arith.constant 16 : index
          %get3A_448 = tpu.vector_load %arg16[%get3A_446, %get3A_447] {strides = array<i32>} : memref<512x32xf32, #tpu.memory_space<vmem>>, vector<1x16xf32>,
          %get3A_449 = vector.shape_cast %get3A_448 : vector<1x16xf32> to vector<16xf32>
          %mul3A_450 = arith.mulf %get3A_449, %gather3A_430 : vector<16xf32>
          %swap3A_451 = arith.index_cast %add3A_435 : i32 to index
          %swap3A_452 = arith.constant 16 : index
          %swap3A_453 = tpu.vector_load %arg16[%swap3A_451, %swap3A_452] {strides = array<i32>} : memref<512x32xf32, #tpu.memory_space<vmem>>, vector<1x16xf32>,
          %swap3A_454 = vector.shape_cast %swap3A_453 : vector<1x16xf32> to vector<16xf32>
          %swap3A_455 = vector.shape_cast %mul3A_450 : vector<16xf32> to vector<1x16xf32>
          tpu.vector_store %arg16[%swap3A_451, %swap3A_452], %swap3A_455 {strides = array<i32>} : memref<512x32xf32, #tpu.memory_space<vmem>>, vector<1x16xf32>,
          %broadcast_in_dim3A_456 = arith.constant 6 : i32
          %broadcast_in_dim3A_457 = vector.broadcast %broadcast_in_dim3A_456 : i32 to vector<16x1xi32>
          %gather3A_458 = vector.shape_cast %broadcast_in_dim3A_457 : vector<16x1xi32> to vector<16xi32>
          %gather3A_459 = tpu.dynamic_gather %mul3A_282[%gather3A_458] in [0] : vector<16xf32>, vector<16xi32> -> vector<16xf32>
          %mul3A_460 = arith.constant 16 : i32
          %mul3A_461 = arith.muli %scan3A_274, %mul3A_460 : i32
          %add3A_462 = arith.addi %mul3A_257, %mul3A_461 : i32
          %add3A_463 = arith.constant 6 : i32
          %add3A_464 = arith.addi %add3A_462, %add3A_463 : i32
          %get3A_465 = arith.index_cast %add3A_464 : i32 to index
          %get3A_466 = arith.constant 0 : index
          %get3A_467 = tpu.vector_load %arg16[%get3A_465, %get3A_466] {strides = array<i32>} : memref<512x32xf32, #tpu.memory_space<vmem>>, vector<1x16xf32>,
          %get3A_468 = vector.shape_cast %get3A_467 : vector<1x16xf32> to vector<16xf32>
          %mul3A_469 = arith.mulf %get3A_468, %gather3A_459 : vector<16xf32>
          %swap3A_470 = arith.index_cast %add3A_464 : i32 to index
          %swap3A_471 = arith.constant 0 : index
          %swap3A_472 = tpu.vector_load %arg16[%swap3A_470, %swap3A_471] {strides = array<i32>} : memref<512x32xf32, #tpu.memory_space<vmem>>, vector<1x16xf32>,
          %swap3A_473 = vector.shape_cast %swap3A_472 : vector<1x16xf32> to vector<16xf32>
          %swap3A_474 = vector.shape_cast %mul3A_469 : vector<16xf32> to vector<1x16xf32>
          tpu.vector_store %arg16[%swap3A_470, %swap3A_471], %swap3A_474 {strides = array<i32>} : memref<512x32xf32, #tpu.memory_space<vmem>>, vector<1x16xf32>,
          %get3A_475 = arith.index_cast %add3A_464 : i32 to index
          %get3A_476 = arith.constant 16 : index
          %get3A_477 = tpu.vector_load %arg16[%get3A_475, %get3A_476] {strides = array<i32>} : memref<512x32xf32, #tpu.memory_space<vmem>>, vector<1x16xf32>,
          %get3A_478 = vector.shape_cast %get3A_477 : vector<1x16xf32> to vector<16xf32>
          %mul3A_479 = arith.mulf %get3A_478, %gather3A_459 : vector<16xf32>
          %swap3A_480 = arith.index_cast %add3A_464 : i32 to index
          %swap3A_481 = arith.constant 16 : index
          %swap3A_482 = tpu.vector_load %arg16[%swap3A_480, %swap3A_481] {strides = array<i32>} : memref<512x32xf32, #tpu.memory_space<vmem>>, vector<1x16xf32>,
          %swap3A_483 = vector.shape_cast %swap3A_482 : vector<1x16xf32> to vector<16xf32>
          %swap3A_484 = vector.shape_cast %mul3A_479 : vector<16xf32> to vector<1x16xf32>
          tpu.vector_store %arg16[%swap3A_480, %swap3A_481], %swap3A_484 {strides = array<i32>} : memref<512x32xf32, #tpu.memory_space<vmem>>, vector<1x16xf32>,
          %broadcast_in_dim3A_485 = arith.constant 7 : i32
          %broadcast_in_dim3A_486 = vector.broadcast %broadcast_in_dim3A_485 : i32 to vector<16x1xi32>
          %gather3A_487 = vector.shape_cast %broadcast_in_dim3A_486 : vector<16x1xi32> to vector<16xi32>
          %gather3A_488 = tpu.dynamic_gather %mul3A_282[%gather3A_487] in [0] : vector<16xf32>, vector<16xi32> -> vector<16xf32>
          %mul3A_489 = arith.constant 16 : i32
          %mul3A_490 = arith.muli %scan3A_274, %mul3A_489 : i32
          %add3A_491 = arith.addi %mul3A_257, %mul3A_490 : i32
          %add3A_492 = arith.constant 7 : i32
          %add3A_493 = arith.addi %add3A_491, %add3A_492 : i32
          %get3A_494 = arith.index_cast %add3A_493 : i32 to index
          %get3A_495 = arith.constant 0 : index
          %get3A_496 = tpu.vector_load %arg16[%get3A_494, %get3A_495] {strides = array<i32>} : memref<512x32xf32, #tpu.memory_space<vmem>>, vector<1x16xf32>,
          %get3A_497 = vector.shape_cast %get3A_496 : vector<1x16xf32> to vector<16xf32>
          %mul3A_498 = arith.mulf %get3A_497, %gather3A_488 : vector<16xf32>
          %swap3A_499 = arith.index_cast %add3A_493 : i32 to index
          %swap3A_500 = arith.constant 0 : index
          %swap3A_501 = tpu.vector_load %arg16[%swap3A_499, %swap3A_500] {strides = array<i32>} : memref<512x32xf32, #tpu.memory_space<vmem>>, vector<1x16xf32>,
          %swap3A_502 = vector.shape_cast %swap3A_501 : vector<1x16xf32> to vector<16xf32>
          %swap3A_503 = vector.shape_cast %mul3A_498 : vector<16xf32> to vector<1x16xf32>
          tpu.vector_store %arg16[%swap3A_499, %swap3A_500], %swap3A_503 {strides = array<i32>} : memref<512x32xf32, #tpu.memory_space<vmem>>, vector<1x16xf32>,
          %get3A_504 = arith.index_cast %add3A_493 : i32 to index
          %get3A_505 = arith.constant 16 : index
          %get3A_506 = tpu.vector_load %arg16[%get3A_504, %get3A_505] {strides = array<i32>} : memref<512x32xf32, #tpu.memory_space<vmem>>, vector<1x16xf32>,
          %get3A_507 = vector.shape_cast %get3A_506 : vector<1x16xf32> to vector<16xf32>
          %mul3A_508 = arith.mulf %get3A_507, %gather3A_488 : vector<16xf32>
          %swap3A_509 = arith.index_cast %add3A_493 : i32 to index
          %swap3A_510 = arith.constant 16 : index
          %swap3A_511 = tpu.vector_load %arg16[%swap3A_509, %swap3A_510] {strides = array<i32>} : memref<512x32xf32, #tpu.memory_space<vmem>>, vector<1x16xf32>,
          %swap3A_512 = vector.shape_cast %swap3A_511 : vector<1x16xf32> to vector<16xf32>
          %swap3A_513 = vector.shape_cast %mul3A_508 : vector<16xf32> to vector<1x16xf32>
          tpu.vector_store %arg16[%swap3A_509, %swap3A_510], %swap3A_513 {strides = array<i32>} : memref<512x32xf32, #tpu.memory_space<vmem>>, vector<1x16xf32>,
          %broadcast_in_dim3A_514 = arith.constant 8 : i32
          %broadcast_in_dim3A_515 = vector.broadcast %broadcast_in_dim3A_514 : i32 to vector<16x1xi32>
          %gather3A_516 = vector.shape_cast %broadcast_in_dim3A_515 : vector<16x1xi32> to vector<16xi32>
          %gather3A_517 = tpu.dynamic_gather %mul3A_282[%gather3A_516] in [0] : vector<16xf32>, vector<16xi32> -> vector<16xf32>
          %mul3A_518 = arith.constant 16 : i32
          %mul3A_519 = arith.muli %scan3A_274, %mul3A_518 : i32
          %add3A_520 = arith.addi %mul3A_257, %mul3A_519 : i32
          %add3A_521 = arith.constant 8 : i32
          %add3A_522 = arith.addi %add3A_520, %add3A_521 : i32
          %get3A_523 = arith.index_cast %add3A_522 : i32 to index
          %get3A_524 = arith.constant 0 : index
          %get3A_525 = tpu.vector_load %arg16[%get3A_523, %get3A_524] {strides = array<i32>} : memref<512x32xf32, #tpu.memory_space<vmem>>, vector<1x16xf32>,
          %get3A_526 = vector.shape_cast %get3A_525 : vector<1x16xf32> to vector<16xf32>
          %mul3A_527 = arith.mulf %get3A_526, %gather3A_517 : vector<16xf32>
          %swap3A_528 = arith.index_cast %add3A_522 : i32 to index
          %swap3A_529 = arith.constant 0 : index
          %swap3A_530 = tpu.vector_load %arg16[%swap3A_528, %swap3A_529] {strides = array<i32>} : memref<512x32xf32, #tpu.memory_space<vmem>>, vector<1x16xf32>,
          %swap3A_531 = vector.shape_cast %swap3A_530 : vector<1x16xf32> to vector<16xf32>
          %swap3A_532 = vector.shape_cast %mul3A_527 : vector<16xf32> to vector<1x16xf32>
          tpu.vector_store %arg16[%swap3A_528, %swap3A_529], %swap3A_532 {strides = array<i32>} : memref<512x32xf32, #tpu.memory_space<vmem>>, vector<1x16xf32>,
          %get3A_533 = arith.index_cast %add3A_522 : i32 to index
          %get3A_534 = arith.constant 16 : index
          %get3A_535 = tpu.vector_load %arg16[%get3A_533, %get3A_534] {strides = array<i32>} : memref<512x32xf32, #tpu.memory_space<vmem>>, vector<1x16xf32>,
          %get3A_536 = vector.shape_cast %get3A_535 : vector<1x16xf32> to vector<16xf32>
          %mul3A_537 = arith.mulf %get3A_536, %gather3A_517 : vector<16xf32>
          %swap3A_538 = arith.index_cast %add3A_522 : i32 to index
          %swap3A_539 = arith.constant 16 : index
          %swap3A_540 = tpu.vector_load %arg16[%swap3A_538, %swap3A_539] {strides = array<i32>} : memref<512x32xf32, #tpu.memory_space<vmem>>, vector<1x16xf32>,
          %swap3A_541 = vector.shape_cast %swap3A_540 : vector<1x16xf32> to vector<16xf32>
          %swap3A_542 = vector.shape_cast %mul3A_537 : vector<16xf32> to vector<1x16xf32>
          tpu.vector_store %arg16[%swap3A_538, %swap3A_539], %swap3A_542 {strides = array<i32>} : memref<512x32xf32, #tpu.memory_space<vmem>>, vector<1x16xf32>,
          %broadcast_in_dim3A_543 = arith.constant 9 : i32
          %broadcast_in_dim3A_544 = vector.broadcast %broadcast_in_dim3A_543 : i32 to vector<16x1xi32>
          %gather3A_545 = vector.shape_cast %broadcast_in_dim3A_544 : vector<16x1xi32> to vector<16xi32>
          %gather3A_546 = tpu.dynamic_gather %mul3A_282[%gather3A_545] in [0] : vector<16xf32>, vector<16xi32> -> vector<16xf32>
          %mul3A_547 = arith.constant 16 : i32
          %mul3A_548 = arith.muli %scan3A_274, %mul3A_547 : i32
          %add3A_549 = arith.addi %mul3A_257, %mul3A_548 : i32
          %add3A_550 = arith.constant 9 : i32
          %add3A_551 = arith.addi %add3A_549, %add3A_550 : i32
          %get3A_552 = arith.index_cast %add3A_551 : i32 to index
          %get3A_553 = arith.constant 0 : index
          %get3A_554 = tpu.vector_load %arg16[%get3A_552, %get3A_553] {strides = array<i32>} : memref<512x32xf32, #tpu.memory_space<vmem>>, vector<1x16xf32>,
          %get3A_555 = vector.shape_cast %get3A_554 : vector<1x16xf32> to vector<16xf32>
          %mul3A_556 = arith.mulf %get3A_555, %gather3A_546 : vector<16xf32>
          %swap3A_557 = arith.index_cast %add3A_551 : i32 to index
          %swap3A_558 = arith.constant 0 : index
          %swap3A_559 = tpu.vector_load %arg16[%swap3A_557, %swap3A_558] {strides = array<i32>} : memref<512x32xf32, #tpu.memory_space<vmem>>, vector<1x16xf32>,
          %swap3A_560 = vector.shape_cast %swap3A_559 : vector<1x16xf32> to vector<16xf32>
          %swap3A_561 = vector.shape_cast %mul3A_556 : vector<16xf32> to vector<1x16xf32>
          tpu.vector_store %arg16[%swap3A_557, %swap3A_558], %swap3A_561 {strides = array<i32>} : memref<512x32xf32, #tpu.memory_space<vmem>>, vector<1x16xf32>,
          %get3A_562 = arith.index_cast %add3A_551 : i32 to index
          %get3A_563 = arith.constant 16 : index
          %get3A_564 = tpu.vector_load %arg16[%get3A_562, %get3A_563] {strides = array<i32>} : memref<512x32xf32, #tpu.memory_space<vmem>>, vector<1x16xf32>,
          %get3A_565 = vector.shape_cast %get3A_564 : vector<1x16xf32> to vector<16xf32>
          %mul3A_566 = arith.mulf %get3A_565, %gather3A_546 : vector<16xf32>
          %swap3A_567 = arith.index_cast %add3A_551 : i32 to index
          %swap3A_568 = arith.constant 16 : index
          %swap3A_569 = tpu.vector_load %arg16[%swap3A_567, %swap3A_568] {strides = array<i32>} : memref<512x32xf32, #tpu.memory_space<vmem>>, vector<1x16xf32>,
          %swap3A_570 = vector.shape_cast %swap3A_569 : vector<1x16xf32> to vector<16xf32>
          %swap3A_571 = vector.shape_cast %mul3A_566 : vector<16xf32> to vector<1x16xf32>
          tpu.vector_store %arg16[%swap3A_567, %swap3A_568], %swap3A_571 {strides = array<i32>} : memref<512x32xf32, #tpu.memory_space<vmem>>, vector<1x16xf32>,
          %broadcast_in_dim3A_572 = arith.constant 10 : i32
          %broadcast_in_dim3A_573 = vector.broadcast %broadcast_in_dim3A_572 : i32 to vector<16x1xi32>
          %gather3A_574 = vector.shape_cast %broadcast_in_dim3A_573 : vector<16x1xi32> to vector<16xi32>
          %gather3A_575 = tpu.dynamic_gather %mul3A_282[%gather3A_574] in [0] : vector<16xf32>, vector<16xi32> -> vector<16xf32>
          %mul3A_576 = arith.constant 16 : i32
          %mul3A_577 = arith.muli %scan3A_274, %mul3A_576 : i32
          %add3A_578 = arith.addi %mul3A_257, %mul3A_577 : i32
          %add3A_579 = arith.constant 10 : i32
          %add3A_580 = arith.addi %add3A_578, %add3A_579 : i32
          %get3A_581 = arith.index_cast %add3A_580 : i32 to index
          %get3A_582 = arith.constant 0 : index
          %get3A_583 = tpu.vector_load %arg16[%get3A_581, %get3A_582] {strides = array<i32>} : memref<512x32xf32, #tpu.memory_space<vmem>>, vector<1x16xf32>,
          %get3A_584 = vector.shape_cast %get3A_583 : vector<1x16xf32> to vector<16xf32>
          %mul3A_585 = arith.mulf %get3A_584, %gather3A_575 : vector<16xf32>
          %swap3A_586 = arith.index_cast %add3A_580 : i32 to index
          %swap3A_587 = arith.constant 0 : index
          %swap3A_588 = tpu.vector_load %arg16[%swap3A_586, %swap3A_587] {strides = array<i32>} : memref<512x32xf32, #tpu.memory_space<vmem>>, vector<1x16xf32>,
          %swap3A_589 = vector.shape_cast %swap3A_588 : vector<1x16xf32> to vector<16xf32>
          %swap3A_590 = vector.shape_cast %mul3A_585 : vector<16xf32> to vector<1x16xf32>
          tpu.vector_store %arg16[%swap3A_586, %swap3A_587], %swap3A_590 {strides = array<i32>} : memref<512x32xf32, #tpu.memory_space<vmem>>, vector<1x16xf32>,
          %get3A_591 = arith.index_cast %add3A_580 : i32 to index
          %get3A_592 = arith.constant 16 : index
          %get3A_593 = tpu.vector_load %arg16[%get3A_591, %get3A_592] {strides = array<i32>} : memref<512x32xf32, #tpu.memory_space<vmem>>, vector<1x16xf32>,
          %get3A_594 = vector.shape_cast %get3A_593 : vector<1x16xf32> to vector<16xf32>
          %mul3A_595 = arith.mulf %get3A_594, %gather3A_575 : vector<16xf32>
          %swap3A_596 = arith.index_cast %add3A_580 : i32 to index
          %swap3A_597 = arith.constant 16 : index
          %swap3A_598 = tpu.vector_load %arg16[%swap3A_596, %swap3A_597] {strides = array<i32>} : memref<512x32xf32, #tpu.memory_space<vmem>>, vector<1x16xf32>,
          %swap3A_599 = vector.shape_cast %swap3A_598 : vector<1x16xf32> to vector<16xf32>
          %swap3A_600 = vector.shape_cast %mul3A_595 : vector<16xf32> to vector<1x16xf32>
          tpu.vector_store %arg16[%swap3A_596, %swap3A_597], %swap3A_600 {strides = array<i32>} : memref<512x32xf32, #tpu.memory_space<vmem>>, vector<1x16xf32>,
          %broadcast_in_dim3A_601 = arith.constant 11 : i32
          %broadcast_in_dim3A_602 = vector.broadcast %broadcast_in_dim3A_601 : i32 to vector<16x1xi32>
          %gather3A_603 = vector.shape_cast %broadcast_in_dim3A_602 : vector<16x1xi32> to vector<16xi32>
          %gather3A_604 = tpu.dynamic_gather %mul3A_282[%gather3A_603] in [0] : vector<16xf32>, vector<16xi32> -> vector<16xf32>
          %mul3A_605 = arith.constant 16 : i32
          %mul3A_606 = arith.muli %scan3A_274, %mul3A_605 : i32
          %add3A_607 = arith.addi %mul3A_257, %mul3A_606 : i32
          %add3A_608 = arith.constant 11 : i32
          %add3A_609 = arith.addi %add3A_607, %add3A_608 : i32
          %get3A_610 = arith.index_cast %add3A_609 : i32 to index
          %get3A_611 = arith.constant 0 : index
          %get3A_612 = tpu.vector_load %arg16[%get3A_610, %get3A_611] {strides = array<i32>} : memref<512x32xf32, #tpu.memory_space<vmem>>, vector<1x16xf32>,
          %get3A_613 = vector.shape_cast %get3A_612 : vector<1x16xf32> to vector<16xf32>
          %mul3A_614 = arith.mulf %get3A_613, %gather3A_604 : vector<16xf32>
          %swap3A_615 = arith.index_cast %add3A_609 : i32 to index
          %swap3A_616 = arith.constant 0 : index
          %swap3A_617 = tpu.vector_load %arg16[%swap3A_615, %swap3A_616] {strides = array<i32>} : memref<512x32xf32, #tpu.memory_space<vmem>>, vector<1x16xf32>,
          %swap3A_618 = vector.shape_cast %swap3A_617 : vector<1x16xf32> to vector<16xf32>
          %swap3A_619 = vector.shape_cast %mul3A_614 : vector<16xf32> to vector<1x16xf32>
          tpu.vector_store %arg16[%swap3A_615, %swap3A_616], %swap3A_619 {strides = array<i32>} : memref<512x32xf32, #tpu.memory_space<vmem>>, vector<1x16xf32>,
          %get3A_620 = arith.index_cast %add3A_609 : i32 to index
          %get3A_621 = arith.constant 16 : index
          %get3A_622 = tpu.vector_load %arg16[%get3A_620, %get3A_621] {strides = array<i32>} : memref<512x32xf32, #tpu.memory_space<vmem>>, vector<1x16xf32>,
          %get3A_623 = vector.shape_cast %get3A_622 : vector<1x16xf32> to vector<16xf32>
          %mul3A_624 = arith.mulf %get3A_623, %gather3A_604 : vector<16xf32>
          %swap3A_625 = arith.index_cast %add3A_609 : i32 to index
          %swap3A_626 = arith.constant 16 : index
          %swap3A_627 = tpu.vector_load %arg16[%swap3A_625, %swap3A_626] {strides = array<i32>} : memref<512x32xf32, #tpu.memory_space<vmem>>, vector<1x16xf32>,
          %swap3A_628 = vector.shape_cast %swap3A_627 : vector<1x16xf32> to vector<16xf32>
          %swap3A_629 = vector.shape_cast %mul3A_624 : vector<16xf32> to vector<1x16xf32>
          tpu.vector_store %arg16[%swap3A_625, %swap3A_626], %swap3A_629 {strides = array<i32>} : memref<512x32xf32, #tpu.memory_space<vmem>>, vector<1x16xf32>,
          %broadcast_in_dim3A_630 = arith.constant 12 : i32
          %broadcast_in_dim3A_631 = vector.broadcast %broadcast_in_dim3A_630 : i32 to vector<16x1xi32>
          %gather3A_632 = vector.shape_cast %broadcast_in_dim3A_631 : vector<16x1xi32> to vector<16xi32>
          %gather3A_633 = tpu.dynamic_gather %mul3A_282[%gather3A_632] in [0] : vector<16xf32>, vector<16xi32> -> vector<16xf32>
          %mul3A_634 = arith.constant 16 : i32
          %mul3A_635 = arith.muli %scan3A_274, %mul3A_634 : i32
          %add3A_636 = arith.addi %mul3A_257, %mul3A_635 : i32
          %add3A_637 = arith.constant 12 : i32
          %add3A_638 = arith.addi %add3A_636, %add3A_637 : i32
          %get3A_639 = arith.index_cast %add3A_638 : i32 to index
          %get3A_640 = arith.constant 0 : index
          %get3A_641 = tpu.vector_load %arg16[%get3A_639, %get3A_640] {strides = array<i32>} : memref<512x32xf32, #tpu.memory_space<vmem>>, vector<1x16xf32>,
          %get3A_642 = vector.shape_cast %get3A_641 : vector<1x16xf32> to vector<16xf32>
          %mul3A_643 = arith.mulf %get3A_642, %gather3A_633 : vector<16xf32>
          %swap3A_644 = arith.index_cast %add3A_638 : i32 to index
          %swap3A_645 = arith.constant 0 : index
          %swap3A_646 = tpu.vector_load %arg16[%swap3A_644, %swap3A_645] {strides = array<i32>} : memref<512x32xf32, #tpu.memory_space<vmem>>, vector<1x16xf32>,
          %swap3A_647 = vector.shape_cast %swap3A_646 : vector<1x16xf32> to vector<16xf32>
          %swap3A_648 = vector.shape_cast %mul3A_643 : vector<16xf32> to vector<1x16xf32>
          tpu.vector_store %arg16[%swap3A_644, %swap3A_645], %swap3A_648 {strides = array<i32>} : memref<512x32xf32, #tpu.memory_space<vmem>>, vector<1x16xf32>,
          %get3A_649 = arith.index_cast %add3A_638 : i32 to index
          %get3A_650 = arith.constant 16 : index
          %get3A_651 = tpu.vector_load %arg16[%get3A_649, %get3A_650] {strides = array<i32>} : memref<512x32xf32, #tpu.memory_space<vmem>>, vector<1x16xf32>,
          %get3A_652 = vector.shape_cast %get3A_651 : vector<1x16xf32> to vector<16xf32>
          %mul3A_653 = arith.mulf %get3A_652, %gather3A_633 : vector<16xf32>
          %swap3A_654 = arith.index_cast %add3A_638 : i32 to index
          %swap3A_655 = arith.constant 16 : index
          %swap3A_656 = tpu.vector_load %arg16[%swap3A_654, %swap3A_655] {strides = array<i32>} : memref<512x32xf32, #tpu.memory_space<vmem>>, vector<1x16xf32>,
          %swap3A_657 = vector.shape_cast %swap3A_656 : vector<1x16xf32> to vector<16xf32>
          %swap3A_658 = vector.shape_cast %mul3A_653 : vector<16xf32> to vector<1x16xf32>
          tpu.vector_store %arg16[%swap3A_654, %swap3A_655], %swap3A_658 {strides = array<i32>} : memref<512x32xf32, #tpu.memory_space<vmem>>, vector<1x16xf32>,
          %broadcast_in_dim3A_659 = arith.constant 13 : i32
          %broadcast_in_dim3A_660 = vector.broadcast %broadcast_in_dim3A_659 : i32 to vector<16x1xi32>
          %gather3A_661 = vector.shape_cast %broadcast_in_dim3A_660 : vector<16x1xi32> to vector<16xi32>
          %gather3A_662 = tpu.dynamic_gather %mul3A_282[%gather3A_661] in [0] : vector<16xf32>, vector<16xi32> -> vector<16xf32>
          %mul3A_663 = arith.constant 16 : i32
          %mul3A_664 = arith.muli %scan3A_274, %mul3A_663 : i32
          %add3A_665 = arith.addi %mul3A_257, %mul3A_664 : i32
          %add3A_666 = arith.constant 13 : i32
          %add3A_667 = arith.addi %add3A_665, %add3A_666 : i32
          %get3A_668 = arith.index_cast %add3A_667 : i32 to index
          %get3A_669 = arith.constant 0 : index
          %get3A_670 = tpu.vector_load %arg16[%get3A_668, %get3A_669] {strides = array<i32>} : memref<512x32xf32, #tpu.memory_space<vmem>>, vector<1x16xf32>,
          %get3A_671 = vector.shape_cast %get3A_670 : vector<1x16xf32> to vector<16xf32>
          %mul3A_672 = arith.mulf %get3A_671, %gather3A_662 : vector<16xf32>
          %swap3A_673 = arith.index_cast %add3A_667 : i32 to index
          %swap3A_674 = arith.constant 0 : index
          %swap3A_675 = tpu.vector_load %arg16[%swap3A_673, %swap3A_674] {strides = array<i32>} : memref<512x32xf32, #tpu.memory_space<vmem>>, vector<1x16xf32>,
          %swap3A_676 = vector.shape_cast %swap3A_675 : vector<1x16xf32> to vector<16xf32>
          %swap3A_677 = vector.shape_cast %mul3A_672 : vector<16xf32> to vector<1x16xf32>
          tpu.vector_store %arg16[%swap3A_673, %swap3A_674], %swap3A_677 {strides = array<i32>} : memref<512x32xf32, #tpu.memory_space<vmem>>, vector<1x16xf32>,
          %get3A_678 = arith.index_cast %add3A_667 : i32 to index
          %get3A_679 = arith.constant 16 : index
          %get3A_680 = tpu.vector_load %arg16[%get3A_678, %get3A_679] {strides = array<i32>} : memref<512x32xf32, #tpu.memory_space<vmem>>, vector<1x16xf32>,
          %get3A_681 = vector.shape_cast %get3A_680 : vector<1x16xf32> to vector<16xf32>
          %mul3A_682 = arith.mulf %get3A_681, %gather3A_662 : vector<16xf32>
          %swap3A_683 = arith.index_cast %add3A_667 : i32 to index
          %swap3A_684 = arith.constant 16 : index
          %swap3A_685 = tpu.vector_load %arg16[%swap3A_683, %swap3A_684] {strides = array<i32>} : memref<512x32xf32, #tpu.memory_space<vmem>>, vector<1x16xf32>,
          %swap3A_686 = vector.shape_cast %swap3A_685 : vector<1x16xf32> to vector<16xf32>
          %swap3A_687 = vector.shape_cast %mul3A_682 : vector<16xf32> to vector<1x16xf32>
          tpu.vector_store %arg16[%swap3A_683, %swap3A_684], %swap3A_687 {strides = array<i32>} : memref<512x32xf32, #tpu.memory_space<vmem>>, vector<1x16xf32>,
          %broadcast_in_dim3A_688 = arith.constant 14 : i32
          %broadcast_in_dim3A_689 = vector.broadcast %broadcast_in_dim3A_688 : i32 to vector<16x1xi32>
          %gather3A_690 = vector.shape_cast %broadcast_in_dim3A_689 : vector<16x1xi32> to vector<16xi32>
          %gather3A_691 = tpu.dynamic_gather %mul3A_282[%gather3A_690] in [0] : vector<16xf32>, vector<16xi32> -> vector<16xf32>
          %mul3A_692 = arith.constant 16 : i32
          %mul3A_693 = arith.muli %scan3A_274, %mul3A_692 : i32
          %add3A_694 = arith.addi %mul3A_257, %mul3A_693 : i32
          %add3A_695 = arith.constant 14 : i32
          %add3A_696 = arith.addi %add3A_694, %add3A_695 : i32
          %get3A_697 = arith.index_cast %add3A_696 : i32 to index
          %get3A_698 = arith.constant 0 : index
          %get3A_699 = tpu.vector_load %arg16[%get3A_697, %get3A_698] {strides = array<i32>} : memref<512x32xf32, #tpu.memory_space<vmem>>, vector<1x16xf32>,
          %get3A_700 = vector.shape_cast %get3A_699 : vector<1x16xf32> to vector<16xf32>
          %mul3A_701 = arith.mulf %get3A_700, %gather3A_691 : vector<16xf32>
          %swap3A_702 = arith.index_cast %add3A_696 : i32 to index
          %swap3A_703 = arith.constant 0 : index
          %swap3A_704 = tpu.vector_load %arg16[%swap3A_702, %swap3A_703] {strides = array<i32>} : memref<512x32xf32, #tpu.memory_space<vmem>>, vector<1x16xf32>,
          %swap3A_705 = vector.shape_cast %swap3A_704 : vector<1x16xf32> to vector<16xf32>
          %swap3A_706 = vector.shape_cast %mul3A_701 : vector<16xf32> to vector<1x16xf32>
          tpu.vector_store %arg16[%swap3A_702, %swap3A_703], %swap3A_706 {strides = array<i32>} : memref<512x32xf32, #tpu.memory_space<vmem>>, vector<1x16xf32>,
          %get3A_707 = arith.index_cast %add3A_696 : i32 to index
          %get3A_708 = arith.constant 16 : index
          %get3A_709 = tpu.vector_load %arg16[%get3A_707, %get3A_708] {strides = array<i32>} : memref<512x32xf32, #tpu.memory_space<vmem>>, vector<1x16xf32>,
          %get3A_710 = vector.shape_cast %get3A_709 : vector<1x16xf32> to vector<16xf32>
          %mul3A_711 = arith.mulf %get3A_710, %gather3A_691 : vector<16xf32>
          %swap3A_712 = arith.index_cast %add3A_696 : i32 to index
          %swap3A_713 = arith.constant 16 : index
          %swap3A_714 = tpu.vector_load %arg16[%swap3A_712, %swap3A_713] {strides = array<i32>} : memref<512x32xf32, #tpu.memory_space<vmem>>, vector<1x16xf32>,
          %swap3A_715 = vector.shape_cast %swap3A_714 : vector<1x16xf32> to vector<16xf32>
          %swap3A_716 = vector.shape_cast %mul3A_711 : vector<16xf32> to vector<1x16xf32>
          tpu.vector_store %arg16[%swap3A_712, %swap3A_713], %swap3A_716 {strides = array<i32>} : memref<512x32xf32, #tpu.memory_space<vmem>>, vector<1x16xf32>,
          %broadcast_in_dim3A_717 = arith.constant 15 : i32
          %broadcast_in_dim3A_718 = vector.broadcast %broadcast_in_dim3A_717 : i32 to vector<16x1xi32>
          %gather3A_719 = vector.shape_cast %broadcast_in_dim3A_718 : vector<16x1xi32> to vector<16xi32>
          %gather3A_720 = tpu.dynamic_gather %mul3A_282[%gather3A_719] in [0] : vector<16xf32>, vector<16xi32> -> vector<16xf32>
          %mul3A_721 = arith.constant 16 : i32
          %mul3A_722 = arith.muli %scan3A_274, %mul3A_721 : i32
          %add3A_723 = arith.addi %mul3A_257, %mul3A_722 : i32
          %add3A_724 = arith.constant 15 : i32
          %add3A_725 = arith.addi %add3A_723, %add3A_724 : i32
          %get3A_726 = arith.index_cast %add3A_725 : i32 to index
          %get3A_727 = arith.constant 0 : index
          %get3A_728 = tpu.vector_load %arg16[%get3A_726, %get3A_727] {strides = array<i32>} : memref<512x32xf32, #tpu.memory_space<vmem>>, vector<1x16xf32>,
          %get3A_729 = vector.shape_cast %get3A_728 : vector<1x16xf32> to vector<16xf32>
          %mul3A_730 = arith.mulf %get3A_729, %gather3A_720 : vector<16xf32>
          %swap3A_731 = arith.index_cast %add3A_725 : i32 to index
          %swap3A_732 = arith.constant 0 : index
          %swap3A_733 = tpu.vector_load %arg16[%swap3A_731, %swap3A_732] {strides = array<i32>} : memref<512x32xf32, #tpu.memory_space<vmem>>, vector<1x16xf32>,
          %swap3A_734 = vector.shape_cast %swap3A_733 : vector<1x16xf32> to vector<16xf32>
          %swap3A_735 = vector.shape_cast %mul3A_730 : vector<16xf32> to vector<1x16xf32>
          tpu.vector_store %arg16[%swap3A_731, %swap3A_732], %swap3A_735 {strides = array<i32>} : memref<512x32xf32, #tpu.memory_space<vmem>>, vector<1x16xf32>,
          %get3A_736 = arith.index_cast %add3A_725 : i32 to index
          %get3A_737 = arith.constant 16 : index
          %get3A_738 = tpu.vector_load %arg16[%get3A_736, %get3A_737] {strides = array<i32>} : memref<512x32xf32, #tpu.memory_space<vmem>>, vector<1x16xf32>,
          %get3A_739 = vector.shape_cast %get3A_738 : vector<1x16xf32> to vector<16xf32>
          %mul3A_740 = arith.mulf %get3A_739, %gather3A_720 : vector<16xf32>
          %swap3A_741 = arith.index_cast %add3A_725 : i32 to index
          %swap3A_742 = arith.constant 16 : index
          %swap3A_743 = tpu.vector_load %arg16[%swap3A_741, %swap3A_742] {strides = array<i32>} : memref<512x32xf32, #tpu.memory_space<vmem>>, vector<1x16xf32>,
          %swap3A_744 = vector.shape_cast %swap3A_743 : vector<1x16xf32> to vector<16xf32>
          %swap3A_745 = vector.shape_cast %mul3A_740 : vector<16xf32> to vector<1x16xf32>
          tpu.vector_store %arg16[%swap3A_741, %swap3A_742], %swap3A_745 {strides = array<i32>} : memref<512x32xf32, #tpu.memory_space<vmem>>, vector<1x16xf32>,
          %scan3A_746 = arith.constant 0 : i32
          scf.yield %scan3A_746 : i32
        }
        %scan3A_264 = arith.constant 8 : i32
        %dma_start3A_265 = arith.constant 0 : i32
        %dma_start3A_266 = tpu.memref_slice %arg16[%mul3A_257, %dma_start3A_265] : memref<512x32xf32, #tpu.memory_space<vmem>> -> memref<128x32xf32, #tpu.memory_space<vmem>>
        %dma_start3A_267 = arith.constant 0 : i32
        %dma_start3A_268 = tpu.memref_slice %arg13[%scan3A_233, %dma_start3A_267] : memref<26x128xi32, #tpu.memory_space<vmem>> -> memref<1x128xi32, #tpu.memory_space<vmem>>
        %dma_start3A_269 = tpu.memref_squeeze %dma_start3A_268 : memref<1x128xi32, #tpu.memory_space<vmem>> -> memref<128xi32, #tpu.memory_space<vmem>>
        %dma_start3A_270 = arith.constant 0 : i32
        %dma_start3A_271 = arith.constant 0 : i32
        %dma_start3A_272 = tpu.memref_slice %arg12[%dma_start3A_270, %dma_start3A_271] : memref<50048x32xf32, #tpu.memory_space<vmem_shared>> -> memref<50048x32xf32, #tpu.memory_space<vmem_shared>>
        tpu.enqueue_indirect_dma source(%dma_start3A_266 : memref<128x32xf32, #tpu.memory_space<vmem>>) target(%dma_start3A_272 : memref<50048x32xf32, #tpu.memory_space<vmem_shared>>) offsets(%dma_start3A_269 : memref<128xi32, #tpu.memory_space<vmem>>) semaphore(%arg21 : memref<!tpu.dma_semaphore, #tpu.memory_space<semaphore_mem>>) {add = true}
        %scan3A_273 = arith.constant 0 : i32
        scf.yield %scan3A_273 : i32
      }
      %scan3A_191 = arith.constant 26 : i32
      %dma_wait3A_192 = arith.constant 0 : i32
      %dma_wait3A_193 = arith.constant 0 : i32
      %dma_wait3A_194 = arith.constant 0 : i32
      %dma_wait3A_195 = tpu.memref_slice %arg16[%dma_wait3A_193, %dma_wait3A_194] : memref<512x32xf32, #tpu.memory_space<vmem>> -> memref<128x32xf32, #tpu.memory_space<vmem>>
      %dma_wait3A_196 = arith.constant 0 : i32
      %dma_wait3A_197 = tpu.memref_slice %arg13[%dma_wait3A_192, %dma_wait3A_196] : memref<26x128xi32, #tpu.memory_space<vmem>> -> memref<1x128xi32, #tpu.memory_space<vmem>>
      %dma_wait3A_198 = tpu.memref_squeeze %dma_wait3A_197 : memref<1x128xi32, #tpu.memory_space<vmem>> -> memref<128xi32, #tpu.memory_space<vmem>>
      %dma_wait3A_199 = arith.constant 0 : i32
      %dma_wait3A_200 = arith.constant 0 : i32
      %dma_wait3A_201 = tpu.memref_slice %arg12[%dma_wait3A_199, %dma_wait3A_200] : memref<50048x32xf32, #tpu.memory_space<vmem_shared>> -> memref<50048x32xf32, #tpu.memory_space<vmem_shared>>
      tpu.wait_indirect_dma semaphore(%arg21 : memref<!tpu.dma_semaphore, #tpu.memory_space<semaphore_mem>>) src(%dma_wait3A_195 : memref<128x32xf32, #tpu.memory_space<vmem>>) dst(%dma_wait3A_201 : memref<50048x32xf32, #tpu.memory_space<vmem_shared>>)
      %dma_wait3A_202 = arith.constant 0 : i32
      %dma_wait3A_203 = arith.constant 0 : i32
      %dma_wait3A_204 = arith.constant 0 : i32
      %dma_wait3A_205 = tpu.memref_slice %arg16[%dma_wait3A_203, %dma_wait3A_204] : memref<512x32xf32, #tpu.memory_space<vmem>> -> memref<128x32xf32, #tpu.memory_space<vmem>>
      %dma_wait3A_206 = arith.constant 0 : i32
      %dma_wait3A_207 = tpu.memref_slice %arg13[%dma_wait3A_202, %dma_wait3A_206] : memref<26x128xi32, #tpu.memory_space<vmem>> -> memref<1x128xi32, #tpu.memory_space<vmem>>
      %dma_wait3A_208 = tpu.memref_squeeze %dma_wait3A_207 : memref<1x128xi32, #tpu.memory_space<vmem>> -> memref<128xi32, #tpu.memory_space<vmem>>
      %dma_wait3A_209 = arith.constant 0 : i32
      %dma_wait3A_210 = arith.constant 0 : i32
      %dma_wait3A_211 = tpu.memref_slice %arg12[%dma_wait3A_209, %dma_wait3A_210] : memref<50048x32xf32, #tpu.memory_space<vmem_shared>> -> memref<50048x32xf32, #tpu.memory_space<vmem_shared>>
      tpu.wait_indirect_dma semaphore(%arg21 : memref<!tpu.dma_semaphore, #tpu.memory_space<semaphore_mem>>) src(%dma_wait3A_205 : memref<128x32xf32, #tpu.memory_space<vmem>>) dst(%dma_wait3A_211 : memref<50048x32xf32, #tpu.memory_space<vmem_shared>>)
      %dma_wait3A_212 = arith.constant 0 : i32
      %dma_wait3A_213 = arith.constant 0 : i32
      %dma_wait3A_214 = arith.constant 0 : i32
      %dma_wait3A_215 = tpu.memref_slice %arg16[%dma_wait3A_213, %dma_wait3A_214] : memref<512x32xf32, #tpu.memory_space<vmem>> -> memref<128x32xf32, #tpu.memory_space<vmem>>
      %dma_wait3A_216 = arith.constant 0 : i32
      %dma_wait3A_217 = tpu.memref_slice %arg13[%dma_wait3A_212, %dma_wait3A_216] : memref<26x128xi32, #tpu.memory_space<vmem>> -> memref<1x128xi32, #tpu.memory_space<vmem>>
      %dma_wait3A_218 = tpu.memref_squeeze %dma_wait3A_217 : memref<1x128xi32, #tpu.memory_space<vmem>> -> memref<128xi32, #tpu.memory_space<vmem>>
      %dma_wait3A_219 = arith.constant 0 : i32
      %dma_wait3A_220 = arith.constant 0 : i32
      %dma_wait3A_221 = tpu.memref_slice %arg12[%dma_wait3A_219, %dma_wait3A_220] : memref<50048x32xf32, #tpu.memory_space<vmem_shared>> -> memref<50048x32xf32, #tpu.memory_space<vmem_shared>>
      tpu.wait_indirect_dma semaphore(%arg21 : memref<!tpu.dma_semaphore, #tpu.memory_space<semaphore_mem>>) src(%dma_wait3A_215 : memref<128x32xf32, #tpu.memory_space<vmem>>) dst(%dma_wait3A_221 : memref<50048x32xf32, #tpu.memory_space<vmem_shared>>)
      %dma_wait3A_222 = arith.constant 0 : i32
      %dma_wait3A_223 = arith.constant 0 : i32
      %dma_wait3A_224 = arith.constant 0 : i32
      %dma_wait3A_225 = tpu.memref_slice %arg16[%dma_wait3A_223, %dma_wait3A_224] : memref<512x32xf32, #tpu.memory_space<vmem>> -> memref<128x32xf32, #tpu.memory_space<vmem>>
      %dma_wait3A_226 = arith.constant 0 : i32
      %dma_wait3A_227 = tpu.memref_slice %arg13[%dma_wait3A_222, %dma_wait3A_226] : memref<26x128xi32, #tpu.memory_space<vmem>> -> memref<1x128xi32, #tpu.memory_space<vmem>>
      %dma_wait3A_228 = tpu.memref_squeeze %dma_wait3A_227 : memref<1x128xi32, #tpu.memory_space<vmem>> -> memref<128xi32, #tpu.memory_space<vmem>>
      %dma_wait3A_229 = arith.constant 0 : i32
      %dma_wait3A_230 = arith.constant 0 : i32
      %dma_wait3A_231 = tpu.memref_slice %arg12[%dma_wait3A_229, %dma_wait3A_230] : memref<50048x32xf32, #tpu.memory_space<vmem_shared>> -> memref<50048x32xf32, #tpu.memory_space<vmem_shared>>
      tpu.wait_indirect_dma semaphore(%arg21 : memref<!tpu.dma_semaphore, #tpu.memory_space<semaphore_mem>>) src(%dma_wait3A_225 : memref<128x32xf32, #tpu.memory_space<vmem>>) dst(%dma_wait3A_231 : memref<50048x32xf32, #tpu.memory_space<vmem_shared>>)
      %scan3A_232 = arith.constant 0 : i32
      scf.yield %scan3A_232 : i32
    }
    %scan3A_48 = arith.constant 15 : i32
    %lt3A_49 = arith.constant 10 : i32
    %lt3A_50 = arith.cmpi slt, %arg1, %lt3A_49 : i32
    %convert_element_type3A_51 = arith.extui %lt3A_50 : i1 to i32
    %cond3A_52 = arith.constant 0 : i32
    %cond3A_53 = arith.cmpi ne, %convert_element_type3A_51, %cond3A_52 : i32
    scf.if %cond3A_53 {
      %add3A = arith.constant 6240 : i32
      %add3A_74 = arith.addi %add3A, %arg1 : i32
      %run_scoped3A = arith.constant 0 : i32
      "tpu.region"() ({
        %run_scoped3A_107 = tpu.sem_alloc : memref<!tpu.dma_semaphore, #tpu.memory_space<semaphore_mem>>
        %dma_start3A_108 = arith.constant 0 : i32
        %dma_start3A_109 = arith.constant 0 : i32
        %dma_start3A_110 = tpu.memref_slice %arg13[%dma_start3A_108, %dma_start3A_109] : memref<26x128xi32, #tpu.memory_space<vmem>> -> memref<1x128xi32, #tpu.memory_space<vmem>>
        %dma_start3A_111 = arith.constant 0 : i32
        %dma_start3A_112 = arith.constant 0 : i32
        %dma_start3A_113 = tpu.memref_slice %arg5[%run_scoped3A, %dma_start3A_111, %dma_start3A_112] : memref<2x6250x128xi32, #tpu.memory_space<hbm>> -> memref<1x6250x128xi32, #tpu.memory_space<hbm>>
        %dma_start3A_114 = tpu.memref_squeeze %dma_start3A_113 : memref<1x6250x128xi32, #tpu.memory_space<hbm>> -> memref<6250x128xi32, #tpu.memory_space<hbm>>
        %dma_start3A_115 = arith.constant 0 : i32
        %dma_start3A_116 = tpu.memref_slice %dma_start3A_114[%add3A_74, %dma_start3A_115] : memref<6250x128xi32, #tpu.memory_space<hbm>> -> memref<1x128xi32, #tpu.memory_space<hbm>>
        %dma_start3A_117 = arith.constant 0 : i32
        %dma_start3A_118 = arith.constant 0 : i32
        %dma_start3A_119 = tpu.memref_slice %arg13[%dma_start3A_117, %dma_start3A_118] : memref<26x128xi32, #tpu.memory_space<vmem>> -> memref<1x128xi32, #tpu.memory_space<vmem>>
        %dma_start3A_120 = arith.constant 0 : i32
        %dma_start3A_121 = arith.constant 0 : i32
        %dma_start3A_122 = tpu.memref_slice %arg5[%run_scoped3A, %dma_start3A_120, %dma_start3A_121] : memref<2x6250x128xi32, #tpu.memory_space<hbm>> -> memref<1x6250x128xi32, #tpu.memory_space<hbm>>
        %dma_start3A_123 = tpu.memref_squeeze %dma_start3A_122 : memref<1x6250x128xi32, #tpu.memory_space<hbm>> -> memref<6250x128xi32, #tpu.memory_space<hbm>>
        %dma_start3A_124 = arith.constant 0 : i32
        %dma_start3A_125 = tpu.memref_slice %dma_start3A_123[%add3A_74, %dma_start3A_124] : memref<6250x128xi32, #tpu.memory_space<hbm>> -> memref<1x128xi32, #tpu.memory_space<hbm>>
        tpu.enqueue_dma source(%dma_start3A_125 : memref<1x128xi32, #tpu.memory_space<hbm>>) target(%dma_start3A_119 : memref<1x128xi32, #tpu.memory_space<vmem>>) target_semaphore(%run_scoped3A_107 : memref<!tpu.dma_semaphore, #tpu.memory_space<semaphore_mem>>)
        %dma_wait3A_126 = arith.constant 0 : i32
        %dma_wait3A_127 = arith.constant 0 : i32
        %dma_wait3A_128 = tpu.memref_slice %arg13[%dma_wait3A_126, %dma_wait3A_127] : memref<26x128xi32, #tpu.memory_space<vmem>> -> memref<1x128xi32, #tpu.memory_space<vmem>>
        %dma_wait3A_129 = arith.constant 0 : i32
        %dma_wait3A_130 = arith.constant 0 : i32
        %dma_wait3A_131 = tpu.memref_slice %arg5[%run_scoped3A, %dma_wait3A_129, %dma_wait3A_130] : memref<2x6250x128xi32, #tpu.memory_space<hbm>> -> memref<1x6250x128xi32, #tpu.memory_space<hbm>>
        %dma_wait3A_132 = tpu.memref_squeeze %dma_wait3A_131 : memref<1x6250x128xi32, #tpu.memory_space<hbm>> -> memref<6250x128xi32, #tpu.memory_space<hbm>>
        %dma_wait3A_133 = arith.constant 0 : i32
        %dma_wait3A_134 = tpu.memref_slice %dma_wait3A_132[%add3A_74, %dma_wait3A_133] : memref<6250x128xi32, #tpu.memory_space<hbm>> -> memref<1x128xi32, #tpu.memory_space<hbm>>
        %dma_wait3A_135 = arith.constant 0 : i32
        %dma_wait3A_136 = arith.constant 0 : i32
        %dma_wait3A_137 = tpu.memref_slice %arg13[%dma_wait3A_135, %dma_wait3A_136] : memref<26x128xi32, #tpu.memory_space<vmem>> -> memref<1x128xi32, #tpu.memory_space<vmem>>
        %dma_wait3A_138 = arith.constant 0 : i32
        %dma_wait3A_139 = arith.constant 0 : i32
        %dma_wait3A_140 = tpu.memref_slice %arg5[%run_scoped3A, %dma_wait3A_138, %dma_wait3A_139] : memref<2x6250x128xi32, #tpu.memory_space<hbm>> -> memref<1x6250x128xi32, #tpu.memory_space<hbm>>
        %dma_wait3A_141 = tpu.memref_squeeze %dma_wait3A_140 : memref<1x6250x128xi32, #tpu.memory_space<hbm>> -> memref<6250x128xi32, #tpu.memory_space<hbm>>
        %dma_wait3A_142 = arith.constant 0 : i32
        %dma_wait3A_143 = tpu.memref_slice %dma_wait3A_141[%add3A_74, %dma_wait3A_142] : memref<6250x128xi32, #tpu.memory_space<hbm>> -> memref<1x128xi32, #tpu.memory_space<hbm>>
        tpu.wait_dma2 semaphore(%run_scoped3A_107 : memref<!tpu.dma_semaphore, #tpu.memory_space<semaphore_mem>>) src(%dma_wait3A_143 : memref<1x128xi32, #tpu.memory_space<hbm>>) dst(%dma_wait3A_137 : memref<1x128xi32, #tpu.memory_space<vmem>>)
        tpu.yield
      }) : () -> ()
      %run_scoped3A_75 = arith.constant 1 : i32
      "tpu.region"() ({
        %run_scoped3A_107 = tpu.sem_alloc : memref<!tpu.dma_semaphore, #tpu.memory_space<semaphore_mem>>
        %dma_start3A_108 = arith.constant 0 : i32
        %dma_start3A_109 = arith.constant 0 : i32
        %dma_start3A_110 = tpu.memref_slice %arg14[%dma_start3A_108, %dma_start3A_109] : memref<26x128xi32, #tpu.memory_space<vmem>> -> memref<1x128xi32, #tpu.memory_space<vmem>>
        %dma_start3A_111 = arith.constant 0 : i32
        %dma_start3A_112 = arith.constant 0 : i32
        %dma_start3A_113 = tpu.memref_slice %arg5[%run_scoped3A_75, %dma_start3A_111, %dma_start3A_112] : memref<2x6250x128xi32, #tpu.memory_space<hbm>> -> memref<1x6250x128xi32, #tpu.memory_space<hbm>>
        %dma_start3A_114 = tpu.memref_squeeze %dma_start3A_113 : memref<1x6250x128xi32, #tpu.memory_space<hbm>> -> memref<6250x128xi32, #tpu.memory_space<hbm>>
        %dma_start3A_115 = arith.constant 0 : i32
        %dma_start3A_116 = tpu.memref_slice %dma_start3A_114[%add3A_74, %dma_start3A_115] : memref<6250x128xi32, #tpu.memory_space<hbm>> -> memref<1x128xi32, #tpu.memory_space<hbm>>
        %dma_start3A_117 = arith.constant 0 : i32
        %dma_start3A_118 = arith.constant 0 : i32
        %dma_start3A_119 = tpu.memref_slice %arg14[%dma_start3A_117, %dma_start3A_118] : memref<26x128xi32, #tpu.memory_space<vmem>> -> memref<1x128xi32, #tpu.memory_space<vmem>>
        %dma_start3A_120 = arith.constant 0 : i32
        %dma_start3A_121 = arith.constant 0 : i32
        %dma_start3A_122 = tpu.memref_slice %arg5[%run_scoped3A_75, %dma_start3A_120, %dma_start3A_121] : memref<2x6250x128xi32, #tpu.memory_space<hbm>> -> memref<1x6250x128xi32, #tpu.memory_space<hbm>>
        %dma_start3A_123 = tpu.memref_squeeze %dma_start3A_122 : memref<1x6250x128xi32, #tpu.memory_space<hbm>> -> memref<6250x128xi32, #tpu.memory_space<hbm>>
        %dma_start3A_124 = arith.constant 0 : i32
        %dma_start3A_125 = tpu.memref_slice %dma_start3A_123[%add3A_74, %dma_start3A_124] : memref<6250x128xi32, #tpu.memory_space<hbm>> -> memref<1x128xi32, #tpu.memory_space<hbm>>
        tpu.enqueue_dma source(%dma_start3A_125 : memref<1x128xi32, #tpu.memory_space<hbm>>) target(%dma_start3A_119 : memref<1x128xi32, #tpu.memory_space<vmem>>) target_semaphore(%run_scoped3A_107 : memref<!tpu.dma_semaphore, #tpu.memory_space<semaphore_mem>>)
        %dma_wait3A_126 = arith.constant 0 : i32
        %dma_wait3A_127 = arith.constant 0 : i32
        %dma_wait3A_128 = tpu.memref_slice %arg14[%dma_wait3A_126, %dma_wait3A_127] : memref<26x128xi32, #tpu.memory_space<vmem>> -> memref<1x128xi32, #tpu.memory_space<vmem>>
        %dma_wait3A_129 = arith.constant 0 : i32
        %dma_wait3A_130 = arith.constant 0 : i32
        %dma_wait3A_131 = tpu.memref_slice %arg5[%run_scoped3A_75, %dma_wait3A_129, %dma_wait3A_130] : memref<2x6250x128xi32, #tpu.memory_space<hbm>> -> memref<1x6250x128xi32, #tpu.memory_space<hbm>>
        %dma_wait3A_132 = tpu.memref_squeeze %dma_wait3A_131 : memref<1x6250x128xi32, #tpu.memory_space<hbm>> -> memref<6250x128xi32, #tpu.memory_space<hbm>>
        %dma_wait3A_133 = arith.constant 0 : i32
        %dma_wait3A_134 = tpu.memref_slice %dma_wait3A_132[%add3A_74, %dma_wait3A_133] : memref<6250x128xi32, #tpu.memory_space<hbm>> -> memref<1x128xi32, #tpu.memory_space<hbm>>
        %dma_wait3A_135 = arith.constant 0 : i32
        %dma_wait3A_136 = arith.constant 0 : i32
        %dma_wait3A_137 = tpu.memref_slice %arg14[%dma_wait3A_135, %dma_wait3A_136] : memref<26x128xi32, #tpu.memory_space<vmem>> -> memref<1x128xi32, #tpu.memory_space<vmem>>
        %dma_wait3A_138 = arith.constant 0 : i32
        %dma_wait3A_139 = arith.constant 0 : i32
        %dma_wait3A_140 = tpu.memref_slice %arg5[%run_scoped3A_75, %dma_wait3A_138, %dma_wait3A_139] : memref<2x6250x128xi32, #tpu.memory_space<hbm>> -> memref<1x6250x128xi32, #tpu.memory_space<hbm>>
        %dma_wait3A_141 = tpu.memref_squeeze %dma_wait3A_140 : memref<1x6250x128xi32, #tpu.memory_space<hbm>> -> memref<6250x128xi32, #tpu.memory_space<hbm>>
        %dma_wait3A_142 = arith.constant 0 : i32
        %dma_wait3A_143 = tpu.memref_slice %dma_wait3A_141[%add3A_74, %dma_wait3A_142] : memref<6250x128xi32, #tpu.memory_space<hbm>> -> memref<1x128xi32, #tpu.memory_space<hbm>>
        tpu.wait_dma2 semaphore(%run_scoped3A_107 : memref<!tpu.dma_semaphore, #tpu.memory_space<semaphore_mem>>) src(%dma_wait3A_143 : memref<1x128xi32, #tpu.memory_space<hbm>>) dst(%dma_wait3A_137 : memref<1x128xi32, #tpu.memory_space<vmem>>)
        tpu.yield
      }) : () -> ()
      "tpu.region"() ({
        %run_scoped3A_107 = tpu.sem_alloc : memref<!tpu.dma_semaphore, #tpu.memory_space<semaphore_mem>>
        %dma_start3A_108 = arith.constant 0 : i32
        %dma_start3A_109 = arith.constant 0 : i32
        %dma_start3A_110 = tpu.memref_slice %arg15[%dma_start3A_108, %dma_start3A_109] : memref<26x128xf32, #tpu.memory_space<vmem>> -> memref<1x128xf32, #tpu.memory_space<vmem>>
        %dma_start3A_111 = arith.constant 0 : i32
        %dma_start3A_112 = tpu.memref_slice %arg6[%add3A_74, %dma_start3A_111] : memref<6250x128xf32, #tpu.memory_space<hbm>> -> memref<1x128xf32, #tpu.memory_space<hbm>>
        %dma_start3A_113 = arith.constant 0 : i32
        %dma_start3A_114 = arith.constant 0 : i32
        %dma_start3A_115 = tpu.memref_slice %arg15[%dma_start3A_113, %dma_start3A_114] : memref<26x128xf32, #tpu.memory_space<vmem>> -> memref<1x128xf32, #tpu.memory_space<vmem>>
        %dma_start3A_116 = arith.constant 0 : i32
        %dma_start3A_117 = tpu.memref_slice %arg6[%add3A_74, %dma_start3A_116] : memref<6250x128xf32, #tpu.memory_space<hbm>> -> memref<1x128xf32, #tpu.memory_space<hbm>>
        tpu.enqueue_dma source(%dma_start3A_117 : memref<1x128xf32, #tpu.memory_space<hbm>>) target(%dma_start3A_115 : memref<1x128xf32, #tpu.memory_space<vmem>>) target_semaphore(%run_scoped3A_107 : memref<!tpu.dma_semaphore, #tpu.memory_space<semaphore_mem>>)
        %dma_wait3A_118 = arith.constant 0 : i32
        %dma_wait3A_119 = arith.constant 0 : i32
        %dma_wait3A_120 = tpu.memref_slice %arg15[%dma_wait3A_118, %dma_wait3A_119] : memref<26x128xf32, #tpu.memory_space<vmem>> -> memref<1x128xf32, #tpu.memory_space<vmem>>
        %dma_wait3A_121 = arith.constant 0 : i32
        %dma_wait3A_122 = tpu.memref_slice %arg6[%add3A_74, %dma_wait3A_121] : memref<6250x128xf32, #tpu.memory_space<hbm>> -> memref<1x128xf32, #tpu.memory_space<hbm>>
        %dma_wait3A_123 = arith.constant 0 : i32
        %dma_wait3A_124 = arith.constant 0 : i32
        %dma_wait3A_125 = tpu.memref_slice %arg15[%dma_wait3A_123, %dma_wait3A_124] : memref<26x128xf32, #tpu.memory_space<vmem>> -> memref<1x128xf32, #tpu.memory_space<vmem>>
        %dma_wait3A_126 = arith.constant 0 : i32
        %dma_wait3A_127 = tpu.memref_slice %arg6[%add3A_74, %dma_wait3A_126] : memref<6250x128xf32, #tpu.memory_space<hbm>> -> memref<1x128xf32, #tpu.memory_space<hbm>>
        tpu.wait_dma2 semaphore(%run_scoped3A_107 : memref<!tpu.dma_semaphore, #tpu.memory_space<semaphore_mem>>) src(%dma_wait3A_127 : memref<1x128xf32, #tpu.memory_space<hbm>>) dst(%dma_wait3A_125 : memref<1x128xf32, #tpu.memory_space<vmem>>)
        tpu.yield
      }) : () -> ()
      %dma_start3A = arith.constant 0 : i32
      %dma_start3A_76 = arith.constant 0 : i32
      %dma_start3A_77 = arith.constant 0 : i32
      %dma_start3A_78 = tpu.memref_slice %arg16[%dma_start3A_76, %dma_start3A_77] : memref<512x32xf32, #tpu.memory_space<vmem>> -> memref<128x32xf32, #tpu.memory_space<vmem>>
      %dma_start3A_79 = arith.constant 0 : i32
      %dma_start3A_80 = tpu.memref_slice %arg14[%dma_start3A, %dma_start3A_79] : memref<26x128xi32, #tpu.memory_space<vmem>> -> memref<1x128xi32, #tpu.memory_space<vmem>>
      %dma_start3A_81 = tpu.memref_squeeze %dma_start3A_80 : memref<1x128xi32, #tpu.memory_space<vmem>> -> memref<128xi32, #tpu.memory_space<vmem>>
      %dma_start3A_82 = arith.constant 0 : i32
      %dma_start3A_83 = tpu.memref_slice %arg10[%mul3A_0, %dma_start3A_82] : memref<100096x32xf32, #tpu.memory_space<hbm>> -> memref<50048x32xf32, #tpu.memory_space<hbm>>
      %dma_start3A_84 = arith.constant 0 : i32
      %dma_start3A_85 = arith.constant 0 : i32
      %dma_start3A_86 = tpu.memref_slice %dma_start3A_83[%dma_start3A_84, %dma_start3A_85] : memref<50048x32xf32, #tpu.memory_space<hbm>> -> memref<50048x32xf32, #tpu.memory_space<hbm>>
      tpu.enqueue_indirect_dma source(%dma_start3A_86 : memref<50048x32xf32, #tpu.memory_space<hbm>>) target(%dma_start3A_78 : memref<128x32xf32, #tpu.memory_space<vmem>>) offsets(%dma_start3A_81 : memref<128xi32, #tpu.memory_space<vmem>>) semaphore(%arg20 : memref<!tpu.dma_semaphore, #tpu.memory_space<semaphore_mem>>)
      %dma_wait3A = arith.constant 0 : i32
      %dma_wait3A_87 = arith.constant 0 : i32
      %dma_wait3A_88 = arith.constant 0 : i32
      %dma_wait3A_89 = tpu.memref_slice %arg16[%dma_wait3A_87, %dma_wait3A_88] : memref<512x32xf32, #tpu.memory_space<vmem>> -> memref<128x32xf32, #tpu.memory_space<vmem>>
      %dma_wait3A_90 = arith.constant 0 : i32
      %dma_wait3A_91 = tpu.memref_slice %arg14[%dma_wait3A, %dma_wait3A_90] : memref<26x128xi32, #tpu.memory_space<vmem>> -> memref<1x128xi32, #tpu.memory_space<vmem>>
      %dma_wait3A_92 = tpu.memref_squeeze %dma_wait3A_91 : memref<1x128xi32, #tpu.memory_space<vmem>> -> memref<128xi32, #tpu.memory_space<vmem>>
      %dma_wait3A_93 = arith.constant 0 : i32
      %dma_wait3A_94 = tpu.memref_slice %arg10[%mul3A_0, %dma_wait3A_93] : memref<100096x32xf32, #tpu.memory_space<hbm>> -> memref<50048x32xf32, #tpu.memory_space<hbm>>
      %dma_wait3A_95 = arith.constant 0 : i32
      %dma_wait3A_96 = arith.constant 0 : i32
      %dma_wait3A_97 = tpu.memref_slice %dma_wait3A_94[%dma_wait3A_95, %dma_wait3A_96] : memref<50048x32xf32, #tpu.memory_space<hbm>> -> memref<50048x32xf32, #tpu.memory_space<hbm>>
      tpu.wait_indirect_dma semaphore(%arg20 : memref<!tpu.dma_semaphore, #tpu.memory_space<semaphore_mem>>) src(%dma_wait3A_97 : memref<50048x32xf32, #tpu.memory_space<hbm>>) dst(%dma_wait3A_89 : memref<128x32xf32, #tpu.memory_space<vmem>>)
      %scan3A_98 = arith.constant 0 : i32
      %scan3A_99 = arith.constant 0 : i32
      %scan3A_100 = arith.constant 0 : i32
      %scan3A_101 = arith.constant 8 : i32
      %scan3A_102 = arith.addi %scan3A_100, %scan3A_101 : i32
      %scan3A_103 = arith.constant 1 : i32
      %scan3A_104 = scf.for %scan3A_107 = %scan3A_100 to %scan3A_102 step %scan3A_103 iter_args(%scan3A_108 = %scan3A_99) -> (i32)  : i32 {
        %mul3A_109 = arith.constant 16 : i32
        %mul3A_110 = arith.muli %scan3A_107, %mul3A_109 : i32
        %get3A_111 = arith.index_cast %scan3A_98 : i32 to index
        %get3A_112 = arith.index_cast %mul3A_110 : i32 to index
        %get3A_113 = tpu.vector_load %arg15[%get3A_111, %get3A_112] {strides = array<i32>} : memref<26x128xf32, #tpu.memory_space<vmem>>, vector<1x16xf32>,
        %get3A_114 = vector.shape_cast %get3A_113 : vector<1x16xf32> to vector<16xf32>
        %mul3A_115 = arith.mulf %get3A_114, %gather3A_19 : vector<16xf32>
        %broadcast_in_dim3A_116 = arith.constant 0 : i32
        %broadcast_in_dim3A_117 = vector.broadcast %broadcast_in_dim3A_116 : i32 to vector<16x1xi32>
        %gather3A_118 = vector.shape_cast %broadcast_in_dim3A_117 : vector<16x1xi32> to vector<16xi32>
        %gather3A_119 = tpu.dynamic_gather %mul3A_115[%gather3A_118] in [0] : vector<16xf32>, vector<16xi32> -> vector<16xf32>
        %mul3A_120 = arith.constant 16 : i32
        %mul3A_121 = arith.muli %scan3A_107, %mul3A_120 : i32
        %add3A_122 = arith.constant 0 : i32
        %add3A_123 = arith.addi %add3A_122, %mul3A_121 : i32
        %add3A_124 = arith.constant 0 : i32
        %add3A_125 = arith.addi %add3A_123, %add3A_124 : i32
        %get3A_126 = arith.index_cast %add3A_125 : i32 to index
        %get3A_127 = arith.constant 0 : index
        %get3A_128 = tpu.vector_load %arg16[%get3A_126, %get3A_127] {strides = array<i32>} : memref<512x32xf32, #tpu.memory_space<vmem>>, vector<1x16xf32>,
        %get3A_129 = vector.shape_cast %get3A_128 : vector<1x16xf32> to vector<16xf32>
        %mul3A_130 = arith.mulf %get3A_129, %gather3A_119 : vector<16xf32>
        %swap3A = arith.index_cast %add3A_125 : i32 to index
        %swap3A_131 = arith.constant 0 : index
        %swap3A_132 = tpu.vector_load %arg16[%swap3A, %swap3A_131] {strides = array<i32>} : memref<512x32xf32, #tpu.memory_space<vmem>>, vector<1x16xf32>,
        %swap3A_133 = vector.shape_cast %swap3A_132 : vector<1x16xf32> to vector<16xf32>
        %swap3A_134 = vector.shape_cast %mul3A_130 : vector<16xf32> to vector<1x16xf32>
        tpu.vector_store %arg16[%swap3A, %swap3A_131], %swap3A_134 {strides = array<i32>} : memref<512x32xf32, #tpu.memory_space<vmem>>, vector<1x16xf32>,
        %get3A_135 = arith.index_cast %add3A_125 : i32 to index
        %get3A_136 = arith.constant 16 : index
        %get3A_137 = tpu.vector_load %arg16[%get3A_135, %get3A_136] {strides = array<i32>} : memref<512x32xf32, #tpu.memory_space<vmem>>, vector<1x16xf32>,
        %get3A_138 = vector.shape_cast %get3A_137 : vector<1x16xf32> to vector<16xf32>
        %mul3A_139 = arith.mulf %get3A_138, %gather3A_119 : vector<16xf32>
        %swap3A_140 = arith.index_cast %add3A_125 : i32 to index
        %swap3A_141 = arith.constant 16 : index
        %swap3A_142 = tpu.vector_load %arg16[%swap3A_140, %swap3A_141] {strides = array<i32>} : memref<512x32xf32, #tpu.memory_space<vmem>>, vector<1x16xf32>,
        %swap3A_143 = vector.shape_cast %swap3A_142 : vector<1x16xf32> to vector<16xf32>
        %swap3A_144 = vector.shape_cast %mul3A_139 : vector<16xf32> to vector<1x16xf32>
        tpu.vector_store %arg16[%swap3A_140, %swap3A_141], %swap3A_144 {strides = array<i32>} : memref<512x32xf32, #tpu.memory_space<vmem>>, vector<1x16xf32>,
        %broadcast_in_dim3A_145 = arith.constant 1 : i32
        %broadcast_in_dim3A_146 = vector.broadcast %broadcast_in_dim3A_145 : i32 to vector<16x1xi32>
        %gather3A_147 = vector.shape_cast %broadcast_in_dim3A_146 : vector<16x1xi32> to vector<16xi32>
        %gather3A_148 = tpu.dynamic_gather %mul3A_115[%gather3A_147] in [0] : vector<16xf32>, vector<16xi32> -> vector<16xf32>
        %mul3A_149 = arith.constant 16 : i32
        %mul3A_150 = arith.muli %scan3A_107, %mul3A_149 : i32
        %add3A_151 = arith.constant 0 : i32
        %add3A_152 = arith.addi %add3A_151, %mul3A_150 : i32
        %add3A_153 = arith.constant 1 : i32
        %add3A_154 = arith.addi %add3A_152, %add3A_153 : i32
        %get3A_155 = arith.index_cast %add3A_154 : i32 to index
        %get3A_156 = arith.constant 0 : index
        %get3A_157 = tpu.vector_load %arg16[%get3A_155, %get3A_156] {strides = array<i32>} : memref<512x32xf32, #tpu.memory_space<vmem>>, vector<1x16xf32>,
        %get3A_158 = vector.shape_cast %get3A_157 : vector<1x16xf32> to vector<16xf32>
        %mul3A_159 = arith.mulf %get3A_158, %gather3A_148 : vector<16xf32>
        %swap3A_160 = arith.index_cast %add3A_154 : i32 to index
        %swap3A_161 = arith.constant 0 : index
        %swap3A_162 = tpu.vector_load %arg16[%swap3A_160, %swap3A_161] {strides = array<i32>} : memref<512x32xf32, #tpu.memory_space<vmem>>, vector<1x16xf32>,
        %swap3A_163 = vector.shape_cast %swap3A_162 : vector<1x16xf32> to vector<16xf32>
        %swap3A_164 = vector.shape_cast %mul3A_159 : vector<16xf32> to vector<1x16xf32>
        tpu.vector_store %arg16[%swap3A_160, %swap3A_161], %swap3A_164 {strides = array<i32>} : memref<512x32xf32, #tpu.memory_space<vmem>>, vector<1x16xf32>,
        %get3A_165 = arith.index_cast %add3A_154 : i32 to index
        %get3A_166 = arith.constant 16 : index
        %get3A_167 = tpu.vector_load %arg16[%get3A_165, %get3A_166] {strides = array<i32>} : memref<512x32xf32, #tpu.memory_space<vmem>>, vector<1x16xf32>,
        %get3A_168 = vector.shape_cast %get3A_167 : vector<1x16xf32> to vector<16xf32>
        %mul3A_169 = arith.mulf %get3A_168, %gather3A_148 : vector<16xf32>
        %swap3A_170 = arith.index_cast %add3A_154 : i32 to index
        %swap3A_171 = arith.constant 16 : index
        %swap3A_172 = tpu.vector_load %arg16[%swap3A_170, %swap3A_171] {strides = array<i32>} : memref<512x32xf32, #tpu.memory_space<vmem>>, vector<1x16xf32>,
        %swap3A_173 = vector.shape_cast %swap3A_172 : vector<1x16xf32> to vector<16xf32>
        %swap3A_174 = vector.shape_cast %mul3A_169 : vector<16xf32> to vector<1x16xf32>
        tpu.vector_store %arg16[%swap3A_170, %swap3A_171], %swap3A_174 {strides = array<i32>} : memref<512x32xf32, #tpu.memory_space<vmem>>, vector<1x16xf32>,
        %broadcast_in_dim3A_175 = arith.constant 2 : i32
        %broadcast_in_dim3A_176 = vector.broadcast %broadcast_in_dim3A_175 : i32 to vector<16x1xi32>
        %gather3A_177 = vector.shape_cast %broadcast_in_dim3A_176 : vector<16x1xi32> to vector<16xi32>
        %gather3A_178 = tpu.dynamic_gather %mul3A_115[%gather3A_177] in [0] : vector<16xf32>, vector<16xi32> -> vector<16xf32>
        %mul3A_179 = arith.constant 16 : i32
        %mul3A_180 = arith.muli %scan3A_107, %mul3A_179 : i32
        %add3A_181 = arith.constant 0 : i32
        %add3A_182 = arith.addi %add3A_181, %mul3A_180 : i32
        %add3A_183 = arith.constant 2 : i32
        %add3A_184 = arith.addi %add3A_182, %add3A_183 : i32
        %get3A_185 = arith.index_cast %add3A_184 : i32 to index
        %get3A_186 = arith.constant 0 : index
        %get3A_187 = tpu.vector_load %arg16[%get3A_185, %get3A_186] {strides = array<i32>} : memref<512x32xf32, #tpu.memory_space<vmem>>, vector<1x16xf32>,
        %get3A_188 = vector.shape_cast %get3A_187 : vector<1x16xf32> to vector<16xf32>
        %mul3A_189 = arith.mulf %get3A_188, %gather3A_178 : vector<16xf32>
        %swap3A_190 = arith.index_cast %add3A_184 : i32 to index
        %swap3A_191 = arith.constant 0 : index
        %swap3A_192 = tpu.vector_load %arg16[%swap3A_190, %swap3A_191] {strides = array<i32>} : memref<512x32xf32, #tpu.memory_space<vmem>>, vector<1x16xf32>,
        %swap3A_193 = vector.shape_cast %swap3A_192 : vector<1x16xf32> to vector<16xf32>
        %swap3A_194 = vector.shape_cast %mul3A_189 : vector<16xf32> to vector<1x16xf32>
        tpu.vector_store %arg16[%swap3A_190, %swap3A_191], %swap3A_194 {strides = array<i32>} : memref<512x32xf32, #tpu.memory_space<vmem>>, vector<1x16xf32>,
        %get3A_195 = arith.index_cast %add3A_184 : i32 to index
        %get3A_196 = arith.constant 16 : index
        %get3A_197 = tpu.vector_load %arg16[%get3A_195, %get3A_196] {strides = array<i32>} : memref<512x32xf32, #tpu.memory_space<vmem>>, vector<1x16xf32>,
        %get3A_198 = vector.shape_cast %get3A_197 : vector<1x16xf32> to vector<16xf32>
        %mul3A_199 = arith.mulf %get3A_198, %gather3A_178 : vector<16xf32>
        %swap3A_200 = arith.index_cast %add3A_184 : i32 to index
        %swap3A_201 = arith.constant 16 : index
        %swap3A_202 = tpu.vector_load %arg16[%swap3A_200, %swap3A_201] {strides = array<i32>} : memref<512x32xf32, #tpu.memory_space<vmem>>, vector<1x16xf32>,
        %swap3A_203 = vector.shape_cast %swap3A_202 : vector<1x16xf32> to vector<16xf32>
        %swap3A_204 = vector.shape_cast %mul3A_199 : vector<16xf32> to vector<1x16xf32>
        tpu.vector_store %arg16[%swap3A_200, %swap3A_201], %swap3A_204 {strides = array<i32>} : memref<512x32xf32, #tpu.memory_space<vmem>>, vector<1x16xf32>,
        %broadcast_in_dim3A_205 = arith.constant 3 : i32
        %broadcast_in_dim3A_206 = vector.broadcast %broadcast_in_dim3A_205 : i32 to vector<16x1xi32>
        %gather3A_207 = vector.shape_cast %broadcast_in_dim3A_206 : vector<16x1xi32> to vector<16xi32>
        %gather3A_208 = tpu.dynamic_gather %mul3A_115[%gather3A_207] in [0] : vector<16xf32>, vector<16xi32> -> vector<16xf32>
        %mul3A_209 = arith.constant 16 : i32
        %mul3A_210 = arith.muli %scan3A_107, %mul3A_209 : i32
        %add3A_211 = arith.constant 0 : i32
        %add3A_212 = arith.addi %add3A_211, %mul3A_210 : i32
        %add3A_213 = arith.constant 3 : i32
        %add3A_214 = arith.addi %add3A_212, %add3A_213 : i32
        %get3A_215 = arith.index_cast %add3A_214 : i32 to index
        %get3A_216 = arith.constant 0 : index
        %get3A_217 = tpu.vector_load %arg16[%get3A_215, %get3A_216] {strides = array<i32>} : memref<512x32xf32, #tpu.memory_space<vmem>>, vector<1x16xf32>,
        %get3A_218 = vector.shape_cast %get3A_217 : vector<1x16xf32> to vector<16xf32>
        %mul3A_219 = arith.mulf %get3A_218, %gather3A_208 : vector<16xf32>
        %swap3A_220 = arith.index_cast %add3A_214 : i32 to index
        %swap3A_221 = arith.constant 0 : index
        %swap3A_222 = tpu.vector_load %arg16[%swap3A_220, %swap3A_221] {strides = array<i32>} : memref<512x32xf32, #tpu.memory_space<vmem>>, vector<1x16xf32>,
        %swap3A_223 = vector.shape_cast %swap3A_222 : vector<1x16xf32> to vector<16xf32>
        %swap3A_224 = vector.shape_cast %mul3A_219 : vector<16xf32> to vector<1x16xf32>
        tpu.vector_store %arg16[%swap3A_220, %swap3A_221], %swap3A_224 {strides = array<i32>} : memref<512x32xf32, #tpu.memory_space<vmem>>, vector<1x16xf32>,
        %get3A_225 = arith.index_cast %add3A_214 : i32 to index
        %get3A_226 = arith.constant 16 : index
        %get3A_227 = tpu.vector_load %arg16[%get3A_225, %get3A_226] {strides = array<i32>} : memref<512x32xf32, #tpu.memory_space<vmem>>, vector<1x16xf32>,
        %get3A_228 = vector.shape_cast %get3A_227 : vector<1x16xf32> to vector<16xf32>
        %mul3A_229 = arith.mulf %get3A_228, %gather3A_208 : vector<16xf32>
        %swap3A_230 = arith.index_cast %add3A_214 : i32 to index
        %swap3A_231 = arith.constant 16 : index
        %swap3A_232 = tpu.vector_load %arg16[%swap3A_230, %swap3A_231] {strides = array<i32>} : memref<512x32xf32, #tpu.memory_space<vmem>>, vector<1x16xf32>,
        %swap3A_233 = vector.shape_cast %swap3A_232 : vector<1x16xf32> to vector<16xf32>
        %swap3A_234 = vector.shape_cast %mul3A_229 : vector<16xf32> to vector<1x16xf32>
        tpu.vector_store %arg16[%swap3A_230, %swap3A_231], %swap3A_234 {strides = array<i32>} : memref<512x32xf32, #tpu.memory_space<vmem>>, vector<1x16xf32>,
        %broadcast_in_dim3A_235 = arith.constant 4 : i32
        %broadcast_in_dim3A_236 = vector.broadcast %broadcast_in_dim3A_235 : i32 to vector<16x1xi32>
        %gather3A_237 = vector.shape_cast %broadcast_in_dim3A_236 : vector<16x1xi32> to vector<16xi32>
        %gather3A_238 = tpu.dynamic_gather %mul3A_115[%gather3A_237] in [0] : vector<16xf32>, vector<16xi32> -> vector<16xf32>
        %mul3A_239 = arith.constant 16 : i32
        %mul3A_240 = arith.muli %scan3A_107, %mul3A_239 : i32
        %add3A_241 = arith.constant 0 : i32
        %add3A_242 = arith.addi %add3A_241, %mul3A_240 : i32
        %add3A_243 = arith.constant 4 : i32
        %add3A_244 = arith.addi %add3A_242, %add3A_243 : i32
        %get3A_245 = arith.index_cast %add3A_244 : i32 to index
        %get3A_246 = arith.constant 0 : index
        %get3A_247 = tpu.vector_load %arg16[%get3A_245, %get3A_246] {strides = array<i32>} : memref<512x32xf32, #tpu.memory_space<vmem>>, vector<1x16xf32>,
        %get3A_248 = vector.shape_cast %get3A_247 : vector<1x16xf32> to vector<16xf32>
        %mul3A_249 = arith.mulf %get3A_248, %gather3A_238 : vector<16xf32>
        %swap3A_250 = arith.index_cast %add3A_244 : i32 to index
        %swap3A_251 = arith.constant 0 : index
        %swap3A_252 = tpu.vector_load %arg16[%swap3A_250, %swap3A_251] {strides = array<i32>} : memref<512x32xf32, #tpu.memory_space<vmem>>, vector<1x16xf32>,
        %swap3A_253 = vector.shape_cast %swap3A_252 : vector<1x16xf32> to vector<16xf32>
        %swap3A_254 = vector.shape_cast %mul3A_249 : vector<16xf32> to vector<1x16xf32>
        tpu.vector_store %arg16[%swap3A_250, %swap3A_251], %swap3A_254 {strides = array<i32>} : memref<512x32xf32, #tpu.memory_space<vmem>>, vector<1x16xf32>,
        %get3A_255 = arith.index_cast %add3A_244 : i32 to index
        %get3A_256 = arith.constant 16 : index
        %get3A_257 = tpu.vector_load %arg16[%get3A_255, %get3A_256] {strides = array<i32>} : memref<512x32xf32, #tpu.memory_space<vmem>>, vector<1x16xf32>,
        %get3A_258 = vector.shape_cast %get3A_257 : vector<1x16xf32> to vector<16xf32>
        %mul3A_259 = arith.mulf %get3A_258, %gather3A_238 : vector<16xf32>
        %swap3A_260 = arith.index_cast %add3A_244 : i32 to index
        %swap3A_261 = arith.constant 16 : index
        %swap3A_262 = tpu.vector_load %arg16[%swap3A_260, %swap3A_261] {strides = array<i32>} : memref<512x32xf32, #tpu.memory_space<vmem>>, vector<1x16xf32>,
        %swap3A_263 = vector.shape_cast %swap3A_262 : vector<1x16xf32> to vector<16xf32>
        %swap3A_264 = vector.shape_cast %mul3A_259 : vector<16xf32> to vector<1x16xf32>
        tpu.vector_store %arg16[%swap3A_260, %swap3A_261], %swap3A_264 {strides = array<i32>} : memref<512x32xf32, #tpu.memory_space<vmem>>, vector<1x16xf32>,
        %broadcast_in_dim3A_265 = arith.constant 5 : i32
        %broadcast_in_dim3A_266 = vector.broadcast %broadcast_in_dim3A_265 : i32 to vector<16x1xi32>
        %gather3A_267 = vector.shape_cast %broadcast_in_dim3A_266 : vector<16x1xi32> to vector<16xi32>
        %gather3A_268 = tpu.dynamic_gather %mul3A_115[%gather3A_267] in [0] : vector<16xf32>, vector<16xi32> -> vector<16xf32>
        %mul3A_269 = arith.constant 16 : i32
        %mul3A_270 = arith.muli %scan3A_107, %mul3A_269 : i32
        %add3A_271 = arith.constant 0 : i32
        %add3A_272 = arith.addi %add3A_271, %mul3A_270 : i32
        %add3A_273 = arith.constant 5 : i32
        %add3A_274 = arith.addi %add3A_272, %add3A_273 : i32
        %get3A_275 = arith.index_cast %add3A_274 : i32 to index
        %get3A_276 = arith.constant 0 : index
        %get3A_277 = tpu.vector_load %arg16[%get3A_275, %get3A_276] {strides = array<i32>} : memref<512x32xf32, #tpu.memory_space<vmem>>, vector<1x16xf32>,
        %get3A_278 = vector.shape_cast %get3A_277 : vector<1x16xf32> to vector<16xf32>
        %mul3A_279 = arith.mulf %get3A_278, %gather3A_268 : vector<16xf32>
        %swap3A_280 = arith.index_cast %add3A_274 : i32 to index
        %swap3A_281 = arith.constant 0 : index
        %swap3A_282 = tpu.vector_load %arg16[%swap3A_280, %swap3A_281] {strides = array<i32>} : memref<512x32xf32, #tpu.memory_space<vmem>>, vector<1x16xf32>,
        %swap3A_283 = vector.shape_cast %swap3A_282 : vector<1x16xf32> to vector<16xf32>
        %swap3A_284 = vector.shape_cast %mul3A_279 : vector<16xf32> to vector<1x16xf32>
        tpu.vector_store %arg16[%swap3A_280, %swap3A_281], %swap3A_284 {strides = array<i32>} : memref<512x32xf32, #tpu.memory_space<vmem>>, vector<1x16xf32>,
        %get3A_285 = arith.index_cast %add3A_274 : i32 to index
        %get3A_286 = arith.constant 16 : index
        %get3A_287 = tpu.vector_load %arg16[%get3A_285, %get3A_286] {strides = array<i32>} : memref<512x32xf32, #tpu.memory_space<vmem>>, vector<1x16xf32>,
        %get3A_288 = vector.shape_cast %get3A_287 : vector<1x16xf32> to vector<16xf32>
        %mul3A_289 = arith.mulf %get3A_288, %gather3A_268 : vector<16xf32>
        %swap3A_290 = arith.index_cast %add3A_274 : i32 to index
        %swap3A_291 = arith.constant 16 : index
        %swap3A_292 = tpu.vector_load %arg16[%swap3A_290, %swap3A_291] {strides = array<i32>} : memref<512x32xf32, #tpu.memory_space<vmem>>, vector<1x16xf32>,
        %swap3A_293 = vector.shape_cast %swap3A_292 : vector<1x16xf32> to vector<16xf32>
        %swap3A_294 = vector.shape_cast %mul3A_289 : vector<16xf32> to vector<1x16xf32>
        tpu.vector_store %arg16[%swap3A_290, %swap3A_291], %swap3A_294 {strides = array<i32>} : memref<512x32xf32, #tpu.memory_space<vmem>>, vector<1x16xf32>,
        %broadcast_in_dim3A_295 = arith.constant 6 : i32
        %broadcast_in_dim3A_296 = vector.broadcast %broadcast_in_dim3A_295 : i32 to vector<16x1xi32>
        %gather3A_297 = vector.shape_cast %broadcast_in_dim3A_296 : vector<16x1xi32> to vector<16xi32>
        %gather3A_298 = tpu.dynamic_gather %mul3A_115[%gather3A_297] in [0] : vector<16xf32>, vector<16xi32> -> vector<16xf32>
        %mul3A_299 = arith.constant 16 : i32
        %mul3A_300 = arith.muli %scan3A_107, %mul3A_299 : i32
        %add3A_301 = arith.constant 0 : i32
        %add3A_302 = arith.addi %add3A_301, %mul3A_300 : i32
        %add3A_303 = arith.constant 6 : i32
        %add3A_304 = arith.addi %add3A_302, %add3A_303 : i32
        %get3A_305 = arith.index_cast %add3A_304 : i32 to index
        %get3A_306 = arith.constant 0 : index
        %get3A_307 = tpu.vector_load %arg16[%get3A_305, %get3A_306] {strides = array<i32>} : memref<512x32xf32, #tpu.memory_space<vmem>>, vector<1x16xf32>,
        %get3A_308 = vector.shape_cast %get3A_307 : vector<1x16xf32> to vector<16xf32>
        %mul3A_309 = arith.mulf %get3A_308, %gather3A_298 : vector<16xf32>
        %swap3A_310 = arith.index_cast %add3A_304 : i32 to index
        %swap3A_311 = arith.constant 0 : index
        %swap3A_312 = tpu.vector_load %arg16[%swap3A_310, %swap3A_311] {strides = array<i32>} : memref<512x32xf32, #tpu.memory_space<vmem>>, vector<1x16xf32>,
        %swap3A_313 = vector.shape_cast %swap3A_312 : vector<1x16xf32> to vector<16xf32>
        %swap3A_314 = vector.shape_cast %mul3A_309 : vector<16xf32> to vector<1x16xf32>
        tpu.vector_store %arg16[%swap3A_310, %swap3A_311], %swap3A_314 {strides = array<i32>} : memref<512x32xf32, #tpu.memory_space<vmem>>, vector<1x16xf32>,
        %get3A_315 = arith.index_cast %add3A_304 : i32 to index
        %get3A_316 = arith.constant 16 : index
        %get3A_317 = tpu.vector_load %arg16[%get3A_315, %get3A_316] {strides = array<i32>} : memref<512x32xf32, #tpu.memory_space<vmem>>, vector<1x16xf32>,
        %get3A_318 = vector.shape_cast %get3A_317 : vector<1x16xf32> to vector<16xf32>
        %mul3A_319 = arith.mulf %get3A_318, %gather3A_298 : vector<16xf32>
        %swap3A_320 = arith.index_cast %add3A_304 : i32 to index
        %swap3A_321 = arith.constant 16 : index
        %swap3A_322 = tpu.vector_load %arg16[%swap3A_320, %swap3A_321] {strides = array<i32>} : memref<512x32xf32, #tpu.memory_space<vmem>>, vector<1x16xf32>,
        %swap3A_323 = vector.shape_cast %swap3A_322 : vector<1x16xf32> to vector<16xf32>
        %swap3A_324 = vector.shape_cast %mul3A_319 : vector<16xf32> to vector<1x16xf32>
        tpu.vector_store %arg16[%swap3A_320, %swap3A_321], %swap3A_324 {strides = array<i32>} : memref<512x32xf32, #tpu.memory_space<vmem>>, vector<1x16xf32>,
        %broadcast_in_dim3A_325 = arith.constant 7 : i32
        %broadcast_in_dim3A_326 = vector.broadcast %broadcast_in_dim3A_325 : i32 to vector<16x1xi32>
        %gather3A_327 = vector.shape_cast %broadcast_in_dim3A_326 : vector<16x1xi32> to vector<16xi32>
        %gather3A_328 = tpu.dynamic_gather %mul3A_115[%gather3A_327] in [0] : vector<16xf32>, vector<16xi32> -> vector<16xf32>
        %mul3A_329 = arith.constant 16 : i32
        %mul3A_330 = arith.muli %scan3A_107, %mul3A_329 : i32
        %add3A_331 = arith.constant 0 : i32
        %add3A_332 = arith.addi %add3A_331, %mul3A_330 : i32
        %add3A_333 = arith.constant 7 : i32
        %add3A_334 = arith.addi %add3A_332, %add3A_333 : i32
        %get3A_335 = arith.index_cast %add3A_334 : i32 to index
        %get3A_336 = arith.constant 0 : index
        %get3A_337 = tpu.vector_load %arg16[%get3A_335, %get3A_336] {strides = array<i32>} : memref<512x32xf32, #tpu.memory_space<vmem>>, vector<1x16xf32>,
        %get3A_338 = vector.shape_cast %get3A_337 : vector<1x16xf32> to vector<16xf32>
        %mul3A_339 = arith.mulf %get3A_338, %gather3A_328 : vector<16xf32>
        %swap3A_340 = arith.index_cast %add3A_334 : i32 to index
        %swap3A_341 = arith.constant 0 : index
        %swap3A_342 = tpu.vector_load %arg16[%swap3A_340, %swap3A_341] {strides = array<i32>} : memref<512x32xf32, #tpu.memory_space<vmem>>, vector<1x16xf32>,
        %swap3A_343 = vector.shape_cast %swap3A_342 : vector<1x16xf32> to vector<16xf32>
        %swap3A_344 = vector.shape_cast %mul3A_339 : vector<16xf32> to vector<1x16xf32>
        tpu.vector_store %arg16[%swap3A_340, %swap3A_341], %swap3A_344 {strides = array<i32>} : memref<512x32xf32, #tpu.memory_space<vmem>>, vector<1x16xf32>,
        %get3A_345 = arith.index_cast %add3A_334 : i32 to index
        %get3A_346 = arith.constant 16 : index
        %get3A_347 = tpu.vector_load %arg16[%get3A_345, %get3A_346] {strides = array<i32>} : memref<512x32xf32, #tpu.memory_space<vmem>>, vector<1x16xf32>,
        %get3A_348 = vector.shape_cast %get3A_347 : vector<1x16xf32> to vector<16xf32>
        %mul3A_349 = arith.mulf %get3A_348, %gather3A_328 : vector<16xf32>
        %swap3A_350 = arith.index_cast %add3A_334 : i32 to index
        %swap3A_351 = arith.constant 16 : index
        %swap3A_352 = tpu.vector_load %arg16[%swap3A_350, %swap3A_351] {strides = array<i32>} : memref<512x32xf32, #tpu.memory_space<vmem>>, vector<1x16xf32>,
        %swap3A_353 = vector.shape_cast %swap3A_352 : vector<1x16xf32> to vector<16xf32>
        %swap3A_354 = vector.shape_cast %mul3A_349 : vector<16xf32> to vector<1x16xf32>
        tpu.vector_store %arg16[%swap3A_350, %swap3A_351], %swap3A_354 {strides = array<i32>} : memref<512x32xf32, #tpu.memory_space<vmem>>, vector<1x16xf32>,
        %broadcast_in_dim3A_355 = arith.constant 8 : i32
        %broadcast_in_dim3A_356 = vector.broadcast %broadcast_in_dim3A_355 : i32 to vector<16x1xi32>
        %gather3A_357 = vector.shape_cast %broadcast_in_dim3A_356 : vector<16x1xi32> to vector<16xi32>
        %gather3A_358 = tpu.dynamic_gather %mul3A_115[%gather3A_357] in [0] : vector<16xf32>, vector<16xi32> -> vector<16xf32>
        %mul3A_359 = arith.constant 16 : i32
        %mul3A_360 = arith.muli %scan3A_107, %mul3A_359 : i32
        %add3A_361 = arith.constant 0 : i32
        %add3A_362 = arith.addi %add3A_361, %mul3A_360 : i32
        %add3A_363 = arith.constant 8 : i32
        %add3A_364 = arith.addi %add3A_362, %add3A_363 : i32
        %get3A_365 = arith.index_cast %add3A_364 : i32 to index
        %get3A_366 = arith.constant 0 : index
        %get3A_367 = tpu.vector_load %arg16[%get3A_365, %get3A_366] {strides = array<i32>} : memref<512x32xf32, #tpu.memory_space<vmem>>, vector<1x16xf32>,
        %get3A_368 = vector.shape_cast %get3A_367 : vector<1x16xf32> to vector<16xf32>
        %mul3A_369 = arith.mulf %get3A_368, %gather3A_358 : vector<16xf32>
        %swap3A_370 = arith.index_cast %add3A_364 : i32 to index
        %swap3A_371 = arith.constant 0 : index
        %swap3A_372 = tpu.vector_load %arg16[%swap3A_370, %swap3A_371] {strides = array<i32>} : memref<512x32xf32, #tpu.memory_space<vmem>>, vector<1x16xf32>,
        %swap3A_373 = vector.shape_cast %swap3A_372 : vector<1x16xf32> to vector<16xf32>
        %swap3A_374 = vector.shape_cast %mul3A_369 : vector<16xf32> to vector<1x16xf32>
        tpu.vector_store %arg16[%swap3A_370, %swap3A_371], %swap3A_374 {strides = array<i32>} : memref<512x32xf32, #tpu.memory_space<vmem>>, vector<1x16xf32>,
        %get3A_375 = arith.index_cast %add3A_364 : i32 to index
        %get3A_376 = arith.constant 16 : index
        %get3A_377 = tpu.vector_load %arg16[%get3A_375, %get3A_376] {strides = array<i32>} : memref<512x32xf32, #tpu.memory_space<vmem>>, vector<1x16xf32>,
        %get3A_378 = vector.shape_cast %get3A_377 : vector<1x16xf32> to vector<16xf32>
        %mul3A_379 = arith.mulf %get3A_378, %gather3A_358 : vector<16xf32>
        %swap3A_380 = arith.index_cast %add3A_364 : i32 to index
        %swap3A_381 = arith.constant 16 : index
        %swap3A_382 = tpu.vector_load %arg16[%swap3A_380, %swap3A_381] {strides = array<i32>} : memref<512x32xf32, #tpu.memory_space<vmem>>, vector<1x16xf32>,
        %swap3A_383 = vector.shape_cast %swap3A_382 : vector<1x16xf32> to vector<16xf32>
        %swap3A_384 = vector.shape_cast %mul3A_379 : vector<16xf32> to vector<1x16xf32>
        tpu.vector_store %arg16[%swap3A_380, %swap3A_381], %swap3A_384 {strides = array<i32>} : memref<512x32xf32, #tpu.memory_space<vmem>>, vector<1x16xf32>,
        %broadcast_in_dim3A_385 = arith.constant 9 : i32
        %broadcast_in_dim3A_386 = vector.broadcast %broadcast_in_dim3A_385 : i32 to vector<16x1xi32>
        %gather3A_387 = vector.shape_cast %broadcast_in_dim3A_386 : vector<16x1xi32> to vector<16xi32>
        %gather3A_388 = tpu.dynamic_gather %mul3A_115[%gather3A_387] in [0] : vector<16xf32>, vector<16xi32> -> vector<16xf32>
        %mul3A_389 = arith.constant 16 : i32
        %mul3A_390 = arith.muli %scan3A_107, %mul3A_389 : i32
        %add3A_391 = arith.constant 0 : i32
        %add3A_392 = arith.addi %add3A_391, %mul3A_390 : i32
        %add3A_393 = arith.constant 9 : i32
        %add3A_394 = arith.addi %add3A_392, %add3A_393 : i32
        %get3A_395 = arith.index_cast %add3A_394 : i32 to index
        %get3A_396 = arith.constant 0 : index
        %get3A_397 = tpu.vector_load %arg16[%get3A_395, %get3A_396] {strides = array<i32>} : memref<512x32xf32, #tpu.memory_space<vmem>>, vector<1x16xf32>,
        %get3A_398 = vector.shape_cast %get3A_397 : vector<1x16xf32> to vector<16xf32>
        %mul3A_399 = arith.mulf %get3A_398, %gather3A_388 : vector<16xf32>
        %swap3A_400 = arith.index_cast %add3A_394 : i32 to index
        %swap3A_401 = arith.constant 0 : index
        %swap3A_402 = tpu.vector_load %arg16[%swap3A_400, %swap3A_401] {strides = array<i32>} : memref<512x32xf32, #tpu.memory_space<vmem>>, vector<1x16xf32>,
        %swap3A_403 = vector.shape_cast %swap3A_402 : vector<1x16xf32> to vector<16xf32>
        %swap3A_404 = vector.shape_cast %mul3A_399 : vector<16xf32> to vector<1x16xf32>
        tpu.vector_store %arg16[%swap3A_400, %swap3A_401], %swap3A_404 {strides = array<i32>} : memref<512x32xf32, #tpu.memory_space<vmem>>, vector<1x16xf32>,
        %get3A_405 = arith.index_cast %add3A_394 : i32 to index
        %get3A_406 = arith.constant 16 : index
        %get3A_407 = tpu.vector_load %arg16[%get3A_405, %get3A_406] {strides = array<i32>} : memref<512x32xf32, #tpu.memory_space<vmem>>, vector<1x16xf32>,
        %get3A_408 = vector.shape_cast %get3A_407 : vector<1x16xf32> to vector<16xf32>
        %mul3A_409 = arith.mulf %get3A_408, %gather3A_388 : vector<16xf32>
        %swap3A_410 = arith.index_cast %add3A_394 : i32 to index
        %swap3A_411 = arith.constant 16 : index
        %swap3A_412 = tpu.vector_load %arg16[%swap3A_410, %swap3A_411] {strides = array<i32>} : memref<512x32xf32, #tpu.memory_space<vmem>>, vector<1x16xf32>,
        %swap3A_413 = vector.shape_cast %swap3A_412 : vector<1x16xf32> to vector<16xf32>
        %swap3A_414 = vector.shape_cast %mul3A_409 : vector<16xf32> to vector<1x16xf32>
        tpu.vector_store %arg16[%swap3A_410, %swap3A_411], %swap3A_414 {strides = array<i32>} : memref<512x32xf32, #tpu.memory_space<vmem>>, vector<1x16xf32>,
        %broadcast_in_dim3A_415 = arith.constant 10 : i32
        %broadcast_in_dim3A_416 = vector.broadcast %broadcast_in_dim3A_415 : i32 to vector<16x1xi32>
        %gather3A_417 = vector.shape_cast %broadcast_in_dim3A_416 : vector<16x1xi32> to vector<16xi32>
        %gather3A_418 = tpu.dynamic_gather %mul3A_115[%gather3A_417] in [0] : vector<16xf32>, vector<16xi32> -> vector<16xf32>
        %mul3A_419 = arith.constant 16 : i32
        %mul3A_420 = arith.muli %scan3A_107, %mul3A_419 : i32
        %add3A_421 = arith.constant 0 : i32
        %add3A_422 = arith.addi %add3A_421, %mul3A_420 : i32
        %add3A_423 = arith.constant 10 : i32
        %add3A_424 = arith.addi %add3A_422, %add3A_423 : i32
        %get3A_425 = arith.index_cast %add3A_424 : i32 to index
        %get3A_426 = arith.constant 0 : index
        %get3A_427 = tpu.vector_load %arg16[%get3A_425, %get3A_426] {strides = array<i32>} : memref<512x32xf32, #tpu.memory_space<vmem>>, vector<1x16xf32>,
        %get3A_428 = vector.shape_cast %get3A_427 : vector<1x16xf32> to vector<16xf32>
        %mul3A_429 = arith.mulf %get3A_428, %gather3A_418 : vector<16xf32>
        %swap3A_430 = arith.index_cast %add3A_424 : i32 to index
        %swap3A_431 = arith.constant 0 : index
        %swap3A_432 = tpu.vector_load %arg16[%swap3A_430, %swap3A_431] {strides = array<i32>} : memref<512x32xf32, #tpu.memory_space<vmem>>, vector<1x16xf32>,
        %swap3A_433 = vector.shape_cast %swap3A_432 : vector<1x16xf32> to vector<16xf32>
        %swap3A_434 = vector.shape_cast %mul3A_429 : vector<16xf32> to vector<1x16xf32>
        tpu.vector_store %arg16[%swap3A_430, %swap3A_431], %swap3A_434 {strides = array<i32>} : memref<512x32xf32, #tpu.memory_space<vmem>>, vector<1x16xf32>,
        %get3A_435 = arith.index_cast %add3A_424 : i32 to index
        %get3A_436 = arith.constant 16 : index
        %get3A_437 = tpu.vector_load %arg16[%get3A_435, %get3A_436] {strides = array<i32>} : memref<512x32xf32, #tpu.memory_space<vmem>>, vector<1x16xf32>,
        %get3A_438 = vector.shape_cast %get3A_437 : vector<1x16xf32> to vector<16xf32>
        %mul3A_439 = arith.mulf %get3A_438, %gather3A_418 : vector<16xf32>
        %swap3A_440 = arith.index_cast %add3A_424 : i32 to index
        %swap3A_441 = arith.constant 16 : index
        %swap3A_442 = tpu.vector_load %arg16[%swap3A_440, %swap3A_441] {strides = array<i32>} : memref<512x32xf32, #tpu.memory_space<vmem>>, vector<1x16xf32>,
        %swap3A_443 = vector.shape_cast %swap3A_442 : vector<1x16xf32> to vector<16xf32>
        %swap3A_444 = vector.shape_cast %mul3A_439 : vector<16xf32> to vector<1x16xf32>
        tpu.vector_store %arg16[%swap3A_440, %swap3A_441], %swap3A_444 {strides = array<i32>} : memref<512x32xf32, #tpu.memory_space<vmem>>, vector<1x16xf32>,
        %broadcast_in_dim3A_445 = arith.constant 11 : i32
        %broadcast_in_dim3A_446 = vector.broadcast %broadcast_in_dim3A_445 : i32 to vector<16x1xi32>
        %gather3A_447 = vector.shape_cast %broadcast_in_dim3A_446 : vector<16x1xi32> to vector<16xi32>
        %gather3A_448 = tpu.dynamic_gather %mul3A_115[%gather3A_447] in [0] : vector<16xf32>, vector<16xi32> -> vector<16xf32>
        %mul3A_449 = arith.constant 16 : i32
        %mul3A_450 = arith.muli %scan3A_107, %mul3A_449 : i32
        %add3A_451 = arith.constant 0 : i32
        %add3A_452 = arith.addi %add3A_451, %mul3A_450 : i32
        %add3A_453 = arith.constant 11 : i32
        %add3A_454 = arith.addi %add3A_452, %add3A_453 : i32
        %get3A_455 = arith.index_cast %add3A_454 : i32 to index
        %get3A_456 = arith.constant 0 : index
        %get3A_457 = tpu.vector_load %arg16[%get3A_455, %get3A_456] {strides = array<i32>} : memref<512x32xf32, #tpu.memory_space<vmem>>, vector<1x16xf32>,
        %get3A_458 = vector.shape_cast %get3A_457 : vector<1x16xf32> to vector<16xf32>
        %mul3A_459 = arith.mulf %get3A_458, %gather3A_448 : vector<16xf32>
        %swap3A_460 = arith.index_cast %add3A_454 : i32 to index
        %swap3A_461 = arith.constant 0 : index
        %swap3A_462 = tpu.vector_load %arg16[%swap3A_460, %swap3A_461] {strides = array<i32>} : memref<512x32xf32, #tpu.memory_space<vmem>>, vector<1x16xf32>,
        %swap3A_463 = vector.shape_cast %swap3A_462 : vector<1x16xf32> to vector<16xf32>
        %swap3A_464 = vector.shape_cast %mul3A_459 : vector<16xf32> to vector<1x16xf32>
        tpu.vector_store %arg16[%swap3A_460, %swap3A_461], %swap3A_464 {strides = array<i32>} : memref<512x32xf32, #tpu.memory_space<vmem>>, vector<1x16xf32>,
        %get3A_465 = arith.index_cast %add3A_454 : i32 to index
        %get3A_466 = arith.constant 16 : index
        %get3A_467 = tpu.vector_load %arg16[%get3A_465, %get3A_466] {strides = array<i32>} : memref<512x32xf32, #tpu.memory_space<vmem>>, vector<1x16xf32>,
        %get3A_468 = vector.shape_cast %get3A_467 : vector<1x16xf32> to vector<16xf32>
        %mul3A_469 = arith.mulf %get3A_468, %gather3A_448 : vector<16xf32>
        %swap3A_470 = arith.index_cast %add3A_454 : i32 to index
        %swap3A_471 = arith.constant 16 : index
        %swap3A_472 = tpu.vector_load %arg16[%swap3A_470, %swap3A_471] {strides = array<i32>} : memref<512x32xf32, #tpu.memory_space<vmem>>, vector<1x16xf32>,
        %swap3A_473 = vector.shape_cast %swap3A_472 : vector<1x16xf32> to vector<16xf32>
        %swap3A_474 = vector.shape_cast %mul3A_469 : vector<16xf32> to vector<1x16xf32>
        tpu.vector_store %arg16[%swap3A_470, %swap3A_471], %swap3A_474 {strides = array<i32>} : memref<512x32xf32, #tpu.memory_space<vmem>>, vector<1x16xf32>,
        %broadcast_in_dim3A_475 = arith.constant 12 : i32
        %broadcast_in_dim3A_476 = vector.broadcast %broadcast_in_dim3A_475 : i32 to vector<16x1xi32>
        %gather3A_477 = vector.shape_cast %broadcast_in_dim3A_476 : vector<16x1xi32> to vector<16xi32>
        %gather3A_478 = tpu.dynamic_gather %mul3A_115[%gather3A_477] in [0] : vector<16xf32>, vector<16xi32> -> vector<16xf32>
        %mul3A_479 = arith.constant 16 : i32
        %mul3A_480 = arith.muli %scan3A_107, %mul3A_479 : i32
        %add3A_481 = arith.constant 0 : i32
        %add3A_482 = arith.addi %add3A_481, %mul3A_480 : i32
        %add3A_483 = arith.constant 12 : i32
        %add3A_484 = arith.addi %add3A_482, %add3A_483 : i32
        %get3A_485 = arith.index_cast %add3A_484 : i32 to index
        %get3A_486 = arith.constant 0 : index
        %get3A_487 = tpu.vector_load %arg16[%get3A_485, %get3A_486] {strides = array<i32>} : memref<512x32xf32, #tpu.memory_space<vmem>>, vector<1x16xf32>,
        %get3A_488 = vector.shape_cast %get3A_487 : vector<1x16xf32> to vector<16xf32>
        %mul3A_489 = arith.mulf %get3A_488, %gather3A_478 : vector<16xf32>
        %swap3A_490 = arith.index_cast %add3A_484 : i32 to index
        %swap3A_491 = arith.constant 0 : index
        %swap3A_492 = tpu.vector_load %arg16[%swap3A_490, %swap3A_491] {strides = array<i32>} : memref<512x32xf32, #tpu.memory_space<vmem>>, vector<1x16xf32>,
        %swap3A_493 = vector.shape_cast %swap3A_492 : vector<1x16xf32> to vector<16xf32>
        %swap3A_494 = vector.shape_cast %mul3A_489 : vector<16xf32> to vector<1x16xf32>
        tpu.vector_store %arg16[%swap3A_490, %swap3A_491], %swap3A_494 {strides = array<i32>} : memref<512x32xf32, #tpu.memory_space<vmem>>, vector<1x16xf32>,
        %get3A_495 = arith.index_cast %add3A_484 : i32 to index
        %get3A_496 = arith.constant 16 : index
        %get3A_497 = tpu.vector_load %arg16[%get3A_495, %get3A_496] {strides = array<i32>} : memref<512x32xf32, #tpu.memory_space<vmem>>, vector<1x16xf32>,
        %get3A_498 = vector.shape_cast %get3A_497 : vector<1x16xf32> to vector<16xf32>
        %mul3A_499 = arith.mulf %get3A_498, %gather3A_478 : vector<16xf32>
        %swap3A_500 = arith.index_cast %add3A_484 : i32 to index
        %swap3A_501 = arith.constant 16 : index
        %swap3A_502 = tpu.vector_load %arg16[%swap3A_500, %swap3A_501] {strides = array<i32>} : memref<512x32xf32, #tpu.memory_space<vmem>>, vector<1x16xf32>,
        %swap3A_503 = vector.shape_cast %swap3A_502 : vector<1x16xf32> to vector<16xf32>
        %swap3A_504 = vector.shape_cast %mul3A_499 : vector<16xf32> to vector<1x16xf32>
        tpu.vector_store %arg16[%swap3A_500, %swap3A_501], %swap3A_504 {strides = array<i32>} : memref<512x32xf32, #tpu.memory_space<vmem>>, vector<1x16xf32>,
        %broadcast_in_dim3A_505 = arith.constant 13 : i32
        %broadcast_in_dim3A_506 = vector.broadcast %broadcast_in_dim3A_505 : i32 to vector<16x1xi32>
        %gather3A_507 = vector.shape_cast %broadcast_in_dim3A_506 : vector<16x1xi32> to vector<16xi32>
        %gather3A_508 = tpu.dynamic_gather %mul3A_115[%gather3A_507] in [0] : vector<16xf32>, vector<16xi32> -> vector<16xf32>
        %mul3A_509 = arith.constant 16 : i32
        %mul3A_510 = arith.muli %scan3A_107, %mul3A_509 : i32
        %add3A_511 = arith.constant 0 : i32
        %add3A_512 = arith.addi %add3A_511, %mul3A_510 : i32
        %add3A_513 = arith.constant 13 : i32
        %add3A_514 = arith.addi %add3A_512, %add3A_513 : i32
        %get3A_515 = arith.index_cast %add3A_514 : i32 to index
        %get3A_516 = arith.constant 0 : index
        %get3A_517 = tpu.vector_load %arg16[%get3A_515, %get3A_516] {strides = array<i32>} : memref<512x32xf32, #tpu.memory_space<vmem>>, vector<1x16xf32>,
        %get3A_518 = vector.shape_cast %get3A_517 : vector<1x16xf32> to vector<16xf32>
        %mul3A_519 = arith.mulf %get3A_518, %gather3A_508 : vector<16xf32>
        %swap3A_520 = arith.index_cast %add3A_514 : i32 to index
        %swap3A_521 = arith.constant 0 : index
        %swap3A_522 = tpu.vector_load %arg16[%swap3A_520, %swap3A_521] {strides = array<i32>} : memref<512x32xf32, #tpu.memory_space<vmem>>, vector<1x16xf32>,
        %swap3A_523 = vector.shape_cast %swap3A_522 : vector<1x16xf32> to vector<16xf32>
        %swap3A_524 = vector.shape_cast %mul3A_519 : vector<16xf32> to vector<1x16xf32>
        tpu.vector_store %arg16[%swap3A_520, %swap3A_521], %swap3A_524 {strides = array<i32>} : memref<512x32xf32, #tpu.memory_space<vmem>>, vector<1x16xf32>,
        %get3A_525 = arith.index_cast %add3A_514 : i32 to index
        %get3A_526 = arith.constant 16 : index
        %get3A_527 = tpu.vector_load %arg16[%get3A_525, %get3A_526] {strides = array<i32>} : memref<512x32xf32, #tpu.memory_space<vmem>>, vector<1x16xf32>,
        %get3A_528 = vector.shape_cast %get3A_527 : vector<1x16xf32> to vector<16xf32>
        %mul3A_529 = arith.mulf %get3A_528, %gather3A_508 : vector<16xf32>
        %swap3A_530 = arith.index_cast %add3A_514 : i32 to index
        %swap3A_531 = arith.constant 16 : index
        %swap3A_532 = tpu.vector_load %arg16[%swap3A_530, %swap3A_531] {strides = array<i32>} : memref<512x32xf32, #tpu.memory_space<vmem>>, vector<1x16xf32>,
        %swap3A_533 = vector.shape_cast %swap3A_532 : vector<1x16xf32> to vector<16xf32>
        %swap3A_534 = vector.shape_cast %mul3A_529 : vector<16xf32> to vector<1x16xf32>
        tpu.vector_store %arg16[%swap3A_530, %swap3A_531], %swap3A_534 {strides = array<i32>} : memref<512x32xf32, #tpu.memory_space<vmem>>, vector<1x16xf32>,
        %broadcast_in_dim3A_535 = arith.constant 14 : i32
        %broadcast_in_dim3A_536 = vector.broadcast %broadcast_in_dim3A_535 : i32 to vector<16x1xi32>
        %gather3A_537 = vector.shape_cast %broadcast_in_dim3A_536 : vector<16x1xi32> to vector<16xi32>
        %gather3A_538 = tpu.dynamic_gather %mul3A_115[%gather3A_537] in [0] : vector<16xf32>, vector<16xi32> -> vector<16xf32>
        %mul3A_539 = arith.constant 16 : i32
        %mul3A_540 = arith.muli %scan3A_107, %mul3A_539 : i32
        %add3A_541 = arith.constant 0 : i32
        %add3A_542 = arith.addi %add3A_541, %mul3A_540 : i32
        %add3A_543 = arith.constant 14 : i32
        %add3A_544 = arith.addi %add3A_542, %add3A_543 : i32
        %get3A_545 = arith.index_cast %add3A_544 : i32 to index
        %get3A_546 = arith.constant 0 : index
        %get3A_547 = tpu.vector_load %arg16[%get3A_545, %get3A_546] {strides = array<i32>} : memref<512x32xf32, #tpu.memory_space<vmem>>, vector<1x16xf32>,
        %get3A_548 = vector.shape_cast %get3A_547 : vector<1x16xf32> to vector<16xf32>
        %mul3A_549 = arith.mulf %get3A_548, %gather3A_538 : vector<16xf32>
        %swap3A_550 = arith.index_cast %add3A_544 : i32 to index
        %swap3A_551 = arith.constant 0 : index
        %swap3A_552 = tpu.vector_load %arg16[%swap3A_550, %swap3A_551] {strides = array<i32>} : memref<512x32xf32, #tpu.memory_space<vmem>>, vector<1x16xf32>,
        %swap3A_553 = vector.shape_cast %swap3A_552 : vector<1x16xf32> to vector<16xf32>
        %swap3A_554 = vector.shape_cast %mul3A_549 : vector<16xf32> to vector<1x16xf32>
        tpu.vector_store %arg16[%swap3A_550, %swap3A_551], %swap3A_554 {strides = array<i32>} : memref<512x32xf32, #tpu.memory_space<vmem>>, vector<1x16xf32>,
        %get3A_555 = arith.index_cast %add3A_544 : i32 to index
        %get3A_556 = arith.constant 16 : index
        %get3A_557 = tpu.vector_load %arg16[%get3A_555, %get3A_556] {strides = array<i32>} : memref<512x32xf32, #tpu.memory_space<vmem>>, vector<1x16xf32>,
        %get3A_558 = vector.shape_cast %get3A_557 : vector<1x16xf32> to vector<16xf32>
        %mul3A_559 = arith.mulf %get3A_558, %gather3A_538 : vector<16xf32>
        %swap3A_560 = arith.index_cast %add3A_544 : i32 to index
        %swap3A_561 = arith.constant 16 : index
        %swap3A_562 = tpu.vector_load %arg16[%swap3A_560, %swap3A_561] {strides = array<i32>} : memref<512x32xf32, #tpu.memory_space<vmem>>, vector<1x16xf32>,
        %swap3A_563 = vector.shape_cast %swap3A_562 : vector<1x16xf32> to vector<16xf32>
        %swap3A_564 = vector.shape_cast %mul3A_559 : vector<16xf32> to vector<1x16xf32>
        tpu.vector_store %arg16[%swap3A_560, %swap3A_561], %swap3A_564 {strides = array<i32>} : memref<512x32xf32, #tpu.memory_space<vmem>>, vector<1x16xf32>,
        %broadcast_in_dim3A_565 = arith.constant 15 : i32
        %broadcast_in_dim3A_566 = vector.broadcast %broadcast_in_dim3A_565 : i32 to vector<16x1xi32>
        %gather3A_567 = vector.shape_cast %broadcast_in_dim3A_566 : vector<16x1xi32> to vector<16xi32>
        %gather3A_568 = tpu.dynamic_gather %mul3A_115[%gather3A_567] in [0] : vector<16xf32>, vector<16xi32> -> vector<16xf32>
        %mul3A_569 = arith.constant 16 : i32
        %mul3A_570 = arith.muli %scan3A_107, %mul3A_569 : i32
        %add3A_571 = arith.constant 0 : i32
        %add3A_572 = arith.addi %add3A_571, %mul3A_570 : i32
        %add3A_573 = arith.constant 15 : i32
        %add3A_574 = arith.addi %add3A_572, %add3A_573 : i32
        %get3A_575 = arith.index_cast %add3A_574 : i32 to index
        %get3A_576 = arith.constant 0 : index
        %get3A_577 = tpu.vector_load %arg16[%get3A_575, %get3A_576] {strides = array<i32>} : memref<512x32xf32, #tpu.memory_space<vmem>>, vector<1x16xf32>,
        %get3A_578 = vector.shape_cast %get3A_577 : vector<1x16xf32> to vector<16xf32>
        %mul3A_579 = arith.mulf %get3A_578, %gather3A_568 : vector<16xf32>
        %swap3A_580 = arith.index_cast %add3A_574 : i32 to index
        %swap3A_581 = arith.constant 0 : index
        %swap3A_582 = tpu.vector_load %arg16[%swap3A_580, %swap3A_581] {strides = array<i32>} : memref<512x32xf32, #tpu.memory_space<vmem>>, vector<1x16xf32>,
        %swap3A_583 = vector.shape_cast %swap3A_582 : vector<1x16xf32> to vector<16xf32>
        %swap3A_584 = vector.shape_cast %mul3A_579 : vector<16xf32> to vector<1x16xf32>
        tpu.vector_store %arg16[%swap3A_580, %swap3A_581], %swap3A_584 {strides = array<i32>} : memref<512x32xf32, #tpu.memory_space<vmem>>, vector<1x16xf32>,
        %get3A_585 = arith.index_cast %add3A_574 : i32 to index
        %get3A_586 = arith.constant 16 : index
        %get3A_587 = tpu.vector_load %arg16[%get3A_585, %get3A_586] {strides = array<i32>} : memref<512x32xf32, #tpu.memory_space<vmem>>, vector<1x16xf32>,
        %get3A_588 = vector.shape_cast %get3A_587 : vector<1x16xf32> to vector<16xf32>
        %mul3A_589 = arith.mulf %get3A_588, %gather3A_568 : vector<16xf32>
        %swap3A_590 = arith.index_cast %add3A_574 : i32 to index
        %swap3A_591 = arith.constant 16 : index
        %swap3A_592 = tpu.vector_load %arg16[%swap3A_590, %swap3A_591] {strides = array<i32>} : memref<512x32xf32, #tpu.memory_space<vmem>>, vector<1x16xf32>,
        %swap3A_593 = vector.shape_cast %swap3A_592 : vector<1x16xf32> to vector<16xf32>
        %swap3A_594 = vector.shape_cast %mul3A_589 : vector<16xf32> to vector<1x16xf32>
        tpu.vector_store %arg16[%swap3A_590, %swap3A_591], %swap3A_594 {strides = array<i32>} : memref<512x32xf32, #tpu.memory_space<vmem>>, vector<1x16xf32>,
        %scan3A_595 = arith.constant 0 : i32
        scf.yield %scan3A_595 : i32
      }
      %scan3A_105 = arith.constant 8 : i32
      %run_scoped3A_106 = arith.constant 0 : i32
      "tpu.region"() ({
        %run_scoped3A_107 = tpu.sem_alloc : memref<!tpu.dma_semaphore, #tpu.memory_space<semaphore_mem>>
        %dma_start3A_108 = arith.constant 0 : i32
        %dma_start3A_109 = arith.constant 0 : i32
        %dma_start3A_110 = tpu.memref_slice %arg16[%dma_start3A_108, %dma_start3A_109] : memref<512x32xf32, #tpu.memory_space<vmem>> -> memref<128x32xf32, #tpu.memory_space<vmem>>
        %dma_start3A_111 = arith.constant 0 : i32
        %dma_start3A_112 = tpu.memref_slice %arg13[%run_scoped3A_106, %dma_start3A_111] : memref<26x128xi32, #tpu.memory_space<vmem>> -> memref<1x128xi32, #tpu.memory_space<vmem>>
        %dma_start3A_113 = tpu.memref_squeeze %dma_start3A_112 : memref<1x128xi32, #tpu.memory_space<vmem>> -> memref<128xi32, #tpu.memory_space<vmem>>
        %dma_start3A_114 = arith.constant 0 : i32
        %dma_start3A_115 = arith.constant 0 : i32
        %dma_start3A_116 = tpu.memref_slice %arg12[%dma_start3A_114, %dma_start3A_115] : memref<50048x32xf32, #tpu.memory_space<vmem_shared>> -> memref<50048x32xf32, #tpu.memory_space<vmem_shared>>
        tpu.enqueue_indirect_dma source(%dma_start3A_110 : memref<128x32xf32, #tpu.memory_space<vmem>>) target(%dma_start3A_116 : memref<50048x32xf32, #tpu.memory_space<vmem_shared>>) offsets(%dma_start3A_113 : memref<128xi32, #tpu.memory_space<vmem>>) semaphore(%run_scoped3A_107 : memref<!tpu.dma_semaphore, #tpu.memory_space<semaphore_mem>>) {add = true}
        %dma_wait3A_117 = arith.constant 0 : i32
        %dma_wait3A_118 = arith.constant 0 : i32
        %dma_wait3A_119 = tpu.memref_slice %arg16[%dma_wait3A_117, %dma_wait3A_118] : memref<512x32xf32, #tpu.memory_space<vmem>> -> memref<128x32xf32, #tpu.memory_space<vmem>>
        %dma_wait3A_120 = arith.constant 0 : i32
        %dma_wait3A_121 = tpu.memref_slice %arg13[%run_scoped3A_106, %dma_wait3A_120] : memref<26x128xi32, #tpu.memory_space<vmem>> -> memref<1x128xi32, #tpu.memory_space<vmem>>
        %dma_wait3A_122 = tpu.memref_squeeze %dma_wait3A_121 : memref<1x128xi32, #tpu.memory_space<vmem>> -> memref<128xi32, #tpu.memory_space<vmem>>
        %dma_wait3A_123 = arith.constant 0 : i32
        %dma_wait3A_124 = arith.constant 0 : i32
        %dma_wait3A_125 = tpu.memref_slice %arg12[%dma_wait3A_123, %dma_wait3A_124] : memref<50048x32xf32, #tpu.memory_space<vmem_shared>> -> memref<50048x32xf32, #tpu.memory_space<vmem_shared>>
        tpu.wait_indirect_dma semaphore(%run_scoped3A_107 : memref<!tpu.dma_semaphore, #tpu.memory_space<semaphore_mem>>) src(%dma_wait3A_119 : memref<128x32xf32, #tpu.memory_space<vmem>>) dst(%dma_wait3A_125 : memref<50048x32xf32, #tpu.memory_space<vmem_shared>>)
        tpu.yield
      }) : () -> ()
    } else {
    }
    %scan3A_54 = arith.constant 0 : i32
    %scan3A_55 = arith.constant 0 : i32
    %scan3A_56 = arith.constant 15 : i32
    %scan3A_57 = arith.addi %scan3A_55, %scan3A_56 : i32
    %scan3A_58 = arith.constant 1 : i32
    %scan3A_59 = scf.for %scan3A_74 = %scan3A_55 to %scan3A_57 step %scan3A_58 iter_args(%scan3A_75 = %scan3A_54) -> (i32)  : i32 {
      %mul3A_76 = arith.constant 390 : i32
      %mul3A_77 = arith.muli %arg1, %mul3A_76 : i32
      %mul3A_78 = arith.constant 26 : i32
      %mul3A_79 = arith.muli %scan3A_74, %mul3A_78 : i32
      %add3A = arith.addi %mul3A_77, %mul3A_79 : i32
      %dma_start3A = arith.constant 0 : i32
      %dma_start3A_80 = arith.constant 0 : i32
      %dma_start3A_81 = arith.constant 0 : i32
      %dma_start3A_82 = tpu.memref_slice %arg7[%dma_start3A, %dma_start3A_80, %dma_start3A_81] : memref<2x6250x128xi32, #tpu.memory_space<hbm>> -> memref<1x6250x128xi32, #tpu.memory_space<hbm>>
      %dma_start3A_83 = tpu.memref_squeeze %dma_start3A_82 : memref<1x6250x128xi32, #tpu.memory_space<hbm>> -> memref<6250x128xi32, #tpu.memory_space<hbm>>
      %dma_start3A_84 = arith.constant 0 : i32
      %dma_start3A_85 = tpu.memref_slice %dma_start3A_83[%add3A, %dma_start3A_84] : memref<6250x128xi32, #tpu.memory_space<hbm>> -> memref<26x128xi32, #tpu.memory_space<hbm>>
      %dma_start3A_86 = arith.constant 0 : i32
      %dma_start3A_87 = arith.constant 0 : i32
      %dma_start3A_88 = tpu.memref_slice %arg7[%dma_start3A, %dma_start3A_86, %dma_start3A_87] : memref<2x6250x128xi32, #tpu.memory_space<hbm>> -> memref<1x6250x128xi32, #tpu.memory_space<hbm>>
      %dma_start3A_89 = tpu.memref_squeeze %dma_start3A_88 : memref<1x6250x128xi32, #tpu.memory_space<hbm>> -> memref<6250x128xi32, #tpu.memory_space<hbm>>
      %dma_start3A_90 = arith.constant 0 : i32
      %dma_start3A_91 = tpu.memref_slice %dma_start3A_89[%add3A, %dma_start3A_90] : memref<6250x128xi32, #tpu.memory_space<hbm>> -> memref<26x128xi32, #tpu.memory_space<hbm>>
      tpu.enqueue_dma source(%dma_start3A_91 : memref<26x128xi32, #tpu.memory_space<hbm>>) target(%arg13 : memref<26x128xi32, #tpu.memory_space<vmem>>) target_semaphore(%arg19 : memref<!tpu.dma_semaphore, #tpu.memory_space<semaphore_mem>>)
      %dma_start3A_92 = arith.constant 1 : i32
      %dma_start3A_93 = arith.constant 0 : i32
      %dma_start3A_94 = arith.constant 0 : i32
      %dma_start3A_95 = tpu.memref_slice %arg7[%dma_start3A_92, %dma_start3A_93, %dma_start3A_94] : memref<2x6250x128xi32, #tpu.memory_space<hbm>> -> memref<1x6250x128xi32, #tpu.memory_space<hbm>>
      %dma_start3A_96 = tpu.memref_squeeze %dma_start3A_95 : memref<1x6250x128xi32, #tpu.memory_space<hbm>> -> memref<6250x128xi32, #tpu.memory_space<hbm>>
      %dma_start3A_97 = arith.constant 0 : i32
      %dma_start3A_98 = tpu.memref_slice %dma_start3A_96[%add3A, %dma_start3A_97] : memref<6250x128xi32, #tpu.memory_space<hbm>> -> memref<26x128xi32, #tpu.memory_space<hbm>>
      %dma_start3A_99 = arith.constant 0 : i32
      %dma_start3A_100 = arith.constant 0 : i32
      %dma_start3A_101 = tpu.memref_slice %arg7[%dma_start3A_92, %dma_start3A_99, %dma_start3A_100] : memref<2x6250x128xi32, #tpu.memory_space<hbm>> -> memref<1x6250x128xi32, #tpu.memory_space<hbm>>
      %dma_start3A_102 = tpu.memref_squeeze %dma_start3A_101 : memref<1x6250x128xi32, #tpu.memory_space<hbm>> -> memref<6250x128xi32, #tpu.memory_space<hbm>>
      %dma_start3A_103 = arith.constant 0 : i32
      %dma_start3A_104 = tpu.memref_slice %dma_start3A_102[%add3A, %dma_start3A_103] : memref<6250x128xi32, #tpu.memory_space<hbm>> -> memref<26x128xi32, #tpu.memory_space<hbm>>
      tpu.enqueue_dma source(%dma_start3A_104 : memref<26x128xi32, #tpu.memory_space<hbm>>) target(%arg14 : memref<26x128xi32, #tpu.memory_space<vmem>>) target_semaphore(%arg19 : memref<!tpu.dma_semaphore, #tpu.memory_space<semaphore_mem>>)
      %dma_start3A_105 = arith.constant 0 : i32
      %dma_start3A_106 = tpu.memref_slice %arg8[%add3A, %dma_start3A_105] : memref<6250x128xf32, #tpu.memory_space<hbm>> -> memref<26x128xf32, #tpu.memory_space<hbm>>
      %dma_start3A_107 = arith.constant 0 : i32
      %dma_start3A_108 = tpu.memref_slice %arg8[%add3A, %dma_start3A_107] : memref<6250x128xf32, #tpu.memory_space<hbm>> -> memref<26x128xf32, #tpu.memory_space<hbm>>
      tpu.enqueue_dma source(%dma_start3A_108 : memref<26x128xf32, #tpu.memory_space<hbm>>) target(%arg15 : memref<26x128xf32, #tpu.memory_space<vmem>>) target_semaphore(%arg19 : memref<!tpu.dma_semaphore, #tpu.memory_space<semaphore_mem>>)
      %dma_wait3A = arith.constant 0 : i32
      %dma_wait3A_109 = arith.constant 0 : i32
      %dma_wait3A_110 = arith.constant 0 : i32
      %dma_wait3A_111 = tpu.memref_slice %arg7[%dma_wait3A, %dma_wait3A_109, %dma_wait3A_110] : memref<2x6250x128xi32, #tpu.memory_space<hbm>> -> memref<1x6250x128xi32, #tpu.memory_space<hbm>>
      %dma_wait3A_112 = tpu.memref_squeeze %dma_wait3A_111 : memref<1x6250x128xi32, #tpu.memory_space<hbm>> -> memref<6250x128xi32, #tpu.memory_space<hbm>>
      %dma_wait3A_113 = arith.constant 0 : i32
      %dma_wait3A_114 = tpu.memref_slice %dma_wait3A_112[%add3A, %dma_wait3A_113] : memref<6250x128xi32, #tpu.memory_space<hbm>> -> memref<26x128xi32, #tpu.memory_space<hbm>>
      %dma_wait3A_115 = arith.constant 0 : i32
      %dma_wait3A_116 = arith.constant 0 : i32
      %dma_wait3A_117 = tpu.memref_slice %arg7[%dma_wait3A, %dma_wait3A_115, %dma_wait3A_116] : memref<2x6250x128xi32, #tpu.memory_space<hbm>> -> memref<1x6250x128xi32, #tpu.memory_space<hbm>>
      %dma_wait3A_118 = tpu.memref_squeeze %dma_wait3A_117 : memref<1x6250x128xi32, #tpu.memory_space<hbm>> -> memref<6250x128xi32, #tpu.memory_space<hbm>>
      %dma_wait3A_119 = arith.constant 0 : i32
      %dma_wait3A_120 = tpu.memref_slice %dma_wait3A_118[%add3A, %dma_wait3A_119] : memref<6250x128xi32, #tpu.memory_space<hbm>> -> memref<26x128xi32, #tpu.memory_space<hbm>>
      tpu.wait_dma2 semaphore(%arg19 : memref<!tpu.dma_semaphore, #tpu.memory_space<semaphore_mem>>) src(%dma_wait3A_120 : memref<26x128xi32, #tpu.memory_space<hbm>>) dst(%arg13 : memref<26x128xi32, #tpu.memory_space<vmem>>)
      %dma_wait3A_121 = arith.constant 1 : i32
      %dma_wait3A_122 = arith.constant 0 : i32
      %dma_wait3A_123 = arith.constant 0 : i32
      %dma_wait3A_124 = tpu.memref_slice %arg7[%dma_wait3A_121, %dma_wait3A_122, %dma_wait3A_123] : memref<2x6250x128xi32, #tpu.memory_space<hbm>> -> memref<1x6250x128xi32, #tpu.memory_space<hbm>>
      %dma_wait3A_125 = tpu.memref_squeeze %dma_wait3A_124 : memref<1x6250x128xi32, #tpu.memory_space<hbm>> -> memref<6250x128xi32, #tpu.memory_space<hbm>>
      %dma_wait3A_126 = arith.constant 0 : i32
      %dma_wait3A_127 = tpu.memref_slice %dma_wait3A_125[%add3A, %dma_wait3A_126] : memref<6250x128xi32, #tpu.memory_space<hbm>> -> memref<26x128xi32, #tpu.memory_space<hbm>>
      %dma_wait3A_128 = arith.constant 0 : i32
      %dma_wait3A_129 = arith.constant 0 : i32
      %dma_wait3A_130 = tpu.memref_slice %arg7[%dma_wait3A_121, %dma_wait3A_128, %dma_wait3A_129] : memref<2x6250x128xi32, #tpu.memory_space<hbm>> -> memref<1x6250x128xi32, #tpu.memory_space<hbm>>
      %dma_wait3A_131 = tpu.memref_squeeze %dma_wait3A_130 : memref<1x6250x128xi32, #tpu.memory_space<hbm>> -> memref<6250x128xi32, #tpu.memory_space<hbm>>
      %dma_wait3A_132 = arith.constant 0 : i32
      %dma_wait3A_133 = tpu.memref_slice %dma_wait3A_131[%add3A, %dma_wait3A_132] : memref<6250x128xi32, #tpu.memory_space<hbm>> -> memref<26x128xi32, #tpu.memory_space<hbm>>
      tpu.wait_dma2 semaphore(%arg19 : memref<!tpu.dma_semaphore, #tpu.memory_space<semaphore_mem>>) src(%dma_wait3A_133 : memref<26x128xi32, #tpu.memory_space<hbm>>) dst(%arg14 : memref<26x128xi32, #tpu.memory_space<vmem>>)
      %dma_wait3A_134 = arith.constant 0 : i32
      %dma_wait3A_135 = tpu.memref_slice %arg8[%add3A, %dma_wait3A_134] : memref<6250x128xf32, #tpu.memory_space<hbm>> -> memref<26x128xf32, #tpu.memory_space<hbm>>
      %dma_wait3A_136 = arith.constant 0 : i32
      %dma_wait3A_137 = tpu.memref_slice %arg8[%add3A, %dma_wait3A_136] : memref<6250x128xf32, #tpu.memory_space<hbm>> -> memref<26x128xf32, #tpu.memory_space<hbm>>
      tpu.wait_dma2 semaphore(%arg19 : memref<!tpu.dma_semaphore, #tpu.memory_space<semaphore_mem>>) src(%dma_wait3A_137 : memref<26x128xf32, #tpu.memory_space<hbm>>) dst(%arg15 : memref<26x128xf32, #tpu.memory_space<vmem>>)
      %rem3A = arith.constant 0 : i32
      %rem3A_138 = arith.constant 4 : i32
      %rem3A_139 = arith.remsi %rem3A, %rem3A_138 : i32
      %mul3A_140 = arith.constant 128 : i32
      %mul3A_141 = arith.muli %rem3A_139, %mul3A_140 : i32
      %dma_start3A_142 = arith.constant 0 : i32
      %dma_start3A_143 = arith.constant 0 : i32
      %dma_start3A_144 = tpu.memref_slice %arg16[%mul3A_141, %dma_start3A_143] : memref<512x32xf32, #tpu.memory_space<vmem>> -> memref<128x32xf32, #tpu.memory_space<vmem>>
      %dma_start3A_145 = arith.constant 0 : i32
      %dma_start3A_146 = tpu.memref_slice %arg14[%dma_start3A_142, %dma_start3A_145] : memref<26x128xi32, #tpu.memory_space<vmem>> -> memref<1x128xi32, #tpu.memory_space<vmem>>
      %dma_start3A_147 = tpu.memref_squeeze %dma_start3A_146 : memref<1x128xi32, #tpu.memory_space<vmem>> -> memref<128xi32, #tpu.memory_space<vmem>>
      %dma_start3A_148 = arith.constant 0 : i32
      %dma_start3A_149 = tpu.memref_slice %arg2[%mul3A_0, %dma_start3A_148] : memref<100096x32xf32, #tpu.memory_space<hbm>> -> memref<50048x32xf32, #tpu.memory_space<hbm>>
      %dma_start3A_150 = arith.constant 0 : i32
      %dma_start3A_151 = arith.constant 0 : i32
      %dma_start3A_152 = tpu.memref_slice %dma_start3A_149[%dma_start3A_150, %dma_start3A_151] : memref<50048x32xf32, #tpu.memory_space<hbm>> -> memref<50048x32xf32, #tpu.memory_space<hbm>>
      tpu.enqueue_indirect_dma source(%dma_start3A_152 : memref<50048x32xf32, #tpu.memory_space<hbm>>) target(%dma_start3A_144 : memref<128x32xf32, #tpu.memory_space<vmem>>) offsets(%dma_start3A_147 : memref<128xi32, #tpu.memory_space<vmem>>) semaphore(%arg20 : memref<!tpu.dma_semaphore, #tpu.memory_space<semaphore_mem>>)
      %rem3A_153 = arith.constant 1 : i32
      %rem3A_154 = arith.constant 4 : i32
      %rem3A_155 = arith.remsi %rem3A_153, %rem3A_154 : i32
      %mul3A_156 = arith.constant 128 : i32
      %mul3A_157 = arith.muli %rem3A_155, %mul3A_156 : i32
      %dma_start3A_158 = arith.constant 1 : i32
      %dma_start3A_159 = arith.constant 0 : i32
      %dma_start3A_160 = tpu.memref_slice %arg16[%mul3A_157, %dma_start3A_159] : memref<512x32xf32, #tpu.memory_space<vmem>> -> memref<128x32xf32, #tpu.memory_space<vmem>>
      %dma_start3A_161 = arith.constant 0 : i32
      %dma_start3A_162 = tpu.memref_slice %arg14[%dma_start3A_158, %dma_start3A_161] : memref<26x128xi32, #tpu.memory_space<vmem>> -> memref<1x128xi32, #tpu.memory_space<vmem>>
      %dma_start3A_163 = tpu.memref_squeeze %dma_start3A_162 : memref<1x128xi32, #tpu.memory_space<vmem>> -> memref<128xi32, #tpu.memory_space<vmem>>
      %dma_start3A_164 = arith.constant 0 : i32
      %dma_start3A_165 = tpu.memref_slice %arg2[%mul3A_0, %dma_start3A_164] : memref<100096x32xf32, #tpu.memory_space<hbm>> -> memref<50048x32xf32, #tpu.memory_space<hbm>>
      %dma_start3A_166 = arith.constant 0 : i32
      %dma_start3A_167 = arith.constant 0 : i32
      %dma_start3A_168 = tpu.memref_slice %dma_start3A_165[%dma_start3A_166, %dma_start3A_167] : memref<50048x32xf32, #tpu.memory_space<hbm>> -> memref<50048x32xf32, #tpu.memory_space<hbm>>
      tpu.enqueue_indirect_dma source(%dma_start3A_168 : memref<50048x32xf32, #tpu.memory_space<hbm>>) target(%dma_start3A_160 : memref<128x32xf32, #tpu.memory_space<vmem>>) offsets(%dma_start3A_163 : memref<128xi32, #tpu.memory_space<vmem>>) semaphore(%arg20 : memref<!tpu.dma_semaphore, #tpu.memory_space<semaphore_mem>>)
      %rem3A_169 = arith.constant 2 : i32
      %rem3A_170 = arith.constant 4 : i32
      %rem3A_171 = arith.remsi %rem3A_169, %rem3A_170 : i32
      %mul3A_172 = arith.constant 128 : i32
      %mul3A_173 = arith.muli %rem3A_171, %mul3A_172 : i32
      %dma_start3A_174 = arith.constant 2 : i32
      %dma_start3A_175 = arith.constant 0 : i32
      %dma_start3A_176 = tpu.memref_slice %arg16[%mul3A_173, %dma_start3A_175] : memref<512x32xf32, #tpu.memory_space<vmem>> -> memref<128x32xf32, #tpu.memory_space<vmem>>
      %dma_start3A_177 = arith.constant 0 : i32
      %dma_start3A_178 = tpu.memref_slice %arg14[%dma_start3A_174, %dma_start3A_177] : memref<26x128xi32, #tpu.memory_space<vmem>> -> memref<1x128xi32, #tpu.memory_space<vmem>>
      %dma_start3A_179 = tpu.memref_squeeze %dma_start3A_178 : memref<1x128xi32, #tpu.memory_space<vmem>> -> memref<128xi32, #tpu.memory_space<vmem>>
      %dma_start3A_180 = arith.constant 0 : i32
      %dma_start3A_181 = tpu.memref_slice %arg2[%mul3A_0, %dma_start3A_180] : memref<100096x32xf32, #tpu.memory_space<hbm>> -> memref<50048x32xf32, #tpu.memory_space<hbm>>
      %dma_start3A_182 = arith.constant 0 : i32
      %dma_start3A_183 = arith.constant 0 : i32
      %dma_start3A_184 = tpu.memref_slice %dma_start3A_181[%dma_start3A_182, %dma_start3A_183] : memref<50048x32xf32, #tpu.memory_space<hbm>> -> memref<50048x32xf32, #tpu.memory_space<hbm>>
      tpu.enqueue_indirect_dma source(%dma_start3A_184 : memref<50048x32xf32, #tpu.memory_space<hbm>>) target(%dma_start3A_176 : memref<128x32xf32, #tpu.memory_space<vmem>>) offsets(%dma_start3A_179 : memref<128xi32, #tpu.memory_space<vmem>>) semaphore(%arg20 : memref<!tpu.dma_semaphore, #tpu.memory_space<semaphore_mem>>)
      %scan3A_185 = arith.constant 0 : i32
      %scan3A_186 = arith.constant 0 : i32
      %scan3A_187 = arith.constant 26 : i32
      %scan3A_188 = arith.addi %scan3A_186, %scan3A_187 : i32
      %scan3A_189 = arith.constant 1 : i32
      %scan3A_190 = scf.for %scan3A_233 = %scan3A_186 to %scan3A_188 step %scan3A_189 iter_args(%scan3A_234 = %scan3A_185) -> (i32)  : i32 {
        %add3A_235 = arith.constant 3 : i32
        %add3A_236 = arith.addi %scan3A_233, %add3A_235 : i32
        %lt3A_237 = arith.constant 26 : i32
        %lt3A_238 = arith.cmpi slt, %add3A_236, %lt3A_237 : i32
        %convert_element_type3A_239 = arith.extui %lt3A_238 : i1 to i32
        %cond3A_240 = arith.constant 0 : i32
        %cond3A_241 = arith.cmpi ne, %convert_element_type3A_239, %cond3A_240 : i32
        scf.if %cond3A_241 {
          %ge3A = arith.constant 1 : i32
          %ge3A_274 = arith.cmpi sge, %scan3A_233, %ge3A : i32
          %convert_element_type3A_275 = arith.extui %ge3A_274 : i1 to i32
          %cond3A_276 = arith.constant 0 : i32
          %cond3A_277 = arith.cmpi ne, %convert_element_type3A_275, %cond3A_276 : i32
          scf.if %cond3A_277 {
            %dma_wait3A_294 = arith.constant 0 : i32
            %dma_wait3A_295 = arith.constant 0 : i32
            %dma_wait3A_296 = arith.constant 0 : i32
            %dma_wait3A_297 = tpu.memref_slice %arg16[%dma_wait3A_295, %dma_wait3A_296] : memref<512x32xf32, #tpu.memory_space<vmem>> -> memref<128x32xf32, #tpu.memory_space<vmem>>
            %dma_wait3A_298 = arith.constant 0 : i32
            %dma_wait3A_299 = tpu.memref_slice %arg13[%dma_wait3A_294, %dma_wait3A_298] : memref<26x128xi32, #tpu.memory_space<vmem>> -> memref<1x128xi32, #tpu.memory_space<vmem>>
            %dma_wait3A_300 = tpu.memref_squeeze %dma_wait3A_299 : memref<1x128xi32, #tpu.memory_space<vmem>> -> memref<128xi32, #tpu.memory_space<vmem>>
            %dma_wait3A_301 = arith.constant 0 : i32
            %dma_wait3A_302 = arith.constant 0 : i32
            %dma_wait3A_303 = tpu.memref_slice %arg12[%dma_wait3A_301, %dma_wait3A_302] : memref<50048x32xf32, #tpu.memory_space<vmem_shared>> -> memref<50048x32xf32, #tpu.memory_space<vmem_shared>>
            tpu.wait_indirect_dma semaphore(%arg21 : memref<!tpu.dma_semaphore, #tpu.memory_space<semaphore_mem>>) src(%dma_wait3A_297 : memref<128x32xf32, #tpu.memory_space<vmem>>) dst(%dma_wait3A_303 : memref<50048x32xf32, #tpu.memory_space<vmem_shared>>)
          } else {
          }
          %add3A_278 = arith.constant 3 : i32
          %add3A_279 = arith.addi %scan3A_233, %add3A_278 : i32
          %rem3A_280 = arith.constant 4 : i32
          %rem3A_281 = arith.remsi %add3A_279, %rem3A_280 : i32
          %mul3A_282 = arith.constant 128 : i32
          %mul3A_283 = arith.muli %rem3A_281, %mul3A_282 : i32
          %dma_start3A_284 = arith.constant 0 : i32
          %dma_start3A_285 = tpu.memref_slice %arg16[%mul3A_283, %dma_start3A_284] : memref<512x32xf32, #tpu.memory_space<vmem>> -> memref<128x32xf32, #tpu.memory_space<vmem>>
          %dma_start3A_286 = arith.constant 0 : i32
          %dma_start3A_287 = tpu.memref_slice %arg14[%add3A_279, %dma_start3A_286] : memref<26x128xi32, #tpu.memory_space<vmem>> -> memref<1x128xi32, #tpu.memory_space<vmem>>
          %dma_start3A_288 = tpu.memref_squeeze %dma_start3A_287 : memref<1x128xi32, #tpu.memory_space<vmem>> -> memref<128xi32, #tpu.memory_space<vmem>>
          %dma_start3A_289 = arith.constant 0 : i32
          %dma_start3A_290 = tpu.memref_slice %arg2[%mul3A_0, %dma_start3A_289] : memref<100096x32xf32, #tpu.memory_space<hbm>> -> memref<50048x32xf32, #tpu.memory_space<hbm>>
          %dma_start3A_291 = arith.constant 0 : i32
          %dma_start3A_292 = arith.constant 0 : i32
          %dma_start3A_293 = tpu.memref_slice %dma_start3A_290[%dma_start3A_291, %dma_start3A_292] : memref<50048x32xf32, #tpu.memory_space<hbm>> -> memref<50048x32xf32, #tpu.memory_space<hbm>>
          tpu.enqueue_indirect_dma source(%dma_start3A_293 : memref<50048x32xf32, #tpu.memory_space<hbm>>) target(%dma_start3A_285 : memref<128x32xf32, #tpu.memory_space<vmem>>) offsets(%dma_start3A_288 : memref<128xi32, #tpu.memory_space<vmem>>) semaphore(%arg20 : memref<!tpu.dma_semaphore, #tpu.memory_space<semaphore_mem>>)
        } else {
        }
        %dma_wait3A_242 = arith.constant 0 : i32
        %dma_wait3A_243 = arith.constant 0 : i32
        %dma_wait3A_244 = arith.constant 0 : i32
        %dma_wait3A_245 = tpu.memref_slice %arg16[%dma_wait3A_243, %dma_wait3A_244] : memref<512x32xf32, #tpu.memory_space<vmem>> -> memref<128x32xf32, #tpu.memory_space<vmem>>
        %dma_wait3A_246 = arith.constant 0 : i32
        %dma_wait3A_247 = tpu.memref_slice %arg14[%dma_wait3A_242, %dma_wait3A_246] : memref<26x128xi32, #tpu.memory_space<vmem>> -> memref<1x128xi32, #tpu.memory_space<vmem>>
        %dma_wait3A_248 = tpu.memref_squeeze %dma_wait3A_247 : memref<1x128xi32, #tpu.memory_space<vmem>> -> memref<128xi32, #tpu.memory_space<vmem>>
        %dma_wait3A_249 = arith.constant 0 : i32
        %dma_wait3A_250 = tpu.memref_slice %arg2[%mul3A_0, %dma_wait3A_249] : memref<100096x32xf32, #tpu.memory_space<hbm>> -> memref<50048x32xf32, #tpu.memory_space<hbm>>
        %dma_wait3A_251 = arith.constant 0 : i32
        %dma_wait3A_252 = arith.constant 0 : i32
        %dma_wait3A_253 = tpu.memref_slice %dma_wait3A_250[%dma_wait3A_251, %dma_wait3A_252] : memref<50048x32xf32, #tpu.memory_space<hbm>> -> memref<50048x32xf32, #tpu.memory_space<hbm>>
        tpu.wait_indirect_dma semaphore(%arg20 : memref<!tpu.dma_semaphore, #tpu.memory_space<semaphore_mem>>) src(%dma_wait3A_253 : memref<50048x32xf32, #tpu.memory_space<hbm>>) dst(%dma_wait3A_245 : memref<128x32xf32, #tpu.memory_space<vmem>>)
        %rem3A_254 = arith.constant 4 : i32
        %rem3A_255 = arith.remsi %scan3A_233, %rem3A_254 : i32
        %mul3A_256 = arith.constant 128 : i32
        %mul3A_257 = arith.muli %rem3A_255, %mul3A_256 : i32
        %scan3A_258 = arith.constant 0 : i32
        %scan3A_259 = arith.constant 0 : i32
        %scan3A_260 = arith.constant 8 : i32
        %scan3A_261 = arith.addi %scan3A_259, %scan3A_260 : i32
        %scan3A_262 = arith.constant 1 : i32
        %scan3A_263 = scf.for %scan3A_274 = %scan3A_259 to %scan3A_261 step %scan3A_262 iter_args(%scan3A_275 = %scan3A_258) -> (i32)  : i32 {
          %mul3A_276 = arith.constant 16 : i32
          %mul3A_277 = arith.muli %scan3A_274, %mul3A_276 : i32
          %get3A_278 = arith.index_cast %scan3A_233 : i32 to index
          %get3A_279 = arith.index_cast %mul3A_277 : i32 to index
          %get3A_280 = tpu.vector_load %arg15[%get3A_278, %get3A_279] {strides = array<i32>} : memref<26x128xf32, #tpu.memory_space<vmem>>, vector<1x16xf32>,
          %get3A_281 = vector.shape_cast %get3A_280 : vector<1x16xf32> to vector<16xf32>
          %mul3A_282 = arith.mulf %get3A_281, %gather3A_23 : vector<16xf32>
          %broadcast_in_dim3A_283 = arith.constant 0 : i32
          %broadcast_in_dim3A_284 = vector.broadcast %broadcast_in_dim3A_283 : i32 to vector<16x1xi32>
          %gather3A_285 = vector.shape_cast %broadcast_in_dim3A_284 : vector<16x1xi32> to vector<16xi32>
          %gather3A_286 = tpu.dynamic_gather %mul3A_282[%gather3A_285] in [0] : vector<16xf32>, vector<16xi32> -> vector<16xf32>
          %mul3A_287 = arith.constant 16 : i32
          %mul3A_288 = arith.muli %scan3A_274, %mul3A_287 : i32
          %add3A_289 = arith.addi %mul3A_257, %mul3A_288 : i32
          %add3A_290 = arith.constant 0 : i32
          %add3A_291 = arith.addi %add3A_289, %add3A_290 : i32
          %get3A_292 = arith.index_cast %add3A_291 : i32 to index
          %get3A_293 = arith.constant 0 : index
          %get3A_294 = tpu.vector_load %arg16[%get3A_292, %get3A_293] {strides = array<i32>} : memref<512x32xf32, #tpu.memory_space<vmem>>, vector<1x16xf32>,
          %get3A_295 = vector.shape_cast %get3A_294 : vector<1x16xf32> to vector<16xf32>
          %mul3A_296 = arith.mulf %get3A_295, %gather3A_286 : vector<16xf32>
          %swap3A = arith.index_cast %add3A_291 : i32 to index
          %swap3A_297 = arith.constant 0 : index
          %swap3A_298 = tpu.vector_load %arg16[%swap3A, %swap3A_297] {strides = array<i32>} : memref<512x32xf32, #tpu.memory_space<vmem>>, vector<1x16xf32>,
          %swap3A_299 = vector.shape_cast %swap3A_298 : vector<1x16xf32> to vector<16xf32>
          %swap3A_300 = vector.shape_cast %mul3A_296 : vector<16xf32> to vector<1x16xf32>
          tpu.vector_store %arg16[%swap3A, %swap3A_297], %swap3A_300 {strides = array<i32>} : memref<512x32xf32, #tpu.memory_space<vmem>>, vector<1x16xf32>,
          %get3A_301 = arith.index_cast %add3A_291 : i32 to index
          %get3A_302 = arith.constant 16 : index
          %get3A_303 = tpu.vector_load %arg16[%get3A_301, %get3A_302] {strides = array<i32>} : memref<512x32xf32, #tpu.memory_space<vmem>>, vector<1x16xf32>,
          %get3A_304 = vector.shape_cast %get3A_303 : vector<1x16xf32> to vector<16xf32>
          %mul3A_305 = arith.mulf %get3A_304, %gather3A_286 : vector<16xf32>
          %swap3A_306 = arith.index_cast %add3A_291 : i32 to index
          %swap3A_307 = arith.constant 16 : index
          %swap3A_308 = tpu.vector_load %arg16[%swap3A_306, %swap3A_307] {strides = array<i32>} : memref<512x32xf32, #tpu.memory_space<vmem>>, vector<1x16xf32>,
          %swap3A_309 = vector.shape_cast %swap3A_308 : vector<1x16xf32> to vector<16xf32>
          %swap3A_310 = vector.shape_cast %mul3A_305 : vector<16xf32> to vector<1x16xf32>
          tpu.vector_store %arg16[%swap3A_306, %swap3A_307], %swap3A_310 {strides = array<i32>} : memref<512x32xf32, #tpu.memory_space<vmem>>, vector<1x16xf32>,
          %broadcast_in_dim3A_311 = arith.constant 1 : i32
          %broadcast_in_dim3A_312 = vector.broadcast %broadcast_in_dim3A_311 : i32 to vector<16x1xi32>
          %gather3A_313 = vector.shape_cast %broadcast_in_dim3A_312 : vector<16x1xi32> to vector<16xi32>
          %gather3A_314 = tpu.dynamic_gather %mul3A_282[%gather3A_313] in [0] : vector<16xf32>, vector<16xi32> -> vector<16xf32>
          %mul3A_315 = arith.constant 16 : i32
          %mul3A_316 = arith.muli %scan3A_274, %mul3A_315 : i32
          %add3A_317 = arith.addi %mul3A_257, %mul3A_316 : i32
          %add3A_318 = arith.constant 1 : i32
          %add3A_319 = arith.addi %add3A_317, %add3A_318 : i32
          %get3A_320 = arith.index_cast %add3A_319 : i32 to index
          %get3A_321 = arith.constant 0 : index
          %get3A_322 = tpu.vector_load %arg16[%get3A_320, %get3A_321] {strides = array<i32>} : memref<512x32xf32, #tpu.memory_space<vmem>>, vector<1x16xf32>,
          %get3A_323 = vector.shape_cast %get3A_322 : vector<1x16xf32> to vector<16xf32>
          %mul3A_324 = arith.mulf %get3A_323, %gather3A_314 : vector<16xf32>
          %swap3A_325 = arith.index_cast %add3A_319 : i32 to index
          %swap3A_326 = arith.constant 0 : index
          %swap3A_327 = tpu.vector_load %arg16[%swap3A_325, %swap3A_326] {strides = array<i32>} : memref<512x32xf32, #tpu.memory_space<vmem>>, vector<1x16xf32>,
          %swap3A_328 = vector.shape_cast %swap3A_327 : vector<1x16xf32> to vector<16xf32>
          %swap3A_329 = vector.shape_cast %mul3A_324 : vector<16xf32> to vector<1x16xf32>
          tpu.vector_store %arg16[%swap3A_325, %swap3A_326], %swap3A_329 {strides = array<i32>} : memref<512x32xf32, #tpu.memory_space<vmem>>, vector<1x16xf32>,
          %get3A_330 = arith.index_cast %add3A_319 : i32 to index
          %get3A_331 = arith.constant 16 : index
          %get3A_332 = tpu.vector_load %arg16[%get3A_330, %get3A_331] {strides = array<i32>} : memref<512x32xf32, #tpu.memory_space<vmem>>, vector<1x16xf32>,
          %get3A_333 = vector.shape_cast %get3A_332 : vector<1x16xf32> to vector<16xf32>
          %mul3A_334 = arith.mulf %get3A_333, %gather3A_314 : vector<16xf32>
          %swap3A_335 = arith.index_cast %add3A_319 : i32 to index
          %swap3A_336 = arith.constant 16 : index
          %swap3A_337 = tpu.vector_load %arg16[%swap3A_335, %swap3A_336] {strides = array<i32>} : memref<512x32xf32, #tpu.memory_space<vmem>>, vector<1x16xf32>,
          %swap3A_338 = vector.shape_cast %swap3A_337 : vector<1x16xf32> to vector<16xf32>
          %swap3A_339 = vector.shape_cast %mul3A_334 : vector<16xf32> to vector<1x16xf32>
          tpu.vector_store %arg16[%swap3A_335, %swap3A_336], %swap3A_339 {strides = array<i32>} : memref<512x32xf32, #tpu.memory_space<vmem>>, vector<1x16xf32>,
          %broadcast_in_dim3A_340 = arith.constant 2 : i32
          %broadcast_in_dim3A_341 = vector.broadcast %broadcast_in_dim3A_340 : i32 to vector<16x1xi32>
          %gather3A_342 = vector.shape_cast %broadcast_in_dim3A_341 : vector<16x1xi32> to vector<16xi32>
          %gather3A_343 = tpu.dynamic_gather %mul3A_282[%gather3A_342] in [0] : vector<16xf32>, vector<16xi32> -> vector<16xf32>
          %mul3A_344 = arith.constant 16 : i32
          %mul3A_345 = arith.muli %scan3A_274, %mul3A_344 : i32
          %add3A_346 = arith.addi %mul3A_257, %mul3A_345 : i32
          %add3A_347 = arith.constant 2 : i32
          %add3A_348 = arith.addi %add3A_346, %add3A_347 : i32
          %get3A_349 = arith.index_cast %add3A_348 : i32 to index
          %get3A_350 = arith.constant 0 : index
          %get3A_351 = tpu.vector_load %arg16[%get3A_349, %get3A_350] {strides = array<i32>} : memref<512x32xf32, #tpu.memory_space<vmem>>, vector<1x16xf32>,
          %get3A_352 = vector.shape_cast %get3A_351 : vector<1x16xf32> to vector<16xf32>
          %mul3A_353 = arith.mulf %get3A_352, %gather3A_343 : vector<16xf32>
          %swap3A_354 = arith.index_cast %add3A_348 : i32 to index
          %swap3A_355 = arith.constant 0 : index
          %swap3A_356 = tpu.vector_load %arg16[%swap3A_354, %swap3A_355] {strides = array<i32>} : memref<512x32xf32, #tpu.memory_space<vmem>>, vector<1x16xf32>,
          %swap3A_357 = vector.shape_cast %swap3A_356 : vector<1x16xf32> to vector<16xf32>
          %swap3A_358 = vector.shape_cast %mul3A_353 : vector<16xf32> to vector<1x16xf32>
          tpu.vector_store %arg16[%swap3A_354, %swap3A_355], %swap3A_358 {strides = array<i32>} : memref<512x32xf32, #tpu.memory_space<vmem>>, vector<1x16xf32>,
          %get3A_359 = arith.index_cast %add3A_348 : i32 to index
          %get3A_360 = arith.constant 16 : index
          %get3A_361 = tpu.vector_load %arg16[%get3A_359, %get3A_360] {strides = array<i32>} : memref<512x32xf32, #tpu.memory_space<vmem>>, vector<1x16xf32>,
          %get3A_362 = vector.shape_cast %get3A_361 : vector<1x16xf32> to vector<16xf32>
          %mul3A_363 = arith.mulf %get3A_362, %gather3A_343 : vector<16xf32>
          %swap3A_364 = arith.index_cast %add3A_348 : i32 to index
          %swap3A_365 = arith.constant 16 : index
          %swap3A_366 = tpu.vector_load %arg16[%swap3A_364, %swap3A_365] {strides = array<i32>} : memref<512x32xf32, #tpu.memory_space<vmem>>, vector<1x16xf32>,
          %swap3A_367 = vector.shape_cast %swap3A_366 : vector<1x16xf32> to vector<16xf32>
          %swap3A_368 = vector.shape_cast %mul3A_363 : vector<16xf32> to vector<1x16xf32>
          tpu.vector_store %arg16[%swap3A_364, %swap3A_365], %swap3A_368 {strides = array<i32>} : memref<512x32xf32, #tpu.memory_space<vmem>>, vector<1x16xf32>,
          %broadcast_in_dim3A_369 = arith.constant 3 : i32
          %broadcast_in_dim3A_370 = vector.broadcast %broadcast_in_dim3A_369 : i32 to vector<16x1xi32>
          %gather3A_371 = vector.shape_cast %broadcast_in_dim3A_370 : vector<16x1xi32> to vector<16xi32>
          %gather3A_372 = tpu.dynamic_gather %mul3A_282[%gather3A_371] in [0] : vector<16xf32>, vector<16xi32> -> vector<16xf32>
          %mul3A_373 = arith.constant 16 : i32
          %mul3A_374 = arith.muli %scan3A_274, %mul3A_373 : i32
          %add3A_375 = arith.addi %mul3A_257, %mul3A_374 : i32
          %add3A_376 = arith.constant 3 : i32
          %add3A_377 = arith.addi %add3A_375, %add3A_376 : i32
          %get3A_378 = arith.index_cast %add3A_377 : i32 to index
          %get3A_379 = arith.constant 0 : index
          %get3A_380 = tpu.vector_load %arg16[%get3A_378, %get3A_379] {strides = array<i32>} : memref<512x32xf32, #tpu.memory_space<vmem>>, vector<1x16xf32>,
          %get3A_381 = vector.shape_cast %get3A_380 : vector<1x16xf32> to vector<16xf32>
          %mul3A_382 = arith.mulf %get3A_381, %gather3A_372 : vector<16xf32>
          %swap3A_383 = arith.index_cast %add3A_377 : i32 to index
          %swap3A_384 = arith.constant 0 : index
          %swap3A_385 = tpu.vector_load %arg16[%swap3A_383, %swap3A_384] {strides = array<i32>} : memref<512x32xf32, #tpu.memory_space<vmem>>, vector<1x16xf32>,
          %swap3A_386 = vector.shape_cast %swap3A_385 : vector<1x16xf32> to vector<16xf32>
          %swap3A_387 = vector.shape_cast %mul3A_382 : vector<16xf32> to vector<1x16xf32>
          tpu.vector_store %arg16[%swap3A_383, %swap3A_384], %swap3A_387 {strides = array<i32>} : memref<512x32xf32, #tpu.memory_space<vmem>>, vector<1x16xf32>,
          %get3A_388 = arith.index_cast %add3A_377 : i32 to index
          %get3A_389 = arith.constant 16 : index
          %get3A_390 = tpu.vector_load %arg16[%get3A_388, %get3A_389] {strides = array<i32>} : memref<512x32xf32, #tpu.memory_space<vmem>>, vector<1x16xf32>,
          %get3A_391 = vector.shape_cast %get3A_390 : vector<1x16xf32> to vector<16xf32>
          %mul3A_392 = arith.mulf %get3A_391, %gather3A_372 : vector<16xf32>
          %swap3A_393 = arith.index_cast %add3A_377 : i32 to index
          %swap3A_394 = arith.constant 16 : index
          %swap3A_395 = tpu.vector_load %arg16[%swap3A_393, %swap3A_394] {strides = array<i32>} : memref<512x32xf32, #tpu.memory_space<vmem>>, vector<1x16xf32>,
          %swap3A_396 = vector.shape_cast %swap3A_395 : vector<1x16xf32> to vector<16xf32>
          %swap3A_397 = vector.shape_cast %mul3A_392 : vector<16xf32> to vector<1x16xf32>
          tpu.vector_store %arg16[%swap3A_393, %swap3A_394], %swap3A_397 {strides = array<i32>} : memref<512x32xf32, #tpu.memory_space<vmem>>, vector<1x16xf32>,
          %broadcast_in_dim3A_398 = arith.constant 4 : i32
          %broadcast_in_dim3A_399 = vector.broadcast %broadcast_in_dim3A_398 : i32 to vector<16x1xi32>
          %gather3A_400 = vector.shape_cast %broadcast_in_dim3A_399 : vector<16x1xi32> to vector<16xi32>
          %gather3A_401 = tpu.dynamic_gather %mul3A_282[%gather3A_400] in [0] : vector<16xf32>, vector<16xi32> -> vector<16xf32>
          %mul3A_402 = arith.constant 16 : i32
          %mul3A_403 = arith.muli %scan3A_274, %mul3A_402 : i32
          %add3A_404 = arith.addi %mul3A_257, %mul3A_403 : i32
          %add3A_405 = arith.constant 4 : i32
          %add3A_406 = arith.addi %add3A_404, %add3A_405 : i32
          %get3A_407 = arith.index_cast %add3A_406 : i32 to index
          %get3A_408 = arith.constant 0 : index
          %get3A_409 = tpu.vector_load %arg16[%get3A_407, %get3A_408] {strides = array<i32>} : memref<512x32xf32, #tpu.memory_space<vmem>>, vector<1x16xf32>,
          %get3A_410 = vector.shape_cast %get3A_409 : vector<1x16xf32> to vector<16xf32>
          %mul3A_411 = arith.mulf %get3A_410, %gather3A_401 : vector<16xf32>
          %swap3A_412 = arith.index_cast %add3A_406 : i32 to index
          %swap3A_413 = arith.constant 0 : index
          %swap3A_414 = tpu.vector_load %arg16[%swap3A_412, %swap3A_413] {strides = array<i32>} : memref<512x32xf32, #tpu.memory_space<vmem>>, vector<1x16xf32>,
          %swap3A_415 = vector.shape_cast %swap3A_414 : vector<1x16xf32> to vector<16xf32>
          %swap3A_416 = vector.shape_cast %mul3A_411 : vector<16xf32> to vector<1x16xf32>
          tpu.vector_store %arg16[%swap3A_412, %swap3A_413], %swap3A_416 {strides = array<i32>} : memref<512x32xf32, #tpu.memory_space<vmem>>, vector<1x16xf32>,
          %get3A_417 = arith.index_cast %add3A_406 : i32 to index
          %get3A_418 = arith.constant 16 : index
          %get3A_419 = tpu.vector_load %arg16[%get3A_417, %get3A_418] {strides = array<i32>} : memref<512x32xf32, #tpu.memory_space<vmem>>, vector<1x16xf32>,
          %get3A_420 = vector.shape_cast %get3A_419 : vector<1x16xf32> to vector<16xf32>
          %mul3A_421 = arith.mulf %get3A_420, %gather3A_401 : vector<16xf32>
          %swap3A_422 = arith.index_cast %add3A_406 : i32 to index
          %swap3A_423 = arith.constant 16 : index
          %swap3A_424 = tpu.vector_load %arg16[%swap3A_422, %swap3A_423] {strides = array<i32>} : memref<512x32xf32, #tpu.memory_space<vmem>>, vector<1x16xf32>,
          %swap3A_425 = vector.shape_cast %swap3A_424 : vector<1x16xf32> to vector<16xf32>
          %swap3A_426 = vector.shape_cast %mul3A_421 : vector<16xf32> to vector<1x16xf32>
          tpu.vector_store %arg16[%swap3A_422, %swap3A_423], %swap3A_426 {strides = array<i32>} : memref<512x32xf32, #tpu.memory_space<vmem>>, vector<1x16xf32>,
          %broadcast_in_dim3A_427 = arith.constant 5 : i32
          %broadcast_in_dim3A_428 = vector.broadcast %broadcast_in_dim3A_427 : i32 to vector<16x1xi32>
          %gather3A_429 = vector.shape_cast %broadcast_in_dim3A_428 : vector<16x1xi32> to vector<16xi32>
          %gather3A_430 = tpu.dynamic_gather %mul3A_282[%gather3A_429] in [0] : vector<16xf32>, vector<16xi32> -> vector<16xf32>
          %mul3A_431 = arith.constant 16 : i32
          %mul3A_432 = arith.muli %scan3A_274, %mul3A_431 : i32
          %add3A_433 = arith.addi %mul3A_257, %mul3A_432 : i32
          %add3A_434 = arith.constant 5 : i32
          %add3A_435 = arith.addi %add3A_433, %add3A_434 : i32
          %get3A_436 = arith.index_cast %add3A_435 : i32 to index
          %get3A_437 = arith.constant 0 : index
          %get3A_438 = tpu.vector_load %arg16[%get3A_436, %get3A_437] {strides = array<i32>} : memref<512x32xf32, #tpu.memory_space<vmem>>, vector<1x16xf32>,
          %get3A_439 = vector.shape_cast %get3A_438 : vector<1x16xf32> to vector<16xf32>
          %mul3A_440 = arith.mulf %get3A_439, %gather3A_430 : vector<16xf32>
          %swap3A_441 = arith.index_cast %add3A_435 : i32 to index
          %swap3A_442 = arith.constant 0 : index
          %swap3A_443 = tpu.vector_load %arg16[%swap3A_441, %swap3A_442] {strides = array<i32>} : memref<512x32xf32, #tpu.memory_space<vmem>>, vector<1x16xf32>,
          %swap3A_444 = vector.shape_cast %swap3A_443 : vector<1x16xf32> to vector<16xf32>
          %swap3A_445 = vector.shape_cast %mul3A_440 : vector<16xf32> to vector<1x16xf32>
          tpu.vector_store %arg16[%swap3A_441, %swap3A_442], %swap3A_445 {strides = array<i32>} : memref<512x32xf32, #tpu.memory_space<vmem>>, vector<1x16xf32>,
          %get3A_446 = arith.index_cast %add3A_435 : i32 to index
          %get3A_447 = arith.constant 16 : index
          %get3A_448 = tpu.vector_load %arg16[%get3A_446, %get3A_447] {strides = array<i32>} : memref<512x32xf32, #tpu.memory_space<vmem>>, vector<1x16xf32>,
          %get3A_449 = vector.shape_cast %get3A_448 : vector<1x16xf32> to vector<16xf32>
          %mul3A_450 = arith.mulf %get3A_449, %gather3A_430 : vector<16xf32>
          %swap3A_451 = arith.index_cast %add3A_435 : i32 to index
          %swap3A_452 = arith.constant 16 : index
          %swap3A_453 = tpu.vector_load %arg16[%swap3A_451, %swap3A_452] {strides = array<i32>} : memref<512x32xf32, #tpu.memory_space<vmem>>, vector<1x16xf32>,
          %swap3A_454 = vector.shape_cast %swap3A_453 : vector<1x16xf32> to vector<16xf32>
          %swap3A_455 = vector.shape_cast %mul3A_450 : vector<16xf32> to vector<1x16xf32>
          tpu.vector_store %arg16[%swap3A_451, %swap3A_452], %swap3A_455 {strides = array<i32>} : memref<512x32xf32, #tpu.memory_space<vmem>>, vector<1x16xf32>,
          %broadcast_in_dim3A_456 = arith.constant 6 : i32
          %broadcast_in_dim3A_457 = vector.broadcast %broadcast_in_dim3A_456 : i32 to vector<16x1xi32>
          %gather3A_458 = vector.shape_cast %broadcast_in_dim3A_457 : vector<16x1xi32> to vector<16xi32>
          %gather3A_459 = tpu.dynamic_gather %mul3A_282[%gather3A_458] in [0] : vector<16xf32>, vector<16xi32> -> vector<16xf32>
          %mul3A_460 = arith.constant 16 : i32
          %mul3A_461 = arith.muli %scan3A_274, %mul3A_460 : i32
          %add3A_462 = arith.addi %mul3A_257, %mul3A_461 : i32
          %add3A_463 = arith.constant 6 : i32
          %add3A_464 = arith.addi %add3A_462, %add3A_463 : i32
          %get3A_465 = arith.index_cast %add3A_464 : i32 to index
          %get3A_466 = arith.constant 0 : index
          %get3A_467 = tpu.vector_load %arg16[%get3A_465, %get3A_466] {strides = array<i32>} : memref<512x32xf32, #tpu.memory_space<vmem>>, vector<1x16xf32>,
          %get3A_468 = vector.shape_cast %get3A_467 : vector<1x16xf32> to vector<16xf32>
          %mul3A_469 = arith.mulf %get3A_468, %gather3A_459 : vector<16xf32>
          %swap3A_470 = arith.index_cast %add3A_464 : i32 to index
          %swap3A_471 = arith.constant 0 : index
          %swap3A_472 = tpu.vector_load %arg16[%swap3A_470, %swap3A_471] {strides = array<i32>} : memref<512x32xf32, #tpu.memory_space<vmem>>, vector<1x16xf32>,
          %swap3A_473 = vector.shape_cast %swap3A_472 : vector<1x16xf32> to vector<16xf32>
          %swap3A_474 = vector.shape_cast %mul3A_469 : vector<16xf32> to vector<1x16xf32>
          tpu.vector_store %arg16[%swap3A_470, %swap3A_471], %swap3A_474 {strides = array<i32>} : memref<512x32xf32, #tpu.memory_space<vmem>>, vector<1x16xf32>,
          %get3A_475 = arith.index_cast %add3A_464 : i32 to index
          %get3A_476 = arith.constant 16 : index
          %get3A_477 = tpu.vector_load %arg16[%get3A_475, %get3A_476] {strides = array<i32>} : memref<512x32xf32, #tpu.memory_space<vmem>>, vector<1x16xf32>,
          %get3A_478 = vector.shape_cast %get3A_477 : vector<1x16xf32> to vector<16xf32>
          %mul3A_479 = arith.mulf %get3A_478, %gather3A_459 : vector<16xf32>
          %swap3A_480 = arith.index_cast %add3A_464 : i32 to index
          %swap3A_481 = arith.constant 16 : index
          %swap3A_482 = tpu.vector_load %arg16[%swap3A_480, %swap3A_481] {strides = array<i32>} : memref<512x32xf32, #tpu.memory_space<vmem>>, vector<1x16xf32>,
          %swap3A_483 = vector.shape_cast %swap3A_482 : vector<1x16xf32> to vector<16xf32>
          %swap3A_484 = vector.shape_cast %mul3A_479 : vector<16xf32> to vector<1x16xf32>
          tpu.vector_store %arg16[%swap3A_480, %swap3A_481], %swap3A_484 {strides = array<i32>} : memref<512x32xf32, #tpu.memory_space<vmem>>, vector<1x16xf32>,
          %broadcast_in_dim3A_485 = arith.constant 7 : i32
          %broadcast_in_dim3A_486 = vector.broadcast %broadcast_in_dim3A_485 : i32 to vector<16x1xi32>
          %gather3A_487 = vector.shape_cast %broadcast_in_dim3A_486 : vector<16x1xi32> to vector<16xi32>
          %gather3A_488 = tpu.dynamic_gather %mul3A_282[%gather3A_487] in [0] : vector<16xf32>, vector<16xi32> -> vector<16xf32>
          %mul3A_489 = arith.constant 16 : i32
          %mul3A_490 = arith.muli %scan3A_274, %mul3A_489 : i32
          %add3A_491 = arith.addi %mul3A_257, %mul3A_490 : i32
          %add3A_492 = arith.constant 7 : i32
          %add3A_493 = arith.addi %add3A_491, %add3A_492 : i32
          %get3A_494 = arith.index_cast %add3A_493 : i32 to index
          %get3A_495 = arith.constant 0 : index
          %get3A_496 = tpu.vector_load %arg16[%get3A_494, %get3A_495] {strides = array<i32>} : memref<512x32xf32, #tpu.memory_space<vmem>>, vector<1x16xf32>,
          %get3A_497 = vector.shape_cast %get3A_496 : vector<1x16xf32> to vector<16xf32>
          %mul3A_498 = arith.mulf %get3A_497, %gather3A_488 : vector<16xf32>
          %swap3A_499 = arith.index_cast %add3A_493 : i32 to index
          %swap3A_500 = arith.constant 0 : index
          %swap3A_501 = tpu.vector_load %arg16[%swap3A_499, %swap3A_500] {strides = array<i32>} : memref<512x32xf32, #tpu.memory_space<vmem>>, vector<1x16xf32>,
          %swap3A_502 = vector.shape_cast %swap3A_501 : vector<1x16xf32> to vector<16xf32>
          %swap3A_503 = vector.shape_cast %mul3A_498 : vector<16xf32> to vector<1x16xf32>
          tpu.vector_store %arg16[%swap3A_499, %swap3A_500], %swap3A_503 {strides = array<i32>} : memref<512x32xf32, #tpu.memory_space<vmem>>, vector<1x16xf32>,
          %get3A_504 = arith.index_cast %add3A_493 : i32 to index
          %get3A_505 = arith.constant 16 : index
          %get3A_506 = tpu.vector_load %arg16[%get3A_504, %get3A_505] {strides = array<i32>} : memref<512x32xf32, #tpu.memory_space<vmem>>, vector<1x16xf32>,
          %get3A_507 = vector.shape_cast %get3A_506 : vector<1x16xf32> to vector<16xf32>
          %mul3A_508 = arith.mulf %get3A_507, %gather3A_488 : vector<16xf32>
          %swap3A_509 = arith.index_cast %add3A_493 : i32 to index
          %swap3A_510 = arith.constant 16 : index
          %swap3A_511 = tpu.vector_load %arg16[%swap3A_509, %swap3A_510] {strides = array<i32>} : memref<512x32xf32, #tpu.memory_space<vmem>>, vector<1x16xf32>,
          %swap3A_512 = vector.shape_cast %swap3A_511 : vector<1x16xf32> to vector<16xf32>
          %swap3A_513 = vector.shape_cast %mul3A_508 : vector<16xf32> to vector<1x16xf32>
          tpu.vector_store %arg16[%swap3A_509, %swap3A_510], %swap3A_513 {strides = array<i32>} : memref<512x32xf32, #tpu.memory_space<vmem>>, vector<1x16xf32>,
          %broadcast_in_dim3A_514 = arith.constant 8 : i32
          %broadcast_in_dim3A_515 = vector.broadcast %broadcast_in_dim3A_514 : i32 to vector<16x1xi32>
          %gather3A_516 = vector.shape_cast %broadcast_in_dim3A_515 : vector<16x1xi32> to vector<16xi32>
          %gather3A_517 = tpu.dynamic_gather %mul3A_282[%gather3A_516] in [0] : vector<16xf32>, vector<16xi32> -> vector<16xf32>
          %mul3A_518 = arith.constant 16 : i32
          %mul3A_519 = arith.muli %scan3A_274, %mul3A_518 : i32
          %add3A_520 = arith.addi %mul3A_257, %mul3A_519 : i32
          %add3A_521 = arith.constant 8 : i32
          %add3A_522 = arith.addi %add3A_520, %add3A_521 : i32
          %get3A_523 = arith.index_cast %add3A_522 : i32 to index
          %get3A_524 = arith.constant 0 : index
          %get3A_525 = tpu.vector_load %arg16[%get3A_523, %get3A_524] {strides = array<i32>} : memref<512x32xf32, #tpu.memory_space<vmem>>, vector<1x16xf32>,
          %get3A_526 = vector.shape_cast %get3A_525 : vector<1x16xf32> to vector<16xf32>
          %mul3A_527 = arith.mulf %get3A_526, %gather3A_517 : vector<16xf32>
          %swap3A_528 = arith.index_cast %add3A_522 : i32 to index
          %swap3A_529 = arith.constant 0 : index
          %swap3A_530 = tpu.vector_load %arg16[%swap3A_528, %swap3A_529] {strides = array<i32>} : memref<512x32xf32, #tpu.memory_space<vmem>>, vector<1x16xf32>,
          %swap3A_531 = vector.shape_cast %swap3A_530 : vector<1x16xf32> to vector<16xf32>
          %swap3A_532 = vector.shape_cast %mul3A_527 : vector<16xf32> to vector<1x16xf32>
          tpu.vector_store %arg16[%swap3A_528, %swap3A_529], %swap3A_532 {strides = array<i32>} : memref<512x32xf32, #tpu.memory_space<vmem>>, vector<1x16xf32>,
          %get3A_533 = arith.index_cast %add3A_522 : i32 to index
          %get3A_534 = arith.constant 16 : index
          %get3A_535 = tpu.vector_load %arg16[%get3A_533, %get3A_534] {strides = array<i32>} : memref<512x32xf32, #tpu.memory_space<vmem>>, vector<1x16xf32>,
          %get3A_536 = vector.shape_cast %get3A_535 : vector<1x16xf32> to vector<16xf32>
          %mul3A_537 = arith.mulf %get3A_536, %gather3A_517 : vector<16xf32>
          %swap3A_538 = arith.index_cast %add3A_522 : i32 to index
          %swap3A_539 = arith.constant 16 : index
          %swap3A_540 = tpu.vector_load %arg16[%swap3A_538, %swap3A_539] {strides = array<i32>} : memref<512x32xf32, #tpu.memory_space<vmem>>, vector<1x16xf32>,
          %swap3A_541 = vector.shape_cast %swap3A_540 : vector<1x16xf32> to vector<16xf32>
          %swap3A_542 = vector.shape_cast %mul3A_537 : vector<16xf32> to vector<1x16xf32>
          tpu.vector_store %arg16[%swap3A_538, %swap3A_539], %swap3A_542 {strides = array<i32>} : memref<512x32xf32, #tpu.memory_space<vmem>>, vector<1x16xf32>,
          %broadcast_in_dim3A_543 = arith.constant 9 : i32
          %broadcast_in_dim3A_544 = vector.broadcast %broadcast_in_dim3A_543 : i32 to vector<16x1xi32>
          %gather3A_545 = vector.shape_cast %broadcast_in_dim3A_544 : vector<16x1xi32> to vector<16xi32>
          %gather3A_546 = tpu.dynamic_gather %mul3A_282[%gather3A_545] in [0] : vector<16xf32>, vector<16xi32> -> vector<16xf32>
          %mul3A_547 = arith.constant 16 : i32
          %mul3A_548 = arith.muli %scan3A_274, %mul3A_547 : i32
          %add3A_549 = arith.addi %mul3A_257, %mul3A_548 : i32
          %add3A_550 = arith.constant 9 : i32
          %add3A_551 = arith.addi %add3A_549, %add3A_550 : i32
          %get3A_552 = arith.index_cast %add3A_551 : i32 to index
          %get3A_553 = arith.constant 0 : index
          %get3A_554 = tpu.vector_load %arg16[%get3A_552, %get3A_553] {strides = array<i32>} : memref<512x32xf32, #tpu.memory_space<vmem>>, vector<1x16xf32>,
          %get3A_555 = vector.shape_cast %get3A_554 : vector<1x16xf32> to vector<16xf32>
          %mul3A_556 = arith.mulf %get3A_555, %gather3A_546 : vector<16xf32>
          %swap3A_557 = arith.index_cast %add3A_551 : i32 to index
          %swap3A_558 = arith.constant 0 : index
          %swap3A_559 = tpu.vector_load %arg16[%swap3A_557, %swap3A_558] {strides = array<i32>} : memref<512x32xf32, #tpu.memory_space<vmem>>, vector<1x16xf32>,
          %swap3A_560 = vector.shape_cast %swap3A_559 : vector<1x16xf32> to vector<16xf32>
          %swap3A_561 = vector.shape_cast %mul3A_556 : vector<16xf32> to vector<1x16xf32>
          tpu.vector_store %arg16[%swap3A_557, %swap3A_558], %swap3A_561 {strides = array<i32>} : memref<512x32xf32, #tpu.memory_space<vmem>>, vector<1x16xf32>,
          %get3A_562 = arith.index_cast %add3A_551 : i32 to index
          %get3A_563 = arith.constant 16 : index
          %get3A_564 = tpu.vector_load %arg16[%get3A_562, %get3A_563] {strides = array<i32>} : memref<512x32xf32, #tpu.memory_space<vmem>>, vector<1x16xf32>,
          %get3A_565 = vector.shape_cast %get3A_564 : vector<1x16xf32> to vector<16xf32>
          %mul3A_566 = arith.mulf %get3A_565, %gather3A_546 : vector<16xf32>
          %swap3A_567 = arith.index_cast %add3A_551 : i32 to index
          %swap3A_568 = arith.constant 16 : index
          %swap3A_569 = tpu.vector_load %arg16[%swap3A_567, %swap3A_568] {strides = array<i32>} : memref<512x32xf32, #tpu.memory_space<vmem>>, vector<1x16xf32>,
          %swap3A_570 = vector.shape_cast %swap3A_569 : vector<1x16xf32> to vector<16xf32>
          %swap3A_571 = vector.shape_cast %mul3A_566 : vector<16xf32> to vector<1x16xf32>
          tpu.vector_store %arg16[%swap3A_567, %swap3A_568], %swap3A_571 {strides = array<i32>} : memref<512x32xf32, #tpu.memory_space<vmem>>, vector<1x16xf32>,
          %broadcast_in_dim3A_572 = arith.constant 10 : i32
          %broadcast_in_dim3A_573 = vector.broadcast %broadcast_in_dim3A_572 : i32 to vector<16x1xi32>
          %gather3A_574 = vector.shape_cast %broadcast_in_dim3A_573 : vector<16x1xi32> to vector<16xi32>
          %gather3A_575 = tpu.dynamic_gather %mul3A_282[%gather3A_574] in [0] : vector<16xf32>, vector<16xi32> -> vector<16xf32>
          %mul3A_576 = arith.constant 16 : i32
          %mul3A_577 = arith.muli %scan3A_274, %mul3A_576 : i32
          %add3A_578 = arith.addi %mul3A_257, %mul3A_577 : i32
          %add3A_579 = arith.constant 10 : i32
          %add3A_580 = arith.addi %add3A_578, %add3A_579 : i32
          %get3A_581 = arith.index_cast %add3A_580 : i32 to index
          %get3A_582 = arith.constant 0 : index
          %get3A_583 = tpu.vector_load %arg16[%get3A_581, %get3A_582] {strides = array<i32>} : memref<512x32xf32, #tpu.memory_space<vmem>>, vector<1x16xf32>,
          %get3A_584 = vector.shape_cast %get3A_583 : vector<1x16xf32> to vector<16xf32>
          %mul3A_585 = arith.mulf %get3A_584, %gather3A_575 : vector<16xf32>
          %swap3A_586 = arith.index_cast %add3A_580 : i32 to index
          %swap3A_587 = arith.constant 0 : index
          %swap3A_588 = tpu.vector_load %arg16[%swap3A_586, %swap3A_587] {strides = array<i32>} : memref<512x32xf32, #tpu.memory_space<vmem>>, vector<1x16xf32>,
          %swap3A_589 = vector.shape_cast %swap3A_588 : vector<1x16xf32> to vector<16xf32>
          %swap3A_590 = vector.shape_cast %mul3A_585 : vector<16xf32> to vector<1x16xf32>
          tpu.vector_store %arg16[%swap3A_586, %swap3A_587], %swap3A_590 {strides = array<i32>} : memref<512x32xf32, #tpu.memory_space<vmem>>, vector<1x16xf32>,
          %get3A_591 = arith.index_cast %add3A_580 : i32 to index
          %get3A_592 = arith.constant 16 : index
          %get3A_593 = tpu.vector_load %arg16[%get3A_591, %get3A_592] {strides = array<i32>} : memref<512x32xf32, #tpu.memory_space<vmem>>, vector<1x16xf32>,
          %get3A_594 = vector.shape_cast %get3A_593 : vector<1x16xf32> to vector<16xf32>
          %mul3A_595 = arith.mulf %get3A_594, %gather3A_575 : vector<16xf32>
          %swap3A_596 = arith.index_cast %add3A_580 : i32 to index
          %swap3A_597 = arith.constant 16 : index
          %swap3A_598 = tpu.vector_load %arg16[%swap3A_596, %swap3A_597] {strides = array<i32>} : memref<512x32xf32, #tpu.memory_space<vmem>>, vector<1x16xf32>,
          %swap3A_599 = vector.shape_cast %swap3A_598 : vector<1x16xf32> to vector<16xf32>
          %swap3A_600 = vector.shape_cast %mul3A_595 : vector<16xf32> to vector<1x16xf32>
          tpu.vector_store %arg16[%swap3A_596, %swap3A_597], %swap3A_600 {strides = array<i32>} : memref<512x32xf32, #tpu.memory_space<vmem>>, vector<1x16xf32>,
          %broadcast_in_dim3A_601 = arith.constant 11 : i32
          %broadcast_in_dim3A_602 = vector.broadcast %broadcast_in_dim3A_601 : i32 to vector<16x1xi32>
          %gather3A_603 = vector.shape_cast %broadcast_in_dim3A_602 : vector<16x1xi32> to vector<16xi32>
          %gather3A_604 = tpu.dynamic_gather %mul3A_282[%gather3A_603] in [0] : vector<16xf32>, vector<16xi32> -> vector<16xf32>
          %mul3A_605 = arith.constant 16 : i32
          %mul3A_606 = arith.muli %scan3A_274, %mul3A_605 : i32
          %add3A_607 = arith.addi %mul3A_257, %mul3A_606 : i32
          %add3A_608 = arith.constant 11 : i32
          %add3A_609 = arith.addi %add3A_607, %add3A_608 : i32
          %get3A_610 = arith.index_cast %add3A_609 : i32 to index
          %get3A_611 = arith.constant 0 : index
          %get3A_612 = tpu.vector_load %arg16[%get3A_610, %get3A_611] {strides = array<i32>} : memref<512x32xf32, #tpu.memory_space<vmem>>, vector<1x16xf32>,
          %get3A_613 = vector.shape_cast %get3A_612 : vector<1x16xf32> to vector<16xf32>
          %mul3A_614 = arith.mulf %get3A_613, %gather3A_604 : vector<16xf32>
          %swap3A_615 = arith.index_cast %add3A_609 : i32 to index
          %swap3A_616 = arith.constant 0 : index
          %swap3A_617 = tpu.vector_load %arg16[%swap3A_615, %swap3A_616] {strides = array<i32>} : memref<512x32xf32, #tpu.memory_space<vmem>>, vector<1x16xf32>,
          %swap3A_618 = vector.shape_cast %swap3A_617 : vector<1x16xf32> to vector<16xf32>
          %swap3A_619 = vector.shape_cast %mul3A_614 : vector<16xf32> to vector<1x16xf32>
          tpu.vector_store %arg16[%swap3A_615, %swap3A_616], %swap3A_619 {strides = array<i32>} : memref<512x32xf32, #tpu.memory_space<vmem>>, vector<1x16xf32>,
          %get3A_620 = arith.index_cast %add3A_609 : i32 to index
          %get3A_621 = arith.constant 16 : index
          %get3A_622 = tpu.vector_load %arg16[%get3A_620, %get3A_621] {strides = array<i32>} : memref<512x32xf32, #tpu.memory_space<vmem>>, vector<1x16xf32>,
          %get3A_623 = vector.shape_cast %get3A_622 : vector<1x16xf32> to vector<16xf32>
          %mul3A_624 = arith.mulf %get3A_623, %gather3A_604 : vector<16xf32>
          %swap3A_625 = arith.index_cast %add3A_609 : i32 to index
          %swap3A_626 = arith.constant 16 : index
          %swap3A_627 = tpu.vector_load %arg16[%swap3A_625, %swap3A_626] {strides = array<i32>} : memref<512x32xf32, #tpu.memory_space<vmem>>, vector<1x16xf32>,
          %swap3A_628 = vector.shape_cast %swap3A_627 : vector<1x16xf32> to vector<16xf32>
          %swap3A_629 = vector.shape_cast %mul3A_624 : vector<16xf32> to vector<1x16xf32>
          tpu.vector_store %arg16[%swap3A_625, %swap3A_626], %swap3A_629 {strides = array<i32>} : memref<512x32xf32, #tpu.memory_space<vmem>>, vector<1x16xf32>,
          %broadcast_in_dim3A_630 = arith.constant 12 : i32
          %broadcast_in_dim3A_631 = vector.broadcast %broadcast_in_dim3A_630 : i32 to vector<16x1xi32>
          %gather3A_632 = vector.shape_cast %broadcast_in_dim3A_631 : vector<16x1xi32> to vector<16xi32>
          %gather3A_633 = tpu.dynamic_gather %mul3A_282[%gather3A_632] in [0] : vector<16xf32>, vector<16xi32> -> vector<16xf32>
          %mul3A_634 = arith.constant 16 : i32
          %mul3A_635 = arith.muli %scan3A_274, %mul3A_634 : i32
          %add3A_636 = arith.addi %mul3A_257, %mul3A_635 : i32
          %add3A_637 = arith.constant 12 : i32
          %add3A_638 = arith.addi %add3A_636, %add3A_637 : i32
          %get3A_639 = arith.index_cast %add3A_638 : i32 to index
          %get3A_640 = arith.constant 0 : index
          %get3A_641 = tpu.vector_load %arg16[%get3A_639, %get3A_640] {strides = array<i32>} : memref<512x32xf32, #tpu.memory_space<vmem>>, vector<1x16xf32>,
          %get3A_642 = vector.shape_cast %get3A_641 : vector<1x16xf32> to vector<16xf32>
          %mul3A_643 = arith.mulf %get3A_642, %gather3A_633 : vector<16xf32>
          %swap3A_644 = arith.index_cast %add3A_638 : i32 to index
          %swap3A_645 = arith.constant 0 : index
          %swap3A_646 = tpu.vector_load %arg16[%swap3A_644, %swap3A_645] {strides = array<i32>} : memref<512x32xf32, #tpu.memory_space<vmem>>, vector<1x16xf32>,
          %swap3A_647 = vector.shape_cast %swap3A_646 : vector<1x16xf32> to vector<16xf32>
          %swap3A_648 = vector.shape_cast %mul3A_643 : vector<16xf32> to vector<1x16xf32>
          tpu.vector_store %arg16[%swap3A_644, %swap3A_645], %swap3A_648 {strides = array<i32>} : memref<512x32xf32, #tpu.memory_space<vmem>>, vector<1x16xf32>,
          %get3A_649 = arith.index_cast %add3A_638 : i32 to index
          %get3A_650 = arith.constant 16 : index
          %get3A_651 = tpu.vector_load %arg16[%get3A_649, %get3A_650] {strides = array<i32>} : memref<512x32xf32, #tpu.memory_space<vmem>>, vector<1x16xf32>,
          %get3A_652 = vector.shape_cast %get3A_651 : vector<1x16xf32> to vector<16xf32>
          %mul3A_653 = arith.mulf %get3A_652, %gather3A_633 : vector<16xf32>
          %swap3A_654 = arith.index_cast %add3A_638 : i32 to index
          %swap3A_655 = arith.constant 16 : index
          %swap3A_656 = tpu.vector_load %arg16[%swap3A_654, %swap3A_655] {strides = array<i32>} : memref<512x32xf32, #tpu.memory_space<vmem>>, vector<1x16xf32>,
          %swap3A_657 = vector.shape_cast %swap3A_656 : vector<1x16xf32> to vector<16xf32>
          %swap3A_658 = vector.shape_cast %mul3A_653 : vector<16xf32> to vector<1x16xf32>
          tpu.vector_store %arg16[%swap3A_654, %swap3A_655], %swap3A_658 {strides = array<i32>} : memref<512x32xf32, #tpu.memory_space<vmem>>, vector<1x16xf32>,
          %broadcast_in_dim3A_659 = arith.constant 13 : i32
          %broadcast_in_dim3A_660 = vector.broadcast %broadcast_in_dim3A_659 : i32 to vector<16x1xi32>
          %gather3A_661 = vector.shape_cast %broadcast_in_dim3A_660 : vector<16x1xi32> to vector<16xi32>
          %gather3A_662 = tpu.dynamic_gather %mul3A_282[%gather3A_661] in [0] : vector<16xf32>, vector<16xi32> -> vector<16xf32>
          %mul3A_663 = arith.constant 16 : i32
          %mul3A_664 = arith.muli %scan3A_274, %mul3A_663 : i32
          %add3A_665 = arith.addi %mul3A_257, %mul3A_664 : i32
          %add3A_666 = arith.constant 13 : i32
          %add3A_667 = arith.addi %add3A_665, %add3A_666 : i32
          %get3A_668 = arith.index_cast %add3A_667 : i32 to index
          %get3A_669 = arith.constant 0 : index
          %get3A_670 = tpu.vector_load %arg16[%get3A_668, %get3A_669] {strides = array<i32>} : memref<512x32xf32, #tpu.memory_space<vmem>>, vector<1x16xf32>,
          %get3A_671 = vector.shape_cast %get3A_670 : vector<1x16xf32> to vector<16xf32>
          %mul3A_672 = arith.mulf %get3A_671, %gather3A_662 : vector<16xf32>
          %swap3A_673 = arith.index_cast %add3A_667 : i32 to index
          %swap3A_674 = arith.constant 0 : index
          %swap3A_675 = tpu.vector_load %arg16[%swap3A_673, %swap3A_674] {strides = array<i32>} : memref<512x32xf32, #tpu.memory_space<vmem>>, vector<1x16xf32>,
          %swap3A_676 = vector.shape_cast %swap3A_675 : vector<1x16xf32> to vector<16xf32>
          %swap3A_677 = vector.shape_cast %mul3A_672 : vector<16xf32> to vector<1x16xf32>
          tpu.vector_store %arg16[%swap3A_673, %swap3A_674], %swap3A_677 {strides = array<i32>} : memref<512x32xf32, #tpu.memory_space<vmem>>, vector<1x16xf32>,
          %get3A_678 = arith.index_cast %add3A_667 : i32 to index
          %get3A_679 = arith.constant 16 : index
          %get3A_680 = tpu.vector_load %arg16[%get3A_678, %get3A_679] {strides = array<i32>} : memref<512x32xf32, #tpu.memory_space<vmem>>, vector<1x16xf32>,
          %get3A_681 = vector.shape_cast %get3A_680 : vector<1x16xf32> to vector<16xf32>
          %mul3A_682 = arith.mulf %get3A_681, %gather3A_662 : vector<16xf32>
          %swap3A_683 = arith.index_cast %add3A_667 : i32 to index
          %swap3A_684 = arith.constant 16 : index
          %swap3A_685 = tpu.vector_load %arg16[%swap3A_683, %swap3A_684] {strides = array<i32>} : memref<512x32xf32, #tpu.memory_space<vmem>>, vector<1x16xf32>,
          %swap3A_686 = vector.shape_cast %swap3A_685 : vector<1x16xf32> to vector<16xf32>
          %swap3A_687 = vector.shape_cast %mul3A_682 : vector<16xf32> to vector<1x16xf32>
          tpu.vector_store %arg16[%swap3A_683, %swap3A_684], %swap3A_687 {strides = array<i32>} : memref<512x32xf32, #tpu.memory_space<vmem>>, vector<1x16xf32>,
          %broadcast_in_dim3A_688 = arith.constant 14 : i32
          %broadcast_in_dim3A_689 = vector.broadcast %broadcast_in_dim3A_688 : i32 to vector<16x1xi32>
          %gather3A_690 = vector.shape_cast %broadcast_in_dim3A_689 : vector<16x1xi32> to vector<16xi32>
          %gather3A_691 = tpu.dynamic_gather %mul3A_282[%gather3A_690] in [0] : vector<16xf32>, vector<16xi32> -> vector<16xf32>
          %mul3A_692 = arith.constant 16 : i32
          %mul3A_693 = arith.muli %scan3A_274, %mul3A_692 : i32
          %add3A_694 = arith.addi %mul3A_257, %mul3A_693 : i32
          %add3A_695 = arith.constant 14 : i32
          %add3A_696 = arith.addi %add3A_694, %add3A_695 : i32
          %get3A_697 = arith.index_cast %add3A_696 : i32 to index
          %get3A_698 = arith.constant 0 : index
          %get3A_699 = tpu.vector_load %arg16[%get3A_697, %get3A_698] {strides = array<i32>} : memref<512x32xf32, #tpu.memory_space<vmem>>, vector<1x16xf32>,
          %get3A_700 = vector.shape_cast %get3A_699 : vector<1x16xf32> to vector<16xf32>
          %mul3A_701 = arith.mulf %get3A_700, %gather3A_691 : vector<16xf32>
          %swap3A_702 = arith.index_cast %add3A_696 : i32 to index
          %swap3A_703 = arith.constant 0 : index
          %swap3A_704 = tpu.vector_load %arg16[%swap3A_702, %swap3A_703] {strides = array<i32>} : memref<512x32xf32, #tpu.memory_space<vmem>>, vector<1x16xf32>,
          %swap3A_705 = vector.shape_cast %swap3A_704 : vector<1x16xf32> to vector<16xf32>
          %swap3A_706 = vector.shape_cast %mul3A_701 : vector<16xf32> to vector<1x16xf32>
          tpu.vector_store %arg16[%swap3A_702, %swap3A_703], %swap3A_706 {strides = array<i32>} : memref<512x32xf32, #tpu.memory_space<vmem>>, vector<1x16xf32>,
          %get3A_707 = arith.index_cast %add3A_696 : i32 to index
          %get3A_708 = arith.constant 16 : index
          %get3A_709 = tpu.vector_load %arg16[%get3A_707, %get3A_708] {strides = array<i32>} : memref<512x32xf32, #tpu.memory_space<vmem>>, vector<1x16xf32>,
          %get3A_710 = vector.shape_cast %get3A_709 : vector<1x16xf32> to vector<16xf32>
          %mul3A_711 = arith.mulf %get3A_710, %gather3A_691 : vector<16xf32>
          %swap3A_712 = arith.index_cast %add3A_696 : i32 to index
          %swap3A_713 = arith.constant 16 : index
          %swap3A_714 = tpu.vector_load %arg16[%swap3A_712, %swap3A_713] {strides = array<i32>} : memref<512x32xf32, #tpu.memory_space<vmem>>, vector<1x16xf32>,
          %swap3A_715 = vector.shape_cast %swap3A_714 : vector<1x16xf32> to vector<16xf32>
          %swap3A_716 = vector.shape_cast %mul3A_711 : vector<16xf32> to vector<1x16xf32>
          tpu.vector_store %arg16[%swap3A_712, %swap3A_713], %swap3A_716 {strides = array<i32>} : memref<512x32xf32, #tpu.memory_space<vmem>>, vector<1x16xf32>,
          %broadcast_in_dim3A_717 = arith.constant 15 : i32
          %broadcast_in_dim3A_718 = vector.broadcast %broadcast_in_dim3A_717 : i32 to vector<16x1xi32>
          %gather3A_719 = vector.shape_cast %broadcast_in_dim3A_718 : vector<16x1xi32> to vector<16xi32>
          %gather3A_720 = tpu.dynamic_gather %mul3A_282[%gather3A_719] in [0] : vector<16xf32>, vector<16xi32> -> vector<16xf32>
          %mul3A_721 = arith.constant 16 : i32
          %mul3A_722 = arith.muli %scan3A_274, %mul3A_721 : i32
          %add3A_723 = arith.addi %mul3A_257, %mul3A_722 : i32
          %add3A_724 = arith.constant 15 : i32
          %add3A_725 = arith.addi %add3A_723, %add3A_724 : i32
          %get3A_726 = arith.index_cast %add3A_725 : i32 to index
          %get3A_727 = arith.constant 0 : index
          %get3A_728 = tpu.vector_load %arg16[%get3A_726, %get3A_727] {strides = array<i32>} : memref<512x32xf32, #tpu.memory_space<vmem>>, vector<1x16xf32>,
          %get3A_729 = vector.shape_cast %get3A_728 : vector<1x16xf32> to vector<16xf32>
          %mul3A_730 = arith.mulf %get3A_729, %gather3A_720 : vector<16xf32>
          %swap3A_731 = arith.index_cast %add3A_725 : i32 to index
          %swap3A_732 = arith.constant 0 : index
          %swap3A_733 = tpu.vector_load %arg16[%swap3A_731, %swap3A_732] {strides = array<i32>} : memref<512x32xf32, #tpu.memory_space<vmem>>, vector<1x16xf32>,
          %swap3A_734 = vector.shape_cast %swap3A_733 : vector<1x16xf32> to vector<16xf32>
          %swap3A_735 = vector.shape_cast %mul3A_730 : vector<16xf32> to vector<1x16xf32>
          tpu.vector_store %arg16[%swap3A_731, %swap3A_732], %swap3A_735 {strides = array<i32>} : memref<512x32xf32, #tpu.memory_space<vmem>>, vector<1x16xf32>,
          %get3A_736 = arith.index_cast %add3A_725 : i32 to index
          %get3A_737 = arith.constant 16 : index
          %get3A_738 = tpu.vector_load %arg16[%get3A_736, %get3A_737] {strides = array<i32>} : memref<512x32xf32, #tpu.memory_space<vmem>>, vector<1x16xf32>,
          %get3A_739 = vector.shape_cast %get3A_738 : vector<1x16xf32> to vector<16xf32>
          %mul3A_740 = arith.mulf %get3A_739, %gather3A_720 : vector<16xf32>
          %swap3A_741 = arith.index_cast %add3A_725 : i32 to index
          %swap3A_742 = arith.constant 16 : index
          %swap3A_743 = tpu.vector_load %arg16[%swap3A_741, %swap3A_742] {strides = array<i32>} : memref<512x32xf32, #tpu.memory_space<vmem>>, vector<1x16xf32>,
          %swap3A_744 = vector.shape_cast %swap3A_743 : vector<1x16xf32> to vector<16xf32>
          %swap3A_745 = vector.shape_cast %mul3A_740 : vector<16xf32> to vector<1x16xf32>
          tpu.vector_store %arg16[%swap3A_741, %swap3A_742], %swap3A_745 {strides = array<i32>} : memref<512x32xf32, #tpu.memory_space<vmem>>, vector<1x16xf32>,
          %scan3A_746 = arith.constant 0 : i32
          scf.yield %scan3A_746 : i32
        }
        %scan3A_264 = arith.constant 8 : i32
        %dma_start3A_265 = arith.constant 0 : i32
        %dma_start3A_266 = tpu.memref_slice %arg16[%mul3A_257, %dma_start3A_265] : memref<512x32xf32, #tpu.memory_space<vmem>> -> memref<128x32xf32, #tpu.memory_space<vmem>>
        %dma_start3A_267 = arith.constant 0 : i32
        %dma_start3A_268 = tpu.memref_slice %arg13[%scan3A_233, %dma_start3A_267] : memref<26x128xi32, #tpu.memory_space<vmem>> -> memref<1x128xi32, #tpu.memory_space<vmem>>
        %dma_start3A_269 = tpu.memref_squeeze %dma_start3A_268 : memref<1x128xi32, #tpu.memory_space<vmem>> -> memref<128xi32, #tpu.memory_space<vmem>>
        %dma_start3A_270 = arith.constant 0 : i32
        %dma_start3A_271 = arith.constant 0 : i32
        %dma_start3A_272 = tpu.memref_slice %arg12[%dma_start3A_270, %dma_start3A_271] : memref<50048x32xf32, #tpu.memory_space<vmem_shared>> -> memref<50048x32xf32, #tpu.memory_space<vmem_shared>>
        tpu.enqueue_indirect_dma source(%dma_start3A_266 : memref<128x32xf32, #tpu.memory_space<vmem>>) target(%dma_start3A_272 : memref<50048x32xf32, #tpu.memory_space<vmem_shared>>) offsets(%dma_start3A_269 : memref<128xi32, #tpu.memory_space<vmem>>) semaphore(%arg21 : memref<!tpu.dma_semaphore, #tpu.memory_space<semaphore_mem>>) {add = true}
        %scan3A_273 = arith.constant 0 : i32
        scf.yield %scan3A_273 : i32
      }
      %scan3A_191 = arith.constant 26 : i32
      %dma_wait3A_192 = arith.constant 0 : i32
      %dma_wait3A_193 = arith.constant 0 : i32
      %dma_wait3A_194 = arith.constant 0 : i32
      %dma_wait3A_195 = tpu.memref_slice %arg16[%dma_wait3A_193, %dma_wait3A_194] : memref<512x32xf32, #tpu.memory_space<vmem>> -> memref<128x32xf32, #tpu.memory_space<vmem>>
      %dma_wait3A_196 = arith.constant 0 : i32
      %dma_wait3A_197 = tpu.memref_slice %arg13[%dma_wait3A_192, %dma_wait3A_196] : memref<26x128xi32, #tpu.memory_space<vmem>> -> memref<1x128xi32, #tpu.memory_space<vmem>>
      %dma_wait3A_198 = tpu.memref_squeeze %dma_wait3A_197 : memref<1x128xi32, #tpu.memory_space<vmem>> -> memref<128xi32, #tpu.memory_space<vmem>>
      %dma_wait3A_199 = arith.constant 0 : i32
      %dma_wait3A_200 = arith.constant 0 : i32
      %dma_wait3A_201 = tpu.memref_slice %arg12[%dma_wait3A_199, %dma_wait3A_200] : memref<50048x32xf32, #tpu.memory_space<vmem_shared>> -> memref<50048x32xf32, #tpu.memory_space<vmem_shared>>
      tpu.wait_indirect_dma semaphore(%arg21 : memref<!tpu.dma_semaphore, #tpu.memory_space<semaphore_mem>>) src(%dma_wait3A_195 : memref<128x32xf32, #tpu.memory_space<vmem>>) dst(%dma_wait3A_201 : memref<50048x32xf32, #tpu.memory_space<vmem_shared>>)
      %dma_wait3A_202 = arith.constant 0 : i32
      %dma_wait3A_203 = arith.constant 0 : i32
      %dma_wait3A_204 = arith.constant 0 : i32
      %dma_wait3A_205 = tpu.memref_slice %arg16[%dma_wait3A_203, %dma_wait3A_204] : memref<512x32xf32, #tpu.memory_space<vmem>> -> memref<128x32xf32, #tpu.memory_space<vmem>>
      %dma_wait3A_206 = arith.constant 0 : i32
      %dma_wait3A_207 = tpu.memref_slice %arg13[%dma_wait3A_202, %dma_wait3A_206] : memref<26x128xi32, #tpu.memory_space<vmem>> -> memref<1x128xi32, #tpu.memory_space<vmem>>
      %dma_wait3A_208 = tpu.memref_squeeze %dma_wait3A_207 : memref<1x128xi32, #tpu.memory_space<vmem>> -> memref<128xi32, #tpu.memory_space<vmem>>
      %dma_wait3A_209 = arith.constant 0 : i32
      %dma_wait3A_210 = arith.constant 0 : i32
      %dma_wait3A_211 = tpu.memref_slice %arg12[%dma_wait3A_209, %dma_wait3A_210] : memref<50048x32xf32, #tpu.memory_space<vmem_shared>> -> memref<50048x32xf32, #tpu.memory_space<vmem_shared>>
      tpu.wait_indirect_dma semaphore(%arg21 : memref<!tpu.dma_semaphore, #tpu.memory_space<semaphore_mem>>) src(%dma_wait3A_205 : memref<128x32xf32, #tpu.memory_space<vmem>>) dst(%dma_wait3A_211 : memref<50048x32xf32, #tpu.memory_space<vmem_shared>>)
      %dma_wait3A_212 = arith.constant 0 : i32
      %dma_wait3A_213 = arith.constant 0 : i32
      %dma_wait3A_214 = arith.constant 0 : i32
      %dma_wait3A_215 = tpu.memref_slice %arg16[%dma_wait3A_213, %dma_wait3A_214] : memref<512x32xf32, #tpu.memory_space<vmem>> -> memref<128x32xf32, #tpu.memory_space<vmem>>
      %dma_wait3A_216 = arith.constant 0 : i32
      %dma_wait3A_217 = tpu.memref_slice %arg13[%dma_wait3A_212, %dma_wait3A_216] : memref<26x128xi32, #tpu.memory_space<vmem>> -> memref<1x128xi32, #tpu.memory_space<vmem>>
      %dma_wait3A_218 = tpu.memref_squeeze %dma_wait3A_217 : memref<1x128xi32, #tpu.memory_space<vmem>> -> memref<128xi32, #tpu.memory_space<vmem>>
      %dma_wait3A_219 = arith.constant 0 : i32
      %dma_wait3A_220 = arith.constant 0 : i32
      %dma_wait3A_221 = tpu.memref_slice %arg12[%dma_wait3A_219, %dma_wait3A_220] : memref<50048x32xf32, #tpu.memory_space<vmem_shared>> -> memref<50048x32xf32, #tpu.memory_space<vmem_shared>>
      tpu.wait_indirect_dma semaphore(%arg21 : memref<!tpu.dma_semaphore, #tpu.memory_space<semaphore_mem>>) src(%dma_wait3A_215 : memref<128x32xf32, #tpu.memory_space<vmem>>) dst(%dma_wait3A_221 : memref<50048x32xf32, #tpu.memory_space<vmem_shared>>)
      %dma_wait3A_222 = arith.constant 0 : i32
      %dma_wait3A_223 = arith.constant 0 : i32
      %dma_wait3A_224 = arith.constant 0 : i32
      %dma_wait3A_225 = tpu.memref_slice %arg16[%dma_wait3A_223, %dma_wait3A_224] : memref<512x32xf32, #tpu.memory_space<vmem>> -> memref<128x32xf32, #tpu.memory_space<vmem>>
      %dma_wait3A_226 = arith.constant 0 : i32
      %dma_wait3A_227 = tpu.memref_slice %arg13[%dma_wait3A_222, %dma_wait3A_226] : memref<26x128xi32, #tpu.memory_space<vmem>> -> memref<1x128xi32, #tpu.memory_space<vmem>>
      %dma_wait3A_228 = tpu.memref_squeeze %dma_wait3A_227 : memref<1x128xi32, #tpu.memory_space<vmem>> -> memref<128xi32, #tpu.memory_space<vmem>>
      %dma_wait3A_229 = arith.constant 0 : i32
      %dma_wait3A_230 = arith.constant 0 : i32
      %dma_wait3A_231 = tpu.memref_slice %arg12[%dma_wait3A_229, %dma_wait3A_230] : memref<50048x32xf32, #tpu.memory_space<vmem_shared>> -> memref<50048x32xf32, #tpu.memory_space<vmem_shared>>
      tpu.wait_indirect_dma semaphore(%arg21 : memref<!tpu.dma_semaphore, #tpu.memory_space<semaphore_mem>>) src(%dma_wait3A_225 : memref<128x32xf32, #tpu.memory_space<vmem>>) dst(%dma_wait3A_231 : memref<50048x32xf32, #tpu.memory_space<vmem_shared>>)
      %scan3A_232 = arith.constant 0 : i32
      scf.yield %scan3A_232 : i32
    }
    %scan3A_60 = arith.constant 15 : i32
    %lt3A_61 = arith.constant 10 : i32
    %lt3A_62 = arith.cmpi slt, %arg1, %lt3A_61 : i32
    %convert_element_type3A_63 = arith.extui %lt3A_62 : i1 to i32
    %cond3A_64 = arith.constant 0 : i32
    %cond3A_65 = arith.cmpi ne, %convert_element_type3A_63, %cond3A_64 : i32
    scf.if %cond3A_65 {
      %add3A = arith.constant 6240 : i32
      %add3A_74 = arith.addi %add3A, %arg1 : i32
      %run_scoped3A = arith.constant 0 : i32
      "tpu.region"() ({
        %run_scoped3A_107 = tpu.sem_alloc : memref<!tpu.dma_semaphore, #tpu.memory_space<semaphore_mem>>
        %dma_start3A_108 = arith.constant 0 : i32
        %dma_start3A_109 = arith.constant 0 : i32
        %dma_start3A_110 = tpu.memref_slice %arg13[%dma_start3A_108, %dma_start3A_109] : memref<26x128xi32, #tpu.memory_space<vmem>> -> memref<1x128xi32, #tpu.memory_space<vmem>>
        %dma_start3A_111 = arith.constant 0 : i32
        %dma_start3A_112 = arith.constant 0 : i32
        %dma_start3A_113 = tpu.memref_slice %arg7[%run_scoped3A, %dma_start3A_111, %dma_start3A_112] : memref<2x6250x128xi32, #tpu.memory_space<hbm>> -> memref<1x6250x128xi32, #tpu.memory_space<hbm>>
        %dma_start3A_114 = tpu.memref_squeeze %dma_start3A_113 : memref<1x6250x128xi32, #tpu.memory_space<hbm>> -> memref<6250x128xi32, #tpu.memory_space<hbm>>
        %dma_start3A_115 = arith.constant 0 : i32
        %dma_start3A_116 = tpu.memref_slice %dma_start3A_114[%add3A_74, %dma_start3A_115] : memref<6250x128xi32, #tpu.memory_space<hbm>> -> memref<1x128xi32, #tpu.memory_space<hbm>>
        %dma_start3A_117 = arith.constant 0 : i32
        %dma_start3A_118 = arith.constant 0 : i32
        %dma_start3A_119 = tpu.memref_slice %arg13[%dma_start3A_117, %dma_start3A_118] : memref<26x128xi32, #tpu.memory_space<vmem>> -> memref<1x128xi32, #tpu.memory_space<vmem>>
        %dma_start3A_120 = arith.constant 0 : i32
        %dma_start3A_121 = arith.constant 0 : i32
        %dma_start3A_122 = tpu.memref_slice %arg7[%run_scoped3A, %dma_start3A_120, %dma_start3A_121] : memref<2x6250x128xi32, #tpu.memory_space<hbm>> -> memref<1x6250x128xi32, #tpu.memory_space<hbm>>
        %dma_start3A_123 = tpu.memref_squeeze %dma_start3A_122 : memref<1x6250x128xi32, #tpu.memory_space<hbm>> -> memref<6250x128xi32, #tpu.memory_space<hbm>>
        %dma_start3A_124 = arith.constant 0 : i32
        %dma_start3A_125 = tpu.memref_slice %dma_start3A_123[%add3A_74, %dma_start3A_124] : memref<6250x128xi32, #tpu.memory_space<hbm>> -> memref<1x128xi32, #tpu.memory_space<hbm>>
        tpu.enqueue_dma source(%dma_start3A_125 : memref<1x128xi32, #tpu.memory_space<hbm>>) target(%dma_start3A_119 : memref<1x128xi32, #tpu.memory_space<vmem>>) target_semaphore(%run_scoped3A_107 : memref<!tpu.dma_semaphore, #tpu.memory_space<semaphore_mem>>)
        %dma_wait3A_126 = arith.constant 0 : i32
        %dma_wait3A_127 = arith.constant 0 : i32
        %dma_wait3A_128 = tpu.memref_slice %arg13[%dma_wait3A_126, %dma_wait3A_127] : memref<26x128xi32, #tpu.memory_space<vmem>> -> memref<1x128xi32, #tpu.memory_space<vmem>>
        %dma_wait3A_129 = arith.constant 0 : i32
        %dma_wait3A_130 = arith.constant 0 : i32
        %dma_wait3A_131 = tpu.memref_slice %arg7[%run_scoped3A, %dma_wait3A_129, %dma_wait3A_130] : memref<2x6250x128xi32, #tpu.memory_space<hbm>> -> memref<1x6250x128xi32, #tpu.memory_space<hbm>>
        %dma_wait3A_132 = tpu.memref_squeeze %dma_wait3A_131 : memref<1x6250x128xi32, #tpu.memory_space<hbm>> -> memref<6250x128xi32, #tpu.memory_space<hbm>>
        %dma_wait3A_133 = arith.constant 0 : i32
        %dma_wait3A_134 = tpu.memref_slice %dma_wait3A_132[%add3A_74, %dma_wait3A_133] : memref<6250x128xi32, #tpu.memory_space<hbm>> -> memref<1x128xi32, #tpu.memory_space<hbm>>
        %dma_wait3A_135 = arith.constant 0 : i32
        %dma_wait3A_136 = arith.constant 0 : i32
        %dma_wait3A_137 = tpu.memref_slice %arg13[%dma_wait3A_135, %dma_wait3A_136] : memref<26x128xi32, #tpu.memory_space<vmem>> -> memref<1x128xi32, #tpu.memory_space<vmem>>
        %dma_wait3A_138 = arith.constant 0 : i32
        %dma_wait3A_139 = arith.constant 0 : i32
        %dma_wait3A_140 = tpu.memref_slice %arg7[%run_scoped3A, %dma_wait3A_138, %dma_wait3A_139] : memref<2x6250x128xi32, #tpu.memory_space<hbm>> -> memref<1x6250x128xi32, #tpu.memory_space<hbm>>
        %dma_wait3A_141 = tpu.memref_squeeze %dma_wait3A_140 : memref<1x6250x128xi32, #tpu.memory_space<hbm>> -> memref<6250x128xi32, #tpu.memory_space<hbm>>
        %dma_wait3A_142 = arith.constant 0 : i32
        %dma_wait3A_143 = tpu.memref_slice %dma_wait3A_141[%add3A_74, %dma_wait3A_142] : memref<6250x128xi32, #tpu.memory_space<hbm>> -> memref<1x128xi32, #tpu.memory_space<hbm>>
        tpu.wait_dma2 semaphore(%run_scoped3A_107 : memref<!tpu.dma_semaphore, #tpu.memory_space<semaphore_mem>>) src(%dma_wait3A_143 : memref<1x128xi32, #tpu.memory_space<hbm>>) dst(%dma_wait3A_137 : memref<1x128xi32, #tpu.memory_space<vmem>>)
        tpu.yield
      }) : () -> ()
      %run_scoped3A_75 = arith.constant 1 : i32
      "tpu.region"() ({
        %run_scoped3A_107 = tpu.sem_alloc : memref<!tpu.dma_semaphore, #tpu.memory_space<semaphore_mem>>
        %dma_start3A_108 = arith.constant 0 : i32
        %dma_start3A_109 = arith.constant 0 : i32
        %dma_start3A_110 = tpu.memref_slice %arg14[%dma_start3A_108, %dma_start3A_109] : memref<26x128xi32, #tpu.memory_space<vmem>> -> memref<1x128xi32, #tpu.memory_space<vmem>>
        %dma_start3A_111 = arith.constant 0 : i32
        %dma_start3A_112 = arith.constant 0 : i32
        %dma_start3A_113 = tpu.memref_slice %arg7[%run_scoped3A_75, %dma_start3A_111, %dma_start3A_112] : memref<2x6250x128xi32, #tpu.memory_space<hbm>> -> memref<1x6250x128xi32, #tpu.memory_space<hbm>>
        %dma_start3A_114 = tpu.memref_squeeze %dma_start3A_113 : memref<1x6250x128xi32, #tpu.memory_space<hbm>> -> memref<6250x128xi32, #tpu.memory_space<hbm>>
        %dma_start3A_115 = arith.constant 0 : i32
        %dma_start3A_116 = tpu.memref_slice %dma_start3A_114[%add3A_74, %dma_start3A_115] : memref<6250x128xi32, #tpu.memory_space<hbm>> -> memref<1x128xi32, #tpu.memory_space<hbm>>
        %dma_start3A_117 = arith.constant 0 : i32
        %dma_start3A_118 = arith.constant 0 : i32
        %dma_start3A_119 = tpu.memref_slice %arg14[%dma_start3A_117, %dma_start3A_118] : memref<26x128xi32, #tpu.memory_space<vmem>> -> memref<1x128xi32, #tpu.memory_space<vmem>>
        %dma_start3A_120 = arith.constant 0 : i32
        %dma_start3A_121 = arith.constant 0 : i32
        %dma_start3A_122 = tpu.memref_slice %arg7[%run_scoped3A_75, %dma_start3A_120, %dma_start3A_121] : memref<2x6250x128xi32, #tpu.memory_space<hbm>> -> memref<1x6250x128xi32, #tpu.memory_space<hbm>>
        %dma_start3A_123 = tpu.memref_squeeze %dma_start3A_122 : memref<1x6250x128xi32, #tpu.memory_space<hbm>> -> memref<6250x128xi32, #tpu.memory_space<hbm>>
        %dma_start3A_124 = arith.constant 0 : i32
        %dma_start3A_125 = tpu.memref_slice %dma_start3A_123[%add3A_74, %dma_start3A_124] : memref<6250x128xi32, #tpu.memory_space<hbm>> -> memref<1x128xi32, #tpu.memory_space<hbm>>
        tpu.enqueue_dma source(%dma_start3A_125 : memref<1x128xi32, #tpu.memory_space<hbm>>) target(%dma_start3A_119 : memref<1x128xi32, #tpu.memory_space<vmem>>) target_semaphore(%run_scoped3A_107 : memref<!tpu.dma_semaphore, #tpu.memory_space<semaphore_mem>>)
        %dma_wait3A_126 = arith.constant 0 : i32
        %dma_wait3A_127 = arith.constant 0 : i32
        %dma_wait3A_128 = tpu.memref_slice %arg14[%dma_wait3A_126, %dma_wait3A_127] : memref<26x128xi32, #tpu.memory_space<vmem>> -> memref<1x128xi32, #tpu.memory_space<vmem>>
        %dma_wait3A_129 = arith.constant 0 : i32
        %dma_wait3A_130 = arith.constant 0 : i32
        %dma_wait3A_131 = tpu.memref_slice %arg7[%run_scoped3A_75, %dma_wait3A_129, %dma_wait3A_130] : memref<2x6250x128xi32, #tpu.memory_space<hbm>> -> memref<1x6250x128xi32, #tpu.memory_space<hbm>>
        %dma_wait3A_132 = tpu.memref_squeeze %dma_wait3A_131 : memref<1x6250x128xi32, #tpu.memory_space<hbm>> -> memref<6250x128xi32, #tpu.memory_space<hbm>>
        %dma_wait3A_133 = arith.constant 0 : i32
        %dma_wait3A_134 = tpu.memref_slice %dma_wait3A_132[%add3A_74, %dma_wait3A_133] : memref<6250x128xi32, #tpu.memory_space<hbm>> -> memref<1x128xi32, #tpu.memory_space<hbm>>
        %dma_wait3A_135 = arith.constant 0 : i32
        %dma_wait3A_136 = arith.constant 0 : i32
        %dma_wait3A_137 = tpu.memref_slice %arg14[%dma_wait3A_135, %dma_wait3A_136] : memref<26x128xi32, #tpu.memory_space<vmem>> -> memref<1x128xi32, #tpu.memory_space<vmem>>
        %dma_wait3A_138 = arith.constant 0 : i32
        %dma_wait3A_139 = arith.constant 0 : i32
        %dma_wait3A_140 = tpu.memref_slice %arg7[%run_scoped3A_75, %dma_wait3A_138, %dma_wait3A_139] : memref<2x6250x128xi32, #tpu.memory_space<hbm>> -> memref<1x6250x128xi32, #tpu.memory_space<hbm>>
        %dma_wait3A_141 = tpu.memref_squeeze %dma_wait3A_140 : memref<1x6250x128xi32, #tpu.memory_space<hbm>> -> memref<6250x128xi32, #tpu.memory_space<hbm>>
        %dma_wait3A_142 = arith.constant 0 : i32
        %dma_wait3A_143 = tpu.memref_slice %dma_wait3A_141[%add3A_74, %dma_wait3A_142] : memref<6250x128xi32, #tpu.memory_space<hbm>> -> memref<1x128xi32, #tpu.memory_space<hbm>>
        tpu.wait_dma2 semaphore(%run_scoped3A_107 : memref<!tpu.dma_semaphore, #tpu.memory_space<semaphore_mem>>) src(%dma_wait3A_143 : memref<1x128xi32, #tpu.memory_space<hbm>>) dst(%dma_wait3A_137 : memref<1x128xi32, #tpu.memory_space<vmem>>)
        tpu.yield
      }) : () -> ()
      "tpu.region"() ({
        %run_scoped3A_107 = tpu.sem_alloc : memref<!tpu.dma_semaphore, #tpu.memory_space<semaphore_mem>>
        %dma_start3A_108 = arith.constant 0 : i32
        %dma_start3A_109 = arith.constant 0 : i32
        %dma_start3A_110 = tpu.memref_slice %arg15[%dma_start3A_108, %dma_start3A_109] : memref<26x128xf32, #tpu.memory_space<vmem>> -> memref<1x128xf32, #tpu.memory_space<vmem>>
        %dma_start3A_111 = arith.constant 0 : i32
        %dma_start3A_112 = tpu.memref_slice %arg8[%add3A_74, %dma_start3A_111] : memref<6250x128xf32, #tpu.memory_space<hbm>> -> memref<1x128xf32, #tpu.memory_space<hbm>>
        %dma_start3A_113 = arith.constant 0 : i32
        %dma_start3A_114 = arith.constant 0 : i32
        %dma_start3A_115 = tpu.memref_slice %arg15[%dma_start3A_113, %dma_start3A_114] : memref<26x128xf32, #tpu.memory_space<vmem>> -> memref<1x128xf32, #tpu.memory_space<vmem>>
        %dma_start3A_116 = arith.constant 0 : i32
        %dma_start3A_117 = tpu.memref_slice %arg8[%add3A_74, %dma_start3A_116] : memref<6250x128xf32, #tpu.memory_space<hbm>> -> memref<1x128xf32, #tpu.memory_space<hbm>>
        tpu.enqueue_dma source(%dma_start3A_117 : memref<1x128xf32, #tpu.memory_space<hbm>>) target(%dma_start3A_115 : memref<1x128xf32, #tpu.memory_space<vmem>>) target_semaphore(%run_scoped3A_107 : memref<!tpu.dma_semaphore, #tpu.memory_space<semaphore_mem>>)
        %dma_wait3A_118 = arith.constant 0 : i32
        %dma_wait3A_119 = arith.constant 0 : i32
        %dma_wait3A_120 = tpu.memref_slice %arg15[%dma_wait3A_118, %dma_wait3A_119] : memref<26x128xf32, #tpu.memory_space<vmem>> -> memref<1x128xf32, #tpu.memory_space<vmem>>
        %dma_wait3A_121 = arith.constant 0 : i32
        %dma_wait3A_122 = tpu.memref_slice %arg8[%add3A_74, %dma_wait3A_121] : memref<6250x128xf32, #tpu.memory_space<hbm>> -> memref<1x128xf32, #tpu.memory_space<hbm>>
        %dma_wait3A_123 = arith.constant 0 : i32
        %dma_wait3A_124 = arith.constant 0 : i32
        %dma_wait3A_125 = tpu.memref_slice %arg15[%dma_wait3A_123, %dma_wait3A_124] : memref<26x128xf32, #tpu.memory_space<vmem>> -> memref<1x128xf32, #tpu.memory_space<vmem>>
        %dma_wait3A_126 = arith.constant 0 : i32
        %dma_wait3A_127 = tpu.memref_slice %arg8[%add3A_74, %dma_wait3A_126] : memref<6250x128xf32, #tpu.memory_space<hbm>> -> memref<1x128xf32, #tpu.memory_space<hbm>>
        tpu.wait_dma2 semaphore(%run_scoped3A_107 : memref<!tpu.dma_semaphore, #tpu.memory_space<semaphore_mem>>) src(%dma_wait3A_127 : memref<1x128xf32, #tpu.memory_space<hbm>>) dst(%dma_wait3A_125 : memref<1x128xf32, #tpu.memory_space<vmem>>)
        tpu.yield
      }) : () -> ()
      %dma_start3A = arith.constant 0 : i32
      %dma_start3A_76 = arith.constant 0 : i32
      %dma_start3A_77 = arith.constant 0 : i32
      %dma_start3A_78 = tpu.memref_slice %arg16[%dma_start3A_76, %dma_start3A_77] : memref<512x32xf32, #tpu.memory_space<vmem>> -> memref<128x32xf32, #tpu.memory_space<vmem>>
      %dma_start3A_79 = arith.constant 0 : i32
      %dma_start3A_80 = tpu.memref_slice %arg14[%dma_start3A, %dma_start3A_79] : memref<26x128xi32, #tpu.memory_space<vmem>> -> memref<1x128xi32, #tpu.memory_space<vmem>>
      %dma_start3A_81 = tpu.memref_squeeze %dma_start3A_80 : memref<1x128xi32, #tpu.memory_space<vmem>> -> memref<128xi32, #tpu.memory_space<vmem>>
      %dma_start3A_82 = arith.constant 0 : i32
      %dma_start3A_83 = tpu.memref_slice %arg2[%mul3A_0, %dma_start3A_82] : memref<100096x32xf32, #tpu.memory_space<hbm>> -> memref<50048x32xf32, #tpu.memory_space<hbm>>
      %dma_start3A_84 = arith.constant 0 : i32
      %dma_start3A_85 = arith.constant 0 : i32
      %dma_start3A_86 = tpu.memref_slice %dma_start3A_83[%dma_start3A_84, %dma_start3A_85] : memref<50048x32xf32, #tpu.memory_space<hbm>> -> memref<50048x32xf32, #tpu.memory_space<hbm>>
      tpu.enqueue_indirect_dma source(%dma_start3A_86 : memref<50048x32xf32, #tpu.memory_space<hbm>>) target(%dma_start3A_78 : memref<128x32xf32, #tpu.memory_space<vmem>>) offsets(%dma_start3A_81 : memref<128xi32, #tpu.memory_space<vmem>>) semaphore(%arg20 : memref<!tpu.dma_semaphore, #tpu.memory_space<semaphore_mem>>)
      %dma_wait3A = arith.constant 0 : i32
      %dma_wait3A_87 = arith.constant 0 : i32
      %dma_wait3A_88 = arith.constant 0 : i32
      %dma_wait3A_89 = tpu.memref_slice %arg16[%dma_wait3A_87, %dma_wait3A_88] : memref<512x32xf32, #tpu.memory_space<vmem>> -> memref<128x32xf32, #tpu.memory_space<vmem>>
      %dma_wait3A_90 = arith.constant 0 : i32
      %dma_wait3A_91 = tpu.memref_slice %arg14[%dma_wait3A, %dma_wait3A_90] : memref<26x128xi32, #tpu.memory_space<vmem>> -> memref<1x128xi32, #tpu.memory_space<vmem>>
      %dma_wait3A_92 = tpu.memref_squeeze %dma_wait3A_91 : memref<1x128xi32, #tpu.memory_space<vmem>> -> memref<128xi32, #tpu.memory_space<vmem>>
      %dma_wait3A_93 = arith.constant 0 : i32
      %dma_wait3A_94 = tpu.memref_slice %arg2[%mul3A_0, %dma_wait3A_93] : memref<100096x32xf32, #tpu.memory_space<hbm>> -> memref<50048x32xf32, #tpu.memory_space<hbm>>
      %dma_wait3A_95 = arith.constant 0 : i32
      %dma_wait3A_96 = arith.constant 0 : i32
      %dma_wait3A_97 = tpu.memref_slice %dma_wait3A_94[%dma_wait3A_95, %dma_wait3A_96] : memref<50048x32xf32, #tpu.memory_space<hbm>> -> memref<50048x32xf32, #tpu.memory_space<hbm>>
      tpu.wait_indirect_dma semaphore(%arg20 : memref<!tpu.dma_semaphore, #tpu.memory_space<semaphore_mem>>) src(%dma_wait3A_97 : memref<50048x32xf32, #tpu.memory_space<hbm>>) dst(%dma_wait3A_89 : memref<128x32xf32, #tpu.memory_space<vmem>>)
      %scan3A_98 = arith.constant 0 : i32
      %scan3A_99 = arith.constant 0 : i32
      %scan3A_100 = arith.constant 0 : i32
      %scan3A_101 = arith.constant 8 : i32
      %scan3A_102 = arith.addi %scan3A_100, %scan3A_101 : i32
      %scan3A_103 = arith.constant 1 : i32
      %scan3A_104 = scf.for %scan3A_107 = %scan3A_100 to %scan3A_102 step %scan3A_103 iter_args(%scan3A_108 = %scan3A_99) -> (i32)  : i32 {
        %mul3A_109 = arith.constant 16 : i32
        %mul3A_110 = arith.muli %scan3A_107, %mul3A_109 : i32
        %get3A_111 = arith.index_cast %scan3A_98 : i32 to index
        %get3A_112 = arith.index_cast %mul3A_110 : i32 to index
        %get3A_113 = tpu.vector_load %arg15[%get3A_111, %get3A_112] {strides = array<i32>} : memref<26x128xf32, #tpu.memory_space<vmem>>, vector<1x16xf32>,
        %get3A_114 = vector.shape_cast %get3A_113 : vector<1x16xf32> to vector<16xf32>
        %mul3A_115 = arith.mulf %get3A_114, %gather3A_23 : vector<16xf32>
        %broadcast_in_dim3A_116 = arith.constant 0 : i32
        %broadcast_in_dim3A_117 = vector.broadcast %broadcast_in_dim3A_116 : i32 to vector<16x1xi32>
        %gather3A_118 = vector.shape_cast %broadcast_in_dim3A_117 : vector<16x1xi32> to vector<16xi32>
        %gather3A_119 = tpu.dynamic_gather %mul3A_115[%gather3A_118] in [0] : vector<16xf32>, vector<16xi32> -> vector<16xf32>
        %mul3A_120 = arith.constant 16 : i32
        %mul3A_121 = arith.muli %scan3A_107, %mul3A_120 : i32
        %add3A_122 = arith.constant 0 : i32
        %add3A_123 = arith.addi %add3A_122, %mul3A_121 : i32
        %add3A_124 = arith.constant 0 : i32
        %add3A_125 = arith.addi %add3A_123, %add3A_124 : i32
        %get3A_126 = arith.index_cast %add3A_125 : i32 to index
        %get3A_127 = arith.constant 0 : index
        %get3A_128 = tpu.vector_load %arg16[%get3A_126, %get3A_127] {strides = array<i32>} : memref<512x32xf32, #tpu.memory_space<vmem>>, vector<1x16xf32>,
        %get3A_129 = vector.shape_cast %get3A_128 : vector<1x16xf32> to vector<16xf32>
        %mul3A_130 = arith.mulf %get3A_129, %gather3A_119 : vector<16xf32>
        %swap3A = arith.index_cast %add3A_125 : i32 to index
        %swap3A_131 = arith.constant 0 : index
        %swap3A_132 = tpu.vector_load %arg16[%swap3A, %swap3A_131] {strides = array<i32>} : memref<512x32xf32, #tpu.memory_space<vmem>>, vector<1x16xf32>,
        %swap3A_133 = vector.shape_cast %swap3A_132 : vector<1x16xf32> to vector<16xf32>
        %swap3A_134 = vector.shape_cast %mul3A_130 : vector<16xf32> to vector<1x16xf32>
        tpu.vector_store %arg16[%swap3A, %swap3A_131], %swap3A_134 {strides = array<i32>} : memref<512x32xf32, #tpu.memory_space<vmem>>, vector<1x16xf32>,
        %get3A_135 = arith.index_cast %add3A_125 : i32 to index
        %get3A_136 = arith.constant 16 : index
        %get3A_137 = tpu.vector_load %arg16[%get3A_135, %get3A_136] {strides = array<i32>} : memref<512x32xf32, #tpu.memory_space<vmem>>, vector<1x16xf32>,
        %get3A_138 = vector.shape_cast %get3A_137 : vector<1x16xf32> to vector<16xf32>
        %mul3A_139 = arith.mulf %get3A_138, %gather3A_119 : vector<16xf32>
        %swap3A_140 = arith.index_cast %add3A_125 : i32 to index
        %swap3A_141 = arith.constant 16 : index
        %swap3A_142 = tpu.vector_load %arg16[%swap3A_140, %swap3A_141] {strides = array<i32>} : memref<512x32xf32, #tpu.memory_space<vmem>>, vector<1x16xf32>,
        %swap3A_143 = vector.shape_cast %swap3A_142 : vector<1x16xf32> to vector<16xf32>
        %swap3A_144 = vector.shape_cast %mul3A_139 : vector<16xf32> to vector<1x16xf32>
        tpu.vector_store %arg16[%swap3A_140, %swap3A_141], %swap3A_144 {strides = array<i32>} : memref<512x32xf32, #tpu.memory_space<vmem>>, vector<1x16xf32>,
        %broadcast_in_dim3A_145 = arith.constant 1 : i32
        %broadcast_in_dim3A_146 = vector.broadcast %broadcast_in_dim3A_145 : i32 to vector<16x1xi32>
        %gather3A_147 = vector.shape_cast %broadcast_in_dim3A_146 : vector<16x1xi32> to vector<16xi32>
        %gather3A_148 = tpu.dynamic_gather %mul3A_115[%gather3A_147] in [0] : vector<16xf32>, vector<16xi32> -> vector<16xf32>
        %mul3A_149 = arith.constant 16 : i32
        %mul3A_150 = arith.muli %scan3A_107, %mul3A_149 : i32
        %add3A_151 = arith.constant 0 : i32
        %add3A_152 = arith.addi %add3A_151, %mul3A_150 : i32
        %add3A_153 = arith.constant 1 : i32
        %add3A_154 = arith.addi %add3A_152, %add3A_153 : i32
        %get3A_155 = arith.index_cast %add3A_154 : i32 to index
        %get3A_156 = arith.constant 0 : index
        %get3A_157 = tpu.vector_load %arg16[%get3A_155, %get3A_156] {strides = array<i32>} : memref<512x32xf32, #tpu.memory_space<vmem>>, vector<1x16xf32>,
        %get3A_158 = vector.shape_cast %get3A_157 : vector<1x16xf32> to vector<16xf32>
        %mul3A_159 = arith.mulf %get3A_158, %gather3A_148 : vector<16xf32>
        %swap3A_160 = arith.index_cast %add3A_154 : i32 to index
        %swap3A_161 = arith.constant 0 : index
        %swap3A_162 = tpu.vector_load %arg16[%swap3A_160, %swap3A_161] {strides = array<i32>} : memref<512x32xf32, #tpu.memory_space<vmem>>, vector<1x16xf32>,
        %swap3A_163 = vector.shape_cast %swap3A_162 : vector<1x16xf32> to vector<16xf32>
        %swap3A_164 = vector.shape_cast %mul3A_159 : vector<16xf32> to vector<1x16xf32>
        tpu.vector_store %arg16[%swap3A_160, %swap3A_161], %swap3A_164 {strides = array<i32>} : memref<512x32xf32, #tpu.memory_space<vmem>>, vector<1x16xf32>,
        %get3A_165 = arith.index_cast %add3A_154 : i32 to index
        %get3A_166 = arith.constant 16 : index
        %get3A_167 = tpu.vector_load %arg16[%get3A_165, %get3A_166] {strides = array<i32>} : memref<512x32xf32, #tpu.memory_space<vmem>>, vector<1x16xf32>,
        %get3A_168 = vector.shape_cast %get3A_167 : vector<1x16xf32> to vector<16xf32>
        %mul3A_169 = arith.mulf %get3A_168, %gather3A_148 : vector<16xf32>
        %swap3A_170 = arith.index_cast %add3A_154 : i32 to index
        %swap3A_171 = arith.constant 16 : index
        %swap3A_172 = tpu.vector_load %arg16[%swap3A_170, %swap3A_171] {strides = array<i32>} : memref<512x32xf32, #tpu.memory_space<vmem>>, vector<1x16xf32>,
        %swap3A_173 = vector.shape_cast %swap3A_172 : vector<1x16xf32> to vector<16xf32>
        %swap3A_174 = vector.shape_cast %mul3A_169 : vector<16xf32> to vector<1x16xf32>
        tpu.vector_store %arg16[%swap3A_170, %swap3A_171], %swap3A_174 {strides = array<i32>} : memref<512x32xf32, #tpu.memory_space<vmem>>, vector<1x16xf32>,
        %broadcast_in_dim3A_175 = arith.constant 2 : i32
        %broadcast_in_dim3A_176 = vector.broadcast %broadcast_in_dim3A_175 : i32 to vector<16x1xi32>
        %gather3A_177 = vector.shape_cast %broadcast_in_dim3A_176 : vector<16x1xi32> to vector<16xi32>
        %gather3A_178 = tpu.dynamic_gather %mul3A_115[%gather3A_177] in [0] : vector<16xf32>, vector<16xi32> -> vector<16xf32>
        %mul3A_179 = arith.constant 16 : i32
        %mul3A_180 = arith.muli %scan3A_107, %mul3A_179 : i32
        %add3A_181 = arith.constant 0 : i32
        %add3A_182 = arith.addi %add3A_181, %mul3A_180 : i32
        %add3A_183 = arith.constant 2 : i32
        %add3A_184 = arith.addi %add3A_182, %add3A_183 : i32
        %get3A_185 = arith.index_cast %add3A_184 : i32 to index
        %get3A_186 = arith.constant 0 : index
        %get3A_187 = tpu.vector_load %arg16[%get3A_185, %get3A_186] {strides = array<i32>} : memref<512x32xf32, #tpu.memory_space<vmem>>, vector<1x16xf32>,
        %get3A_188 = vector.shape_cast %get3A_187 : vector<1x16xf32> to vector<16xf32>
        %mul3A_189 = arith.mulf %get3A_188, %gather3A_178 : vector<16xf32>
        %swap3A_190 = arith.index_cast %add3A_184 : i32 to index
        %swap3A_191 = arith.constant 0 : index
        %swap3A_192 = tpu.vector_load %arg16[%swap3A_190, %swap3A_191] {strides = array<i32>} : memref<512x32xf32, #tpu.memory_space<vmem>>, vector<1x16xf32>,
        %swap3A_193 = vector.shape_cast %swap3A_192 : vector<1x16xf32> to vector<16xf32>
        %swap3A_194 = vector.shape_cast %mul3A_189 : vector<16xf32> to vector<1x16xf32>
        tpu.vector_store %arg16[%swap3A_190, %swap3A_191], %swap3A_194 {strides = array<i32>} : memref<512x32xf32, #tpu.memory_space<vmem>>, vector<1x16xf32>,
        %get3A_195 = arith.index_cast %add3A_184 : i32 to index
        %get3A_196 = arith.constant 16 : index
        %get3A_197 = tpu.vector_load %arg16[%get3A_195, %get3A_196] {strides = array<i32>} : memref<512x32xf32, #tpu.memory_space<vmem>>, vector<1x16xf32>,
        %get3A_198 = vector.shape_cast %get3A_197 : vector<1x16xf32> to vector<16xf32>
        %mul3A_199 = arith.mulf %get3A_198, %gather3A_178 : vector<16xf32>
        %swap3A_200 = arith.index_cast %add3A_184 : i32 to index
        %swap3A_201 = arith.constant 16 : index
        %swap3A_202 = tpu.vector_load %arg16[%swap3A_200, %swap3A_201] {strides = array<i32>} : memref<512x32xf32, #tpu.memory_space<vmem>>, vector<1x16xf32>,
        %swap3A_203 = vector.shape_cast %swap3A_202 : vector<1x16xf32> to vector<16xf32>
        %swap3A_204 = vector.shape_cast %mul3A_199 : vector<16xf32> to vector<1x16xf32>
        tpu.vector_store %arg16[%swap3A_200, %swap3A_201], %swap3A_204 {strides = array<i32>} : memref<512x32xf32, #tpu.memory_space<vmem>>, vector<1x16xf32>,
        %broadcast_in_dim3A_205 = arith.constant 3 : i32
        %broadcast_in_dim3A_206 = vector.broadcast %broadcast_in_dim3A_205 : i32 to vector<16x1xi32>
        %gather3A_207 = vector.shape_cast %broadcast_in_dim3A_206 : vector<16x1xi32> to vector<16xi32>
        %gather3A_208 = tpu.dynamic_gather %mul3A_115[%gather3A_207] in [0] : vector<16xf32>, vector<16xi32> -> vector<16xf32>
        %mul3A_209 = arith.constant 16 : i32
        %mul3A_210 = arith.muli %scan3A_107, %mul3A_209 : i32
        %add3A_211 = arith.constant 0 : i32
        %add3A_212 = arith.addi %add3A_211, %mul3A_210 : i32
        %add3A_213 = arith.constant 3 : i32
        %add3A_214 = arith.addi %add3A_212, %add3A_213 : i32
        %get3A_215 = arith.index_cast %add3A_214 : i32 to index
        %get3A_216 = arith.constant 0 : index
        %get3A_217 = tpu.vector_load %arg16[%get3A_215, %get3A_216] {strides = array<i32>} : memref<512x32xf32, #tpu.memory_space<vmem>>, vector<1x16xf32>,
        %get3A_218 = vector.shape_cast %get3A_217 : vector<1x16xf32> to vector<16xf32>
        %mul3A_219 = arith.mulf %get3A_218, %gather3A_208 : vector<16xf32>
        %swap3A_220 = arith.index_cast %add3A_214 : i32 to index
        %swap3A_221 = arith.constant 0 : index
        %swap3A_222 = tpu.vector_load %arg16[%swap3A_220, %swap3A_221] {strides = array<i32>} : memref<512x32xf32, #tpu.memory_space<vmem>>, vector<1x16xf32>,
        %swap3A_223 = vector.shape_cast %swap3A_222 : vector<1x16xf32> to vector<16xf32>
        %swap3A_224 = vector.shape_cast %mul3A_219 : vector<16xf32> to vector<1x16xf32>
        tpu.vector_store %arg16[%swap3A_220, %swap3A_221], %swap3A_224 {strides = array<i32>} : memref<512x32xf32, #tpu.memory_space<vmem>>, vector<1x16xf32>,
        %get3A_225 = arith.index_cast %add3A_214 : i32 to index
        %get3A_226 = arith.constant 16 : index
        %get3A_227 = tpu.vector_load %arg16[%get3A_225, %get3A_226] {strides = array<i32>} : memref<512x32xf32, #tpu.memory_space<vmem>>, vector<1x16xf32>,
        %get3A_228 = vector.shape_cast %get3A_227 : vector<1x16xf32> to vector<16xf32>
        %mul3A_229 = arith.mulf %get3A_228, %gather3A_208 : vector<16xf32>
        %swap3A_230 = arith.index_cast %add3A_214 : i32 to index
        %swap3A_231 = arith.constant 16 : index
        %swap3A_232 = tpu.vector_load %arg16[%swap3A_230, %swap3A_231] {strides = array<i32>} : memref<512x32xf32, #tpu.memory_space<vmem>>, vector<1x16xf32>,
        %swap3A_233 = vector.shape_cast %swap3A_232 : vector<1x16xf32> to vector<16xf32>
        %swap3A_234 = vector.shape_cast %mul3A_229 : vector<16xf32> to vector<1x16xf32>
        tpu.vector_store %arg16[%swap3A_230, %swap3A_231], %swap3A_234 {strides = array<i32>} : memref<512x32xf32, #tpu.memory_space<vmem>>, vector<1x16xf32>,
        %broadcast_in_dim3A_235 = arith.constant 4 : i32
        %broadcast_in_dim3A_236 = vector.broadcast %broadcast_in_dim3A_235 : i32 to vector<16x1xi32>
        %gather3A_237 = vector.shape_cast %broadcast_in_dim3A_236 : vector<16x1xi32> to vector<16xi32>
        %gather3A_238 = tpu.dynamic_gather %mul3A_115[%gather3A_237] in [0] : vector<16xf32>, vector<16xi32> -> vector<16xf32>
        %mul3A_239 = arith.constant 16 : i32
        %mul3A_240 = arith.muli %scan3A_107, %mul3A_239 : i32
        %add3A_241 = arith.constant 0 : i32
        %add3A_242 = arith.addi %add3A_241, %mul3A_240 : i32
        %add3A_243 = arith.constant 4 : i32
        %add3A_244 = arith.addi %add3A_242, %add3A_243 : i32
        %get3A_245 = arith.index_cast %add3A_244 : i32 to index
        %get3A_246 = arith.constant 0 : index
        %get3A_247 = tpu.vector_load %arg16[%get3A_245, %get3A_246] {strides = array<i32>} : memref<512x32xf32, #tpu.memory_space<vmem>>, vector<1x16xf32>,
        %get3A_248 = vector.shape_cast %get3A_247 : vector<1x16xf32> to vector<16xf32>
        %mul3A_249 = arith.mulf %get3A_248, %gather3A_238 : vector<16xf32>
        %swap3A_250 = arith.index_cast %add3A_244 : i32 to index
        %swap3A_251 = arith.constant 0 : index
        %swap3A_252 = tpu.vector_load %arg16[%swap3A_250, %swap3A_251] {strides = array<i32>} : memref<512x32xf32, #tpu.memory_space<vmem>>, vector<1x16xf32>,
        %swap3A_253 = vector.shape_cast %swap3A_252 : vector<1x16xf32> to vector<16xf32>
        %swap3A_254 = vector.shape_cast %mul3A_249 : vector<16xf32> to vector<1x16xf32>
        tpu.vector_store %arg16[%swap3A_250, %swap3A_251], %swap3A_254 {strides = array<i32>} : memref<512x32xf32, #tpu.memory_space<vmem>>, vector<1x16xf32>,
        %get3A_255 = arith.index_cast %add3A_244 : i32 to index
        %get3A_256 = arith.constant 16 : index
        %get3A_257 = tpu.vector_load %arg16[%get3A_255, %get3A_256] {strides = array<i32>} : memref<512x32xf32, #tpu.memory_space<vmem>>, vector<1x16xf32>,
        %get3A_258 = vector.shape_cast %get3A_257 : vector<1x16xf32> to vector<16xf32>
        %mul3A_259 = arith.mulf %get3A_258, %gather3A_238 : vector<16xf32>
        %swap3A_260 = arith.index_cast %add3A_244 : i32 to index
        %swap3A_261 = arith.constant 16 : index
        %swap3A_262 = tpu.vector_load %arg16[%swap3A_260, %swap3A_261] {strides = array<i32>} : memref<512x32xf32, #tpu.memory_space<vmem>>, vector<1x16xf32>,
        %swap3A_263 = vector.shape_cast %swap3A_262 : vector<1x16xf32> to vector<16xf32>
        %swap3A_264 = vector.shape_cast %mul3A_259 : vector<16xf32> to vector<1x16xf32>
        tpu.vector_store %arg16[%swap3A_260, %swap3A_261], %swap3A_264 {strides = array<i32>} : memref<512x32xf32, #tpu.memory_space<vmem>>, vector<1x16xf32>,
        %broadcast_in_dim3A_265 = arith.constant 5 : i32
        %broadcast_in_dim3A_266 = vector.broadcast %broadcast_in_dim3A_265 : i32 to vector<16x1xi32>
        %gather3A_267 = vector.shape_cast %broadcast_in_dim3A_266 : vector<16x1xi32> to vector<16xi32>
        %gather3A_268 = tpu.dynamic_gather %mul3A_115[%gather3A_267] in [0] : vector<16xf32>, vector<16xi32> -> vector<16xf32>
        %mul3A_269 = arith.constant 16 : i32
        %mul3A_270 = arith.muli %scan3A_107, %mul3A_269 : i32
        %add3A_271 = arith.constant 0 : i32
        %add3A_272 = arith.addi %add3A_271, %mul3A_270 : i32
        %add3A_273 = arith.constant 5 : i32
        %add3A_274 = arith.addi %add3A_272, %add3A_273 : i32
        %get3A_275 = arith.index_cast %add3A_274 : i32 to index
        %get3A_276 = arith.constant 0 : index
        %get3A_277 = tpu.vector_load %arg16[%get3A_275, %get3A_276] {strides = array<i32>} : memref<512x32xf32, #tpu.memory_space<vmem>>, vector<1x16xf32>,
        %get3A_278 = vector.shape_cast %get3A_277 : vector<1x16xf32> to vector<16xf32>
        %mul3A_279 = arith.mulf %get3A_278, %gather3A_268 : vector<16xf32>
        %swap3A_280 = arith.index_cast %add3A_274 : i32 to index
        %swap3A_281 = arith.constant 0 : index
        %swap3A_282 = tpu.vector_load %arg16[%swap3A_280, %swap3A_281] {strides = array<i32>} : memref<512x32xf32, #tpu.memory_space<vmem>>, vector<1x16xf32>,
        %swap3A_283 = vector.shape_cast %swap3A_282 : vector<1x16xf32> to vector<16xf32>
        %swap3A_284 = vector.shape_cast %mul3A_279 : vector<16xf32> to vector<1x16xf32>
        tpu.vector_store %arg16[%swap3A_280, %swap3A_281], %swap3A_284 {strides = array<i32>} : memref<512x32xf32, #tpu.memory_space<vmem>>, vector<1x16xf32>,
        %get3A_285 = arith.index_cast %add3A_274 : i32 to index
        %get3A_286 = arith.constant 16 : index
        %get3A_287 = tpu.vector_load %arg16[%get3A_285, %get3A_286] {strides = array<i32>} : memref<512x32xf32, #tpu.memory_space<vmem>>, vector<1x16xf32>,
        %get3A_288 = vector.shape_cast %get3A_287 : vector<1x16xf32> to vector<16xf32>
        %mul3A_289 = arith.mulf %get3A_288, %gather3A_268 : vector<16xf32>
        %swap3A_290 = arith.index_cast %add3A_274 : i32 to index
        %swap3A_291 = arith.constant 16 : index
        %swap3A_292 = tpu.vector_load %arg16[%swap3A_290, %swap3A_291] {strides = array<i32>} : memref<512x32xf32, #tpu.memory_space<vmem>>, vector<1x16xf32>,
        %swap3A_293 = vector.shape_cast %swap3A_292 : vector<1x16xf32> to vector<16xf32>
        %swap3A_294 = vector.shape_cast %mul3A_289 : vector<16xf32> to vector<1x16xf32>
        tpu.vector_store %arg16[%swap3A_290, %swap3A_291], %swap3A_294 {strides = array<i32>} : memref<512x32xf32, #tpu.memory_space<vmem>>, vector<1x16xf32>,
        %broadcast_in_dim3A_295 = arith.constant 6 : i32
        %broadcast_in_dim3A_296 = vector.broadcast %broadcast_in_dim3A_295 : i32 to vector<16x1xi32>
        %gather3A_297 = vector.shape_cast %broadcast_in_dim3A_296 : vector<16x1xi32> to vector<16xi32>
        %gather3A_298 = tpu.dynamic_gather %mul3A_115[%gather3A_297] in [0] : vector<16xf32>, vector<16xi32> -> vector<16xf32>
        %mul3A_299 = arith.constant 16 : i32
        %mul3A_300 = arith.muli %scan3A_107, %mul3A_299 : i32
        %add3A_301 = arith.constant 0 : i32
        %add3A_302 = arith.addi %add3A_301, %mul3A_300 : i32
        %add3A_303 = arith.constant 6 : i32
        %add3A_304 = arith.addi %add3A_302, %add3A_303 : i32
        %get3A_305 = arith.index_cast %add3A_304 : i32 to index
        %get3A_306 = arith.constant 0 : index
        %get3A_307 = tpu.vector_load %arg16[%get3A_305, %get3A_306] {strides = array<i32>} : memref<512x32xf32, #tpu.memory_space<vmem>>, vector<1x16xf32>,
        %get3A_308 = vector.shape_cast %get3A_307 : vector<1x16xf32> to vector<16xf32>
        %mul3A_309 = arith.mulf %get3A_308, %gather3A_298 : vector<16xf32>
        %swap3A_310 = arith.index_cast %add3A_304 : i32 to index
        %swap3A_311 = arith.constant 0 : index
        %swap3A_312 = tpu.vector_load %arg16[%swap3A_310, %swap3A_311] {strides = array<i32>} : memref<512x32xf32, #tpu.memory_space<vmem>>, vector<1x16xf32>,
        %swap3A_313 = vector.shape_cast %swap3A_312 : vector<1x16xf32> to vector<16xf32>
        %swap3A_314 = vector.shape_cast %mul3A_309 : vector<16xf32> to vector<1x16xf32>
        tpu.vector_store %arg16[%swap3A_310, %swap3A_311], %swap3A_314 {strides = array<i32>} : memref<512x32xf32, #tpu.memory_space<vmem>>, vector<1x16xf32>,
        %get3A_315 = arith.index_cast %add3A_304 : i32 to index
        %get3A_316 = arith.constant 16 : index
        %get3A_317 = tpu.vector_load %arg16[%get3A_315, %get3A_316] {strides = array<i32>} : memref<512x32xf32, #tpu.memory_space<vmem>>, vector<1x16xf32>,
        %get3A_318 = vector.shape_cast %get3A_317 : vector<1x16xf32> to vector<16xf32>
        %mul3A_319 = arith.mulf %get3A_318, %gather3A_298 : vector<16xf32>
        %swap3A_320 = arith.index_cast %add3A_304 : i32 to index
        %swap3A_321 = arith.constant 16 : index
        %swap3A_322 = tpu.vector_load %arg16[%swap3A_320, %swap3A_321] {strides = array<i32>} : memref<512x32xf32, #tpu.memory_space<vmem>>, vector<1x16xf32>,
        %swap3A_323 = vector.shape_cast %swap3A_322 : vector<1x16xf32> to vector<16xf32>
        %swap3A_324 = vector.shape_cast %mul3A_319 : vector<16xf32> to vector<1x16xf32>
        tpu.vector_store %arg16[%swap3A_320, %swap3A_321], %swap3A_324 {strides = array<i32>} : memref<512x32xf32, #tpu.memory_space<vmem>>, vector<1x16xf32>,
        %broadcast_in_dim3A_325 = arith.constant 7 : i32
        %broadcast_in_dim3A_326 = vector.broadcast %broadcast_in_dim3A_325 : i32 to vector<16x1xi32>
        %gather3A_327 = vector.shape_cast %broadcast_in_dim3A_326 : vector<16x1xi32> to vector<16xi32>
        %gather3A_328 = tpu.dynamic_gather %mul3A_115[%gather3A_327] in [0] : vector<16xf32>, vector<16xi32> -> vector<16xf32>
        %mul3A_329 = arith.constant 16 : i32
        %mul3A_330 = arith.muli %scan3A_107, %mul3A_329 : i32
        %add3A_331 = arith.constant 0 : i32
        %add3A_332 = arith.addi %add3A_331, %mul3A_330 : i32
        %add3A_333 = arith.constant 7 : i32
        %add3A_334 = arith.addi %add3A_332, %add3A_333 : i32
        %get3A_335 = arith.index_cast %add3A_334 : i32 to index
        %get3A_336 = arith.constant 0 : index
        %get3A_337 = tpu.vector_load %arg16[%get3A_335, %get3A_336] {strides = array<i32>} : memref<512x32xf32, #tpu.memory_space<vmem>>, vector<1x16xf32>,
        %get3A_338 = vector.shape_cast %get3A_337 : vector<1x16xf32> to vector<16xf32>
        %mul3A_339 = arith.mulf %get3A_338, %gather3A_328 : vector<16xf32>
        %swap3A_340 = arith.index_cast %add3A_334 : i32 to index
        %swap3A_341 = arith.constant 0 : index
        %swap3A_342 = tpu.vector_load %arg16[%swap3A_340, %swap3A_341] {strides = array<i32>} : memref<512x32xf32, #tpu.memory_space<vmem>>, vector<1x16xf32>,
        %swap3A_343 = vector.shape_cast %swap3A_342 : vector<1x16xf32> to vector<16xf32>
        %swap3A_344 = vector.shape_cast %mul3A_339 : vector<16xf32> to vector<1x16xf32>
        tpu.vector_store %arg16[%swap3A_340, %swap3A_341], %swap3A_344 {strides = array<i32>} : memref<512x32xf32, #tpu.memory_space<vmem>>, vector<1x16xf32>,
        %get3A_345 = arith.index_cast %add3A_334 : i32 to index
        %get3A_346 = arith.constant 16 : index
        %get3A_347 = tpu.vector_load %arg16[%get3A_345, %get3A_346] {strides = array<i32>} : memref<512x32xf32, #tpu.memory_space<vmem>>, vector<1x16xf32>,
        %get3A_348 = vector.shape_cast %get3A_347 : vector<1x16xf32> to vector<16xf32>
        %mul3A_349 = arith.mulf %get3A_348, %gather3A_328 : vector<16xf32>
        %swap3A_350 = arith.index_cast %add3A_334 : i32 to index
        %swap3A_351 = arith.constant 16 : index
        %swap3A_352 = tpu.vector_load %arg16[%swap3A_350, %swap3A_351] {strides = array<i32>} : memref<512x32xf32, #tpu.memory_space<vmem>>, vector<1x16xf32>,
        %swap3A_353 = vector.shape_cast %swap3A_352 : vector<1x16xf32> to vector<16xf32>
        %swap3A_354 = vector.shape_cast %mul3A_349 : vector<16xf32> to vector<1x16xf32>
        tpu.vector_store %arg16[%swap3A_350, %swap3A_351], %swap3A_354 {strides = array<i32>} : memref<512x32xf32, #tpu.memory_space<vmem>>, vector<1x16xf32>,
        %broadcast_in_dim3A_355 = arith.constant 8 : i32
        %broadcast_in_dim3A_356 = vector.broadcast %broadcast_in_dim3A_355 : i32 to vector<16x1xi32>
        %gather3A_357 = vector.shape_cast %broadcast_in_dim3A_356 : vector<16x1xi32> to vector<16xi32>
        %gather3A_358 = tpu.dynamic_gather %mul3A_115[%gather3A_357] in [0] : vector<16xf32>, vector<16xi32> -> vector<16xf32>
        %mul3A_359 = arith.constant 16 : i32
        %mul3A_360 = arith.muli %scan3A_107, %mul3A_359 : i32
        %add3A_361 = arith.constant 0 : i32
        %add3A_362 = arith.addi %add3A_361, %mul3A_360 : i32
        %add3A_363 = arith.constant 8 : i32
        %add3A_364 = arith.addi %add3A_362, %add3A_363 : i32
        %get3A_365 = arith.index_cast %add3A_364 : i32 to index
        %get3A_366 = arith.constant 0 : index
        %get3A_367 = tpu.vector_load %arg16[%get3A_365, %get3A_366] {strides = array<i32>} : memref<512x32xf32, #tpu.memory_space<vmem>>, vector<1x16xf32>,
        %get3A_368 = vector.shape_cast %get3A_367 : vector<1x16xf32> to vector<16xf32>
        %mul3A_369 = arith.mulf %get3A_368, %gather3A_358 : vector<16xf32>
        %swap3A_370 = arith.index_cast %add3A_364 : i32 to index
        %swap3A_371 = arith.constant 0 : index
        %swap3A_372 = tpu.vector_load %arg16[%swap3A_370, %swap3A_371] {strides = array<i32>} : memref<512x32xf32, #tpu.memory_space<vmem>>, vector<1x16xf32>,
        %swap3A_373 = vector.shape_cast %swap3A_372 : vector<1x16xf32> to vector<16xf32>
        %swap3A_374 = vector.shape_cast %mul3A_369 : vector<16xf32> to vector<1x16xf32>
        tpu.vector_store %arg16[%swap3A_370, %swap3A_371], %swap3A_374 {strides = array<i32>} : memref<512x32xf32, #tpu.memory_space<vmem>>, vector<1x16xf32>,
        %get3A_375 = arith.index_cast %add3A_364 : i32 to index
        %get3A_376 = arith.constant 16 : index
        %get3A_377 = tpu.vector_load %arg16[%get3A_375, %get3A_376] {strides = array<i32>} : memref<512x32xf32, #tpu.memory_space<vmem>>, vector<1x16xf32>,
        %get3A_378 = vector.shape_cast %get3A_377 : vector<1x16xf32> to vector<16xf32>
        %mul3A_379 = arith.mulf %get3A_378, %gather3A_358 : vector<16xf32>
        %swap3A_380 = arith.index_cast %add3A_364 : i32 to index
        %swap3A_381 = arith.constant 16 : index
        %swap3A_382 = tpu.vector_load %arg16[%swap3A_380, %swap3A_381] {strides = array<i32>} : memref<512x32xf32, #tpu.memory_space<vmem>>, vector<1x16xf32>,
        %swap3A_383 = vector.shape_cast %swap3A_382 : vector<1x16xf32> to vector<16xf32>
        %swap3A_384 = vector.shape_cast %mul3A_379 : vector<16xf32> to vector<1x16xf32>
        tpu.vector_store %arg16[%swap3A_380, %swap3A_381], %swap3A_384 {strides = array<i32>} : memref<512x32xf32, #tpu.memory_space<vmem>>, vector<1x16xf32>,
        %broadcast_in_dim3A_385 = arith.constant 9 : i32
        %broadcast_in_dim3A_386 = vector.broadcast %broadcast_in_dim3A_385 : i32 to vector<16x1xi32>
        %gather3A_387 = vector.shape_cast %broadcast_in_dim3A_386 : vector<16x1xi32> to vector<16xi32>
        %gather3A_388 = tpu.dynamic_gather %mul3A_115[%gather3A_387] in [0] : vector<16xf32>, vector<16xi32> -> vector<16xf32>
        %mul3A_389 = arith.constant 16 : i32
        %mul3A_390 = arith.muli %scan3A_107, %mul3A_389 : i32
        %add3A_391 = arith.constant 0 : i32
        %add3A_392 = arith.addi %add3A_391, %mul3A_390 : i32
        %add3A_393 = arith.constant 9 : i32
        %add3A_394 = arith.addi %add3A_392, %add3A_393 : i32
        %get3A_395 = arith.index_cast %add3A_394 : i32 to index
        %get3A_396 = arith.constant 0 : index
        %get3A_397 = tpu.vector_load %arg16[%get3A_395, %get3A_396] {strides = array<i32>} : memref<512x32xf32, #tpu.memory_space<vmem>>, vector<1x16xf32>,
        %get3A_398 = vector.shape_cast %get3A_397 : vector<1x16xf32> to vector<16xf32>
        %mul3A_399 = arith.mulf %get3A_398, %gather3A_388 : vector<16xf32>
        %swap3A_400 = arith.index_cast %add3A_394 : i32 to index
        %swap3A_401 = arith.constant 0 : index
        %swap3A_402 = tpu.vector_load %arg16[%swap3A_400, %swap3A_401] {strides = array<i32>} : memref<512x32xf32, #tpu.memory_space<vmem>>, vector<1x16xf32>,
        %swap3A_403 = vector.shape_cast %swap3A_402 : vector<1x16xf32> to vector<16xf32>
        %swap3A_404 = vector.shape_cast %mul3A_399 : vector<16xf32> to vector<1x16xf32>
        tpu.vector_store %arg16[%swap3A_400, %swap3A_401], %swap3A_404 {strides = array<i32>} : memref<512x32xf32, #tpu.memory_space<vmem>>, vector<1x16xf32>,
        %get3A_405 = arith.index_cast %add3A_394 : i32 to index
        %get3A_406 = arith.constant 16 : index
        %get3A_407 = tpu.vector_load %arg16[%get3A_405, %get3A_406] {strides = array<i32>} : memref<512x32xf32, #tpu.memory_space<vmem>>, vector<1x16xf32>,
        %get3A_408 = vector.shape_cast %get3A_407 : vector<1x16xf32> to vector<16xf32>
        %mul3A_409 = arith.mulf %get3A_408, %gather3A_388 : vector<16xf32>
        %swap3A_410 = arith.index_cast %add3A_394 : i32 to index
        %swap3A_411 = arith.constant 16 : index
        %swap3A_412 = tpu.vector_load %arg16[%swap3A_410, %swap3A_411] {strides = array<i32>} : memref<512x32xf32, #tpu.memory_space<vmem>>, vector<1x16xf32>,
        %swap3A_413 = vector.shape_cast %swap3A_412 : vector<1x16xf32> to vector<16xf32>
        %swap3A_414 = vector.shape_cast %mul3A_409 : vector<16xf32> to vector<1x16xf32>
        tpu.vector_store %arg16[%swap3A_410, %swap3A_411], %swap3A_414 {strides = array<i32>} : memref<512x32xf32, #tpu.memory_space<vmem>>, vector<1x16xf32>,
        %broadcast_in_dim3A_415 = arith.constant 10 : i32
        %broadcast_in_dim3A_416 = vector.broadcast %broadcast_in_dim3A_415 : i32 to vector<16x1xi32>
        %gather3A_417 = vector.shape_cast %broadcast_in_dim3A_416 : vector<16x1xi32> to vector<16xi32>
        %gather3A_418 = tpu.dynamic_gather %mul3A_115[%gather3A_417] in [0] : vector<16xf32>, vector<16xi32> -> vector<16xf32>
        %mul3A_419 = arith.constant 16 : i32
        %mul3A_420 = arith.muli %scan3A_107, %mul3A_419 : i32
        %add3A_421 = arith.constant 0 : i32
        %add3A_422 = arith.addi %add3A_421, %mul3A_420 : i32
        %add3A_423 = arith.constant 10 : i32
        %add3A_424 = arith.addi %add3A_422, %add3A_423 : i32
        %get3A_425 = arith.index_cast %add3A_424 : i32 to index
        %get3A_426 = arith.constant 0 : index
        %get3A_427 = tpu.vector_load %arg16[%get3A_425, %get3A_426] {strides = array<i32>} : memref<512x32xf32, #tpu.memory_space<vmem>>, vector<1x16xf32>,
        %get3A_428 = vector.shape_cast %get3A_427 : vector<1x16xf32> to vector<16xf32>
        %mul3A_429 = arith.mulf %get3A_428, %gather3A_418 : vector<16xf32>
        %swap3A_430 = arith.index_cast %add3A_424 : i32 to index
        %swap3A_431 = arith.constant 0 : index
        %swap3A_432 = tpu.vector_load %arg16[%swap3A_430, %swap3A_431] {strides = array<i32>} : memref<512x32xf32, #tpu.memory_space<vmem>>, vector<1x16xf32>,
        %swap3A_433 = vector.shape_cast %swap3A_432 : vector<1x16xf32> to vector<16xf32>
        %swap3A_434 = vector.shape_cast %mul3A_429 : vector<16xf32> to vector<1x16xf32>
        tpu.vector_store %arg16[%swap3A_430, %swap3A_431], %swap3A_434 {strides = array<i32>} : memref<512x32xf32, #tpu.memory_space<vmem>>, vector<1x16xf32>,
        %get3A_435 = arith.index_cast %add3A_424 : i32 to index
        %get3A_436 = arith.constant 16 : index
        %get3A_437 = tpu.vector_load %arg16[%get3A_435, %get3A_436] {strides = array<i32>} : memref<512x32xf32, #tpu.memory_space<vmem>>, vector<1x16xf32>,
        %get3A_438 = vector.shape_cast %get3A_437 : vector<1x16xf32> to vector<16xf32>
        %mul3A_439 = arith.mulf %get3A_438, %gather3A_418 : vector<16xf32>
        %swap3A_440 = arith.index_cast %add3A_424 : i32 to index
        %swap3A_441 = arith.constant 16 : index
        %swap3A_442 = tpu.vector_load %arg16[%swap3A_440, %swap3A_441] {strides = array<i32>} : memref<512x32xf32, #tpu.memory_space<vmem>>, vector<1x16xf32>,
        %swap3A_443 = vector.shape_cast %swap3A_442 : vector<1x16xf32> to vector<16xf32>
        %swap3A_444 = vector.shape_cast %mul3A_439 : vector<16xf32> to vector<1x16xf32>
        tpu.vector_store %arg16[%swap3A_440, %swap3A_441], %swap3A_444 {strides = array<i32>} : memref<512x32xf32, #tpu.memory_space<vmem>>, vector<1x16xf32>,
        %broadcast_in_dim3A_445 = arith.constant 11 : i32
        %broadcast_in_dim3A_446 = vector.broadcast %broadcast_in_dim3A_445 : i32 to vector<16x1xi32>
        %gather3A_447 = vector.shape_cast %broadcast_in_dim3A_446 : vector<16x1xi32> to vector<16xi32>
        %gather3A_448 = tpu.dynamic_gather %mul3A_115[%gather3A_447] in [0] : vector<16xf32>, vector<16xi32> -> vector<16xf32>
        %mul3A_449 = arith.constant 16 : i32
        %mul3A_450 = arith.muli %scan3A_107, %mul3A_449 : i32
        %add3A_451 = arith.constant 0 : i32
        %add3A_452 = arith.addi %add3A_451, %mul3A_450 : i32
        %add3A_453 = arith.constant 11 : i32
        %add3A_454 = arith.addi %add3A_452, %add3A_453 : i32
        %get3A_455 = arith.index_cast %add3A_454 : i32 to index
        %get3A_456 = arith.constant 0 : index
        %get3A_457 = tpu.vector_load %arg16[%get3A_455, %get3A_456] {strides = array<i32>} : memref<512x32xf32, #tpu.memory_space<vmem>>, vector<1x16xf32>,
        %get3A_458 = vector.shape_cast %get3A_457 : vector<1x16xf32> to vector<16xf32>
        %mul3A_459 = arith.mulf %get3A_458, %gather3A_448 : vector<16xf32>
        %swap3A_460 = arith.index_cast %add3A_454 : i32 to index
        %swap3A_461 = arith.constant 0 : index
        %swap3A_462 = tpu.vector_load %arg16[%swap3A_460, %swap3A_461] {strides = array<i32>} : memref<512x32xf32, #tpu.memory_space<vmem>>, vector<1x16xf32>,
        %swap3A_463 = vector.shape_cast %swap3A_462 : vector<1x16xf32> to vector<16xf32>
        %swap3A_464 = vector.shape_cast %mul3A_459 : vector<16xf32> to vector<1x16xf32>
        tpu.vector_store %arg16[%swap3A_460, %swap3A_461], %swap3A_464 {strides = array<i32>} : memref<512x32xf32, #tpu.memory_space<vmem>>, vector<1x16xf32>,
        %get3A_465 = arith.index_cast %add3A_454 : i32 to index
        %get3A_466 = arith.constant 16 : index
        %get3A_467 = tpu.vector_load %arg16[%get3A_465, %get3A_466] {strides = array<i32>} : memref<512x32xf32, #tpu.memory_space<vmem>>, vector<1x16xf32>,
        %get3A_468 = vector.shape_cast %get3A_467 : vector<1x16xf32> to vector<16xf32>
        %mul3A_469 = arith.mulf %get3A_468, %gather3A_448 : vector<16xf32>
        %swap3A_470 = arith.index_cast %add3A_454 : i32 to index
        %swap3A_471 = arith.constant 16 : index
        %swap3A_472 = tpu.vector_load %arg16[%swap3A_470, %swap3A_471] {strides = array<i32>} : memref<512x32xf32, #tpu.memory_space<vmem>>, vector<1x16xf32>,
        %swap3A_473 = vector.shape_cast %swap3A_472 : vector<1x16xf32> to vector<16xf32>
        %swap3A_474 = vector.shape_cast %mul3A_469 : vector<16xf32> to vector<1x16xf32>
        tpu.vector_store %arg16[%swap3A_470, %swap3A_471], %swap3A_474 {strides = array<i32>} : memref<512x32xf32, #tpu.memory_space<vmem>>, vector<1x16xf32>,
        %broadcast_in_dim3A_475 = arith.constant 12 : i32
        %broadcast_in_dim3A_476 = vector.broadcast %broadcast_in_dim3A_475 : i32 to vector<16x1xi32>
        %gather3A_477 = vector.shape_cast %broadcast_in_dim3A_476 : vector<16x1xi32> to vector<16xi32>
        %gather3A_478 = tpu.dynamic_gather %mul3A_115[%gather3A_477] in [0] : vector<16xf32>, vector<16xi32> -> vector<16xf32>
        %mul3A_479 = arith.constant 16 : i32
        %mul3A_480 = arith.muli %scan3A_107, %mul3A_479 : i32
        %add3A_481 = arith.constant 0 : i32
        %add3A_482 = arith.addi %add3A_481, %mul3A_480 : i32
        %add3A_483 = arith.constant 12 : i32
        %add3A_484 = arith.addi %add3A_482, %add3A_483 : i32
        %get3A_485 = arith.index_cast %add3A_484 : i32 to index
        %get3A_486 = arith.constant 0 : index
        %get3A_487 = tpu.vector_load %arg16[%get3A_485, %get3A_486] {strides = array<i32>} : memref<512x32xf32, #tpu.memory_space<vmem>>, vector<1x16xf32>,
        %get3A_488 = vector.shape_cast %get3A_487 : vector<1x16xf32> to vector<16xf32>
        %mul3A_489 = arith.mulf %get3A_488, %gather3A_478 : vector<16xf32>
        %swap3A_490 = arith.index_cast %add3A_484 : i32 to index
        %swap3A_491 = arith.constant 0 : index
        %swap3A_492 = tpu.vector_load %arg16[%swap3A_490, %swap3A_491] {strides = array<i32>} : memref<512x32xf32, #tpu.memory_space<vmem>>, vector<1x16xf32>,
        %swap3A_493 = vector.shape_cast %swap3A_492 : vector<1x16xf32> to vector<16xf32>
        %swap3A_494 = vector.shape_cast %mul3A_489 : vector<16xf32> to vector<1x16xf32>
        tpu.vector_store %arg16[%swap3A_490, %swap3A_491], %swap3A_494 {strides = array<i32>} : memref<512x32xf32, #tpu.memory_space<vmem>>, vector<1x16xf32>,
        %get3A_495 = arith.index_cast %add3A_484 : i32 to index
        %get3A_496 = arith.constant 16 : index
        %get3A_497 = tpu.vector_load %arg16[%get3A_495, %get3A_496] {strides = array<i32>} : memref<512x32xf32, #tpu.memory_space<vmem>>, vector<1x16xf32>,
        %get3A_498 = vector.shape_cast %get3A_497 : vector<1x16xf32> to vector<16xf32>
        %mul3A_499 = arith.mulf %get3A_498, %gather3A_478 : vector<16xf32>
        %swap3A_500 = arith.index_cast %add3A_484 : i32 to index
        %swap3A_501 = arith.constant 16 : index
        %swap3A_502 = tpu.vector_load %arg16[%swap3A_500, %swap3A_501] {strides = array<i32>} : memref<512x32xf32, #tpu.memory_space<vmem>>, vector<1x16xf32>,
        %swap3A_503 = vector.shape_cast %swap3A_502 : vector<1x16xf32> to vector<16xf32>
        %swap3A_504 = vector.shape_cast %mul3A_499 : vector<16xf32> to vector<1x16xf32>
        tpu.vector_store %arg16[%swap3A_500, %swap3A_501], %swap3A_504 {strides = array<i32>} : memref<512x32xf32, #tpu.memory_space<vmem>>, vector<1x16xf32>,
        %broadcast_in_dim3A_505 = arith.constant 13 : i32
        %broadcast_in_dim3A_506 = vector.broadcast %broadcast_in_dim3A_505 : i32 to vector<16x1xi32>
        %gather3A_507 = vector.shape_cast %broadcast_in_dim3A_506 : vector<16x1xi32> to vector<16xi32>
        %gather3A_508 = tpu.dynamic_gather %mul3A_115[%gather3A_507] in [0] : vector<16xf32>, vector<16xi32> -> vector<16xf32>
        %mul3A_509 = arith.constant 16 : i32
        %mul3A_510 = arith.muli %scan3A_107, %mul3A_509 : i32
        %add3A_511 = arith.constant 0 : i32
        %add3A_512 = arith.addi %add3A_511, %mul3A_510 : i32
        %add3A_513 = arith.constant 13 : i32
        %add3A_514 = arith.addi %add3A_512, %add3A_513 : i32
        %get3A_515 = arith.index_cast %add3A_514 : i32 to index
        %get3A_516 = arith.constant 0 : index
        %get3A_517 = tpu.vector_load %arg16[%get3A_515, %get3A_516] {strides = array<i32>} : memref<512x32xf32, #tpu.memory_space<vmem>>, vector<1x16xf32>,
        %get3A_518 = vector.shape_cast %get3A_517 : vector<1x16xf32> to vector<16xf32>
        %mul3A_519 = arith.mulf %get3A_518, %gather3A_508 : vector<16xf32>
        %swap3A_520 = arith.index_cast %add3A_514 : i32 to index
        %swap3A_521 = arith.constant 0 : index
        %swap3A_522 = tpu.vector_load %arg16[%swap3A_520, %swap3A_521] {strides = array<i32>} : memref<512x32xf32, #tpu.memory_space<vmem>>, vector<1x16xf32>,
        %swap3A_523 = vector.shape_cast %swap3A_522 : vector<1x16xf32> to vector<16xf32>
        %swap3A_524 = vector.shape_cast %mul3A_519 : vector<16xf32> to vector<1x16xf32>
        tpu.vector_store %arg16[%swap3A_520, %swap3A_521], %swap3A_524 {strides = array<i32>} : memref<512x32xf32, #tpu.memory_space<vmem>>, vector<1x16xf32>,
        %get3A_525 = arith.index_cast %add3A_514 : i32 to index
        %get3A_526 = arith.constant 16 : index
        %get3A_527 = tpu.vector_load %arg16[%get3A_525, %get3A_526] {strides = array<i32>} : memref<512x32xf32, #tpu.memory_space<vmem>>, vector<1x16xf32>,
        %get3A_528 = vector.shape_cast %get3A_527 : vector<1x16xf32> to vector<16xf32>
        %mul3A_529 = arith.mulf %get3A_528, %gather3A_508 : vector<16xf32>
        %swap3A_530 = arith.index_cast %add3A_514 : i32 to index
        %swap3A_531 = arith.constant 16 : index
        %swap3A_532 = tpu.vector_load %arg16[%swap3A_530, %swap3A_531] {strides = array<i32>} : memref<512x32xf32, #tpu.memory_space<vmem>>, vector<1x16xf32>,
        %swap3A_533 = vector.shape_cast %swap3A_532 : vector<1x16xf32> to vector<16xf32>
        %swap3A_534 = vector.shape_cast %mul3A_529 : vector<16xf32> to vector<1x16xf32>
        tpu.vector_store %arg16[%swap3A_530, %swap3A_531], %swap3A_534 {strides = array<i32>} : memref<512x32xf32, #tpu.memory_space<vmem>>, vector<1x16xf32>,
        %broadcast_in_dim3A_535 = arith.constant 14 : i32
        %broadcast_in_dim3A_536 = vector.broadcast %broadcast_in_dim3A_535 : i32 to vector<16x1xi32>
        %gather3A_537 = vector.shape_cast %broadcast_in_dim3A_536 : vector<16x1xi32> to vector<16xi32>
        %gather3A_538 = tpu.dynamic_gather %mul3A_115[%gather3A_537] in [0] : vector<16xf32>, vector<16xi32> -> vector<16xf32>
        %mul3A_539 = arith.constant 16 : i32
        %mul3A_540 = arith.muli %scan3A_107, %mul3A_539 : i32
        %add3A_541 = arith.constant 0 : i32
        %add3A_542 = arith.addi %add3A_541, %mul3A_540 : i32
        %add3A_543 = arith.constant 14 : i32
        %add3A_544 = arith.addi %add3A_542, %add3A_543 : i32
        %get3A_545 = arith.index_cast %add3A_544 : i32 to index
        %get3A_546 = arith.constant 0 : index
        %get3A_547 = tpu.vector_load %arg16[%get3A_545, %get3A_546] {strides = array<i32>} : memref<512x32xf32, #tpu.memory_space<vmem>>, vector<1x16xf32>,
        %get3A_548 = vector.shape_cast %get3A_547 : vector<1x16xf32> to vector<16xf32>
        %mul3A_549 = arith.mulf %get3A_548, %gather3A_538 : vector<16xf32>
        %swap3A_550 = arith.index_cast %add3A_544 : i32 to index
        %swap3A_551 = arith.constant 0 : index
        %swap3A_552 = tpu.vector_load %arg16[%swap3A_550, %swap3A_551] {strides = array<i32>} : memref<512x32xf32, #tpu.memory_space<vmem>>, vector<1x16xf32>,
        %swap3A_553 = vector.shape_cast %swap3A_552 : vector<1x16xf32> to vector<16xf32>
        %swap3A_554 = vector.shape_cast %mul3A_549 : vector<16xf32> to vector<1x16xf32>
        tpu.vector_store %arg16[%swap3A_550, %swap3A_551], %swap3A_554 {strides = array<i32>} : memref<512x32xf32, #tpu.memory_space<vmem>>, vector<1x16xf32>,
        %get3A_555 = arith.index_cast %add3A_544 : i32 to index
        %get3A_556 = arith.constant 16 : index
        %get3A_557 = tpu.vector_load %arg16[%get3A_555, %get3A_556] {strides = array<i32>} : memref<512x32xf32, #tpu.memory_space<vmem>>, vector<1x16xf32>,
        %get3A_558 = vector.shape_cast %get3A_557 : vector<1x16xf32> to vector<16xf32>
        %mul3A_559 = arith.mulf %get3A_558, %gather3A_538 : vector<16xf32>
        %swap3A_560 = arith.index_cast %add3A_544 : i32 to index
        %swap3A_561 = arith.constant 16 : index
        %swap3A_562 = tpu.vector_load %arg16[%swap3A_560, %swap3A_561] {strides = array<i32>} : memref<512x32xf32, #tpu.memory_space<vmem>>, vector<1x16xf32>,
        %swap3A_563 = vector.shape_cast %swap3A_562 : vector<1x16xf32> to vector<16xf32>
        %swap3A_564 = vector.shape_cast %mul3A_559 : vector<16xf32> to vector<1x16xf32>
        tpu.vector_store %arg16[%swap3A_560, %swap3A_561], %swap3A_564 {strides = array<i32>} : memref<512x32xf32, #tpu.memory_space<vmem>>, vector<1x16xf32>,
        %broadcast_in_dim3A_565 = arith.constant 15 : i32
        %broadcast_in_dim3A_566 = vector.broadcast %broadcast_in_dim3A_565 : i32 to vector<16x1xi32>
        %gather3A_567 = vector.shape_cast %broadcast_in_dim3A_566 : vector<16x1xi32> to vector<16xi32>
        %gather3A_568 = tpu.dynamic_gather %mul3A_115[%gather3A_567] in [0] : vector<16xf32>, vector<16xi32> -> vector<16xf32>
        %mul3A_569 = arith.constant 16 : i32
        %mul3A_570 = arith.muli %scan3A_107, %mul3A_569 : i32
        %add3A_571 = arith.constant 0 : i32
        %add3A_572 = arith.addi %add3A_571, %mul3A_570 : i32
        %add3A_573 = arith.constant 15 : i32
        %add3A_574 = arith.addi %add3A_572, %add3A_573 : i32
        %get3A_575 = arith.index_cast %add3A_574 : i32 to index
        %get3A_576 = arith.constant 0 : index
        %get3A_577 = tpu.vector_load %arg16[%get3A_575, %get3A_576] {strides = array<i32>} : memref<512x32xf32, #tpu.memory_space<vmem>>, vector<1x16xf32>,
        %get3A_578 = vector.shape_cast %get3A_577 : vector<1x16xf32> to vector<16xf32>
        %mul3A_579 = arith.mulf %get3A_578, %gather3A_568 : vector<16xf32>
        %swap3A_580 = arith.index_cast %add3A_574 : i32 to index
        %swap3A_581 = arith.constant 0 : index
        %swap3A_582 = tpu.vector_load %arg16[%swap3A_580, %swap3A_581] {strides = array<i32>} : memref<512x32xf32, #tpu.memory_space<vmem>>, vector<1x16xf32>,
        %swap3A_583 = vector.shape_cast %swap3A_582 : vector<1x16xf32> to vector<16xf32>
        %swap3A_584 = vector.shape_cast %mul3A_579 : vector<16xf32> to vector<1x16xf32>
        tpu.vector_store %arg16[%swap3A_580, %swap3A_581], %swap3A_584 {strides = array<i32>} : memref<512x32xf32, #tpu.memory_space<vmem>>, vector<1x16xf32>,
        %get3A_585 = arith.index_cast %add3A_574 : i32 to index
        %get3A_586 = arith.constant 16 : index
        %get3A_587 = tpu.vector_load %arg16[%get3A_585, %get3A_586] {strides = array<i32>} : memref<512x32xf32, #tpu.memory_space<vmem>>, vector<1x16xf32>,
        %get3A_588 = vector.shape_cast %get3A_587 : vector<1x16xf32> to vector<16xf32>
        %mul3A_589 = arith.mulf %get3A_588, %gather3A_568 : vector<16xf32>
        %swap3A_590 = arith.index_cast %add3A_574 : i32 to index
        %swap3A_591 = arith.constant 16 : index
        %swap3A_592 = tpu.vector_load %arg16[%swap3A_590, %swap3A_591] {strides = array<i32>} : memref<512x32xf32, #tpu.memory_space<vmem>>, vector<1x16xf32>,
        %swap3A_593 = vector.shape_cast %swap3A_592 : vector<1x16xf32> to vector<16xf32>
        %swap3A_594 = vector.shape_cast %mul3A_589 : vector<16xf32> to vector<1x16xf32>
        tpu.vector_store %arg16[%swap3A_590, %swap3A_591], %swap3A_594 {strides = array<i32>} : memref<512x32xf32, #tpu.memory_space<vmem>>, vector<1x16xf32>,
        %scan3A_595 = arith.constant 0 : i32
        scf.yield %scan3A_595 : i32
      }
      %scan3A_105 = arith.constant 8 : i32
      %run_scoped3A_106 = arith.constant 0 : i32
      "tpu.region"() ({
        %run_scoped3A_107 = tpu.sem_alloc : memref<!tpu.dma_semaphore, #tpu.memory_space<semaphore_mem>>
        %dma_start3A_108 = arith.constant 0 : i32
        %dma_start3A_109 = arith.constant 0 : i32
        %dma_start3A_110 = tpu.memref_slice %arg16[%dma_start3A_108, %dma_start3A_109] : memref<512x32xf32, #tpu.memory_space<vmem>> -> memref<128x32xf32, #tpu.memory_space<vmem>>
        %dma_start3A_111 = arith.constant 0 : i32
        %dma_start3A_112 = tpu.memref_slice %arg13[%run_scoped3A_106, %dma_start3A_111] : memref<26x128xi32, #tpu.memory_space<vmem>> -> memref<1x128xi32, #tpu.memory_space<vmem>>
        %dma_start3A_113 = tpu.memref_squeeze %dma_start3A_112 : memref<1x128xi32, #tpu.memory_space<vmem>> -> memref<128xi32, #tpu.memory_space<vmem>>
        %dma_start3A_114 = arith.constant 0 : i32
        %dma_start3A_115 = arith.constant 0 : i32
        %dma_start3A_116 = tpu.memref_slice %arg12[%dma_start3A_114, %dma_start3A_115] : memref<50048x32xf32, #tpu.memory_space<vmem_shared>> -> memref<50048x32xf32, #tpu.memory_space<vmem_shared>>
        tpu.enqueue_indirect_dma source(%dma_start3A_110 : memref<128x32xf32, #tpu.memory_space<vmem>>) target(%dma_start3A_116 : memref<50048x32xf32, #tpu.memory_space<vmem_shared>>) offsets(%dma_start3A_113 : memref<128xi32, #tpu.memory_space<vmem>>) semaphore(%run_scoped3A_107 : memref<!tpu.dma_semaphore, #tpu.memory_space<semaphore_mem>>) {add = true}
        %dma_wait3A_117 = arith.constant 0 : i32
        %dma_wait3A_118 = arith.constant 0 : i32
        %dma_wait3A_119 = tpu.memref_slice %arg16[%dma_wait3A_117, %dma_wait3A_118] : memref<512x32xf32, #tpu.memory_space<vmem>> -> memref<128x32xf32, #tpu.memory_space<vmem>>
        %dma_wait3A_120 = arith.constant 0 : i32
        %dma_wait3A_121 = tpu.memref_slice %arg13[%run_scoped3A_106, %dma_wait3A_120] : memref<26x128xi32, #tpu.memory_space<vmem>> -> memref<1x128xi32, #tpu.memory_space<vmem>>
        %dma_wait3A_122 = tpu.memref_squeeze %dma_wait3A_121 : memref<1x128xi32, #tpu.memory_space<vmem>> -> memref<128xi32, #tpu.memory_space<vmem>>
        %dma_wait3A_123 = arith.constant 0 : i32
        %dma_wait3A_124 = arith.constant 0 : i32
        %dma_wait3A_125 = tpu.memref_slice %arg12[%dma_wait3A_123, %dma_wait3A_124] : memref<50048x32xf32, #tpu.memory_space<vmem_shared>> -> memref<50048x32xf32, #tpu.memory_space<vmem_shared>>
        tpu.wait_indirect_dma semaphore(%run_scoped3A_107 : memref<!tpu.dma_semaphore, #tpu.memory_space<semaphore_mem>>) src(%dma_wait3A_119 : memref<128x32xf32, #tpu.memory_space<vmem>>) dst(%dma_wait3A_125 : memref<50048x32xf32, #tpu.memory_space<vmem_shared>>)
        tpu.yield
      }) : () -> ()
    } else {
    }
    %barrier3A_66 = arith.constant 0 : index
    tpu.barrier barrier_id(%barrier3A_66)
    %scan3A_67 = arith.constant 0 : i32
    %scan3A_68 = arith.constant 0 : i32
    %scan3A_69 = arith.constant 23 : i32
    %scan3A_70 = arith.addi %scan3A_68, %scan3A_69 : i32
    %scan3A_71 = arith.constant 1 : i32
    %scan3A_72 = scf.for %scan3A_74 = %scan3A_68 to %scan3A_70 step %scan3A_71 iter_args(%scan3A_75 = %scan3A_67) -> (i32)  : i32 {
      %mul3A_76 = arith.constant 3128 : i32
      %mul3A_77 = arith.muli %arg1, %mul3A_76 : i32
      %mul3A_78 = arith.constant 136 : i32
      %mul3A_79 = arith.muli %scan3A_74, %mul3A_78 : i32
      %add3A = arith.addi %mul3A_77, %mul3A_79 : i32
      %add3A_80 = arith.addi %mul3A_0, %add3A : i32
      "tpu.region"() ({
        %run_scoped3A = tpu.sem_alloc : memref<!tpu.dma_semaphore, #tpu.memory_space<semaphore_mem>>
        %dma_start3A = arith.constant 0 : i32
        %dma_start3A_82 = tpu.memref_slice %arg11[%add3A_80, %dma_start3A] : memref<100096x32xf32, #tpu.memory_space<hbm>> -> memref<136x32xf32, #tpu.memory_space<hbm>>
        %dma_start3A_83 = arith.constant 0 : i32
        %dma_start3A_84 = tpu.memref_slice %arg12[%add3A, %dma_start3A_83] : memref<50048x32xf32, #tpu.memory_space<vmem_shared>> -> memref<136x32xf32, #tpu.memory_space<vmem_shared>>
        tpu.enqueue_dma source(%dma_start3A_84 : memref<136x32xf32, #tpu.memory_space<vmem_shared>>) target(%dma_start3A_82 : memref<136x32xf32, #tpu.memory_space<hbm>>) target_semaphore(%run_scoped3A : memref<!tpu.dma_semaphore, #tpu.memory_space<semaphore_mem>>)
        %dma_wait3A = arith.constant 0 : i32
        %dma_wait3A_85 = tpu.memref_slice %arg11[%add3A_80, %dma_wait3A] : memref<100096x32xf32, #tpu.memory_space<hbm>> -> memref<136x32xf32, #tpu.memory_space<hbm>>
        %dma_wait3A_86 = arith.constant 0 : i32
        %dma_wait3A_87 = tpu.memref_slice %arg12[%add3A, %dma_wait3A_86] : memref<50048x32xf32, #tpu.memory_space<vmem_shared>> -> memref<136x32xf32, #tpu.memory_space<vmem_shared>>
        tpu.wait_dma2 semaphore(%run_scoped3A : memref<!tpu.dma_semaphore, #tpu.memory_space<semaphore_mem>>) src(%dma_wait3A_87 : memref<136x32xf32, #tpu.memory_space<vmem_shared>>) dst(%dma_wait3A_85 : memref<136x32xf32, #tpu.memory_space<hbm>>)
        tpu.yield
      }) : () -> ()
      %scan3A_81 = arith.constant 0 : i32
      scf.yield %scan3A_81 : i32
    }
    %scan3A_73 = arith.constant 23 : i32
    return
  }
}

module attributes {stable_mosaic.version = 14 : i64} {
  func.func @_proj_body(%arg0: i32, %arg1: memref<2000x64xf32, #tpu.memory_space<vmem>>, %arg2: memref<2000x1xi32, #tpu.memory_space<vmem>>, %arg3: memref<64x64xf32, #tpu.memory_space<vmem>>, %arg4: memref<1x64xf32, #tpu.memory_space<vmem>>, %arg5: memref<64x64xf32, #tpu.memory_space<vmem>>, %arg6: memref<1x64xf32, #tpu.memory_space<vmem>>, %arg7: memref<2x2000x32xf32, #tpu.memory_space<vmem>>) attributes {dimension_semantics = [#tpu.dimension_semantics<arbitrary>], iteration_bounds = array<i64: 25>, scalar_prefetch = 0 : i64, scratch_operands = 0 : i64, tpu.core_type = #tpu.core_type<tc>, window_params = [{transform_indices = @transform_0, window_bounds = array<i64: 2000, 64>}, {transform_indices = @transform_1, window_bounds = array<i64: 2000, 1>}, {pipeline_mode = #tpu.pipeline_mode<synchronous>, transform_indices = @transform_2, window_bounds = array<i64: 64, 64>}, {pipeline_mode = #tpu.pipeline_mode<synchronous>, transform_indices = @transform_3, window_bounds = array<i64: 1, 64>}, {pipeline_mode = #tpu.pipeline_mode<synchronous>, transform_indices = @transform_4, window_bounds = array<i64: 64, 64>}, {pipeline_mode = #tpu.pipeline_mode<synchronous>, transform_indices = @transform_5, window_bounds = array<i64: 1, 64>}, {transform_indices = @transform_6, window_bounds = array<i64: 2, 2000, 32>}]} {
    %get3A = arith.constant 0 : index
    %get3A_0 = arith.constant 0 : index
    %get3A_1 = vector.load %arg1[%get3A, %get3A_0] : memref<2000x64xf32, #tpu.memory_space<vmem>>, vector<2000x64xf32>
    %get3A_2 = arith.constant 0 : index
    %get3A_3 = arith.constant 0 : index
    %get3A_4 = vector.load %arg3[%get3A_2, %get3A_3] : memref<64x64xf32, #tpu.memory_space<vmem>>, vector<64x64xf32>
    %dot_general3A = arith.constant dense<0.000000e+00> : vector<2000x64xf32>
    %dot_general3A_5 = tpu.matmul %get3A_1, %get3A_4, %dot_general3A {dimension_numbers = #tpu.dot_dimension_numbers<[1], [0], [0], [1], [0, 0, 1, 1], [], []>, transpose_lhs_hint = false} : vector<2000x64xf32>, vector<64x64xf32>, vector<2000x64xf32> -> vector<2000x64xf32>
    %get3A_6 = arith.constant 0 : index
    %get3A_7 = arith.constant 0 : index
    %get3A_8 = vector.load %arg4[%get3A_6, %get3A_7] : memref<1x64xf32, #tpu.memory_space<vmem>>, vector<1x64xf32>
    %add3A = vector.broadcast %get3A_8 : vector<1x64xf32> to vector<2000x64xf32>
    %add3A_9 = arith.addf %dot_general3A_5, %add3A : vector<2000x64xf32>
    %get3A_10 = arith.constant 0 : index
    %get3A_11 = arith.constant 0 : index
    %get3A_12 = vector.load %arg2[%get3A_10, %get3A_11] : memref<2000x1xi32, #tpu.memory_space<vmem>>, vector<2000x1xi32>
    %eq3A = arith.constant 0 : i32
    %eq3A_13 = vector.broadcast %eq3A : i32 to vector<2000x1xi32>
    %eq3A_14 = arith.cmpi eq, %get3A_12, %eq3A_13 : vector<2000x1xi32>
    %jit3A = arith.constant 0.000000e+00 : f32
    %broadcast_in_dim3A = vector.shape_cast %eq3A_14 : vector<2000x1xi1> to vector<2000x1xi1>
    %broadcast_in_dim3A_15 = vector.broadcast %broadcast_in_dim3A : vector<2000x1xi1> to vector<2000x64xi1>
    %broadcast_in_dim3A_16 = vector.broadcast %jit3A : f32 to vector<2000x64xf32>
    %select_n3A = arith.select %broadcast_in_dim3A_15, %add3A_9, %broadcast_in_dim3A_16 : vector<2000x64xi1>, vector<2000x64xf32>
    %get3A_17 = arith.constant 0 : index
    %get3A_18 = arith.constant 0 : index
    %get3A_19 = vector.load %arg5[%get3A_17, %get3A_18] : memref<64x64xf32, #tpu.memory_space<vmem>>, vector<64x64xf32>
    %dot_general3A_20 = arith.constant dense<0.000000e+00> : vector<2000x64xf32>
    %dot_general3A_21 = tpu.matmul %select_n3A, %get3A_19, %dot_general3A_20 {dimension_numbers = #tpu.dot_dimension_numbers<[1], [0], [0], [1], [0, 0, 1, 1], [], []>, transpose_lhs_hint = false} : vector<2000x64xf32>, vector<64x64xf32>, vector<2000x64xf32> -> vector<2000x64xf32>
    %get3A_22 = arith.constant 0 : index
    %get3A_23 = arith.constant 0 : index
    %get3A_24 = vector.load %arg6[%get3A_22, %get3A_23] : memref<1x64xf32, #tpu.memory_space<vmem>>, vector<1x64xf32>
    %add3A_25 = vector.broadcast %get3A_24 : vector<1x64xf32> to vector<2000x64xf32>
    %add3A_26 = arith.addf %dot_general3A_21, %add3A_25 : vector<2000x64xf32>
    %slice3A = vector.extract_strided_slice %add3A_26 {offsets = [0, 0], sizes = [2000, 32], strides = [1, 1]} : vector<2000x64xf32> to vector<2000x32xf32>
    %swap3A = arith.constant 0 : index
    %swap3A_27 = arith.constant 0 : index
    %swap3A_28 = arith.constant 0 : index
    %swap3A_29 = vector.load %arg7[%swap3A, %swap3A_27, %swap3A_28] : memref<2x2000x32xf32, #tpu.memory_space<vmem>>, vector<1x2000x32xf32>
    %swap3A_30 = vector.shape_cast %swap3A_29 : vector<1x2000x32xf32> to vector<2000x32xf32>
    %swap3A_31 = vector.shape_cast %slice3A : vector<2000x32xf32> to vector<1x2000x32xf32>
    tpu.vector_store %arg7[%swap3A, %swap3A_27, %swap3A_28], %swap3A_31 {strides = array<i32>} : memref<2x2000x32xf32, #tpu.memory_space<vmem>>, vector<1x2000x32xf32>,
    %slice3A_32 = vector.extract_strided_slice %add3A_26 {offsets = [0, 32], sizes = [2000, 32], strides = [1, 1]} : vector<2000x64xf32> to vector<2000x32xf32>
    %swap3A_33 = arith.constant 1 : index
    %swap3A_34 = arith.constant 0 : index
    %swap3A_35 = arith.constant 0 : index
    %swap3A_36 = vector.load %arg7[%swap3A_33, %swap3A_34, %swap3A_35] : memref<2x2000x32xf32, #tpu.memory_space<vmem>>, vector<1x2000x32xf32>
    %swap3A_37 = vector.shape_cast %swap3A_36 : vector<1x2000x32xf32> to vector<2000x32xf32>
    %swap3A_38 = vector.shape_cast %slice3A_32 : vector<2000x32xf32> to vector<1x2000x32xf32>
    tpu.vector_store %arg7[%swap3A_33, %swap3A_34, %swap3A_35], %swap3A_38 {strides = array<i32>} : memref<2x2000x32xf32, #tpu.memory_space<vmem>>, vector<1x2000x32xf32>,
    return
  }
  func.func @transform_0(%arg0: i32) -> (i32, i32) {
    %c0_i32 = arith.constant 0 : i32
    %c0_i32_0 = arith.constant 0 : i32
    return %arg0, %c0_i32 : i32, i32
  }
  func.func @transform_1(%arg0: i32) -> (i32, i32) {
    %c0_i32 = arith.constant 0 : i32
    %c0_i32_0 = arith.constant 0 : i32
    return %arg0, %c0_i32 : i32, i32
  }
  func.func @transform_2(%arg0: i32) -> (i32, i32) {
    %c0_i32 = arith.constant 0 : i32
    %c0_i32_0 = arith.constant 0 : i32
    %c0_i32_1 = arith.constant 0 : i32
    return %c0_i32, %c0_i32_0 : i32, i32
  }
  func.func @transform_3(%arg0: i32) -> (i32, i32) {
    %c0_i32 = arith.constant 0 : i32
    %c0_i32_0 = arith.constant 0 : i32
    %c0_i32_1 = arith.constant 0 : i32
    return %c0_i32, %c0_i32_0 : i32, i32
  }
  func.func @transform_4(%arg0: i32) -> (i32, i32) {
    %c0_i32 = arith.constant 0 : i32
    %c0_i32_0 = arith.constant 0 : i32
    %c0_i32_1 = arith.constant 0 : i32
    return %c0_i32, %c0_i32_0 : i32, i32
  }
  func.func @transform_5(%arg0: i32) -> (i32, i32) {
    %c0_i32 = arith.constant 0 : i32
    %c0_i32_0 = arith.constant 0 : i32
    %c0_i32_1 = arith.constant 0 : i32
    return %c0_i32, %c0_i32_0 : i32, i32
  }
  func.func @transform_6(%arg0: i32) -> (i32, i32, i32) {
    %c0_i32 = arith.constant 0 : i32
    %c0_i32_0 = arith.constant 0 : i32
    %c0_i32_1 = arith.constant 0 : i32
    return %c0_i32, %arg0, %c0_i32_0 : i32, i32, i32
  }
}

module attributes {stable_mosaic.version = 14 : i64} {
  func.func @_ln_gelu_body(%arg0: i32, %arg1: memref<2x2000x32xf32, #tpu.memory_space<vmem>>, %arg2: memref<2000x64xf32, #tpu.memory_space<vmem>>) attributes {dimension_semantics = [#tpu.dimension_semantics<arbitrary>], iteration_bounds = array<i64: 25>, scalar_prefetch = 0 : i64, scratch_operands = 0 : i64, tpu.core_type = #tpu.core_type<tc>, window_params = [{transform_indices = @transform_0, window_bounds = array<i64: 2, 2000, 32>}, {transform_indices = @transform_1, window_bounds = array<i64: 2000, 64>}]} {
    %get3A = arith.constant 0 : index
    %get3A_0 = arith.constant 0 : index
    %get3A_1 = arith.constant 0 : index
    %get3A_2 = vector.load %arg1[%get3A, %get3A_0, %get3A_1] : memref<2x2000x32xf32, #tpu.memory_space<vmem>>, vector<1x2000x32xf32>
    %get3A_3 = vector.shape_cast %get3A_2 : vector<1x2000x32xf32> to vector<2000x32xf32>
    %get3A_4 = arith.constant 1 : index
    %get3A_5 = arith.constant 0 : index
    %get3A_6 = arith.constant 0 : index
    %get3A_7 = vector.load %arg1[%get3A_4, %get3A_5, %get3A_6] : memref<2x2000x32xf32, #tpu.memory_space<vmem>>, vector<1x2000x32xf32>
    %get3A_8 = vector.shape_cast %get3A_7 : vector<1x2000x32xf32> to vector<2000x32xf32>
    %concatenate3A = tpu.concatenate %get3A_3, %get3A_8 in 1 : vector<2000x32xf32>, vector<2000x32xf32> -> vector<2000x64xf32>
    %reduce_sum3A = arith.constant dense<0.000000e+00> : vector<2000xf32>
    %reduce_sum3A_9 = vector.multi_reduction <add>, %concatenate3A, %reduce_sum3A [1] : vector<2000x64xf32> to vector<2000xf32>
    %broadcast_in_dim3A = vector.shape_cast %reduce_sum3A_9 : vector<2000xf32> to vector<2000x1xf32>
    %div3A = arith.constant 6.400000e+01 : f32
    %div3A_10 = vector.broadcast %div3A : f32 to vector<2000x1xf32>
    %div3A_11 = arith.divf %broadcast_in_dim3A, %div3A_10 : vector<2000x1xf32>
    %sub3A = vector.broadcast %div3A_11 : vector<2000x1xf32> to vector<2000x64xf32>
    %sub3A_12 = arith.subf %concatenate3A, %sub3A : vector<2000x64xf32>
    %integer_pow3A = arith.mulf %sub3A_12, %sub3A_12 : vector<2000x64xf32>
    %reduce_sum3A_13 = arith.constant dense<0.000000e+00> : vector<2000xf32>
    %reduce_sum3A_14 = vector.multi_reduction <add>, %integer_pow3A, %reduce_sum3A_13 [1] : vector<2000x64xf32> to vector<2000xf32>
    %broadcast_in_dim3A_15 = vector.shape_cast %reduce_sum3A_14 : vector<2000xf32> to vector<2000x1xf32>
    %div3A_16 = arith.constant 6.400000e+01 : f32
    %div3A_17 = vector.broadcast %div3A_16 : f32 to vector<2000x1xf32>
    %div3A_18 = arith.divf %broadcast_in_dim3A_15, %div3A_17 : vector<2000x1xf32>
    %sub3A_19 = vector.broadcast %div3A_11 : vector<2000x1xf32> to vector<2000x64xf32>
    %sub3A_20 = arith.subf %concatenate3A, %sub3A_19 : vector<2000x64xf32>
    %add3A = arith.constant 9.99999974E-6 : f32
    %add3A_21 = vector.broadcast %add3A : f32 to vector<2000x1xf32>
    %add3A_22 = arith.addf %div3A_18, %add3A_21 : vector<2000x1xf32>
    %sqrt3A = math.sqrt %add3A_22 : vector<2000x1xf32>
    %div3A_23 = vector.broadcast %sqrt3A : vector<2000x1xf32> to vector<2000x64xf32>
    %div3A_24 = arith.divf %sub3A_20, %div3A_23 : vector<2000x64xf32>
    %mul3A = arith.constant 5.000000e-01 : f32
    %mul3A_25 = vector.broadcast %mul3A : f32 to vector<2000x64xf32>
    %mul3A_26 = arith.mulf %mul3A_25, %div3A_24 : vector<2000x64xf32>
    %mul3A_27 = arith.constant 0.707106769 : f32
    %mul3A_28 = vector.broadcast %mul3A_27 : f32 to vector<2000x64xf32>
    %mul3A_29 = arith.mulf %div3A_24, %mul3A_28 : vector<2000x64xf32>
    %erf3A = math.erf %mul3A_29 : vector<2000x64xf32>
    %add3A_30 = arith.constant 1.000000e+00 : f32
    %add3A_31 = vector.broadcast %add3A_30 : f32 to vector<2000x64xf32>
    %add3A_32 = arith.addf %add3A_31, %erf3A : vector<2000x64xf32>
    %mul3A_33 = arith.mulf %mul3A_26, %add3A_32 : vector<2000x64xf32>
    %swap3A = arith.constant 0 : index
    %swap3A_34 = arith.constant 0 : index
    %swap3A_35 = vector.load %arg2[%swap3A, %swap3A_34] : memref<2000x64xf32, #tpu.memory_space<vmem>>, vector<2000x64xf32>
    tpu.vector_store %arg2[%swap3A, %swap3A_34], %mul3A_33 {strides = array<i32>} : memref<2000x64xf32, #tpu.memory_space<vmem>>, vector<2000x64xf32>,
    return
  }
  func.func @transform_0(%arg0: i32) -> (i32, i32, i32) {
    %c0_i32 = arith.constant 0 : i32
    %c0_i32_0 = arith.constant 0 : i32
    %c0_i32_1 = arith.constant 0 : i32
    return %c0_i32, %arg0, %c0_i32_0 : i32, i32, i32
  }
  func.func @transform_1(%arg0: i32) -> (i32, i32) {
    %c0_i32 = arith.constant 0 : i32
    %c0_i32_0 = arith.constant 0 : i32
    return %arg0, %c0_i32 : i32, i32
  }
}

</mosaic_0001>

<sc_bundles>
// kernel: kernel.5.cloned.1.call-start
scs
__scs_entry_jumppad:
0x0: {  	(pc) =	sbr.rel $0x88, $3  }
0x1: {  	(tag) =	ssettag $0x0;
	lr =	simm.s32 $0x1  }
0x2: {  	[smem:$0x3F8D] =	sst lr;
	_ =	strace $0xD0000000  }
0x3: {  	_ = 	snop  }
0x4: {  	_ = 	snop  }
0x5: {  	_ = 	snop  }
0x6: {  	_ = 	snop  }
0x7: {  	_ = 	snop  }
__scs_overlays_trampoline_lowered:
0x8: {  	[smem:$0x3F9C] =	sst s0  }
0x9: {  	[smem:$0x3F9D] =	sst s1  }
0xa: {  	[smem:$0x3F9E] =	sst s2  }
0xb: {  	[smem:$0x3F9F] =	sst s3  }
0xc: {  	[smem:$0x3FA0] =	sst s4  }
0xd: {  	[smem:$0x3FA1] =	sst s5  }
0xe: {  	[smem:$0x3FA2] =	sst s6  }
0xf: {  	[smem:$0x3FA3] =	sst s7  }
0x10: {  	[smem:$0x3FA4] =	sst s8  }
0x11: {  	[smem:$0x3FA5] =	sst s9;
	s0 =	simm.s32 @!p0 $0x0  }
0x12: {  	s1 =	sld [smem:$0x3F8B];
	s0 =	simm.s32 @p0 $0x1  }
0x13: {  	[smem:$0x3FA6] =	sst s0;
	s0 =	simm.s32 @!p1 $0x0  }
0x14: {  	s2 =	sld [smem:$0x3F8A];
	s0 =	simm.s32 @p1 $0x1  }
0x15: {  	[smem:$0x3FA7] =	sst s0;
	s0 =	simm.s32 @!p2 $0x0  }
0x16: {  	s3 =	sld [smem:$0x3FDB];
	s0 =	simm.s32 @p2 $0x1  }
0x17: {  	s4 =	simm.s32 $0x1BF5;
	[smem:$0x3FA9] =	sst s0  }
0x18: {  	s0 =	sld [smem:$0x3F8C];
	_ =	swait.ge [sflag:s4], $0x0  }
0x19: {  	s7 =	sld [smem:$0x3F8D]  }
0x1a: {  	s8 =	sadd.s32 $0xFFFFE003, lr  }
0x1b: {  	s9 =	sadd.s32 $0xFFFFFEF7, lr;
	s5 =	simm.s32 $0xFFFFFFFF;
	p2 =	slt.u32 s8, $0xFFFFF086  }
0x1c: {  	p1 =	slt.u32 s9, $0xF7A;
	s5 =	simm.s32 @!p2 $0x0  }
0x1d: {  	s5 =	simm.s32 @p1 $0x1;
	p0 =	seq.s32 s7, s2  }
0x1e: {  	s7 =	smul.u32 @!p0 $0xF7A, s2;
	p2 =	seq.s32 @!p0 s5, $0x0  }
0x1f: {  	s9 =	smul.u32 $0xF7A, s1;
	s8 =	simm.s32 @!p0 $0x1BF5;
	p2 =	por !p2, p0  }
0x20: {  	[sflag:s8] =	ssyncset.s32 @!p0 $0xFFFFF086;
	s6 =	sadd.s32 @!p0 s3, s7;
	s7 =	simm.s32 @!p0 $0x108  }
0x21: {  	s3 =	sadd.s32 s3, s9;
	s6 =	sadd.s32 @!p0 $0x88, s6;
	s7 =	simm.s32 @p2 $0x1082  }
0x22: {  	[simem:s7], [sflag:s8] =	dma.local @!p0 [hbm:s6], $0xF7A  }
0x23: {  	s9 =	sor.u32 $0xD0000000, s2;
	s6 =	simm.s32 $0x108;
	_ =	swait.ge @!p0 [sflag:s8], $0x0  }
0x24: {  	s3 =	sadd.s32 $0x88, s3;
	s6 =	simm.s32 @!p1 $0x1082;
	[sflag:s4] =	ssyncset.s32 $0xFFFFF086  }
0x25: {  	[simem:s6], [sflag:s4] =	dma.local [hbm:s3], $0xF7A  }
0x26: {  	[smem:$0x3F8D] =	sst s1;
	(tag) =	ssettag s2;
	_ =	strace s9  }
0x27: {  	s1 =	sld [smem:$0x3F9D]  }
0x28: {  	s2 =	sld [smem:$0x3F9E]  }
0x29: {  	s4 =	sld [smem:$0x3FA0]  }
0x2a: {  	p0 =	seq.s32 s5, $0x0;
	s5 =	sld [smem:$0x3FA1]  }
0x2b: {  	s6 =	sld [smem:$0x3FA2]  }
0x2c: {  	s7 =	sld [smem:$0x3FA3]  }
0x2d: {  	s3 =	simm.s32 $0x108;
	s8 =	sld [smem:$0x3FA4]  }
0x2e: {  	s3 =	simm.s32 @!p0 $0x1082;
	s9 =	sld [smem:$0x3FA5]  }
0x2f: {  	lr =	sadd.s32 s0, s3;
	s0 =	sld [smem:$0x3F9C]  }
0x30: {  	s3 =	sld [smem:$0x3F9F]  }
0x31: {  	[smem:$0x3FA8] =	sst s10  }
0x32: {  	s10 =	sld [smem:$0x3FA6];
	_ =	sdelay $0x3  }
0x33: {  	p0 =	seq.s32 s10, $0x1;
	s10 =	sld [smem:$0x3FA8];
	_ =	sdelay $0x3  }
0x34: {  	[smem:$0x3FA8] =	sst s10  }
0x35: {  	s10 =	sld [smem:$0x3FA7];
	_ =	sdelay $0x3  }
0x36: {  	p1 =	seq.s32 s10, $0x1;
	s10 =	sld [smem:$0x3FA8];
	_ =	sdelay $0x3  }
0x37: {  	[smem:$0x3FA8] =	sst s10  }
0x38: {  	s10 =	sld [smem:$0x3FA9]  }
0x39: {  	_ = 	snop;
	(pc) =	sbr.ind lr, $3  }
0x3a: {  	_ = 	snop  }
0x3b: {  	_ = 	snop  }
0x3c: {  	p2 =	seq.s32 s10, $0x1;
	s10 =	sld [smem:$0x3FA8]  }
0x3d: {  	_ =	shalt  }
0x3e: {  	_ =	shalt  }
0x3f: {  	_ =	shalt  }
0x40: {  	_ =	shalt  }
0x41: {  	_ =	shalt  }
0x42: {  	_ =	shalt  }
0x43: {  	_ =	shalt  }
0x44: {  	_ =	shalt  }
0x45: {  	_ =	shalt  }
0x46: {  	_ =	shalt  }
0x47: {  	_ =	shalt  }
0x48: {  	_ =	shalt  }
0x49: {  	_ =	shalt  }
0x4a: {  	_ =	shalt  }
0x4b: {  	_ =	shalt  }
0x4c: {  	_ =	shalt  }
0x4d: {  	_ =	shalt  }
0x4e: {  	_ =	shalt  }
0x4f: {  	_ =	shalt  }
0x50: {  	_ =	shalt  }
0x51: {  	_ =	shalt  }
0x52: {  	_ =	shalt  }
0x53: {  	_ =	shalt  }
0x54: {  	_ =	shalt  }
0x55: {  	_ =	shalt  }
0x56: {  	_ =	shalt  }
0x57: {  	_ =	shalt  }
0x58: {  	_ =	shalt  }
0x59: {  	_ =	shalt  }
0x5a: {  	_ =	shalt  }
0x5b: {  	_ =	shalt  }
0x5c: {  	_ =	shalt  }
0x5d: {  	_ =	shalt  }
0x5e: {  	_ =	shalt  }
0x5f: {  	_ =	shalt  }
0x60: {  	_ =	shalt  }
0x61: {  	_ =	shalt  }
0x62: {  	_ =	shalt  }
0x63: {  	_ =	shalt  }
0x64: {  	_ =	shalt  }
0x65: {  	_ =	shalt  }
0x66: {  	_ =	shalt  }
0x67: {  	_ =	shalt  }
0x68: {  	_ =	shalt  }
0x69: {  	_ =	shalt  }
0x6a: {  	_ =	shalt  }
0x6b: {  	_ =	shalt  }
0x6c: {  	_ =	shalt  }
0x6d: {  	_ =	shalt  }
0x6e: {  	_ =	shalt  }
0x6f: {  	_ =	shalt  }
0x70: {  	_ =	shalt  }
0x71: {  	_ =	shalt  }
0x72: {  	_ =	shalt  }
0x73: {  	_ =	shalt  }
0x74: {  	_ =	shalt  }
0x75: {  	_ =	shalt  }
0x76: {  	_ =	shalt  }
0x77: {  	_ =	shalt  }
0x78: {  	_ =	shalt  }
0x79: {  	_ =	shalt  }
0x7a: {  	_ =	shalt  }
0x7b: {  	_ =	shalt  }
0x7c: {  	_ =	shalt  }
0x7d: {  	_ =	shalt  }
0x7e: {  	_ =	shalt  }
0x7f: {  	_ =	shalt  }
0x80: {  	_ =	shalt  }
0x81: {  	_ =	shalt  }
0x82: {  	_ =	shalt  }
0x83: {  	_ =	shalt  }
0x84: {  	_ =	shalt  }
0x85: {  	_ =	shalt  }
0x86: {  	_ =	shalt  }
0x87: {  	_ =	shalt  }
.Lfunc_end0:
.L_simem_size_0:
called_computation_lowered:
.L_overlay_start_0:
0x88: {  	s2 =	sld [smem:$0x3FD9]  }
0x89: {  	s3 =	sld [smem:$0x3FFE];
	_ =	sdelay $0x1  }
0x8a: {  	s1 =	srdreg.scid  }
0x8b: {  	s0 =	sand.u32 $0x1, s1  }
0x8c: {  	s17 =	sshll.u32 s0, $0xA;
	s2 =	sadd.s32 s3, s2  }
0x8d: {  	s2 =	sadd.s32 s2, s17  }
0x8e: {  	[smem:$0x3FB4] =	sst s2  }
0x8f: {  	_ = 	snop  }
0x90: {  	s2 =	sld [smem:$0x3FD0];
	(tm) =	ssettm $0x1  }
0x91: {  	s18 =	sld [smem:$0x3FFB];
	_ =	sdelay $0x3  }
0x92: {  	_ =	strace s18  }
0x93: {  	s3 =	sld [smem:$0x3FFC];
	_ =	sdelay $0x3  }
0x94: {  	_ =	strace s3  }
0x95: {  	s3 =	sld [smem:$0x3FFD];
	_ =	sdelay $0x3  }
0x96: {  	_ =	strace s3  }
0x97: {  	_ =	strace $0x8FFFFFFF  }
0x98: {  	s19 =	sld [smem:$0x3FDB];
	_ =	sdelay $0x1  }
0x99: {  	s4 =	simm.s32 $_scs_section_size  }
0x9a: {  	s5 =	simm.s32 $_size__tile_overlayer_lowered;
	s6 =	simm.s32 $_tile_overlayer_lowered  }
0x9b: {  	s22 =	simm.s32 $0x1BFF;
	s21 =	sshll.u32 s6, $0x1;
	s3 =	sadd.s32 s4, s19  }
0x9c: {  	s7 =	simm.s32 $0x0;
	s20 =	sshll.u32 s5, $0x1;
	s5 =	sadd.s32 s21, s3  }
0x9d: {  	[timem:s7], [sflag:s22] =	dma.local [hbm:s5], s20  }
0x9e: {  	_ =	swait.ge [sflag:s22], s20  }
0x9f: {  	s4 =	ssub.s32 $0x0, s20;
	[sflag:s22] =	ssyncset.done $0x0  }
0xa0: {  	[sflag:s22] =	ssyncadd.s32 s4;
	_ =	sdelay $0x1  }
0xa1: {  	s23 =	simm.s32 $0x1B8B  }
0xa2: {  	_ =	swait.ge [sflag:s23], $0x1  }
0xa3: {  	[sflag:s23] =	ssyncset.done $0x0  }
0xa4: {  	s25 =	simm.s32 $0x1B8E;
	s24 =	sld [smem:$0x3FFE];
	[sflag:s23] =	ssyncadd.s32 $0xFFFFFFFF  }
0xa5: {  	s26 =	simm.s32 $execute0_lowered;
	[smem:$0x3FD2] =	sst s25  }
0xa6: {  	s5 =	sshll.u32 s26, $0x1;
	_ =	strace $0x80000046;
	[dreg:$0x1] =	wrdreg $0xFFFFFFFF  }
0xa7: {  	s28 =	simm.s32 $_size_execute0_lowered;
	s3 =	sadd.s32 s3, s5;
	[dreg:$0x0] =	wrdreg $0x0  }
0xa8: {  	s5 =	sshll.u32 s28, $0x1;
	[dreg:$0x2] =	wrdreg s3  }
0xa9: {  	[dreg:$0x3] =	wrdreg s5  }
0xaa: {  	[dreg:$0x4] =	wrdreg $0xC0  }
0xab: {  	_ =	task [dreg:s7], $0x5FFFF  }
0xac: {  	[dreg:$0x1] =	wrdreg $0xFFFFFFFF  }
0xad: {  	[dreg:$0x0] =	wrdreg $0x60  }
0xae: {  	[dreg:$0x2] =	wrdreg s2  }
0xaf: {  	[dreg:$0x3] =	wrdreg s24  }
0xb0: {  	[dreg:$0x4] =	wrdreg $0x0  }
0xb1: {  	[dreg:$0x5] =	wrdreg $0x9  }
0xb2: {  	_ =	task.clear_ibuf [dreg:s7], $0x6FFFF;
	_ =	strace $0x90000046  }
0xb3: {  	s29 =	simm.s32 $0x9;
	_ =	strace $0x80000048  }
0xb4: {  	_ =	swait.ge [sflag:s29], $0x1  }
0xb5: {  	[sflag:s29] =	ssyncadd.s32 $0xFFFFFFFF  }
0xb6: {  	_ =	strace $0x90000048  }
0xb7: {  	_ =	sfence  }
0xb8: {  	s30 =	sld [smem:$0x0];
	_ =	sdelay $0x2  }
0xb9: {  	s31 =	sshll.u32 s1, $0xD;
	s1 =	sshrl.u32 s1, $0x2  }
0xba: {  	s3 =	sand.u32 $0x4000, s31;
	s1 =	sadd.s32 s1, s30  }
0xbb: {  	s0 =	sor.u32 s3, s0;
	s1 =	sshll.u32 s1, $0x11  }
0xbc: {  	s0 =	sor.u32 s1, s0  }
0xbd: {  	s0 =	sadd.s32 $0x8F2B, s0  }
0xbe: {  	[sflag:s0] =	ssyncadd.remote.s32 $0x1  }
0xbf: {  	_ =	sfence.sel $0xFFFF  }
0xc0: {  	[dreg:$0x0] =	wrdreg $0xFFFFFFFF;
	(pc) =	sbr.abs _section_cstart, $3  }
0xc1: {  	[dreg:$0x1] =	wrdreg $0xFFFFFFFF  }
0xc2: {  	_ =	task.clear_ibuf [dreg:s7], $0x2FFFF;
	_ =	strace $0x9FFFFFFF  }
0xc3: {  	(tm) =	ssettm $0x7FFFFFFF  }
tec
execute0_lowered:
.L_overlay_start_1:
0x0: {  	(tag) =	ssettag $0x1  }
0x1: {  	s0 =	rddreg [dreg:$0x0]  }
0x2: {  	s2 =	rddreg [dreg:$0x1]  }
0x3: {  	s1 =	rddreg [dreg:$0x2];
	s7 =	simm.s32 $0x0  }
0x4: {  	s3 =	srdreg.scid;
	s12 =	stileid.u32;
	s29 =	simm.s32 $0x1EE00  }
0x5: {  	s30 =	simm.s32 $0x4;
	[smem:$0x7FF] =	sst s7;
	s5 =	sadd.s32 $0x6200, s2  }
0x6: {  	s13 =	sadd.s32 $0xB18A0, s2;
	_ =	strace $0x80000047;
	[dreg:$0xb] =	wrdreg s5  }
0x7: {  	s31 =	simm.s32 $0x19400;
	s25 =	sadd.s32 $0xE26A0, s2;
	[dreg:$0xc] =	wrdreg s13  }
0x8: {  	s28 =	simm.s32 $0x19500;
	s8 =	sadd.s32 $0xCA000, s2;
	[dreg:$0x10] =	wrdreg s25  }
0x9: {  	s21 =	sadd.s32 $0x99200, s2;
	s9 =	sadd.s32 $0x6400, s2;
	[dreg:$0x7] =	wrdreg s8  }
0xa: {  	s26 =	sadd.s32 $0x37000, s2;
	s10 =	sadd.s32 $0xFAE00, s2;
	[dreg:$0x8] =	wrdreg s9  }
0xb: {  	s14 =	sadd.s32 $0x80600, s2;
	s11 =	smul.u32 $0x186, s12;
	[dreg:$0x9] =	wrdreg s10  }
0xc: {  	s3 =	sand.u32 $0x1, s3;
	s24 =	smul.u32 $0x61C00, s12;
	[dreg:$0xa] =	wrdreg s14  }
0xd: {  	s20 =	sshll.u32 s12, $0x4;
	s4 =	smul.u32 $0x30E00, s3;
	[dreg:$0x5] =	wrdreg s21  }
0xe: {  	s15 =	smul.u32 $0x30E0, s12;
	s3 =	ssub.s32 $0x2, s3;
	[dreg:$0x6] =	wrdreg s26  }
0xf: {  	s6 =	sshrl.u32 s3, $0x1;
	s19 =	sadd.s32 s4, s2;
	s2 =	sadd.s32 $0x1134A0, s2  }
0x10: {  	s3 =	ssub.s32 s3, s6;
	s6 =	sor.u32 $0x18600, s20;
	[dreg:$0x13] =	wrdreg s2  }
0x11: {  	p0 =	sgt.u32 s12, $0x9;
	s22 =	sadd.s32 s21, s6;
	[dreg:$0xd] =	wrdreg s6  }
0x12: {  	s13 =	sadd.s32 s0, s4;
	s23 =	sadd.s32 s26, s6;
	[dreg:$0xe] =	wrdreg s22  }
0x13: {  	s0 =	sshrl.u32 s24, $0x2;
	s8 =	sadd.s32 s8, s6;
	[dreg:$0xf] =	wrdreg s23  }
0x14: {  	s18 =	sadd.s32 $0x12BC00, s19;
	s16 =	sadd.s32 s9, s6;
	[dreg:$0x11] =	wrdreg s8  }
0x15: {  	v0 =	vimm.f32 $0.0e+00;
	v1 =	vimm.s32 $0x0;
	s17 =	smax.u32 s3, $0x1;
	s19 =	sadd.s32 s15, s19;
	[dreg:$0x12] =	wrdreg s16  }
0x16: {  	v2 =	vimm.s32 $0x1;
	v3 =	vimm.s32 $0x2;
	v4 =	vimm.s32 $0x3;
	s20 =	sadd.s32 s10, s6;
	s10 =	simm.s32 $0x2;
	[dreg:$0x14] =	wrdreg s17  }
0x17: {  	v5 =	vimm.s32 $0x4;
	v6 =	vimm.s32 $0x5;
	v7 =	vimm.s32 $0x6;
	s23 =	sadd.s32 s0, s1;
	s24 =	sadd.s32 s15, s18;
	s25 =	sadd.s32 $0x18D800, s19  }
0x18: {  	v8 =	vimm.s32 $0x7;
	v9 =	vimm.s32 $0x8;
	v10 =	vimm.s32 $0x9;
	[dreg:$0x15] =	wrdreg s20;
	s22 =	sadd.s32 s14, s6;
	s0 =	simm.s32 $0x18700  }
0x19: {  	v11 =	vimm.s32 $0xA;
	v12 =	vimm.s32 $0xB;
	v13 =	vimm.s32 $0xC;
	s15 =	simm.s32 $0x1;
	s16 =	simm.s32 $0x80;
	s19 =	simm.s32 $0x1AE00  }
0x1a: {  	v14 =	vimm.s32 $0xD;
	v15 =	vimm.s32 $0xE;
	v16 =	vimm.s32 $0xF;
	s8 =	simm.s32 $0x1CE00;
	[dreg:$0x16] =	wrdreg s22;
	s22 =	simm.s32 $0x3  }
.LBB2_1:
0x1b: {  	s2 =	simm.s32 $0x0  }
.LBB2_2:
0x1c: {  	p1 =	sne.s32 s2, $0x4380  }
.Ltmp0:
0x1d: {  	_ = 	snop;
	(pc) =	sbr.rel @p1 .LBB2_2-.Ltmp0, $4  }
0x1e: {  	_ = 	snop  }
0x1f: {  	s3 =	sshra.s32 s2, $0x2  }
0x20: {  	[tilespmem:s3+$0x1EE00] =	vst v0  }
0x21: {  	s2 =	sadd.s32 $0x80, s2;
	[tilespmem:s3+$0x1EE10] =	vst v0  }
0x22: {  	[dreg:$0x4] =	wrdreg s7;
	s2 =	sadd.s32 $0x0, s23  }
0x23: {  	[spmem:s2] =	stream.linear.scatter [tilespmem:s29], [sflag:$0x4], $0x1100, $0x38;
	[tilespmem:$0x1FF10] =	vst v63  }
0x24: {  	s2 =	simm.s32 $0x4400;
	_ =	swait.ge [sflag:s30], $0x1100  }
.LBB2_4:
0x25: {  	s3 =	sshra.s32 s2, $0x2;
	[sflag:s30] =	ssyncset.done $0x0;
	p1 =	sne.s32 s2, $0x5D800  }
.Ltmp1:
0x26: {  	s3 =	sadd.s32 s3, s23;
	[sflag:s30] =	ssyncadd.s32 $0xFFFFEF00;
	(pc) =	sbr.rel @p1 .LBB2_4-.Ltmp1, $3  }
0x27: {  	[spmem:s3] =	stream.linear.scatter [tilespmem:s29], [sflag:$0x4], $0x1100, $0x38;
	[tilespmem:$0x1FF10] =	vst v63  }
0x28: {  	s2 =	sadd.s32 $0x4400, s2;
	_ =	sdelay $0x1  }
0x29: {  	_ =	swait.ge [sflag:s30], $0x1100  }
0x2a: {  	[sflag:s30] =	ssyncset.done $0x0;
	s2 =	simm.s32 $0x0  }
0x2b: {  	s3 =	rddreg [dreg:$0xb];
	s4 =	simm.s32 $0x1FF00;
	[sflag:s30] =	ssyncadd.s32 $0xFFFFEF00  }
0x2c: {  	[tilespmem:s4], [sflag:$0x4] =	stream.linear.gather [hbm4b:s3+s2], $0x10, $0x38;
	[tilespmem:$0x1FF10] =	vst v63  }
0x2d: {  	_ =	swait.ge [sflag:s30], $0x10  }
0x2e: {  	[sflag:s30] =	ssyncset.done $0x0  }
0x2f: {  	[sflag:s30] =	ssyncadd.s32 $0xFFFFFFF0  }
0x30: {  	v17 =	vld [tilespmem:$0x1FF00];
	_ =	sdelay $0x4  }
0x31: {  	s3 =	simm.s32 $0x0;
	[bflag:$0x0] =	sbarrier.arrive $0xFFFF;
	v18 =	vperm.xlane v17, v1;
	v17 =	vperm.xlane v17, v2  }
.LBB2_6:
0x32: {  	s4 =	smul.u32 $0x1A, s3;
	_ =	sdelay $0x1  }
0x33: {  	s4 =	sadd.s32 s11, s4  }
0x34: {  	s4 =	sshll.u32 s4, $0x4  }
0x35: {  	s14 =	rddreg [dreg:$0xc];
	s5 =	sadd.s32 s21, s4  }
0x36: {  	[tilespmem:s0], [sflag:$0x1] =	stream.linear.gather [hbm4b:s5+s2], $0xD00, $0x38;
	[tilespmem:$0x1FF10] =	vst v63  }
0x37: {  	s5 =	sadd.s32 s4, s14  }
0x38: {  	[tilespmem:s31], [sflag:$0x1] =	stream.linear.gather [hbm4b:s5+s2], $0xD00, $0x38;
	[tilespmem:$0x1FF10] =	vst v63  }
0x39: {  	s17 =	sadd.s32 s26, s4;
	s4 =	simm.s32 $0x1A100  }
0x3a: {  	[tilespmem:s4], [sflag:$0x1] =	stream.linear.gather [hbm4b:s17+s2], $0xD00, $0x38;
	[tilespmem:$0x1FF10] =	vst v63  }
0x3b: {  	_ =	swait.ge [sflag:s15], $0xD00  }
0x3c: {  	[sflag:s15] =	ssyncset.done $0x0  }
0x3d: {  	[sflag:s15] =	ssyncadd.s32 $0xFFFFF300  }
0x3e: {  	_ =	swait.ge [sflag:s15], $0xD00  }
0x3f: {  	[sflag:s15] =	ssyncset.done $0x0  }
0x40: {  	[sflag:s15] =	ssyncadd.s32 $0xFFFFF300  }
0x41: {  	_ =	swait.ge [sflag:s15], $0xD00  }
0x42: {  	[sflag:s15] =	ssyncset.done $0x0  }
0x43: {  	[sflag:s15] =	ssyncadd.s32 $0xFFFFF300  }
0x44: {  	[tilespmem:s19], [sflag:$0x2] =	stream.indirect.gather [hbm4b:s13+s16], $0x20, s31, s16, $0xb8;
	[tilespmem:$0x1FF10] =	vst v63  }
0x45: {  	s20 =	simm.s32 $0x19480;
	s6 =	simm.s32 $0x1BE00  }
0x46: {  	[tilespmem:s6], [sflag:$0x2] =	stream.indirect.gather [hbm4b:s13+s16], $0x20, s20, s16, $0xb8;
	[tilespmem:$0x1FF10] =	vst v63  }
0x47: {  	s5 =	simm.s32 $0x0;
	s6 =	simm.s32 $0x0  }
0x48: {  	[tilespmem:s8], [sflag:$0x2] =	stream.indirect.gather [hbm4b:s13+s16], $0x20, s28, s16, $0xb8;
	[tilespmem:$0x1FF10] =	vst v63  }
.LBB2_7:
0x49: {  	p1 =	sgt.u32 s6, $0x16  }
0x4a: {  	p2 =	seq.s32 @!p1 s6, $0x0  }
0x4b: {  	p2 =	por p2, p1  }
0x4c: {  	s7 =	simm.s32 @!p2 $0x3  }
0x4d: {  	s9 =	sadd.s32 $0x3, s6;
	_ =	swait.ge @!p2 [sflag:s7], $0x1000  }
0x4e: {  	s12 =	sshll.u32 @!p1 s9, $0xC;
	s9 =	sshll.u32 @!p1 s9, $0x7;
	[sflag:s7] =	ssyncset.done @!p2 $0x0  }
0x4f: {  	s9 =	sand.u32 @!p1 $0x3FFFFF80, s9;
	[sflag:s7] =	ssyncadd.s32 @!p2 $0xFFFFF000;
	s7 =	sand.u32 @!p1 $0x3000, s12  }
0x50: {  	s9 =	sadd.s32 @!p1 $0x19400, s9;
	s12 =	simm.s32 @!p1 $0x80;
	s7 =	sadd.s32 @!p1 $0x1AE00, s7  }
0x51: {  	[tilespmem:s7], [sflag:$0x2] =	stream.indirect.gather @!p1 [hbm4b:s13+s12], $0x20, s9, s12, $0xb8;
	[tilespmem:$0x1FF10] =	vst v63  }
0x52: {  	s14 =	sand.u32 $0x3, s5;
	_ =	swait.ge [sflag:s10], $0x1000  }
0x53: {  	s7 =	sshll.u32 s14, $0xC;
	[sflag:s10] =	ssyncset.done $0x0  }
0x54: {  	s7 =	sadd.s32 $0x1AF00, s7;
	[sflag:s10] =	ssyncadd.s32 $0xFFFFF000  }
0x55: {  	v25 =	vld [tilespmem:s7+$0xFFFFFFA0]  }
0x56: {  	v22 =	vld [tilespmem:s7+$0xFFFFFFF0]  }
0x57: {  	v19 =	vld [tilespmem:s7+$0xFFFFFF60]  }
0x58: {  	v23 =	vmov s4;
	v26 =	vld [tilespmem:s7+$0xFFFFFFD0]  }
0x59: {  	v27 =	vld [tilespmem:s7+$0x80]  }
0x5a: {  	v30 =	vld [tilespmem:s7+$0xFFFFFF10]  }
0x5b: {  	v34 =	vld [tilespmem:s7+$0xE0]  }
0x5c: {  	s17 =	simm.s32 $0x0;
	v29 =	vld [tilespmem:s7+$0xFFFFFF40]  }
0x5d: {  	v20 =	vld.idx.msk [tilespmem:v23+s17+$0x0 ss:$0x1], $0xffff  }
0x5e: {  	v21 =	vld [tilespmem:s7+$0xFFFFFF90]  }
0x5f: {  	v28 =	vld [tilespmem:s7+$0xFFFFFFC0]  }
0x60: {  	v31 =	vld [tilespmem:s7+$0xFFFFFF00]  }
0x61: {  	v32 =	vld [tilespmem:s7+$0xD0]  }
0x62: {  	v41 =	vld [tilespmem:s7+$0xC0]  }
0x63: {  	v39 =	vld [tilespmem:s7+$0x90];
	v37 =	vperm.xlane v20, v1;
	v24 =	vperm.xlane v20, v16  }
0x64: {  	s20 =	sshll.u32 s6, $0xC;
	v40 =	vld [tilespmem:s7+$0xFFFFFF50];
	v38 =	vperm.xlane v20, v3;
	v35 =	vperm.xlane v20, v15  }
0x65: {  	s9 =	sand.u32 $0x3000, s20;
	s12 =	sshll.u32 s6, $0x9;
	v36 =	vld [tilespmem:s7+$0xB0];
	v33 =	vperm.xlane v20, v13;
	v43 =	vmul.f32 v31, v37  }
0x66: {  	s14 =	simm.s32 $0x40;
	s9 =	sadd.s32 $0x1AE00, s9;
	s17 =	smov.u32 s7;
	v31 =	vperm.xlane v20, v14;
	v42 =	vmul.f32 v29, v38;
	v29 =	vld [tilespmem:s7+$0x60]  }
.LBB2_8:
0x67: {  	p1 =	sne.s32 s14, $0x1C0  }
0x68: {  	[tilespmem:s7+$0xFFFFFF00] =	vst v43;
	v43 =	vld [tilespmem:s7+$0xFFFFFFB0];
	v41 =	vmul.f32 v41, v35;
	v34 =	vmul.f32 v34, v24;
	s17 =	sadd.s32 $0x200, s17;
	s20 =	smov.u32 s14;
	s14 =	sadd.s32 $0x40, s14  }
0x69: {  	[tilespmem:s7+$0xFFFFFF40] =	vst v42;
	v42 =	vperm.xlane v20, v11;
	v39 =	vmul.f32 v39, v33;
	v44 =	vld [tilespmem:s7+$0xA0]  }
0x6a: {  	v30 =	vmul.f32 v30, v37;
	v37 =	vmul.f32 v40, v38;
	v38 =	vld [tilespmem:s7+$0x70];
	[tilespmem:s7+$0xE0] =	vst v34  }
0x6b: {  	v34 =	vperm.xlane v20, v6;
	v40 =	vld [tilespmem:s7+$0xFFFFFFE0];
	v36 =	vmul.f32 v36, v31;
	[tilespmem:s7+$0xC0] =	vst v41  }
0x6c: {  	v32 =	vmul.f32 v32, v35;
	[tilespmem:s7+$0xFFFFFF10] =	vst v30;
	v30 =	vperm.xlane v20, v7;
	v41 =	vld [tilespmem:s7+$0x40]  }
0x6d: {  	v45 =	vperm.xlane v20, v12;
	v25 =	vmul.f32 v25, v34;
	v35 =	vld [tilespmem:s7+$0xFFFFFF20];
	[tilespmem:s7+$0x90] =	vst v39  }
0x6e: {  	[tilespmem:s7+$0xFFFFFF50] =	vst v37;
	v37 =	vperm.xlane v20, v10;
	v39 =	vld [tilespmem:s7+$0x20];
	v31 =	vmul.f32 v44, v31  }
0x6f: {  	v34 =	vmul.f32 v43, v34;
	v43 =	vld [tilespmem:s7+$0x50];
	v38 =	vmul.f32 v38, v45;
	[tilespmem:s7+$0xD0] =	vst v32  }
0x70: {  	v27 =	vmul.f32 v27, v33;
	v32 =	vperm.xlane v20, v8;
	v44 =	vld [tilespmem:s7+$0x30];
	[tilespmem:s7+$0xA0] =	vst v31  }
0x71: {  	v28 =	vmul.f32 v28, v30;
	v31 =	vperm.xlane v20, v4;
	v33 =	vld [tilespmem:s7+$0x0];
	[tilespmem:s7+$0x70] =	vst v38  }
0x72: {  	v29 =	vmul.f32 v29, v45;
	v26 =	vmul.f32 v26, v30;
	v30 =	vld [tilespmem:s7+$0x10];
	[tilespmem:s7+$0x80] =	vst v27  }
0x73: {  	v38 =	vperm.xlane v20, v9;
	v41 =	vmul.f32 v41, v42;
	v27 =	vld [tilespmem:s7+$0xFFFFFF30];
	[tilespmem:s7+$0xB0] =	vst v36  }
0x74: {  	v36 =	vperm.xlane v20, v2;
	v45 =	vld [tilespmem:s7+$0xFFFFFF70];
	[tilespmem:s7+$0xFFFFFFD0] =	vst v26;
	v42 =	vmul.f32 v43, v42  }
0x75: {  	v22 =	vmul.f32 v22, v32;
	v26 =	vmul.f32 v40, v32;
	[tilespmem:s7+$0xFFFFFFC0] =	vst v28;
	v28 =	vld [tilespmem:s7+$0xF0]  }
0x76: {  	v40 =	vmul.f32 v44, v37;
	v32 =	vld [tilespmem:s7+$0xFFFFFF80];
	[tilespmem:s7+$0xFFFFFFA0] =	vst v25;
	v33 =	vmul.f32 v33, v38  }
0x77: {  	v25 =	vld [tilespmem:s17+$0xFFFFFFA0];
	[tilespmem:s7+$0xFFFFFFF0] =	vst v22;
	v38 =	vmul.f32 v30, v38;
	v30 =	vmul.f32 v39, v37  }
0x78: {  	v22 =	vmul.f32 v35, v36;
	v35 =	vmul.f32 v27, v36;
	[tilespmem:s7+$0x60] =	vst v29  }
0x79: {  	v19 =	vmul.f32 v19, v31;
	v27 =	vmul.f32 v45, v31;
	[tilespmem:s7+$0xFFFFFFB0] =	vst v34  }
0x7a: {  	v20 =	vperm.xlane v20, v5;
	[tilespmem:s7+$0xFFFFFF20] =	vst v22;
	v22 =	vmul.f32 v28, v24  }
0x7b: {  	[tilespmem:s7+$0xFFFFFF60] =	vst v19  }
0x7c: {  	v24 =	vmul.f32 v32, v20;
	v19 =	vmul.f32 v21, v20;
	[tilespmem:s7+$0x40] =	vst v41  }
0x7d: {  	[tilespmem:s7+$0xFFFFFFE0] =	vst v26  }
0x7e: {  	[tilespmem:s7+$0xF0] =	vst v22  }
0x7f: {  	[tilespmem:s7+$0xFFFFFF90] =	vst v19  }
0x80: {  	[tilespmem:s7+$0xFFFFFF70] =	vst v27  }
0x81: {  	v22 =	vld [tilespmem:s17+$0xFFFFFFF0];
	[tilespmem:s7+$0x20] =	vst v30  }
0x82: {  	v19 =	vld [tilespmem:s17+$0xFFFFFF60];
	[tilespmem:s7+$0x30] =	vst v40  }
0x83: {  	v26 =	vld [tilespmem:s17+$0xFFFFFFD0];
	[tilespmem:s7+$0xFFFFFF80] =	vst v24  }
0x84: {  	v27 =	vld [tilespmem:s17+$0x80];
	[tilespmem:s7+$0x50] =	vst v42  }
0x85: {  	v30 =	vld [tilespmem:s17+$0xFFFFFF10];
	[tilespmem:s7+$0x0] =	vst v33  }
0x86: {  	v34 =	vld [tilespmem:s17+$0xE0];
	[tilespmem:s7+$0xFFFFFF30] =	vst v35  }
0x87: {  	s20 =	sshra.s32 s20, $0x2;
	v29 =	vld [tilespmem:s17+$0xFFFFFF40];
	[tilespmem:s7+$0x10] =	vst v38;
	s7 =	smov.u32 s17  }
0x88: {  	v20 =	vld.idx.msk [tilespmem:v23+s20+$0x0 ss:$0x1], $0xffff  }
0x89: {  	v21 =	vld [tilespmem:s17+$0xFFFFFF90]  }
0x8a: {  	v28 =	vld [tilespmem:s17+$0xFFFFFFC0]  }
0x8b: {  	v31 =	vld [tilespmem:s17+$0xFFFFFF00]  }
0x8c: {  	v32 =	vld [tilespmem:s17+$0xD0]  }
.Ltmp2:
0x8d: {  	v41 =	vld [tilespmem:s17+$0xC0];
	(pc) =	sbr.rel @p1 .LBB2_8-.Ltmp2, $4  }
0x8e: {  	v37 =	vperm.xlane v20, v1;
	v24 =	vperm.xlane v20, v16;
	v39 =	vld [tilespmem:s17+$0x90]  }
0x8f: {  	v38 =	vperm.xlane v20, v3;
	v35 =	vperm.xlane v20, v15;
	v40 =	vld [tilespmem:s17+$0xFFFFFF50]  }
0x90: {  	v43 =	vmul.f32 v31, v37;
	v31 =	vperm.xlane v20, v14;
	v36 =	vld [tilespmem:s17+$0xB0]  }
0x91: {  	v33 =	vperm.xlane v20, v13;
	v42 =	vmul.f32 v29, v38;
	v29 =	vld [tilespmem:s17+$0x60]  }
0x92: {  	[tilespmem:s7+$0xFFFFFF00] =	vst v43;
	v23 =	vmul.f32 v34, v24  }
0x93: {  	v51 =	vmul.f32 v41, v35;
	[tilespmem:s7+$0xFFFFFF40] =	vst v42  }
0x94: {  	v30 =	vmul.f32 v30, v37;
	[tilespmem:s7+$0xE0] =	vst v23  }
0x95: {  	v56 =	vmul.f32 v32, v35;
	[tilespmem:s7+$0xC0] =	vst v51  }
0x96: {  	v54 =	vmul.f32 v39, v33;
	[tilespmem:s7+$0xFFFFFF10] =	vst v30  }
0x97: {  	v62 =	vperm.xlane v20, v7;
	v27 =	vmul.f32 v27, v33;
	[tilespmem:s7+$0xD0] =	vst v56  }
0x98: {  	v38 =	vmul.f32 v40, v38;
	[tilespmem:s7+$0x90] =	vst v54  }
0x99: {  	v43 =	vperm.xlane v20, v6;
	v26 =	vmul.f32 v26, v62;
	[tilespmem:s7+$0x80] =	vst v27  }
0x9a: {  	v52 =	vld [tilespmem:s7+$0xA0];
	v45 =	vperm.xlane v20, v8;
	v28 =	vmul.f32 v28, v62;
	[tilespmem:s7+$0xFFFFFF50] =	vst v38  }
0x9b: {  	v53 =	vld [tilespmem:s7+$0x70];
	v25 =	vmul.f32 v25, v43;
	[tilespmem:s7+$0xFFFFFFD0] =	vst v26  }
0x9c: {  	v55 =	vld [tilespmem:s7+$0xFFFFFFB0];
	v58 =	vperm.xlane v20, v12;
	v22 =	vmul.f32 v22, v45;
	[tilespmem:s7+$0xFFFFFFC0] =	vst v28  }
0x9d: {  	v57 =	vld [tilespmem:s7+$0xFFFFFF20];
	v41 =	vmul.f32 v36, v31;
	[tilespmem:s7+$0xFFFFFFA0] =	vst v25  }
0x9e: {  	v61 =	vld [tilespmem:s7+$0x40];
	v29 =	vmul.f32 v29, v58;
	[tilespmem:s7+$0xFFFFFFF0] =	vst v22  }
0x9f: {  	v59 =	vld [tilespmem:s7+$0xFFFFFFE0];
	v60 =	vmul.f32 v52, v31;
	[tilespmem:s7+$0xB0] =	vst v41  }
0xa0: {  	v50 =	vperm.xlane v20, v2;
	v37 =	vmul.f32 v53, v58;
	[tilespmem:s7+$0x60] =	vst v29  }
0xa1: {  	v54 =	vperm.xlane v20, v11;
	v51 =	vmul.f32 v55, v43;
	[tilespmem:s7+$0xA0] =	vst v60  }
0xa2: {  	v47 =	vld [tilespmem:s7+$0xFFFFFF70];
	v32 =	vmul.f32 v57, v50;
	[tilespmem:s7+$0x70] =	vst v37  }
0xa3: {  	v44 =	vld [tilespmem:s7+$0x30];
	v52 =	vperm.xlane v20, v4;
	v56 =	vmul.f32 v61, v54;
	[tilespmem:s7+$0xFFFFFFB0] =	vst v51  }
0xa4: {  	v53 =	vld [tilespmem:s7+$0xF0];
	v23 =	vmul.f32 v59, v45;
	v57 =	vperm.xlane v20, v5;
	[tilespmem:s7+$0xFFFFFF20] =	vst v32  }
0xa5: {  	v48 =	vld [tilespmem:s7+$0xFFFFFF80];
	v19 =	vmul.f32 v19, v52;
	[tilespmem:s7+$0x40] =	vst v56  }
0xa6: {  	v42 =	vld [tilespmem:s7+$0x20];
	v58 =	vperm.xlane v20, v10;
	v21 =	vmul.f32 v21, v57;
	[tilespmem:s7+$0xFFFFFFE0] =	vst v23  }
0xa7: {  	v46 =	vld [tilespmem:s7+$0x0];
	v59 =	vmul.f32 v47, v52;
	[tilespmem:s7+$0xFFFFFF60] =	vst v19  }
0xa8: {  	v63 =	vld [tilespmem:s7+$0x50];
	v60 =	vmul.f32 v44, v58;
	[tilespmem:s7+$0xFFFFFF90] =	vst v21  }
0xa9: {  	v55 =	vld [tilespmem:s7+$0xFFFFFF30];
	[tilespmem:s7+$0xFFFFFF70] =	vst v59;
	v19 =	vmul.f32 v53, v24  }
0xaa: {  	v49 =	vld [tilespmem:s7+$0x10];
	v20 =	vperm.xlane v20, v9;
	v61 =	vmul.f32 v48, v57;
	[tilespmem:s7+$0x30] =	vst v60  }
0xab: {  	[tilespmem:s7+$0xF0] =	vst v19;
	v19 =	vmul.f32 v42, v58  }
0xac: {  	s6 =	sadd.s32 $0x1, s6;
	v62 =	vmul.f32 v46, v20;
	[tilespmem:s7+$0xFFFFFF80] =	vst v61  }
0xad: {  	p1 =	sne.s32 s6, $0x1A;
	[tilespmem:s7+$0x20] =	vst v19;
	v19 =	vmul.f32 v63, v54  }
.Ltmp3:
0xae: {  	[tilespmem:s7+$0x0] =	vst v62;
	v63 =	vmul.f32 v55, v50;
	(pc) =	sbr.rel @p1 .LBB2_7-.Ltmp3, $4  }
0xaf: {  	[tilespmem:s7+$0x50] =	vst v19;
	v19 =	vmul.f32 v49, v20  }
0xb0: {  	s12 =	sshrl.u32 s12, $0x2;
	[tilespmem:s7+$0xFFFFFF30] =	vst v63  }
0xb1: {  	s4 =	sadd.s32 $0x80, s4;
	s5 =	sadd.s32 $0x1, s5;
	s20 =	sadd.s32 $0x18700, s12;
	[tilespmem:s7+$0x10] =	vst v19  }
0xb2: {  	[spmem:s1] =	stream.indirect.scatter.add.f32 [tilespmem:s9], [sflag:$0x3], $0x20, s20, s16, $0xb8;
	[tilespmem:$0x1FF10] =	vst v63  }
0xb3: {  	_ =	swait.ge [sflag:s22], $0x1000  }
0xb4: {  	[sflag:s22] =	ssyncset.done $0x0  }
0xb5: {  	[sflag:s22] =	ssyncadd.s32 $0xFFFFF000  }
0xb6: {  	_ =	swait.ge [sflag:s22], $0x1000  }
0xb7: {  	[sflag:s22] =	ssyncset.done $0x0  }
0xb8: {  	s3 =	sadd.s32 $0x1, s3;
	[sflag:s22] =	ssyncadd.s32 $0xFFFFF000  }
0xb9: {  	p1 =	sne.s32 s3, $0xF;
	_ =	swait.ge [sflag:s22], $0x1000  }
.Ltmp4:
0xba: {  	[sflag:s22] =	ssyncset.done $0x0;
	(pc) =	sbr.rel @p1 .LBB2_6-.Ltmp4, $4  }
0xbb: {  	[sflag:s22] =	ssyncadd.s32 $0xFFFFF000  }
0xbc: {  	_ =	swait.ge [sflag:s22], $0x1000  }
0xbd: {  	[sflag:s22] =	ssyncset.done $0x0  }
0xbe: {  	[sflag:s22] =	ssyncadd.s32 $0xFFFFF000  }
.Ltmp5:
0xbf: {  	(pc) =	sbr.rel @p0 .LBB2_15-.Ltmp5, $1  }
0xc0: {  	_ =	sdelay $0x3  }
0xc1: {  	s2 =	simm.s32 $0x0;
	s3 =	rddreg [dreg:$0xe]  }
0xc2: {  	[tilespmem:s0], [sflag:$0x4] =	stream.linear.gather [hbm4b:s3+s2], $0x80, $0x38;
	[tilespmem:$0x1FF10] =	vst v63  }
0xc3: {  	_ =	swait.ge [sflag:s30], $0x80  }
0xc4: {  	s17 =	rddreg [dreg:$0xc]  }
0xc5: {  	[sflag:s30] =	ssyncset.done $0x0;
	s4 =	rddreg [dreg:$0xd]  }
0xc6: {  	[sflag:s30] =	ssyncadd.s32 $0xFFFFFF80;
	s3 =	sadd.s32 s4, s17  }
0xc7: {  	[tilespmem:s31], [sflag:$0x4] =	stream.linear.gather [hbm4b:s3+s2], $0x80, $0x38;
	[tilespmem:$0x1FF10] =	vst v63  }
0xc8: {  	_ =	swait.ge [sflag:s30], $0x80  }
0xc9: {  	[sflag:s30] =	ssyncset.done $0x0  }
0xca: {  	s21 =	simm.s32 $0x1A100;
	s20 =	rddreg [dreg:$0xf];
	[sflag:s30] =	ssyncadd.s32 $0xFFFFFF80  }
0xcb: {  	[tilespmem:s21], [sflag:$0x4] =	stream.linear.gather [hbm4b:s20+s2], $0x80, $0x38;
	[tilespmem:$0x1FF10] =	vst v63  }
0xcc: {  	_ =	swait.ge [sflag:s30], $0x80  }
0xcd: {  	[sflag:s30] =	ssyncset.done $0x0  }
0xce: {  	[sflag:s30] =	ssyncadd.s32 $0xFFFFFF80  }
0xcf: {  	[tilespmem:s19], [sflag:$0x2] =	stream.indirect.gather [hbm4b:s13+s16], $0x20, s31, s16, $0xb8;
	[tilespmem:$0x1FF10] =	vst v63  }
0xd0: {  	_ =	swait.ge [sflag:s10], $0x1000  }
0xd1: {  	[sflag:s10] =	ssyncset.done $0x0  }
0xd2: {  	s2 =	simm.s32 $0x1AF00;
	[sflag:s10] =	ssyncadd.s32 $0xFFFFF000  }
0xd3: {  	v24 =	vld [tilespmem:s2+$0xFFFFFFA0]  }
0xd4: {  	v22 =	vld [tilespmem:s2+$0xFFFFFFF0]  }
0xd5: {  	v19 =	vld [tilespmem:s2+$0xFFFFFF60]  }
0xd6: {  	v25 =	vld [tilespmem:s2+$0xFFFFFFD0]  }
0xd7: {  	v26 =	vld [tilespmem:s2+$0x80]  }
0xd8: {  	v29 =	vld [tilespmem:s2+$0xFFFFFF10]  }
0xd9: {  	v33 =	vld [tilespmem:s2+$0xE0]  }
0xda: {  	v28 =	vld [tilespmem:s2+$0xFFFFFF40]  }
0xdb: {  	s26 =	simm.s32 $0x0;
	v20 =	vld [tilespmem:s2+$0xFFFFFF90]  }
0xdc: {  	v21 =	vld [tilespmem:s26+$0x1A100]  }
0xdd: {  	v27 =	vld [tilespmem:s2+$0xFFFFFFC0]  }
0xde: {  	v30 =	vld [tilespmem:s2+$0xFFFFFF00]  }
0xdf: {  	v31 =	vld [tilespmem:s2+$0xD0]  }
0xe0: {  	v40 =	vld [tilespmem:s2+$0xC0]  }
0xe1: {  	v38 =	vld [tilespmem:s2+$0x90];
	v36 =	vperm.xlane v21, v1;
	v23 =	vperm.xlane v21, v16  }
0xe2: {  	v39 =	vld [tilespmem:s2+$0xFFFFFF50];
	v37 =	vperm.xlane v21, v3;
	v35 =	vperm.xlane v21, v15  }
0xe3: {  	v34 =	vld [tilespmem:s2+$0xB0];
	v32 =	vperm.xlane v21, v13;
	v42 =	vmul.f32 v30, v36  }
0xe4: {  	s4 =	simm.s32 $0x1AF00;
	s3 =	simm.s32 $0x40;
	v30 =	vperm.xlane v21, v14;
	v41 =	vmul.f32 v28, v37;
	v28 =	vld [tilespmem:s2+$0x60]  }
.LBB2_13:
0xe5: {  	p1 =	sne.s32 s3, $0x1C0  }
0xe6: {  	[tilespmem:s2+$0xFFFFFF00] =	vst v42;
	v42 =	vld [tilespmem:s2+$0xFFFFFFB0];
	v40 =	vmul.f32 v40, v35;
	v33 =	vmul.f32 v33, v23;
	s4 =	sadd.s32 $0x200, s4;
	s5 =	smov.u32 s3;
	s3 =	sadd.s32 $0x40, s3  }
0xe7: {  	[tilespmem:s2+$0xFFFFFF40] =	vst v41;
	v41 =	vperm.xlane v21, v11;
	v38 =	vmul.f32 v38, v32;
	v43 =	vld [tilespmem:s2+$0xA0]  }
0xe8: {  	v29 =	vmul.f32 v29, v36;
	v36 =	vmul.f32 v39, v37;
	v37 =	vld [tilespmem:s2+$0x70];
	[tilespmem:s2+$0xE0] =	vst v33  }
0xe9: {  	v33 =	vperm.xlane v21, v6;
	v39 =	vld [tilespmem:s2+$0xFFFFFFE0];
	v34 =	vmul.f32 v34, v30;
	[tilespmem:s2+$0xC0] =	vst v40  }
0xea: {  	v31 =	vmul.f32 v31, v35;
	[tilespmem:s2+$0xFFFFFF10] =	vst v29;
	v29 =	vperm.xlane v21, v7;
	v40 =	vld [tilespmem:s2+$0x40]  }
0xeb: {  	v44 =	vperm.xlane v21, v12;
	v24 =	vmul.f32 v24, v33;
	v35 =	vld [tilespmem:s2+$0xFFFFFF20];
	[tilespmem:s2+$0x90] =	vst v38  }
0xec: {  	[tilespmem:s2+$0xFFFFFF50] =	vst v36;
	v36 =	vperm.xlane v21, v10;
	v38 =	vld [tilespmem:s2+$0x20];
	v30 =	vmul.f32 v43, v30  }
0xed: {  	v33 =	vmul.f32 v42, v33;
	v42 =	vld [tilespmem:s2+$0x50];
	v37 =	vmul.f32 v37, v44;
	[tilespmem:s2+$0xD0] =	vst v31  }
0xee: {  	v26 =	vmul.f32 v26, v32;
	v31 =	vperm.xlane v21, v8;
	v43 =	vld [tilespmem:s2+$0x30];
	[tilespmem:s2+$0xA0] =	vst v30  }
0xef: {  	v27 =	vmul.f32 v27, v29;
	v30 =	vperm.xlane v21, v4;
	v32 =	vld [tilespmem:s2+$0x0];
	[tilespmem:s2+$0x70] =	vst v37  }
0xf0: {  	v28 =	vmul.f32 v28, v44;
	v25 =	vmul.f32 v25, v29;
	v29 =	vld [tilespmem:s2+$0x10];
	[tilespmem:s2+$0x80] =	vst v26  }
0xf1: {  	v37 =	vperm.xlane v21, v9;
	v40 =	vmul.f32 v40, v41;
	v26 =	vld [tilespmem:s2+$0xFFFFFF30];
	[tilespmem:s2+$0xB0] =	vst v34  }
0xf2: {  	v34 =	vperm.xlane v21, v2;
	v44 =	vld [tilespmem:s2+$0xFFFFFF70];
	[tilespmem:s2+$0xFFFFFFD0] =	vst v25;
	v41 =	vmul.f32 v42, v41  }
0xf3: {  	v22 =	vmul.f32 v22, v31;
	v25 =	vmul.f32 v39, v31;
	[tilespmem:s2+$0xFFFFFFC0] =	vst v27;
	v27 =	vld [tilespmem:s2+$0xF0]  }
0xf4: {  	v39 =	vmul.f32 v43, v36;
	v31 =	vld [tilespmem:s2+$0xFFFFFF80];
	[tilespmem:s2+$0xFFFFFFA0] =	vst v24;
	v32 =	vmul.f32 v32, v37  }
0xf5: {  	v24 =	vld [tilespmem:s4+$0xFFFFFFA0];
	[tilespmem:s2+$0xFFFFFFF0] =	vst v22;
	v37 =	vmul.f32 v29, v37;
	v29 =	vmul.f32 v38, v36  }
0xf6: {  	v22 =	vmul.f32 v35, v34;
	v34 =	vmul.f32 v26, v34;
	[tilespmem:s2+$0x60] =	vst v28  }
0xf7: {  	v19 =	vmul.f32 v19, v30;
	v26 =	vmul.f32 v44, v30;
	[tilespmem:s2+$0xFFFFFFB0] =	vst v33  }
0xf8: {  	v21 =	vperm.xlane v21, v5;
	[tilespmem:s2+$0xFFFFFF20] =	vst v22;
	v22 =	vmul.f32 v27, v23  }
0xf9: {  	[tilespmem:s2+$0xFFFFFF60] =	vst v19  }
0xfa: {  	v23 =	vmul.f32 v31, v21;
	v19 =	vmul.f32 v20, v21;
	[tilespmem:s2+$0x40] =	vst v40  }
0xfb: {  	[tilespmem:s2+$0xFFFFFFE0] =	vst v25  }
0xfc: {  	[tilespmem:s2+$0xF0] =	vst v22  }
0xfd: {  	[tilespmem:s2+$0xFFFFFF90] =	vst v19  }
0xfe: {  	v22 =	vld [tilespmem:s4+$0xFFFFFFF0];
	[tilespmem:s2+$0xFFFFFF70] =	vst v26  }
0xff: {  	v19 =	vld [tilespmem:s4+$0xFFFFFF60];
	[tilespmem:s2+$0x20] =	vst v29  }
0x100: {  	v25 =	vld [tilespmem:s4+$0xFFFFFFD0];
	[tilespmem:s2+$0x30] =	vst v39  }
0x101: {  	v26 =	vld [tilespmem:s4+$0x80];
	[tilespmem:s2+$0xFFFFFF80] =	vst v23  }
0x102: {  	v29 =	vld [tilespmem:s4+$0xFFFFFF10];
	[tilespmem:s2+$0x50] =	vst v41  }
0x103: {  	v33 =	vld [tilespmem:s4+$0xE0];
	[tilespmem:s2+$0x0] =	vst v32  }
0x104: {  	v28 =	vld [tilespmem:s4+$0xFFFFFF40];
	[tilespmem:s2+$0xFFFFFF30] =	vst v34  }
0x105: {  	s5 =	sshra.s32 s5, $0x2;
	v20 =	vld [tilespmem:s4+$0xFFFFFF90];
	[tilespmem:s2+$0x10] =	vst v37;
	s2 =	smov.u32 s4  }
0x106: {  	v21 =	vld [tilespmem:s5+$0x1A100]  }
0x107: {  	v27 =	vld [tilespmem:s4+$0xFFFFFFC0]  }
0x108: {  	v30 =	vld [tilespmem:s4+$0xFFFFFF00]  }
0x109: {  	v31 =	vld [tilespmem:s4+$0xD0]  }
.Ltmp6:
0x10a: {  	v40 =	vld [tilespmem:s4+$0xC0];
	(pc) =	sbr.rel @p1 .LBB2_13-.Ltmp6, $4  }
0x10b: {  	v36 =	vperm.xlane v21, v1;
	v38 =	vld [tilespmem:s4+$0x90];
	v23 =	vperm.xlane v21, v16  }
0x10c: {  	v37 =	vperm.xlane v21, v3;
	v35 =	vperm.xlane v21, v15;
	v39 =	vld [tilespmem:s4+$0xFFFFFF50]  }
0x10d: {  	v42 =	vmul.f32 v30, v36;
	v30 =	vperm.xlane v21, v14;
	v34 =	vld [tilespmem:s4+$0xB0]  }
0x10e: {  	v32 =	vperm.xlane v21, v13;
	v41 =	vmul.f32 v28, v37;
	v28 =	vld [tilespmem:s4+$0x60]  }
0x10f: {  	[tilespmem:s2+$0xFFFFFF00] =	vst v42;
	v33 =	vmul.f32 v33, v23  }
0x110: {  	v40 =	vmul.f32 v40, v35;
	[tilespmem:s2+$0xFFFFFF40] =	vst v41  }
0x111: {  	v29 =	vmul.f32 v29, v36;
	[tilespmem:s2+$0xE0] =	vst v33  }
0x112: {  	v56 =	vmul.f32 v31, v35;
	[tilespmem:s2+$0xC0] =	vst v40  }
0x113: {  	v54 =	vmul.f32 v38, v32;
	[tilespmem:s2+$0xFFFFFF10] =	vst v29  }
0x114: {  	v62 =	vperm.xlane v21, v7;
	v26 =	vmul.f32 v26, v32;
	[tilespmem:s2+$0xD0] =	vst v56  }
0x115: {  	v37 =	vmul.f32 v39, v37;
	[tilespmem:s2+$0x90] =	vst v54  }
0x116: {  	v44 =	vperm.xlane v21, v6;
	v25 =	vmul.f32 v25, v62;
	[tilespmem:s2+$0x80] =	vst v26  }
0x117: {  	v52 =	vld [tilespmem:s2+$0xA0];
	v46 =	vperm.xlane v21, v8;
	v27 =	vmul.f32 v27, v62;
	[tilespmem:s2+$0xFFFFFF50] =	vst v37  }
0x118: {  	v53 =	vld [tilespmem:s2+$0x70];
	v24 =	vmul.f32 v24, v44;
	[tilespmem:s2+$0xFFFFFFD0] =	vst v25  }
0x119: {  	v55 =	vld [tilespmem:s2+$0xFFFFFFB0];
	v58 =	vperm.xlane v21, v12;
	v22 =	vmul.f32 v22, v46;
	[tilespmem:s2+$0xFFFFFFC0] =	vst v27  }
0x11a: {  	v57 =	vld [tilespmem:s2+$0xFFFFFF20];
	v42 =	vmul.f32 v34, v30;
	[tilespmem:s2+$0xFFFFFFA0] =	vst v24  }
0x11b: {  	v59 =	vld [tilespmem:s2+$0xFFFFFFE0];
	v28 =	vmul.f32 v28, v58;
	[tilespmem:s2+$0xFFFFFFF0] =	vst v22  }
0x11c: {  	v60 =	vmul.f32 v52, v30;
	[tilespmem:s2+$0xB0] =	vst v42  }
0x11d: {  	v61 =	vld [tilespmem:s2+$0x40];
	v51 =	vperm.xlane v21, v2;
	v36 =	vmul.f32 v53, v58;
	[tilespmem:s2+$0x60] =	vst v28  }
0x11e: {  	v52 =	vmul.f32 v55, v44;
	[tilespmem:s2+$0xA0] =	vst v60  }
0x11f: {  	v48 =	vld [tilespmem:s2+$0xFFFFFF70];
	v53 =	vperm.xlane v21, v4;
	v31 =	vmul.f32 v57, v51;
	[tilespmem:s2+$0x70] =	vst v36  }
0x120: {  	v49 =	vld [tilespmem:s2+$0xFFFFFF80];
	v55 =	vperm.xlane v21, v11;
	v26 =	vmul.f32 v59, v46;
	[tilespmem:s2+$0xFFFFFFB0] =	vst v52  }
0x121: {  	v54 =	vld [tilespmem:s2+$0xF0];
	v58 =	vperm.xlane v21, v5;
	v19 =	vmul.f32 v19, v53;
	[tilespmem:s2+$0xFFFFFF20] =	vst v31  }
0x122: {  	v45 =	vld [tilespmem:s2+$0x30];
	v57 =	vmul.f32 v61, v55;
	[tilespmem:s2+$0xFFFFFFE0] =	vst v26  }
0x123: {  	v43 =	vld [tilespmem:s2+$0x20];
	v20 =	vmul.f32 v20, v58;
	[tilespmem:s2+$0xFFFFFF60] =	vst v19  }
0x124: {  	v47 =	vld [tilespmem:s2+$0x0];
	v60 =	vmul.f32 v48, v53;
	[tilespmem:s2+$0x40] =	vst v57  }
0x125: {  	v63 =	vld [tilespmem:s2+$0x50];
	v59 =	vperm.xlane v21, v10;
	v62 =	vmul.f32 v49, v58;
	[tilespmem:s2+$0xFFFFFF90] =	vst v20  }
0x126: {  	v56 =	vld [tilespmem:s2+$0xFFFFFF30];
	v19 =	vmul.f32 v54, v23;
	[tilespmem:s2+$0xFFFFFF70] =	vst v60  }
0x127: {  	v50 =	vld [tilespmem:s2+$0x10];
	v61 =	vperm.xlane v21, v9;
	v20 =	vmul.f32 v45, v59;
	[tilespmem:s2+$0xFFFFFF80] =	vst v62  }
0x128: {  	[tilespmem:s2+$0xF0] =	vst v19;
	v19 =	vmul.f32 v43, v59  }
0x129: {  	[tilespmem:s2+$0x30] =	vst v20;
	v20 =	vmul.f32 v47, v61  }
0x12a: {  	[tilespmem:s2+$0x20] =	vst v19;
	v19 =	vmul.f32 v63, v55  }
0x12b: {  	v63 =	vmul.f32 v56, v51;
	[tilespmem:s2+$0x0] =	vst v20  }
0x12c: {  	[tilespmem:s2+$0x50] =	vst v19;
	v19 =	vmul.f32 v50, v61  }
0x12d: {  	[tilespmem:s2+$0xFFFFFF30] =	vst v63  }
0x12e: {  	[tilespmem:s2+$0x10] =	vst v19  }
0x12f: {  	[spmem:s1] =	stream.indirect.scatter.add.f32 [tilespmem:s19], [sflag:$0x4], $0x20, s0, s16, $0xb8;
	[tilespmem:$0x1FF10] =	vst v63  }
0x130: {  	_ =	swait.ge [sflag:s30], $0x1000  }
0x131: {  	[sflag:s30] =	ssyncset.done $0x0  }
0x132: {  	[sflag:s30] =	ssyncadd.s32 $0xFFFFF000  }
.LBB2_15:
0x133: {  	s2 =	stileid.u32  }
0x134: {  	[bflag:$0x0] =	sbarrier.arrive $0xFFFF;
	s4 =	sshrl.u32 s23, $0x3;
	s3 =	sshll.u32 s2, $0x6  }
0x135: {  	s26 =	sadd.s32 $0x0, s24;
	[dreg:$0x17] =	wrdreg s4;
	s14 =	sor.u32 $0x1C04, s3  }
0x136: {  	[hbm:s26], [sflag:s14] =	dma.local [spmem:s4], $0x220  }
0x137: {  	_ =	swait.ge [sflag:s30], $0x220  }
0x138: {  	[sflag:s30] =	ssyncset.done $0x0  }
0x139: {  	s9 =	simm.s32 $0x440;
	s2 =	sadd.s32 $0x1100, s23;
	[sflag:s30] =	ssyncadd.s32 $0xFFFFFDE0  }
0x13a: {  	[spmem:s23] =	stream.linear.scatter [tilespmem:s29], [sflag:$0x4], $0x1100, $0x38;
	[tilespmem:$0x1FF10] =	vst v63  }
0x13b: {  	s7 =	sshrl.u32 s2, $0x3;
	s6 =	sadd.s32 $0x1100, s2;
	_ =	swait.ge [sflag:s30], $0x1100  }
0x13c: {  	s5 =	smov.u32 s2;
	s4 =	sadd.s32 $0x220, s24;
	[sflag:s30] =	ssyncset.done $0x0  }
.LBB2_16:
0x13d: {  	s12 =	sshrl.u32 s6, $0x3;
	s17 =	sor.u32 $0x1C04, s3  }
0x13e: {  	[sflag:s30] =	ssyncadd.s32 $0xFFFFEF00;
	s20 =	smov.u32 s9;
	p1 =	sne.s32 s9, $0x2EC0  }
0x13f: {  	[hbm:s4], [sflag:s17] =	dma.local [spmem:s7], $0x220  }
0x140: {  	s4 =	sadd.s32 s20, s24;
	s17 =	sadd.s32 $0x220, s9;
	_ =	swait.ge [sflag:s30], $0x220  }
.Ltmp7:
0x141: {  	[sflag:s30] =	ssyncset.done $0x0;
	(pc) =	sbr.rel @p1 .LBB2_16-.Ltmp7, $4  }
0x142: {  	s7 =	smov.u32 s12;
	[sflag:s30] =	ssyncadd.s32 $0xFFFFFDE0  }
0x143: {  	[spmem:s5] =	stream.linear.scatter [tilespmem:s29], [sflag:$0x4], $0x1100, $0x38;
	[tilespmem:$0x1FF10] =	vst v63  }
0x144: {  	s5 =	smov.u32 s6;
	_ =	swait.ge [sflag:s30], $0x1100  }
0x145: {  	s9 =	smov.u32 s17;
	s6 =	sadd.s32 $0x1100, s6;
	[sflag:s30] =	ssyncset.done $0x0  }
0x146: {  	[sflag:s30] =	ssyncadd.s32 $0xFFFFEF00  }
0x147: {  	[hbm:s4], [sflag:s14] =	dma.local [spmem:s7], $0x220  }
0x148: {  	_ =	swait.ge [sflag:s30], $0x220  }
0x149: {  	[sflag:s30] =	ssyncset.done $0x0  }
0x14a: {  	[sflag:s30] =	ssyncadd.s32 $0xFFFFFDE0  }
0x14b: {  	[spmem:s5] =	stream.linear.scatter [tilespmem:s29], [sflag:$0x4], $0x1100, $0x38;
	[tilespmem:$0x1FF10] =	vst v63  }
0x14c: {  	_ =	swait.ge [sflag:s30], $0x1100  }
0x14d: {  	[sflag:s30] =	ssyncset.done $0x0  }
0x14e: {  	[sflag:s30] =	ssyncadd.s32 $0xFFFFEF00  }
0x14f: {  	s3 =	simm.s32 $0x0;
	s4 =	simm.s32 $0x0;
	[bflag:$0x0] =	sbarrier.arrive $0xFFFF  }
.LBB2_18:
0x150: {  	s5 =	smul.u32 $0x1A, s4;
	_ =	sdelay $0x1  }
0x151: {  	s5 =	sadd.s32 s11, s5  }
0x152: {  	s6 =	rddreg [dreg:$0x7];
	s5 =	sshll.u32 s5, $0x4  }
0x153: {  	s20 =	rddreg [dreg:$0x10];
	s6 =	sadd.s32 s6, s5  }
0x154: {  	[tilespmem:s0], [sflag:$0x1] =	stream.linear.gather [hbm4b:s6+s3], $0xD00, $0x38;
	[tilespmem:$0x1FF10] =	vst v63  }
0x155: {  	s21 =	rddreg [dreg:$0x8];
	s6 =	sadd.s32 s5, s20  }
0x156: {  	[tilespmem:s31], [sflag:$0x1] =	stream.linear.gather [hbm4b:s6+s3], $0xD00, $0x38;
	[tilespmem:$0x1FF10] =	vst v63  }
0x157: {  	s6 =	sadd.s32 s21, s5;
	s5 =	simm.s32 $0x1A100  }
0x158: {  	[tilespmem:s5], [sflag:$0x1] =	stream.linear.gather [hbm4b:s6+s3], $0xD00, $0x38;
	[tilespmem:$0x1FF10] =	vst v63  }
0x159: {  	_ =	swait.ge [sflag:s15], $0xD00  }
0x15a: {  	[sflag:s15] =	ssyncset.done $0x0  }
0x15b: {  	[sflag:s15] =	ssyncadd.s32 $0xFFFFF300  }
0x15c: {  	_ =	swait.ge [sflag:s15], $0xD00  }
0x15d: {  	[sflag:s15] =	ssyncset.done $0x0  }
0x15e: {  	[sflag:s15] =	ssyncadd.s32 $0xFFFFF300  }
0x15f: {  	_ =	swait.ge [sflag:s15], $0xD00  }
0x160: {  	[sflag:s15] =	ssyncset.done $0x0  }
0x161: {  	[sflag:s15] =	ssyncadd.s32 $0xFFFFF300  }
0x162: {  	[tilespmem:s19], [sflag:$0x2] =	stream.indirect.gather [hbm4b:s18+s16], $0x20, s31, s16, $0xb8;
	[tilespmem:$0x1FF10] =	vst v63  }
0x163: {  	s26 =	simm.s32 $0x19480;
	s7 =	simm.s32 $0x1BE00  }
0x164: {  	[tilespmem:s7], [sflag:$0x2] =	stream.indirect.gather [hbm4b:s18+s16], $0x20, s26, s16, $0xb8;
	[tilespmem:$0x1FF10] =	vst v63  }
0x165: {  	s6 =	simm.s32 $0x0;
	s7 =	simm.s32 $0x0  }
0x166: {  	[tilespmem:s8], [sflag:$0x2] =	stream.indirect.gather [hbm4b:s18+s16], $0x20, s28, s16, $0xb8;
	[tilespmem:$0x1FF10] =	vst v63  }
.LBB2_19:
0x167: {  	p1 =	sgt.u32 s7, $0x16  }
0x168: {  	p2 =	seq.s32 @!p1 s7, $0x0  }
0x169: {  	p2 =	por p2, p1  }
0x16a: {  	s9 =	simm.s32 @!p2 $0x3  }
0x16b: {  	s12 =	sadd.s32 $0x3, s7;
	_ =	swait.ge @!p2 [sflag:s9], $0x1000  }
0x16c: {  	s17 =	sshll.u32 @!p1 s12, $0xC;
	s12 =	sshll.u32 @!p1 s12, $0x7;
	[sflag:s9] =	ssyncset.done @!p2 $0x0  }
0x16d: {  	s12 =	sand.u32 @!p1 $0x3FFFFF80, s12;
	[sflag:s9] =	ssyncadd.s32 @!p2 $0xFFFFF000;
	s9 =	sand.u32 @!p1 $0x3000, s17  }
0x16e: {  	s12 =	sadd.s32 @!p1 $0x19400, s12;
	s17 =	simm.s32 @!p1 $0x80;
	s9 =	sadd.s32 @!p1 $0x1AE00, s9  }
0x16f: {  	[tilespmem:s9], [sflag:$0x2] =	stream.indirect.gather @!p1 [hbm4b:s18+s17], $0x20, s12, s17, $0xb8;
	[tilespmem:$0x1FF10] =	vst v63  }
0x170: {  	s20 =	sand.u32 $0x3, s6;
	_ =	swait.ge [sflag:s10], $0x1000  }
0x171: {  	s9 =	sshll.u32 s20, $0xC;
	[sflag:s10] =	ssyncset.done $0x0  }
0x172: {  	s9 =	sadd.s32 $0x1AF00, s9;
	[sflag:s10] =	ssyncadd.s32 $0xFFFFF000  }
0x173: {  	v25 =	vld [tilespmem:s9+$0xFFFFFFA0]  }
0x174: {  	v22 =	vmov s5;
	v23 =	vld [tilespmem:s9+$0xFFFFFFF0]  }
0x175: {  	v19 =	vld [tilespmem:s9+$0xFFFFFF60]  }
0x176: {  	v26 =	vld [tilespmem:s9+$0xFFFFFFD0]  }
0x177: {  	v27 =	vld [tilespmem:s9+$0x80]  }
0x178: {  	s21 =	simm.s32 $0x0;
	v30 =	vld [tilespmem:s9+$0xFFFFFF10]  }
0x179: {  	v21 =	vld.idx.msk [tilespmem:v22+s21+$0x0 ss:$0x1], $0xffff  }
0x17a: {  	v35 =	vld [tilespmem:s9+$0xE0]  }
0x17b: {  	v29 =	vld [tilespmem:s9+$0xFFFFFF40]  }
0x17c: {  	v20 =	vld [tilespmem:s9+$0xFFFFFF90]  }
0x17d: {  	v28 =	vld [tilespmem:s9+$0xFFFFFFC0]  }
0x17e: {  	v32 =	vld [tilespmem:s9+$0xFFFFFF00]  }
0x17f: {  	v31 =	vld [tilespmem:s9+$0xD0];
	v21 =	vmul.f32 v21, v18  }
0x180: {  	v41 =	vld [tilespmem:s9+$0xC0]  }
0x181: {  	v39 =	vld [tilespmem:s9+$0x90];
	v37 =	vperm.xlane v21, v1;
	v24 =	vperm.xlane v21, v16  }
0x182: {  	s26 =	sshll.u32 s7, $0xC;
	v40 =	vld [tilespmem:s9+$0xFFFFFF50];
	v38 =	vperm.xlane v21, v3;
	v34 =	vperm.xlane v21, v15  }
0x183: {  	s12 =	sand.u32 $0x3000, s26;
	s17 =	sshll.u32 s7, $0x9;
	v36 =	vld [tilespmem:s9+$0xB0];
	v33 =	vperm.xlane v21, v13;
	v43 =	vmul.f32 v32, v37  }
0x184: {  	s12 =	sadd.s32 $0x1AE00, s12;
	s20 =	smov.u32 s9;
	s21 =	simm.s32 $0x40;
	v32 =	vperm.xlane v21, v14;
	v42 =	vmul.f32 v29, v38;
	v29 =	vld [tilespmem:s9+$0x60]  }
.LBB2_20:
0x185: {  	p1 =	sne.s32 s21, $0x1C0  }
0x186: {  	[tilespmem:s9+$0xFFFFFF00] =	vst v43;
	v43 =	vld [tilespmem:s9+$0xFFFFFFB0];
	v41 =	vmul.f32 v41, v34;
	v35 =	vmul.f32 v35, v24;
	s20 =	sadd.s32 $0x200, s20;
	s26 =	smov.u32 s21;
	s21 =	sadd.s32 $0x40, s21  }
0x187: {  	[tilespmem:s9+$0xFFFFFF40] =	vst v42;
	v42 =	vperm.xlane v21, v11;
	v39 =	vmul.f32 v39, v33;
	v44 =	vld [tilespmem:s9+$0xA0]  }
0x188: {  	v30 =	vmul.f32 v30, v37;
	v37 =	vmul.f32 v40, v38;
	v38 =	vld [tilespmem:s9+$0x70];
	[tilespmem:s9+$0xE0] =	vst v35  }
0x189: {  	v35 =	vperm.xlane v21, v6;
	v40 =	vld [tilespmem:s9+$0xFFFFFFE0];
	v36 =	vmul.f32 v36, v32;
	[tilespmem:s9+$0xC0] =	vst v41  }
0x18a: {  	v31 =	vmul.f32 v31, v34;
	v41 =	vperm.xlane v21, v7;
	[tilespmem:s9+$0xFFFFFF10] =	vst v30;
	v30 =	vld [tilespmem:s9+$0xFFFFFF20]  }
0x18b: {  	v45 =	vperm.xlane v21, v12;
	v25 =	vmul.f32 v25, v35;
	v34 =	vld [tilespmem:s9+$0x40];
	[tilespmem:s9+$0x90] =	vst v39  }
0x18c: {  	[tilespmem:s9+$0xFFFFFF50] =	vst v37;
	v37 =	vperm.xlane v21, v10;
	v39 =	vld [tilespmem:s9+$0x20];
	v32 =	vmul.f32 v44, v32  }
0x18d: {  	v35 =	vmul.f32 v43, v35;
	v43 =	vld [tilespmem:s9+$0x50];
	v38 =	vmul.f32 v38, v45;
	[tilespmem:s9+$0xD0] =	vst v31  }
0x18e: {  	v27 =	vmul.f32 v27, v33;
	v31 =	vperm.xlane v21, v8;
	v44 =	vld [tilespmem:s9+$0x30];
	[tilespmem:s9+$0xA0] =	vst v32  }
0x18f: {  	v28 =	vmul.f32 v28, v41;
	v32 =	vperm.xlane v21, v4;
	v33 =	vld [tilespmem:s9+$0x0];
	[tilespmem:s9+$0x70] =	vst v38  }
0x190: {  	v29 =	vmul.f32 v29, v45;
	v26 =	vmul.f32 v26, v41;
	v38 =	vld [tilespmem:s9+$0x10];
	[tilespmem:s9+$0x80] =	vst v27  }
0x191: {  	v41 =	vperm.xlane v21, v9;
	v34 =	vmul.f32 v34, v42;
	v27 =	vld [tilespmem:s9+$0xFFFFFF30];
	[tilespmem:s9+$0xB0] =	vst v36  }
0x192: {  	v36 =	vperm.xlane v21, v2;
	v45 =	vld [tilespmem:s9+$0xFFFFFF70];
	[tilespmem:s9+$0xFFFFFFD0] =	vst v26;
	v26 =	vmul.f32 v43, v42  }
0x193: {  	v23 =	vmul.f32 v23, v31;
	[tilespmem:s9+$0xFFFFFFC0] =	vst v28;
	v28 =	vmul.f32 v40, v31;
	v31 =	vld [tilespmem:s9+$0xF0]  }
0x194: {  	v42 =	vmul.f32 v44, v37;
	v40 =	vld [tilespmem:s9+$0xFFFFFF80];
	[tilespmem:s9+$0xFFFFFFA0] =	vst v25;
	v33 =	vmul.f32 v33, v41  }
0x195: {  	v25 =	vld [tilespmem:s20+$0xFFFFFFA0];
	[tilespmem:s9+$0xFFFFFFF0] =	vst v23;
	v38 =	vmul.f32 v38, v41;
	v23 =	vmul.f32 v39, v37  }
0x196: {  	v30 =	vmul.f32 v30, v36;
	v36 =	vmul.f32 v27, v36;
	[tilespmem:s9+$0x60] =	vst v29  }
0x197: {  	v19 =	vmul.f32 v19, v32;
	v27 =	vmul.f32 v45, v32;
	[tilespmem:s9+$0xFFFFFFB0] =	vst v35  }
0x198: {  	v21 =	vperm.xlane v21, v5;
	[tilespmem:s9+$0xFFFFFF20] =	vst v30;
	v24 =	vmul.f32 v31, v24  }
0x199: {  	[tilespmem:s9+$0xFFFFFF60] =	vst v19  }
0x19a: {  	v20 =	vmul.f32 v20, v21;
	v19 =	vmul.f32 v40, v21;
	[tilespmem:s9+$0x40] =	vst v34  }
0x19b: {  	[tilespmem:s9+$0xFFFFFFE0] =	vst v28  }
0x19c: {  	[tilespmem:s9+$0xF0] =	vst v24  }
0x19d: {  	[tilespmem:s9+$0xFFFFFF90] =	vst v20  }
0x19e: {  	[tilespmem:s9+$0xFFFFFF70] =	vst v27  }
0x19f: {  	[tilespmem:s9+$0x20] =	vst v23  }
0x1a0: {  	[tilespmem:s9+$0x30] =	vst v42  }
0x1a1: {  	v23 =	vld [tilespmem:s20+$0xFFFFFFF0];
	[tilespmem:s9+$0xFFFFFF80] =	vst v19  }
0x1a2: {  	v19 =	vld [tilespmem:s20+$0xFFFFFF60];
	[tilespmem:s9+$0x50] =	vst v26  }
0x1a3: {  	v26 =	vld [tilespmem:s20+$0xFFFFFFD0];
	[tilespmem:s9+$0x0] =	vst v33  }
0x1a4: {  	v27 =	vld [tilespmem:s20+$0x80];
	[tilespmem:s9+$0xFFFFFF30] =	vst v36  }
0x1a5: {  	s26 =	sshra.s32 s26, $0x2;
	v30 =	vld [tilespmem:s20+$0xFFFFFF10];
	[tilespmem:s9+$0x10] =	vst v38;
	s9 =	smov.u32 s20  }
0x1a6: {  	v21 =	vld.idx.msk [tilespmem:v22+s26+$0x0 ss:$0x1], $0xffff  }
0x1a7: {  	v35 =	vld [tilespmem:s20+$0xE0]  }
0x1a8: {  	v29 =	vld [tilespmem:s20+$0xFFFFFF40]  }
0x1a9: {  	v20 =	vld [tilespmem:s20+$0xFFFFFF90]  }
0x1aa: {  	v28 =	vld [tilespmem:s20+$0xFFFFFFC0]  }
0x1ab: {  	v32 =	vld [tilespmem:s20+$0xFFFFFF00]  }
0x1ac: {  	v21 =	vmul.f32 v21, v18;
	v31 =	vld [tilespmem:s20+$0xD0]  }
.Ltmp8:
0x1ad: {  	v41 =	vld [tilespmem:s20+$0xC0];
	(pc) =	sbr.rel @p1 .LBB2_20-.Ltmp8, $4  }
0x1ae: {  	v37 =	vperm.xlane v21, v1;
	v24 =	vperm.xlane v21, v16;
	v39 =	vld [tilespmem:s20+$0x90]  }
0x1af: {  	v38 =	vperm.xlane v21, v3;
	v34 =	vperm.xlane v21, v15;
	v40 =	vld [tilespmem:s20+$0xFFFFFF50]  }
0x1b0: {  	v43 =	vmul.f32 v32, v37;
	v32 =	vperm.xlane v21, v14;
	v36 =	vld [tilespmem:s20+$0xB0]  }
0x1b1: {  	v33 =	vperm.xlane v21, v13;
	v42 =	vmul.f32 v29, v38;
	v29 =	vld [tilespmem:s20+$0x60]  }
0x1b2: {  	[tilespmem:s9+$0xFFFFFF00] =	vst v43;
	v22 =	vmul.f32 v35, v24  }
0x1b3: {  	v52 =	vmul.f32 v41, v34;
	[tilespmem:s9+$0xFFFFFF40] =	vst v42  }
0x1b4: {  	v30 =	vmul.f32 v30, v37;
	[tilespmem:s9+$0xE0] =	vst v22  }
0x1b5: {  	v31 =	vmul.f32 v31, v34;
	[tilespmem:s9+$0xC0] =	vst v52  }
0x1b6: {  	v55 =	vmul.f32 v39, v33;
	[tilespmem:s9+$0xFFFFFF10] =	vst v30  }
0x1b7: {  	v62 =	vperm.xlane v21, v7;
	v27 =	vmul.f32 v27, v33;
	[tilespmem:s9+$0xD0] =	vst v31  }
0x1b8: {  	v38 =	vmul.f32 v40, v38;
	[tilespmem:s9+$0x90] =	vst v55  }
0x1b9: {  	v44 =	vperm.xlane v21, v6;
	v26 =	vmul.f32 v26, v62;
	[tilespmem:s9+$0x80] =	vst v27  }
0x1ba: {  	v53 =	vld [tilespmem:s9+$0xA0];
	v46 =	vperm.xlane v21, v8;
	v28 =	vmul.f32 v28, v62;
	[tilespmem:s9+$0xFFFFFF50] =	vst v38  }
0x1bb: {  	v54 =	vld [tilespmem:s9+$0x70];
	v25 =	vmul.f32 v25, v44;
	[tilespmem:s9+$0xFFFFFFD0] =	vst v26  }
0x1bc: {  	v56 =	vld [tilespmem:s9+$0xFFFFFFB0];
	v58 =	vperm.xlane v21, v12;
	v23 =	vmul.f32 v23, v46;
	[tilespmem:s9+$0xFFFFFFC0] =	vst v28  }
0x1bd: {  	v57 =	vld [tilespmem:s9+$0xFFFFFF20];
	v42 =	vmul.f32 v36, v32;
	[tilespmem:s9+$0xFFFFFFA0] =	vst v25  }
0x1be: {  	v61 =	vld [tilespmem:s9+$0x40];
	v29 =	vmul.f32 v29, v58;
	[tilespmem:s9+$0xFFFFFFF0] =	vst v23  }
0x1bf: {  	v59 =	vld [tilespmem:s9+$0xFFFFFFE0];
	v60 =	vmul.f32 v53, v32;
	[tilespmem:s9+$0xB0] =	vst v42  }
0x1c0: {  	v51 =	vperm.xlane v21, v2;
	v37 =	vmul.f32 v54, v58;
	[tilespmem:s9+$0x60] =	vst v29  }
0x1c1: {  	v55 =	vperm.xlane v21, v11;
	v52 =	vmul.f32 v56, v44;
	[tilespmem:s9+$0xA0] =	vst v60  }
0x1c2: {  	v48 =	vld [tilespmem:s9+$0xFFFFFF70];
	v30 =	vmul.f32 v57, v51;
	[tilespmem:s9+$0x70] =	vst v37  }
0x1c3: {  	v49 =	vld [tilespmem:s9+$0xFFFFFF80];
	v53 =	vperm.xlane v21, v4;
	v57 =	vmul.f32 v61, v55;
	[tilespmem:s9+$0xFFFFFFB0] =	vst v52  }
0x1c4: {  	v54 =	vld [tilespmem:s9+$0xF0];
	v22 =	vmul.f32 v59, v46;
	v58 =	vperm.xlane v21, v5;
	[tilespmem:s9+$0xFFFFFF20] =	vst v30  }
0x1c5: {  	v45 =	vld [tilespmem:s9+$0x30];
	v19 =	vmul.f32 v19, v53;
	[tilespmem:s9+$0x40] =	vst v57  }
0x1c6: {  	v43 =	vld [tilespmem:s9+$0x20];
	v20 =	vmul.f32 v20, v58;
	[tilespmem:s9+$0xFFFFFFE0] =	vst v22  }
0x1c7: {  	v47 =	vld [tilespmem:s9+$0x0];
	v60 =	vmul.f32 v48, v53;
	[tilespmem:s9+$0xFFFFFF60] =	vst v19  }
0x1c8: {  	v63 =	vld [tilespmem:s9+$0x50];
	v59 =	vperm.xlane v21, v10;
	v62 =	vmul.f32 v49, v58;
	[tilespmem:s9+$0xFFFFFF90] =	vst v20  }
0x1c9: {  	v56 =	vld [tilespmem:s9+$0xFFFFFF30];
	[tilespmem:s9+$0xFFFFFF70] =	vst v60;
	v19 =	vmul.f32 v54, v24  }
0x1ca: {  	v50 =	vld [tilespmem:s9+$0x10];
	v61 =	vperm.xlane v21, v9;
	v20 =	vmul.f32 v45, v59;
	[tilespmem:s9+$0xFFFFFF80] =	vst v62  }
0x1cb: {  	[tilespmem:s9+$0xF0] =	vst v19;
	v19 =	vmul.f32 v43, v59  }
0x1cc: {  	s7 =	sadd.s32 $0x1, s7;
	[tilespmem:s9+$0x30] =	vst v20;
	v20 =	vmul.f32 v47, v61  }
0x1cd: {  	p1 =	sne.s32 s7, $0x1A;
	[tilespmem:s9+$0x20] =	vst v19;
	v19 =	vmul.f32 v63, v55  }
.Ltmp9:
0x1ce: {  	[tilespmem:s9+$0x0] =	vst v20;
	v63 =	vmul.f32 v56, v51;
	(pc) =	sbr.rel @p1 .LBB2_19-.Ltmp9, $4  }
0x1cf: {  	[tilespmem:s9+$0x50] =	vst v19;
	v19 =	vmul.f32 v50, v61  }
0x1d0: {  	s17 =	sshrl.u32 s17, $0x2;
	[tilespmem:s9+$0xFFFFFF30] =	vst v63  }
0x1d1: {  	s5 =	sadd.s32 $0x80, s5;
	s6 =	sadd.s32 $0x1, s6;
	s26 =	sadd.s32 $0x18700, s17;
	[tilespmem:s9+$0x10] =	vst v19  }
0x1d2: {  	[spmem:s1] =	stream.indirect.scatter.add.f32 [tilespmem:s12], [sflag:$0x3], $0x20, s26, s16, $0xb8;
	[tilespmem:$0x1FF10] =	vst v63  }
0x1d3: {  	_ =	swait.ge [sflag:s22], $0x1000  }
0x1d4: {  	[sflag:s22] =	ssyncset.done $0x0  }
0x1d5: {  	[sflag:s22] =	ssyncadd.s32 $0xFFFFF000  }
0x1d6: {  	_ =	swait.ge [sflag:s22], $0x1000  }
0x1d7: {  	[sflag:s22] =	ssyncset.done $0x0  }
0x1d8: {  	s4 =	sadd.s32 $0x1, s4;
	[sflag:s22] =	ssyncadd.s32 $0xFFFFF000  }
0x1d9: {  	p1 =	sne.s32 s4, $0xF;
	_ =	swait.ge [sflag:s22], $0x1000  }
.Ltmp10:
0x1da: {  	[sflag:s22] =	ssyncset.done $0x0;
	(pc) =	sbr.rel @p1 .LBB2_18-.Ltmp10, $4  }
0x1db: {  	[sflag:s22] =	ssyncadd.s32 $0xFFFFF000  }
0x1dc: {  	_ =	swait.ge [sflag:s22], $0x1000  }
0x1dd: {  	[sflag:s22] =	ssyncset.done $0x0  }
0x1de: {  	[sflag:s22] =	ssyncadd.s32 $0xFFFFF000  }
.Ltmp11:
0x1df: {  	(pc) =	sbr.rel @p0 .LBB2_27-.Ltmp11, $1  }
0x1e0: {  	_ =	sdelay $0x3  }
0x1e1: {  	s3 =	simm.s32 $0x0;
	s4 =	rddreg [dreg:$0x11]  }
0x1e2: {  	[tilespmem:s0], [sflag:$0x4] =	stream.linear.gather [hbm4b:s4+s3], $0x80, $0x38;
	[tilespmem:$0x1FF10] =	vst v63  }
0x1e3: {  	_ =	swait.ge [sflag:s30], $0x80  }
0x1e4: {  	s17 =	rddreg [dreg:$0xd]  }
0x1e5: {  	[sflag:s30] =	ssyncset.done $0x0;
	s5 =	rddreg [dreg:$0x10]  }
0x1e6: {  	[sflag:s30] =	ssyncadd.s32 $0xFFFFFF80;
	s4 =	sadd.s32 s17, s5  }
0x1e7: {  	[tilespmem:s31], [sflag:$0x4] =	stream.linear.gather [hbm4b:s4+s3], $0x80, $0x38;
	[tilespmem:$0x1FF10] =	vst v63  }
0x1e8: {  	_ =	swait.ge [sflag:s30], $0x80  }
0x1e9: {  	[sflag:s30] =	ssyncset.done $0x0  }
0x1ea: {  	s21 =	simm.s32 $0x1A100;
	s20 =	rddreg [dreg:$0x12];
	[sflag:s30] =	ssyncadd.s32 $0xFFFFFF80  }
0x1eb: {  	[tilespmem:s21], [sflag:$0x4] =	stream.linear.gather [hbm4b:s20+s3], $0x80, $0x38;
	[tilespmem:$0x1FF10] =	vst v63  }
0x1ec: {  	_ =	swait.ge [sflag:s30], $0x80  }
0x1ed: {  	[sflag:s30] =	ssyncset.done $0x0  }
0x1ee: {  	[sflag:s30] =	ssyncadd.s32 $0xFFFFFF80  }
0x1ef: {  	[tilespmem:s19], [sflag:$0x2] =	stream.indirect.gather [hbm4b:s18+s16], $0x20, s31, s16, $0xb8;
	[tilespmem:$0x1FF10] =	vst v63  }
0x1f0: {  	_ =	swait.ge [sflag:s10], $0x1000  }
0x1f1: {  	[sflag:s10] =	ssyncset.done $0x0  }
0x1f2: {  	s3 =	simm.s32 $0x1AF00;
	[sflag:s10] =	ssyncadd.s32 $0xFFFFF000  }
0x1f3: {  	v24 =	vld [tilespmem:s3+$0xFFFFFFA0]  }
0x1f4: {  	v22 =	vld [tilespmem:s3+$0xFFFFFFF0]  }
0x1f5: {  	v19 =	vld [tilespmem:s3+$0xFFFFFF60]  }
0x1f6: {  	v25 =	vld [tilespmem:s3+$0xFFFFFFD0]  }
0x1f7: {  	v26 =	vld [tilespmem:s3+$0x80]  }
0x1f8: {  	v29 =	vld [tilespmem:s3+$0xFFFFFF10]  }
0x1f9: {  	s26 =	simm.s32 $0x0;
	v33 =	vld [tilespmem:s3+$0xE0]  }
0x1fa: {  	v21 =	vld [tilespmem:s26+$0x1A100]  }
0x1fb: {  	v28 =	vld [tilespmem:s3+$0xFFFFFF40]  }
0x1fc: {  	v20 =	vld [tilespmem:s3+$0xFFFFFF90]  }
0x1fd: {  	v27 =	vld [tilespmem:s3+$0xFFFFFFC0]  }
0x1fe: {  	v30 =	vld [tilespmem:s3+$0xFFFFFF00]  }
0x1ff: {  	v31 =	vld [tilespmem:s3+$0xD0];
	v21 =	vmul.f32 v21, v18  }
0x200: {  	v40 =	vld [tilespmem:s3+$0xC0]  }
0x201: {  	v38 =	vld [tilespmem:s3+$0x90];
	v36 =	vperm.xlane v21, v1;
	v23 =	vperm.xlane v21, v16  }
0x202: {  	v39 =	vld [tilespmem:s3+$0xFFFFFF50];
	v37 =	vperm.xlane v21, v3;
	v34 =	vperm.xlane v21, v15  }
0x203: {  	v35 =	vld [tilespmem:s3+$0xB0];
	v32 =	vperm.xlane v21, v13;
	v42 =	vmul.f32 v30, v36  }
0x204: {  	s5 =	simm.s32 $0x1AF00;
	s4 =	simm.s32 $0x40;
	v30 =	vperm.xlane v21, v14;
	v41 =	vmul.f32 v28, v37;
	v28 =	vld [tilespmem:s3+$0x60]  }
.LBB2_25:
0x205: {  	p1 =	sne.s32 s4, $0x1C0  }
0x206: {  	[tilespmem:s3+$0xFFFFFF00] =	vst v42;
	v42 =	vld [tilespmem:s3+$0xFFFFFFB0];
	v40 =	vmul.f32 v40, v34;
	v33 =	vmul.f32 v33, v23;
	s5 =	sadd.s32 $0x200, s5;
	s6 =	smov.u32 s4;
	s4 =	sadd.s32 $0x40, s4  }
0x207: {  	[tilespmem:s3+$0xFFFFFF40] =	vst v41;
	v41 =	vperm.xlane v21, v11;
	v38 =	vmul.f32 v38, v32;
	v43 =	vld [tilespmem:s3+$0xA0]  }
0x208: {  	v29 =	vmul.f32 v29, v36;
	v36 =	vmul.f32 v39, v37;
	v37 =	vld [tilespmem:s3+$0x70];
	[tilespmem:s3+$0xE0] =	vst v33  }
0x209: {  	v33 =	vperm.xlane v21, v6;
	v39 =	vld [tilespmem:s3+$0xFFFFFFE0];
	v35 =	vmul.f32 v35, v30;
	[tilespmem:s3+$0xC0] =	vst v40  }
0x20a: {  	v31 =	vmul.f32 v31, v34;
	v40 =	vperm.xlane v21, v7;
	[tilespmem:s3+$0xFFFFFF10] =	vst v29;
	v29 =	vld [tilespmem:s3+$0xFFFFFF20]  }
0x20b: {  	v44 =	vperm.xlane v21, v12;
	v24 =	vmul.f32 v24, v33;
	v34 =	vld [tilespmem:s3+$0x40];
	[tilespmem:s3+$0x90] =	vst v38  }
0x20c: {  	[tilespmem:s3+$0xFFFFFF50] =	vst v36;
	v36 =	vperm.xlane v21, v10;
	v38 =	vld [tilespmem:s3+$0x20];
	v30 =	vmul.f32 v43, v30  }
0x20d: {  	v33 =	vmul.f32 v42, v33;
	v42 =	vld [tilespmem:s3+$0x50];
	v37 =	vmul.f32 v37, v44;
	[tilespmem:s3+$0xD0] =	vst v31  }
0x20e: {  	v26 =	vmul.f32 v26, v32;
	v31 =	vperm.xlane v21, v8;
	v43 =	vld [tilespmem:s3+$0x30];
	[tilespmem:s3+$0xA0] =	vst v30  }
0x20f: {  	v27 =	vmul.f32 v27, v40;
	v30 =	vperm.xlane v21, v4;
	v32 =	vld [tilespmem:s3+$0x0];
	[tilespmem:s3+$0x70] =	vst v37  }
0x210: {  	v28 =	vmul.f32 v28, v44;
	v25 =	vmul.f32 v25, v40;
	v37 =	vld [tilespmem:s3+$0x10];
	[tilespmem:s3+$0x80] =	vst v26  }
0x211: {  	v40 =	vperm.xlane v21, v9;
	v34 =	vmul.f32 v34, v41;
	v26 =	vld [tilespmem:s3+$0xFFFFFF30];
	[tilespmem:s3+$0xB0] =	vst v35  }
0x212: {  	v35 =	vperm.xlane v21, v2;
	v44 =	vld [tilespmem:s3+$0xFFFFFF70];
	[tilespmem:s3+$0xFFFFFFD0] =	vst v25;
	v41 =	vmul.f32 v42, v41  }
0x213: {  	v22 =	vmul.f32 v22, v31;
	v25 =	vmul.f32 v39, v31;
	[tilespmem:s3+$0xFFFFFFC0] =	vst v27;
	v27 =	vld [tilespmem:s3+$0xF0]  }
0x214: {  	v39 =	vmul.f32 v43, v36;
	v31 =	vld [tilespmem:s3+$0xFFFFFF80];
	[tilespmem:s3+$0xFFFFFFA0] =	vst v24;
	v32 =	vmul.f32 v32, v40  }
0x215: {  	v24 =	vld [tilespmem:s5+$0xFFFFFFA0];
	[tilespmem:s3+$0xFFFFFFF0] =	vst v22;
	v37 =	vmul.f32 v37, v40;
	v22 =	vmul.f32 v38, v36  }
0x216: {  	v29 =	vmul.f32 v29, v35;
	v35 =	vmul.f32 v26, v35;
	[tilespmem:s3+$0x60] =	vst v28  }
0x217: {  	v19 =	vmul.f32 v19, v30;
	v26 =	vmul.f32 v44, v30;
	[tilespmem:s3+$0xFFFFFFB0] =	vst v33  }
0x218: {  	v21 =	vperm.xlane v21, v5;
	[tilespmem:s3+$0xFFFFFF20] =	vst v29;
	v23 =	vmul.f32 v27, v23  }
0x219: {  	[tilespmem:s3+$0xFFFFFF60] =	vst v19  }
0x21a: {  	v27 =	vmul.f32 v31, v21;
	v19 =	vmul.f32 v20, v21;
	[tilespmem:s3+$0x40] =	vst v34  }
0x21b: {  	[tilespmem:s3+$0xFFFFFFE0] =	vst v25  }
0x21c: {  	[tilespmem:s3+$0xF0] =	vst v23  }
0x21d: {  	[tilespmem:s3+$0xFFFFFF90] =	vst v19  }
0x21e: {  	[tilespmem:s3+$0xFFFFFF70] =	vst v26  }
0x21f: {  	[tilespmem:s3+$0x20] =	vst v22  }
0x220: {  	v22 =	vld [tilespmem:s5+$0xFFFFFFF0];
	[tilespmem:s3+$0x30] =	vst v39  }
0x221: {  	v19 =	vld [tilespmem:s5+$0xFFFFFF60];
	[tilespmem:s3+$0xFFFFFF80] =	vst v27  }
0x222: {  	v25 =	vld [tilespmem:s5+$0xFFFFFFD0];
	[tilespmem:s3+$0x50] =	vst v41  }
0x223: {  	v26 =	vld [tilespmem:s5+$0x80];
	[tilespmem:s3+$0x0] =	vst v32  }
0x224: {  	v29 =	vld [tilespmem:s5+$0xFFFFFF10];
	[tilespmem:s3+$0xFFFFFF30] =	vst v35  }
0x225: {  	s6 =	sshra.s32 s6, $0x2;
	v33 =	vld [tilespmem:s5+$0xE0];
	[tilespmem:s3+$0x10] =	vst v37;
	s3 =	smov.u32 s5  }
0x226: {  	v21 =	vld [tilespmem:s6+$0x1A100]  }
0x227: {  	v28 =	vld [tilespmem:s5+$0xFFFFFF40]  }
0x228: {  	v20 =	vld [tilespmem:s5+$0xFFFFFF90]  }
0x229: {  	v27 =	vld [tilespmem:s5+$0xFFFFFFC0]  }
0x22a: {  	v30 =	vld [tilespmem:s5+$0xFFFFFF00]  }
0x22b: {  	v21 =	vmul.f32 v21, v18;
	v31 =	vld [tilespmem:s5+$0xD0]  }
.Ltmp12:
0x22c: {  	v40 =	vld [tilespmem:s5+$0xC0];
	(pc) =	sbr.rel @p1 .LBB2_25-.Ltmp12, $4  }
0x22d: {  	v36 =	vperm.xlane v21, v1;
	v38 =	vld [tilespmem:s5+$0x90];
	v23 =	vperm.xlane v21, v16  }
0x22e: {  	v37 =	vperm.xlane v21, v3;
	v34 =	vperm.xlane v21, v15;
	v39 =	vld [tilespmem:s5+$0xFFFFFF50]  }
0x22f: {  	v42 =	vmul.f32 v30, v36;
	v30 =	vperm.xlane v21, v14;
	v35 =	vld [tilespmem:s5+$0xB0]  }
0x230: {  	v32 =	vperm.xlane v21, v13;
	v41 =	vmul.f32 v28, v37;
	v28 =	vld [tilespmem:s5+$0x60]  }
0x231: {  	[tilespmem:s3+$0xFFFFFF00] =	vst v42;
	v18 =	vmul.f32 v33, v23  }
0x232: {  	v54 =	vmul.f32 v40, v34;
	[tilespmem:s3+$0xFFFFFF40] =	vst v41  }
0x233: {  	v29 =	vmul.f32 v29, v36;
	[tilespmem:s3+$0xE0] =	vst v18  }
0x234: {  	v31 =	vmul.f32 v31, v34;
	[tilespmem:s3+$0xC0] =	vst v54  }
0x235: {  	v26 =	vmul.f32 v26, v32;
	[tilespmem:s3+$0xFFFFFF10] =	vst v29  }
0x236: {  	v62 =	vperm.xlane v21, v7;
	v18 =	vmul.f32 v38, v32;
	[tilespmem:s3+$0xD0] =	vst v31  }
0x237: {  	v37 =	vmul.f32 v39, v37;
	[tilespmem:s3+$0x80] =	vst v26  }
0x238: {  	v44 =	vperm.xlane v21, v6;
	v25 =	vmul.f32 v25, v62;
	[tilespmem:s3+$0x90] =	vst v18  }
0x239: {  	v46 =	vperm.xlane v21, v8;
	v27 =	vmul.f32 v27, v62;
	[tilespmem:s3+$0xFFFFFF50] =	vst v37  }
0x23a: {  	v55 =	vld [tilespmem:s3+$0xA0];
	v53 =	vperm.xlane v21, v4;
	v24 =	vmul.f32 v24, v44;
	[tilespmem:s3+$0xFFFFFFD0] =	vst v25  }
0x23b: {  	v56 =	vld [tilespmem:s3+$0x70];
	v22 =	vmul.f32 v22, v46;
	[tilespmem:s3+$0xFFFFFFC0] =	vst v27  }
0x23c: {  	v57 =	vld [tilespmem:s3+$0xFFFFFFB0];
	v59 =	vperm.xlane v21, v12;
	v19 =	vmul.f32 v19, v53;
	[tilespmem:s3+$0xFFFFFFA0] =	vst v24  }
0x23d: {  	v58 =	vld [tilespmem:s3+$0xFFFFFF20];
	v42 =	vmul.f32 v35, v30;
	[tilespmem:s3+$0xFFFFFFF0] =	vst v22  }
0x23e: {  	v61 =	vld [tilespmem:s3+$0x40];
	v28 =	vmul.f32 v28, v59;
	[tilespmem:s3+$0xFFFFFF60] =	vst v19  }
0x23f: {  	v54 =	vld [tilespmem:s3+$0xF0];
	v60 =	vmul.f32 v55, v30;
	[tilespmem:s3+$0xB0] =	vst v42  }
0x240: {  	v51 =	vperm.xlane v21, v2;
	v36 =	vmul.f32 v56, v59;
	[tilespmem:s3+$0x60] =	vst v28  }
0x241: {  	v45 =	vld [tilespmem:s3+$0x30];
	v52 =	vmul.f32 v57, v44;
	v55 =	vperm.xlane v21, v11;
	[tilespmem:s3+$0xA0] =	vst v60  }
0x242: {  	v18 =	vld [tilespmem:s3+$0xFFFFFFE0];
	v29 =	vmul.f32 v58, v51;
	[tilespmem:s3+$0x70] =	vst v36  }
0x243: {  	v43 =	vld [tilespmem:s3+$0x20];
	v58 =	vperm.xlane v21, v5;
	[tilespmem:s3+$0xFFFFFFB0] =	vst v52;
	v57 =	vmul.f32 v61, v55  }
0x244: {  	v48 =	vld [tilespmem:s3+$0xFFFFFF70];
	v59 =	vperm.xlane v21, v10;
	[tilespmem:s3+$0xFFFFFF20] =	vst v29;
	v19 =	vmul.f32 v54, v23  }
0x245: {  	v49 =	vld [tilespmem:s3+$0xFFFFFF80];
	v20 =	vmul.f32 v20, v58;
	[tilespmem:s3+$0x40] =	vst v57  }
0x246: {  	v63 =	vld [tilespmem:s3+$0x50];
	v60 =	vmul.f32 v45, v59;
	[tilespmem:s3+$0xF0] =	vst v19  }
0x247: {  	v56 =	vld [tilespmem:s3+$0xFFFFFF30];
	v18 =	vmul.f32 v18, v46;
	[tilespmem:s3+$0xFFFFFF90] =	vst v20  }
0x248: {  	v47 =	vld [tilespmem:s3+$0x0];
	v19 =	vmul.f32 v43, v59;
	[tilespmem:s3+$0x30] =	vst v60  }
0x249: {  	v50 =	vld [tilespmem:s3+$0x10];
	[tilespmem:s3+$0xFFFFFFE0] =	vst v18;
	v18 =	vmul.f32 v48, v53  }
0x24a: {  	v61 =	vmul.f32 v49, v58;
	[tilespmem:s3+$0x20] =	vst v19  }
0x24b: {  	v19 =	vmul.f32 v63, v55;
	[tilespmem:s3+$0xFFFFFF70] =	vst v18;
	v18 =	vperm.xlane v21, v9  }
0x24c: {  	[tilespmem:s3+$0xFFFFFF80] =	vst v61;
	v63 =	vmul.f32 v56, v51  }
0x24d: {  	[tilespmem:s3+$0x50] =	vst v19;
	v62 =	vmul.f32 v47, v18  }
0x24e: {  	[tilespmem:s3+$0xFFFFFF30] =	vst v63;
	v18 =	vmul.f32 v50, v18  }
0x24f: {  	[tilespmem:s3+$0x0] =	vst v62  }
0x250: {  	[tilespmem:s3+$0x10] =	vst v18  }
0x251: {  	[spmem:s1] =	stream.indirect.scatter.add.f32 [tilespmem:s19], [sflag:$0x4], $0x20, s0, s16, $0xb8;
	[tilespmem:$0x1FF10] =	vst v63  }
0x252: {  	_ =	swait.ge [sflag:s30], $0x1000  }
0x253: {  	[sflag:s30] =	ssyncset.done $0x0  }
0x254: {  	[sflag:s30] =	ssyncadd.s32 $0xFFFFF000  }
.LBB2_27:
0x255: {  	s3 =	simm.s32 $0x0;
	s4 =	simm.s32 $0x0  }
.LBB2_28:
0x256: {  	s5 =	smul.u32 $0x1A, s4;
	_ =	sdelay $0x1  }
0x257: {  	s5 =	sadd.s32 s11, s5  }
0x258: {  	s6 =	rddreg [dreg:$0x9];
	s5 =	sshll.u32 s5, $0x4  }
0x259: {  	s20 =	rddreg [dreg:$0x13];
	s6 =	sadd.s32 s6, s5  }
0x25a: {  	[tilespmem:s0], [sflag:$0x1] =	stream.linear.gather [hbm4b:s6+s3], $0xD00, $0x38;
	[tilespmem:$0x1FF10] =	vst v63  }
0x25b: {  	s21 =	rddreg [dreg:$0xa];
	s6 =	sadd.s32 s5, s20  }
0x25c: {  	[tilespmem:s31], [sflag:$0x1] =	stream.linear.gather [hbm4b:s6+s3], $0xD00, $0x38;
	[tilespmem:$0x1FF10] =	vst v63  }
0x25d: {  	s6 =	sadd.s32 s21, s5;
	s5 =	simm.s32 $0x1A100  }
0x25e: {  	[tilespmem:s5], [sflag:$0x1] =	stream.linear.gather [hbm4b:s6+s3], $0xD00, $0x38;
	[tilespmem:$0x1FF10] =	vst v63  }
0x25f: {  	_ =	swait.ge [sflag:s15], $0xD00  }
0x260: {  	[sflag:s15] =	ssyncset.done $0x0  }
0x261: {  	[sflag:s15] =	ssyncadd.s32 $0xFFFFF300  }
0x262: {  	_ =	swait.ge [sflag:s15], $0xD00  }
0x263: {  	[sflag:s15] =	ssyncset.done $0x0  }
0x264: {  	[sflag:s15] =	ssyncadd.s32 $0xFFFFF300  }
0x265: {  	_ =	swait.ge [sflag:s15], $0xD00  }
0x266: {  	[sflag:s15] =	ssyncset.done $0x0  }
0x267: {  	[sflag:s15] =	ssyncadd.s32 $0xFFFFF300  }
0x268: {  	[tilespmem:s19], [sflag:$0x2] =	stream.indirect.gather [hbm4b:s13+s16], $0x20, s31, s16, $0xb8;
	[tilespmem:$0x1FF10] =	vst v63  }
0x269: {  	s26 =	simm.s32 $0x19480;
	s7 =	simm.s32 $0x1BE00  }
0x26a: {  	[tilespmem:s7], [sflag:$0x2] =	stream.indirect.gather [hbm4b:s13+s16], $0x20, s26, s16, $0xb8;
	[tilespmem:$0x1FF10] =	vst v63  }
0x26b: {  	s6 =	simm.s32 $0x0;
	s7 =	simm.s32 $0x0  }
0x26c: {  	[tilespmem:s8], [sflag:$0x2] =	stream.indirect.gather [hbm4b:s13+s16], $0x20, s28, s16, $0xb8;
	[tilespmem:$0x1FF10] =	vst v63  }
.LBB2_29:
0x26d: {  	p1 =	sgt.u32 s7, $0x16  }
0x26e: {  	p2 =	seq.s32 @!p1 s7, $0x0  }
0x26f: {  	p2 =	por p2, p1  }
0x270: {  	s9 =	simm.s32 @!p2 $0x3  }
0x271: {  	s12 =	sadd.s32 $0x3, s7;
	_ =	swait.ge @!p2 [sflag:s9], $0x1000  }
0x272: {  	s17 =	sshll.u32 @!p1 s12, $0xC;
	s12 =	sshll.u32 @!p1 s12, $0x7;
	[sflag:s9] =	ssyncset.done @!p2 $0x0  }
0x273: {  	s12 =	sand.u32 @!p1 $0x3FFFFF80, s12;
	[sflag:s9] =	ssyncadd.s32 @!p2 $0xFFFFF000;
	s9 =	sand.u32 @!p1 $0x3000, s17  }
0x274: {  	s12 =	sadd.s32 @!p1 $0x19400, s12;
	s17 =	simm.s32 @!p1 $0x80;
	s9 =	sadd.s32 @!p1 $0x1AE00, s9  }
0x275: {  	[tilespmem:s9], [sflag:$0x2] =	stream.indirect.gather @!p1 [hbm4b:s13+s17], $0x20, s12, s17, $0xb8;
	[tilespmem:$0x1FF10] =	vst v63  }
0x276: {  	s20 =	sand.u32 $0x3, s6;
	_ =	swait.ge [sflag:s10], $0x1000  }
0x277: {  	s9 =	sshll.u32 s20, $0xC;
	[sflag:s10] =	ssyncset.done $0x0  }
0x278: {  	s9 =	sadd.s32 $0x1AF00, s9;
	[sflag:s10] =	ssyncadd.s32 $0xFFFFF000  }
0x279: {  	v24 =	vld [tilespmem:s9+$0xFFFFFFA0]  }
0x27a: {  	v21 =	vmov s5;
	v22 =	vld [tilespmem:s9+$0xFFFFFFF0]  }
0x27b: {  	v18 =	vld [tilespmem:s9+$0xFFFFFF60]  }
0x27c: {  	v25 =	vld [tilespmem:s9+$0xFFFFFFD0]  }
0x27d: {  	v26 =	vld [tilespmem:s9+$0x80]  }
0x27e: {  	s21 =	simm.s32 $0x0;
	v29 =	vld [tilespmem:s9+$0xFFFFFF10]  }
0x27f: {  	v20 =	vld.idx.msk [tilespmem:v21+s21+$0x0 ss:$0x1], $0xffff  }
0x280: {  	v34 =	vld [tilespmem:s9+$0xE0]  }
0x281: {  	v28 =	vld [tilespmem:s9+$0xFFFFFF40]  }
0x282: {  	v19 =	vld [tilespmem:s9+$0xFFFFFF90]  }
0x283: {  	v27 =	vld [tilespmem:s9+$0xFFFFFFC0]  }
0x284: {  	v31 =	vld [tilespmem:s9+$0xFFFFFF00]  }
0x285: {  	v30 =	vld [tilespmem:s9+$0xD0];
	v20 =	vmul.f32 v20, v17  }
0x286: {  	v40 =	vld [tilespmem:s9+$0xC0]  }
0x287: {  	v38 =	vld [tilespmem:s9+$0x90];
	v36 =	vperm.xlane v20, v1;
	v23 =	vperm.xlane v20, v16  }
0x288: {  	s26 =	sshll.u32 s7, $0xC;
	v39 =	vld [tilespmem:s9+$0xFFFFFF50];
	v37 =	vperm.xlane v20, v3;
	v33 =	vperm.xlane v20, v15  }
0x289: {  	s12 =	sand.u32 $0x3000, s26;
	s17 =	sshll.u32 s7, $0x9;
	v35 =	vld [tilespmem:s9+$0xB0];
	v32 =	vperm.xlane v20, v13;
	v42 =	vmul.f32 v31, v36  }
0x28a: {  	s12 =	sadd.s32 $0x1AE00, s12;
	s20 =	smov.u32 s9;
	s21 =	simm.s32 $0x40;
	v31 =	vperm.xlane v20, v14;
	v41 =	vmul.f32 v28, v37;
	v28 =	vld [tilespmem:s9+$0x60]  }
.LBB2_30:
0x28b: {  	p1 =	sne.s32 s21, $0x1C0  }
0x28c: {  	[tilespmem:s9+$0xFFFFFF00] =	vst v42;
	v42 =	vld [tilespmem:s9+$0xFFFFFFB0];
	v40 =	vmul.f32 v40, v33;
	v34 =	vmul.f32 v34, v23;
	s20 =	sadd.s32 $0x200, s20;
	s26 =	smov.u32 s21;
	s21 =	sadd.s32 $0x40, s21  }
0x28d: {  	[tilespmem:s9+$0xFFFFFF40] =	vst v41;
	v41 =	vperm.xlane v20, v11;
	v38 =	vmul.f32 v38, v32;
	v43 =	vld [tilespmem:s9+$0xA0]  }
0x28e: {  	v29 =	vmul.f32 v29, v36;
	v36 =	vmul.f32 v39, v37;
	v37 =	vld [tilespmem:s9+$0x70];
	[tilespmem:s9+$0xE0] =	vst v34  }
0x28f: {  	v34 =	vperm.xlane v20, v6;
	v39 =	vld [tilespmem:s9+$0xFFFFFFE0];
	v35 =	vmul.f32 v35, v31;
	[tilespmem:s9+$0xC0] =	vst v40  }
0x290: {  	v30 =	vmul.f32 v30, v33;
	v40 =	vperm.xlane v20, v7;
	[tilespmem:s9+$0xFFFFFF10] =	vst v29;
	v29 =	vld [tilespmem:s9+$0xFFFFFF20]  }
0x291: {  	v44 =	vperm.xlane v20, v12;
	v24 =	vmul.f32 v24, v34;
	v33 =	vld [tilespmem:s9+$0x40];
	[tilespmem:s9+$0x90] =	vst v38  }
0x292: {  	[tilespmem:s9+$0xFFFFFF50] =	vst v36;
	v36 =	vperm.xlane v20, v10;
	v38 =	vld [tilespmem:s9+$0x20];
	v31 =	vmul.f32 v43, v31  }
0x293: {  	v34 =	vmul.f32 v42, v34;
	v42 =	vld [tilespmem:s9+$0x50];
	v37 =	vmul.f32 v37, v44;
	[tilespmem:s9+$0xD0] =	vst v30  }
0x294: {  	v26 =	vmul.f32 v26, v32;
	v30 =	vperm.xlane v20, v8;
	v43 =	vld [tilespmem:s9+$0x30];
	[tilespmem:s9+$0xA0] =	vst v31  }
0x295: {  	v27 =	vmul.f32 v27, v40;
	v31 =	vperm.xlane v20, v4;
	v32 =	vld [tilespmem:s9+$0x0];
	[tilespmem:s9+$0x70] =	vst v37  }
0x296: {  	v28 =	vmul.f32 v28, v44;
	v25 =	vmul.f32 v25, v40;
	v37 =	vld [tilespmem:s9+$0x10];
	[tilespmem:s9+$0x80] =	vst v26  }
0x297: {  	v40 =	vperm.xlane v20, v9;
	v33 =	vmul.f32 v33, v41;
	v26 =	vld [tilespmem:s9+$0xFFFFFF30];
	[tilespmem:s9+$0xB0] =	vst v35  }
0x298: {  	v35 =	vperm.xlane v20, v2;
	v44 =	vld [tilespmem:s9+$0xFFFFFF70];
	[tilespmem:s9+$0xFFFFFFD0] =	vst v25;
	v25 =	vmul.f32 v42, v41  }
0x299: {  	v22 =	vmul.f32 v22, v30;
	[tilespmem:s9+$0xFFFFFFC0] =	vst v27;
	v27 =	vmul.f32 v39, v30;
	v30 =	vld [tilespmem:s9+$0xF0]  }
0x29a: {  	v41 =	vmul.f32 v43, v36;
	v39 =	vld [tilespmem:s9+$0xFFFFFF80];
	[tilespmem:s9+$0xFFFFFFA0] =	vst v24;
	v32 =	vmul.f32 v32, v40  }
0x29b: {  	v24 =	vld [tilespmem:s20+$0xFFFFFFA0];
	[tilespmem:s9+$0xFFFFFFF0] =	vst v22;
	v37 =	vmul.f32 v37, v40;
	v22 =	vmul.f32 v38, v36  }
0x29c: {  	v29 =	vmul.f32 v29, v35;
	v35 =	vmul.f32 v26, v35;
	[tilespmem:s9+$0x60] =	vst v28  }
0x29d: {  	v18 =	vmul.f32 v18, v31;
	v26 =	vmul.f32 v44, v31;
	[tilespmem:s9+$0xFFFFFFB0] =	vst v34  }
0x29e: {  	v20 =	vperm.xlane v20, v5;
	[tilespmem:s9+$0xFFFFFF20] =	vst v29;
	v23 =	vmul.f32 v30, v23  }
0x29f: {  	[tilespmem:s9+$0xFFFFFF60] =	vst v18  }
0x2a0: {  	v19 =	vmul.f32 v19, v20;
	v18 =	vmul.f32 v39, v20;
	[tilespmem:s9+$0x40] =	vst v33  }
0x2a1: {  	[tilespmem:s9+$0xFFFFFFE0] =	vst v27  }
0x2a2: {  	[tilespmem:s9+$0xF0] =	vst v23  }
0x2a3: {  	[tilespmem:s9+$0xFFFFFF90] =	vst v19  }
0x2a4: {  	[tilespmem:s9+$0xFFFFFF70] =	vst v26  }
0x2a5: {  	[tilespmem:s9+$0x20] =	vst v22  }
0x2a6: {  	[tilespmem:s9+$0x30] =	vst v41  }
0x2a7: {  	v22 =	vld [tilespmem:s20+$0xFFFFFFF0];
	[tilespmem:s9+$0xFFFFFF80] =	vst v18  }
0x2a8: {  	v18 =	vld [tilespmem:s20+$0xFFFFFF60];
	[tilespmem:s9+$0x50] =	vst v25  }
0x2a9: {  	v25 =	vld [tilespmem:s20+$0xFFFFFFD0];
	[tilespmem:s9+$0x0] =	vst v32  }
0x2aa: {  	v26 =	vld [tilespmem:s20+$0x80];
	[tilespmem:s9+$0xFFFFFF30] =	vst v35  }
0x2ab: {  	s26 =	sshra.s32 s26, $0x2;
	v29 =	vld [tilespmem:s20+$0xFFFFFF10];
	[tilespmem:s9+$0x10] =	vst v37;
	s9 =	smov.u32 s20  }
0x2ac: {  	v20 =	vld.idx.msk [tilespmem:v21+s26+$0x0 ss:$0x1], $0xffff  }
0x2ad: {  	v34 =	vld [tilespmem:s20+$0xE0]  }
0x2ae: {  	v28 =	vld [tilespmem:s20+$0xFFFFFF40]  }
0x2af: {  	v19 =	vld [tilespmem:s20+$0xFFFFFF90]  }
0x2b0: {  	v27 =	vld [tilespmem:s20+$0xFFFFFFC0]  }
0x2b1: {  	v31 =	vld [tilespmem:s20+$0xFFFFFF00]  }
0x2b2: {  	v20 =	vmul.f32 v20, v17;
	v30 =	vld [tilespmem:s20+$0xD0]  }
.Ltmp13:
0x2b3: {  	v40 =	vld [tilespmem:s20+$0xC0];
	(pc) =	sbr.rel @p1 .LBB2_30-.Ltmp13, $4  }
0x2b4: {  	v36 =	vperm.xlane v20, v1;
	v23 =	vperm.xlane v20, v16;
	v38 =	vld [tilespmem:s20+$0x90]  }
0x2b5: {  	v37 =	vperm.xlane v20, v3;
	v33 =	vperm.xlane v20, v15;
	v39 =	vld [tilespmem:s20+$0xFFFFFF50]  }
0x2b6: {  	v42 =	vmul.f32 v31, v36;
	v31 =	vperm.xlane v20, v14;
	v35 =	vld [tilespmem:s20+$0xB0]  }
0x2b7: {  	v32 =	vperm.xlane v20, v13;
	v41 =	vmul.f32 v28, v37;
	v28 =	vld [tilespmem:s20+$0x60]  }
0x2b8: {  	[tilespmem:s9+$0xFFFFFF00] =	vst v42;
	v21 =	vmul.f32 v34, v23  }
0x2b9: {  	v52 =	vmul.f32 v40, v33;
	[tilespmem:s9+$0xFFFFFF40] =	vst v41  }
0x2ba: {  	v29 =	vmul.f32 v29, v36;
	[tilespmem:s9+$0xE0] =	vst v21  }
0x2bb: {  	v30 =	vmul.f32 v30, v33;
	[tilespmem:s9+$0xC0] =	vst v52  }
0x2bc: {  	v55 =	vmul.f32 v38, v32;
	[tilespmem:s9+$0xFFFFFF10] =	vst v29  }
0x2bd: {  	v62 =	vperm.xlane v20, v7;
	v26 =	vmul.f32 v26, v32;
	[tilespmem:s9+$0xD0] =	vst v30  }
0x2be: {  	v37 =	vmul.f32 v39, v37;
	[tilespmem:s9+$0x90] =	vst v55  }
0x2bf: {  	v44 =	vperm.xlane v20, v6;
	v25 =	vmul.f32 v25, v62;
	[tilespmem:s9+$0x80] =	vst v26  }
0x2c0: {  	v53 =	vld [tilespmem:s9+$0xA0];
	v46 =	vperm.xlane v20, v8;
	v27 =	vmul.f32 v27, v62;
	[tilespmem:s9+$0xFFFFFF50] =	vst v37  }
0x2c1: {  	v54 =	vld [tilespmem:s9+$0x70];
	v24 =	vmul.f32 v24, v44;
	[tilespmem:s9+$0xFFFFFFD0] =	vst v25  }
0x2c2: {  	v56 =	vld [tilespmem:s9+$0xFFFFFFB0];
	v58 =	vperm.xlane v20, v12;
	v22 =	vmul.f32 v22, v46;
	[tilespmem:s9+$0xFFFFFFC0] =	vst v27  }
0x2c3: {  	v57 =	vld [tilespmem:s9+$0xFFFFFF20];
	v42 =	vmul.f32 v35, v31;
	[tilespmem:s9+$0xFFFFFFA0] =	vst v24  }
0x2c4: {  	v61 =	vld [tilespmem:s9+$0x40];
	v28 =	vmul.f32 v28, v58;
	[tilespmem:s9+$0xFFFFFFF0] =	vst v22  }
0x2c5: {  	v59 =	vld [tilespmem:s9+$0xFFFFFFE0];
	v60 =	vmul.f32 v53, v31;
	[tilespmem:s9+$0xB0] =	vst v42  }
0x2c6: {  	v51 =	vperm.xlane v20, v2;
	v36 =	vmul.f32 v54, v58;
	[tilespmem:s9+$0x60] =	vst v28  }
0x2c7: {  	v55 =	vperm.xlane v20, v11;
	v52 =	vmul.f32 v56, v44;
	[tilespmem:s9+$0xA0] =	vst v60  }
0x2c8: {  	v48 =	vld [tilespmem:s9+$0xFFFFFF70];
	v29 =	vmul.f32 v57, v51;
	[tilespmem:s9+$0x70] =	vst v36  }
0x2c9: {  	v49 =	vld [tilespmem:s9+$0xFFFFFF80];
	v53 =	vperm.xlane v20, v4;
	v57 =	vmul.f32 v61, v55;
	[tilespmem:s9+$0xFFFFFFB0] =	vst v52  }
0x2ca: {  	v54 =	vld [tilespmem:s9+$0xF0];
	v21 =	vmul.f32 v59, v46;
	v58 =	vperm.xlane v20, v5;
	[tilespmem:s9+$0xFFFFFF20] =	vst v29  }
0x2cb: {  	v45 =	vld [tilespmem:s9+$0x30];
	v18 =	vmul.f32 v18, v53;
	[tilespmem:s9+$0x40] =	vst v57  }
0x2cc: {  	v43 =	vld [tilespmem:s9+$0x20];
	v19 =	vmul.f32 v19, v58;
	[tilespmem:s9+$0xFFFFFFE0] =	vst v21  }
0x2cd: {  	v47 =	vld [tilespmem:s9+$0x0];
	v60 =	vmul.f32 v48, v53;
	[tilespmem:s9+$0xFFFFFF60] =	vst v18  }
0x2ce: {  	v63 =	vld [tilespmem:s9+$0x50];
	v59 =	vperm.xlane v20, v10;
	v62 =	vmul.f32 v49, v58;
	[tilespmem:s9+$0xFFFFFF90] =	vst v19  }
0x2cf: {  	v56 =	vld [tilespmem:s9+$0xFFFFFF30];
	[tilespmem:s9+$0xFFFFFF70] =	vst v60;
	v18 =	vmul.f32 v54, v23  }
0x2d0: {  	v50 =	vld [tilespmem:s9+$0x10];
	v61 =	vperm.xlane v20, v9;
	v19 =	vmul.f32 v45, v59;
	[tilespmem:s9+$0xFFFFFF80] =	vst v62  }
0x2d1: {  	[tilespmem:s9+$0xF0] =	vst v18;
	v18 =	vmul.f32 v43, v59  }
0x2d2: {  	s7 =	sadd.s32 $0x1, s7;
	[tilespmem:s9+$0x30] =	vst v19;
	v19 =	vmul.f32 v47, v61  }
0x2d3: {  	p1 =	sne.s32 s7, $0x1A;
	[tilespmem:s9+$0x20] =	vst v18;
	v18 =	vmul.f32 v63, v55  }
.Ltmp14:
0x2d4: {  	[tilespmem:s9+$0x0] =	vst v19;
	v63 =	vmul.f32 v56, v51;
	(pc) =	sbr.rel @p1 .LBB2_29-.Ltmp14, $4  }
0x2d5: {  	[tilespmem:s9+$0x50] =	vst v18;
	v18 =	vmul.f32 v50, v61  }
0x2d6: {  	s17 =	sshrl.u32 s17, $0x2;
	[tilespmem:s9+$0xFFFFFF30] =	vst v63  }
0x2d7: {  	s5 =	sadd.s32 $0x80, s5;
	s6 =	sadd.s32 $0x1, s6;
	s26 =	sadd.s32 $0x18700, s17;
	[tilespmem:s9+$0x10] =	vst v18  }
0x2d8: {  	[spmem:s1] =	stream.indirect.scatter.add.f32 [tilespmem:s12], [sflag:$0x3], $0x20, s26, s16, $0xb8;
	[tilespmem:$0x1FF10] =	vst v63  }
0x2d9: {  	_ =	swait.ge [sflag:s22], $0x1000  }
0x2da: {  	[sflag:s22] =	ssyncset.done $0x0  }
0x2db: {  	[sflag:s22] =	ssyncadd.s32 $0xFFFFF000  }
0x2dc: {  	_ =	swait.ge [sflag:s22], $0x1000  }
0x2dd: {  	[sflag:s22] =	ssyncset.done $0x0  }
0x2de: {  	s4 =	sadd.s32 $0x1, s4;
	[sflag:s22] =	ssyncadd.s32 $0xFFFFF000  }
0x2df: {  	p1 =	sne.s32 s4, $0xF;
	_ =	swait.ge [sflag:s22], $0x1000  }
.Ltmp15:
0x2e0: {  	[sflag:s22] =	ssyncset.done $0x0;
	(pc) =	sbr.rel @p1 .LBB2_28-.Ltmp15, $4  }
0x2e1: {  	[sflag:s22] =	ssyncadd.s32 $0xFFFFF000  }
0x2e2: {  	_ =	swait.ge [sflag:s22], $0x1000  }
0x2e3: {  	[sflag:s22] =	ssyncset.done $0x0  }
0x2e4: {  	[sflag:s22] =	ssyncadd.s32 $0xFFFFF000  }
.Ltmp16:
0x2e5: {  	(pc) =	sbr.rel @p0 .LBB2_37-.Ltmp16, $4  }
0x2e6: {  	_ = 	snop  }
0x2e7: {  	s7 =	rddreg [dreg:$0x4]  }
0x2e8: {  	s21 =	rddreg [dreg:$0x5]  }
0x2e9: {  	s26 =	rddreg [dreg:$0x6]  }
0x2ea: {  	s3 =	simm.s32 $0x0;
	s4 =	rddreg [dreg:$0x15]  }
0x2eb: {  	[tilespmem:s0], [sflag:$0x4] =	stream.linear.gather [hbm4b:s4+s3], $0x80, $0x38;
	[tilespmem:$0x1FF10] =	vst v63  }
0x2ec: {  	_ =	swait.ge [sflag:s30], $0x80  }
0x2ed: {  	s9 =	rddreg [dreg:$0xd]  }
0x2ee: {  	[sflag:s30] =	ssyncset.done $0x0;
	s5 =	rddreg [dreg:$0x13]  }
0x2ef: {  	[sflag:s30] =	ssyncadd.s32 $0xFFFFFF80;
	s4 =	sadd.s32 s9, s5  }
0x2f0: {  	[tilespmem:s31], [sflag:$0x4] =	stream.linear.gather [hbm4b:s4+s3], $0x80, $0x38;
	[tilespmem:$0x1FF10] =	vst v63  }
0x2f1: {  	_ =	swait.ge [sflag:s30], $0x80  }
0x2f2: {  	[sflag:s30] =	ssyncset.done $0x0  }
0x2f3: {  	s17 =	simm.s32 $0x1A100;
	s12 =	rddreg [dreg:$0x16];
	[sflag:s30] =	ssyncadd.s32 $0xFFFFFF80  }
0x2f4: {  	[tilespmem:s17], [sflag:$0x4] =	stream.linear.gather [hbm4b:s12+s3], $0x80, $0x38;
	[tilespmem:$0x1FF10] =	vst v63  }
0x2f5: {  	_ =	swait.ge [sflag:s30], $0x80  }
0x2f6: {  	[sflag:s30] =	ssyncset.done $0x0  }
0x2f7: {  	[sflag:s30] =	ssyncadd.s32 $0xFFFFFF80  }
0x2f8: {  	[tilespmem:s19], [sflag:$0x2] =	stream.indirect.gather [hbm4b:s13+s16], $0x20, s31, s16, $0xb8;
	[tilespmem:$0x1FF10] =	vst v63  }
0x2f9: {  	_ =	swait.ge [sflag:s10], $0x1000  }
0x2fa: {  	[sflag:s10] =	ssyncset.done $0x0  }
0x2fb: {  	s3 =	simm.s32 $0x1AF00;
	[sflag:s10] =	ssyncadd.s32 $0xFFFFF000  }
0x2fc: {  	v23 =	vld [tilespmem:s3+$0xFFFFFFA0]  }
0x2fd: {  	v21 =	vld [tilespmem:s3+$0xFFFFFFF0]  }
0x2fe: {  	v18 =	vld [tilespmem:s3+$0xFFFFFF60]  }
0x2ff: {  	v24 =	vld [tilespmem:s3+$0xFFFFFFD0]  }
0x300: {  	v25 =	vld [tilespmem:s3+$0x80]  }
0x301: {  	v28 =	vld [tilespmem:s3+$0xFFFFFF10]  }
0x302: {  	s20 =	simm.s32 $0x0;
	v32 =	vld [tilespmem:s3+$0xE0]  }
0x303: {  	v20 =	vld [tilespmem:s20+$0x1A100]  }
0x304: {  	v27 =	vld [tilespmem:s3+$0xFFFFFF40]  }
0x305: {  	v19 =	vld [tilespmem:s3+$0xFFFFFF90]  }
0x306: {  	v26 =	vld [tilespmem:s3+$0xFFFFFFC0]  }
0x307: {  	v29 =	vld [tilespmem:s3+$0xFFFFFF00]  }
0x308: {  	v30 =	vld [tilespmem:s3+$0xD0];
	v20 =	vmul.f32 v20, v17  }
0x309: {  	v39 =	vld [tilespmem:s3+$0xC0]  }
0x30a: {  	v37 =	vld [tilespmem:s3+$0x90];
	v35 =	vperm.xlane v20, v1;
	v22 =	vperm.xlane v20, v16  }
0x30b: {  	v38 =	vld [tilespmem:s3+$0xFFFFFF50];
	v36 =	vperm.xlane v20, v3;
	v33 =	vperm.xlane v20, v15  }
0x30c: {  	v34 =	vld [tilespmem:s3+$0xB0];
	v31 =	vperm.xlane v20, v13;
	v41 =	vmul.f32 v29, v35  }
0x30d: {  	s5 =	simm.s32 $0x1AF00;
	s4 =	simm.s32 $0x40;
	v29 =	vperm.xlane v20, v14;
	v40 =	vmul.f32 v27, v36;
	v27 =	vld [tilespmem:s3+$0x60]  }
.LBB2_35:
0x30e: {  	p1 =	sne.s32 s4, $0x1C0  }
0x30f: {  	[tilespmem:s3+$0xFFFFFF00] =	vst v41;
	v41 =	vld [tilespmem:s3+$0xFFFFFFB0];
	v39 =	vmul.f32 v39, v33;
	v32 =	vmul.f32 v32, v22;
	s5 =	sadd.s32 $0x200, s5;
	s6 =	smov.u32 s4;
	s4 =	sadd.s32 $0x40, s4  }
0x310: {  	[tilespmem:s3+$0xFFFFFF40] =	vst v40;
	v40 =	vperm.xlane v20, v11;
	v37 =	vmul.f32 v37, v31;
	v42 =	vld [tilespmem:s3+$0xA0]  }
0x311: {  	v28 =	vmul.f32 v28, v35;
	v35 =	vmul.f32 v38, v36;
	v36 =	vld [tilespmem:s3+$0x70];
	[tilespmem:s3+$0xE0] =	vst v32  }
0x312: {  	v32 =	vperm.xlane v20, v6;
	v38 =	vld [tilespmem:s3+$0xFFFFFFE0];
	v34 =	vmul.f32 v34, v29;
	[tilespmem:s3+$0xC0] =	vst v39  }
0x313: {  	v30 =	vmul.f32 v30, v33;
	v39 =	vperm.xlane v20, v7;
	[tilespmem:s3+$0xFFFFFF10] =	vst v28;
	v28 =	vld [tilespmem:s3+$0xFFFFFF20]  }
0x314: {  	v43 =	vperm.xlane v20, v12;
	v23 =	vmul.f32 v23, v32;
	v33 =	vld [tilespmem:s3+$0x40];
	[tilespmem:s3+$0x90] =	vst v37  }
0x315: {  	[tilespmem:s3+$0xFFFFFF50] =	vst v35;
	v35 =	vperm.xlane v20, v10;
	v37 =	vld [tilespmem:s3+$0x20];
	v29 =	vmul.f32 v42, v29  }
0x316: {  	v32 =	vmul.f32 v41, v32;
	v41 =	vld [tilespmem:s3+$0x50];
	v36 =	vmul.f32 v36, v43;
	[tilespmem:s3+$0xD0] =	vst v30  }
0x317: {  	v25 =	vmul.f32 v25, v31;
	v30 =	vperm.xlane v20, v8;
	v42 =	vld [tilespmem:s3+$0x30];
	[tilespmem:s3+$0xA0] =	vst v29  }
0x318: {  	v26 =	vmul.f32 v26, v39;
	v29 =	vperm.xlane v20, v4;
	v31 =	vld [tilespmem:s3+$0x0];
	[tilespmem:s3+$0x70] =	vst v36  }
0x319: {  	v27 =	vmul.f32 v27, v43;
	v24 =	vmul.f32 v24, v39;
	v36 =	vld [tilespmem:s3+$0x10];
	[tilespmem:s3+$0x80] =	vst v25  }
0x31a: {  	v39 =	vperm.xlane v20, v9;
	v33 =	vmul.f32 v33, v40;
	v25 =	vld [tilespmem:s3+$0xFFFFFF30];
	[tilespmem:s3+$0xB0] =	vst v34  }
0x31b: {  	v34 =	vperm.xlane v20, v2;
	v43 =	vld [tilespmem:s3+$0xFFFFFF70];
	[tilespmem:s3+$0xFFFFFFD0] =	vst v24;
	v40 =	vmul.f32 v41, v40  }
0x31c: {  	v21 =	vmul.f32 v21, v30;
	v24 =	vmul.f32 v38, v30;
	[tilespmem:s3+$0xFFFFFFC0] =	vst v26;
	v26 =	vld [tilespmem:s3+$0xF0]  }
0x31d: {  	v38 =	vmul.f32 v42, v35;
	v30 =	vld [tilespmem:s3+$0xFFFFFF80];
	[tilespmem:s3+$0xFFFFFFA0] =	vst v23;
	v31 =	vmul.f32 v31, v39  }
0x31e: {  	v23 =	vld [tilespmem:s5+$0xFFFFFFA0];
	[tilespmem:s3+$0xFFFFFFF0] =	vst v21;
	v36 =	vmul.f32 v36, v39;
	v21 =	vmul.f32 v37, v35  }
0x31f: {  	v28 =	vmul.f32 v28, v34;
	v34 =	vmul.f32 v25, v34;
	[tilespmem:s3+$0x60] =	vst v27  }
0x320: {  	v18 =	vmul.f32 v18, v29;
	v25 =	vmul.f32 v43, v29;
	[tilespmem:s3+$0xFFFFFFB0] =	vst v32  }
0x321: {  	v20 =	vperm.xlane v20, v5;
	[tilespmem:s3+$0xFFFFFF20] =	vst v28;
	v22 =	vmul.f32 v26, v22  }
0x322: {  	[tilespmem:s3+$0xFFFFFF60] =	vst v18  }
0x323: {  	v26 =	vmul.f32 v30, v20;
	v18 =	vmul.f32 v19, v20;
	[tilespmem:s3+$0x40] =	vst v33  }
0x324: {  	[tilespmem:s3+$0xFFFFFFE0] =	vst v24  }
0x325: {  	[tilespmem:s3+$0xF0] =	vst v22  }
0x326: {  	[tilespmem:s3+$0xFFFFFF90] =	vst v18  }
0x327: {  	[tilespmem:s3+$0xFFFFFF70] =	vst v25  }
0x328: {  	[tilespmem:s3+$0x20] =	vst v21  }
0x329: {  	v21 =	vld [tilespmem:s5+$0xFFFFFFF0];
	[tilespmem:s3+$0x30] =	vst v38  }
0x32a: {  	v18 =	vld [tilespmem:s5+$0xFFFFFF60];
	[tilespmem:s3+$0xFFFFFF80] =	vst v26  }
0x32b: {  	v24 =	vld [tilespmem:s5+$0xFFFFFFD0];
	[tilespmem:s3+$0x50] =	vst v40  }
0x32c: {  	v25 =	vld [tilespmem:s5+$0x80];
	[tilespmem:s3+$0x0] =	vst v31  }
0x32d: {  	v28 =	vld [tilespmem:s5+$0xFFFFFF10];
	[tilespmem:s3+$0xFFFFFF30] =	vst v34  }
0x32e: {  	s6 =	sshra.s32 s6, $0x2;
	v32 =	vld [tilespmem:s5+$0xE0];
	[tilespmem:s3+$0x10] =	vst v36;
	s3 =	smov.u32 s5  }
0x32f: {  	v20 =	vld [tilespmem:s6+$0x1A100]  }
0x330: {  	v27 =	vld [tilespmem:s5+$0xFFFFFF40]  }
0x331: {  	v19 =	vld [tilespmem:s5+$0xFFFFFF90]  }
0x332: {  	v26 =	vld [tilespmem:s5+$0xFFFFFFC0]  }
0x333: {  	v29 =	vld [tilespmem:s5+$0xFFFFFF00]  }
0x334: {  	v20 =	vmul.f32 v20, v17;
	v30 =	vld [tilespmem:s5+$0xD0]  }
.Ltmp17:
0x335: {  	v39 =	vld [tilespmem:s5+$0xC0];
	(pc) =	sbr.rel @p1 .LBB2_35-.Ltmp17, $4  }
0x336: {  	v35 =	vperm.xlane v20, v1;
	v37 =	vld [tilespmem:s5+$0x90];
	v22 =	vperm.xlane v20, v16  }
0x337: {  	v36 =	vperm.xlane v20, v3;
	v33 =	vperm.xlane v20, v15;
	v38 =	vld [tilespmem:s5+$0xFFFFFF50]  }
0x338: {  	v41 =	vmul.f32 v29, v35;
	v29 =	vperm.xlane v20, v14;
	v34 =	vld [tilespmem:s5+$0xB0]  }
0x339: {  	v31 =	vperm.xlane v20, v13;
	v40 =	vmul.f32 v27, v36;
	v27 =	vld [tilespmem:s5+$0x60]  }
0x33a: {  	[tilespmem:s3+$0xFFFFFF00] =	vst v41;
	v17 =	vmul.f32 v32, v22  }
0x33b: {  	v58 =	vmul.f32 v39, v33;
	[tilespmem:s3+$0xFFFFFF40] =	vst v40  }
0x33c: {  	v28 =	vmul.f32 v28, v35;
	[tilespmem:s3+$0xE0] =	vst v17  }
0x33d: {  	v30 =	vmul.f32 v30, v33;
	[tilespmem:s3+$0xC0] =	vst v58  }
0x33e: {  	v25 =	vmul.f32 v25, v31;
	[tilespmem:s3+$0xFFFFFF10] =	vst v28  }
0x33f: {  	v42 =	vperm.xlane v20, v7;
	v17 =	vmul.f32 v37, v31;
	[tilespmem:s3+$0xD0] =	vst v30  }
0x340: {  	v36 =	vmul.f32 v38, v36;
	[tilespmem:s3+$0x80] =	vst v25  }
0x341: {  	v46 =	vperm.xlane v20, v6;
	v24 =	vmul.f32 v24, v42;
	[tilespmem:s3+$0x90] =	vst v17  }
0x342: {  	v48 =	vperm.xlane v20, v8;
	v26 =	vmul.f32 v26, v42;
	[tilespmem:s3+$0xFFFFFF50] =	vst v36  }
0x343: {  	v59 =	vld [tilespmem:s3+$0xA0];
	v55 =	vperm.xlane v20, v4;
	v23 =	vmul.f32 v23, v46;
	[tilespmem:s3+$0xFFFFFFD0] =	vst v24  }
0x344: {  	v60 =	vld [tilespmem:s3+$0x70];
	v21 =	vmul.f32 v21, v48;
	[tilespmem:s3+$0xFFFFFFC0] =	vst v26  }
0x345: {  	v61 =	vld [tilespmem:s3+$0xFFFFFFB0];
	v63 =	vperm.xlane v20, v12;
	v18 =	vmul.f32 v18, v55;
	[tilespmem:s3+$0xFFFFFFA0] =	vst v23  }
0x346: {  	v62 =	vld [tilespmem:s3+$0xFFFFFF20];
	v44 =	vmul.f32 v34, v29;
	[tilespmem:s3+$0xFFFFFFF0] =	vst v21  }
0x347: {  	v41 =	vld [tilespmem:s3+$0x40];
	v27 =	vmul.f32 v27, v63;
	[tilespmem:s3+$0xFFFFFF60] =	vst v18  }
0x348: {  	v56 =	vld [tilespmem:s3+$0xF0];
	v40 =	vmul.f32 v59, v29;
	[tilespmem:s3+$0xB0] =	vst v44  }
0x349: {  	v53 =	vperm.xlane v20, v2;
	v35 =	vmul.f32 v60, v63;
	[tilespmem:s3+$0x60] =	vst v27  }
0x34a: {  	v45 =	vld [tilespmem:s3+$0x20];
	v57 =	vperm.xlane v20, v11;
	v54 =	vmul.f32 v61, v46;
	[tilespmem:s3+$0xA0] =	vst v40  }
0x34b: {  	v17 =	vld [tilespmem:s3+$0xFFFFFFE0];
	v28 =	vmul.f32 v62, v53;
	[tilespmem:s3+$0x70] =	vst v35  }
0x34c: {  	v51 =	vld [tilespmem:s3+$0xFFFFFF80];
	v59 =	vmul.f32 v41, v57;
	v60 =	vperm.xlane v20, v5;
	[tilespmem:s3+$0xFFFFFFB0] =	vst v54  }
0x34d: {  	v50 =	vld [tilespmem:s3+$0xFFFFFF70];
	v18 =	vmul.f32 v56, v22;
	v61 =	vperm.xlane v20, v10;
	[tilespmem:s3+$0xFFFFFF20] =	vst v28  }
0x34e: {  	v58 =	vld [tilespmem:s3+$0xFFFFFF30];
	[tilespmem:s3+$0x40] =	vst v59;
	v19 =	vmul.f32 v19, v60  }
0x34f: {  	v47 =	vld [tilespmem:s3+$0x30];
	[tilespmem:s3+$0xF0] =	vst v18;
	v18 =	vmul.f32 v45, v61  }
0x350: {  	v43 =	vld [tilespmem:s3+$0x50];
	v17 =	vmul.f32 v17, v48;
	[tilespmem:s3+$0xFFFFFF90] =	vst v19  }
0x351: {  	v49 =	vld [tilespmem:s3+$0x0];
	v62 =	vmul.f32 v51, v60;
	[tilespmem:s3+$0x20] =	vst v18  }
0x352: {  	v52 =	vld [tilespmem:s3+$0x10];
	[tilespmem:s3+$0xFFFFFFE0] =	vst v17;
	v17 =	vmul.f32 v50, v55  }
0x353: {  	v63 =	vmul.f32 v58, v53;
	[tilespmem:s3+$0xFFFFFF80] =	vst v62  }
0x354: {  	v19 =	vmul.f32 v47, v61;
	[tilespmem:s3+$0xFFFFFF70] =	vst v17;
	v17 =	vperm.xlane v20, v9  }
0x355: {  	v18 =	vmul.f32 v43, v57;
	[tilespmem:s3+$0xFFFFFF30] =	vst v63  }
0x356: {  	[tilespmem:s3+$0x30] =	vst v19;
	v19 =	vmul.f32 v49, v17  }
0x357: {  	[tilespmem:s3+$0x50] =	vst v18;
	v17 =	vmul.f32 v52, v17  }
0x358: {  	[tilespmem:s3+$0x0] =	vst v19  }
0x359: {  	[tilespmem:s3+$0x10] =	vst v17  }
0x35a: {  	[spmem:s1] =	stream.indirect.scatter.add.f32 [tilespmem:s19], [sflag:$0x4], $0x20, s0, s16, $0xb8;
	[tilespmem:$0x1FF10] =	vst v63  }
0x35b: {  	_ =	swait.ge [sflag:s30], $0x1000  }
0x35c: {  	[sflag:s30] =	ssyncset.done $0x0  }
0x35d: {  	[sflag:s30] =	ssyncadd.s32 $0xFFFFF000  }
.LBB2_37:
0x35e: {  	[bflag:$0x0] =	sbarrier.arrive $0xFFFF  }
0x35f: {  	s3 =	sadd.s32 $0x0, s25;
	s4 =	rddreg [dreg:$0x17]  }
0x360: {  	[hbm:s3], [sflag:s14] =	dma.local [spmem:s4], $0x220  }
0x361: {  	_ =	swait.ge [sflag:s30], $0x220  }
0x362: {  	s3 =	simm.s32 $0x220;
	[sflag:s30] =	ssyncset.done $0x0  }
.LBB2_38:
0x363: {  	s4 =	sadd.s32 s3, s25  }
0x364: {  	s5 =	sshrl.u32 s2, $0x3;
	[sflag:s30] =	ssyncadd.s32 $0xFFFFFDE0;
	p1 =	sne.s32 s3, $0x2EC0  }
0x365: {  	[hbm:s4], [sflag:s14] =	dma.local [spmem:s5], $0x220  }
.Ltmp18:
0x366: {  	_ = 	snop;
	(pc) =	sbr.rel @p1 .LBB2_38-.Ltmp18, $4  }
0x367: {  	_ = 	snop  }
0x368: {  	s3 =	sadd.s32 $0x220, s3  }
0x369: {  	_ =	swait.ge [sflag:s30], $0x220  }
0x36a: {  	s2 =	sadd.s32 $0x1100, s2;
	[sflag:s30] =	ssyncset.done $0x0  }
0x36b: {  	s7 =	sadd.s32 $0x1, s7;
	s2 =	rddreg [dreg:$0x14]  }
0x36c: {  	p1 =	sne.s32 s7, s2  }
.Ltmp19:
0x36d: {  	_ = 	snop;
	(pc) =	sbr.rel @p1 .LBB2_1-.Ltmp19, $2  }
0x36e: {  	_ =	sdelay $0x2  }
0x36f: {  	[sflag:s30] =	ssyncadd.s32 $0xFFFFFDE0  }
0x370: {  	_ =	sfence.sel $0x180000  }
0x371: {  	[bflag:$0x0] =	sbarrier.arrive $0xFFFF  }
0x372: {  	_ =	strace $0x90000047  }
0x373: {  	s0 =	stileid.u32;
	[bflag:$0x2] =	sbarrier.arrive $0xFFFF  }
0x374: {  	p0 =	sne.s32 s0, $0x0;
	s0 =	rddreg [dreg:$0x3]  }
0x375: {  	s0 =	sadd.s32 @!p0 $0x100000, s0  }
0x376: {  	[sflag:s0] =	ssyncadd.tile.s32 @!p0 $0x1;
	_ =	shalt  }
.Lfunc_end2:
_tile_overlayer_lowered:
.L_overlay_start_2:
0x377: {  	(tag) =	ssettag $0x2  }
0x378: {  	s0 =	rddreg [dreg:$0x0];
	s2 =	stileid.u32  }
0x379: {  	s1 =	rddreg [dreg:$0x1];
	p0 =	sne.s32 s2, $0x0  }
0x37a: {  	s3 =	rddreg [dreg:$0x2];
	[bflag:$0x3] =	sbarrier.arrive $0xFFFF;
	s2 =	simm.s32 @!p0 $0x1C04  }
0x37b: {  	[timem:s3], [sflag:s2] =	dma.local @!p0 [hbm:s0], s1  }
0x37c: {  	s0 =	simm.s32 @!p0 $0x4  }
0x37d: {  	_ =	swait.ge @!p0 [sflag:s0], s1  }
0x37e: {  	s1 =	ssub.s32 @!p0 $0x0, s1;
	[sflag:s0] =	ssyncset.done @!p0 $0x0  }
0x37f: {  	[sflag:s0] =	ssyncadd.s32 @!p0 s1  }
0x380: {  	[bflag:$0x3] =	sbarrier.arrive $0xFFFF  }
0x381: {  	_ =	shalt  }

</sc_bundles>
